<compile_context>
chip_gen: v7x
topology: tpu7x:2x2x1
jax: 0.10.2.dev20260603
libtpu: 0.0.44.dev20260713+nightly
codegen_flags: <defaults>
</compile_context>

<pallas_src>
import functools

import jax
import jax.numpy as jnp
from jax import lax
from jax.experimental import pallas as pl
from jax.experimental.pallas import tpu as pltpu
from jax.experimental.pallas import tpu_sc as plsc

NC = 2
NS = 16
NW = NC * NS
LANES = 128
DEGW = 16


def _pad_up(x, m):
    return (x + m - 1) // m * m


def _make_deg(npad, nrows, d):
    rpt = nrows // NW
    per_tile = npad // NS
    mesh = plsc.VectorSubcoreMesh(core_axis_name="c", subcore_axis_name="s")

    @functools.partial(
        pl.kernel,
        mesh=mesh,
        out_type=jax.ShapeDtypeStruct((NC, npad, d), jnp.float32),
        scratch_types=[
            pltpu.VMEM((rpt, LANES), jnp.int32),
            pltpu.VMEM((LANES, d), jnp.float32),
            pltpu.VMEM_SHARED((npad, d), jnp.float32),
            [pltpu.SemaphoreType.DMA] * 4,
        ],
    )
    def deg_kernel(ones2d, gidx, out, idx_a, ones_v, deg_sh, sems):
        c = lax.axis_index("c")
        s = lax.axis_index("s")
        wid = s * NC + c
        base = s * per_tile
        pltpu.sync_copy(ones2d.at[pl.ds(base, per_tile)],
                        deg_sh.at[pl.ds(base, per_tile)])
        pltpu.sync_copy(ones2d.at[pl.ds(0, LANES)], ones_v)
        pltpu.sync_copy(gidx.at[pl.ds(wid * rpt, rpt)], idx_a)
        plsc.subcore_barrier()

        def step(js, carry):
            j0 = 4 * js
            plan = [idx_a.at[j0 + k] for k in range(4)]
            ss = [pltpu.async_copy(ones_v, deg_sh.at[si], sems[k], add=True)
                  for k, si in enumerate(plan)]
            for sd in ss:
                sd.wait()
            return carry

        lax.fori_loop(0, rpt // 4, step, 0)
        plsc.subcore_barrier()
        pltpu.sync_copy(deg_sh.at[pl.ds(base, per_tile)],
                        out.at[c, pl.ds(base, per_tile)])

    return deg_kernel


def _make_agg(npad, nrows, d, r0, r1):
    assert 16 * (r0 + r1) == nrows and r0 % 16 == 0 and r1 % 16 == 0
    hrmax = max(r0, r1) // 2
    per_tile = npad // NS
    mesh = plsc.VectorSubcoreMesh(core_axis_name="c", subcore_axis_name="s")

    @functools.partial(
        pl.kernel,
        mesh=mesh,
        out_type=jax.ShapeDtypeStruct((NC, npad, d), jnp.float32),
        scratch_types=[
            pltpu.VMEM((hrmax, LANES), jnp.int32),
            pltpu.VMEM((hrmax, LANES), jnp.int32),
            pltpu.VMEM((2, LANES, d), jnp.float32),
            pltpu.VMEM_SHARED((npad, d), jnp.float32),
            [pltpu.SemaphoreType.DMA] * 6,
        ],
    )
    def agg_kernel(g, gidx, sidx, out, idx_ga, idx_sa, bufs, acc_sh, sems):
        c = lax.axis_index("c")
        s = lax.axis_index("s")
        base = s * per_tile
        rv = jnp.where(c == 0, r0, r1)
        row0 = c * (NS * r0) + s * rv
        hrpt = rv // 2
        nst = hrpt // 2
        pltpu.sync_copy(g.at[pl.ds(base, per_tile)],
                        acc_sh.at[pl.ds(base, per_tile)])
        plsc.subcore_barrier()

        HL = LANES // 2

        def issue_gather(j, k):
            for h in range(2):
                pltpu.async_copy(g.at[idx_ga.at[j, pl.ds(h * HL, HL)]],
                                 bufs.at[k, pl.ds(h * HL, HL)],
                                 sems[2 * k + h])

        def wait_gather(j, k):
            for h in range(2):
                pltpu.make_async_copy(g.at[idx_ga.at[j, pl.ds(h * HL, HL)]],
                                      bufs.at[k, pl.ds(h * HL, HL)],
                                      sems[2 * k + h]).wait()

        def step(js, carry):
            j0 = 2 * js
            ss = []
            for k in range(2):
                j = j0 + k
                wait_gather(j, k)
                ss.append(pltpu.async_copy(bufs.at[k], acc_sh.at[idx_sa.at[j]],
                                           sems[4 + k], add=True))
            for k in range(2):
                ss[k].wait()

                @pl.when(js < nst - 1)
                def _():
                    issue_gather(j0 + 2 + k, k)
            return carry

        for half in range(2):
            start = pl.multiple_of(row0 + half * hrpt, 8)
            pltpu.sync_copy(gidx.at[pl.ds(start, hrmax)], idx_ga)
            pltpu.sync_copy(sidx.at[pl.ds(start, hrmax)], idx_sa)
            for k in range(2):
                issue_gather(k, k)
            lax.fori_loop(0, nst, step, 0)
        plsc.subcore_barrier()
        pltpu.sync_copy(acc_sh.at[pl.ds(base, per_tile)],
                        out.at[c, pl.ds(base, per_tile)])

    return agg_kernel


def _dinv_of(dg_ref):
    deg = dg_ref[:, 0:1] + dg_ref[:, 1:2] - 1.0
    return lax.rsqrt(deg)


def _g_body(x_ref, w_ref, dg_ref, g_ref):
    dinv = _dinv_of(dg_ref)
    h = jnp.dot(x_ref[...], w_ref[...], preferred_element_type=jnp.float32)
    g_ref[...] = h * dinv


def _fin1_body(p_ref, g_ref, dg_ref, b_ref, w_ref, x1_ref, g2_ref):
    dinv = _dinv_of(dg_ref)
    t = (p_ref[0] + p_ref[1] - g_ref[...]) * dinv + b_ref[...]
    x1 = jnp.maximum(t, 0.01 * t)
    x1_ref[...] = x1
    g2_ref[...] = jnp.dot(x1, w_ref[...],
                          preferred_element_type=jnp.float32) * dinv


def _fin2_body(p_ref, g_ref, dg_ref, b_ref, x2_ref):
    dinv = _dinv_of(dg_ref)
    t = (p_ref[0] + p_ref[1] - g_ref[...]) * dinv + b_ref[...]
    x2_ref[...] = jnp.maximum(t, 0.01 * t)


def kernel(id_embedding, edge_index, W1, b1, W2, b2):
    n, d = id_embedding.shape
    e = edge_index.shape[1]
    npad = _pad_up(n + 1, NS * 16)
    epad = _pad_up(e, LANES * NW)
    nrows = epad // LANES
    blk = 1280
    grid = npad // blk

    ei = edge_index.astype(jnp.int32)
    pad_e = jnp.full((epad - e,), n, jnp.int32)
    r0, r1 = 80, 80
    hrmax = max(r0, r1) // 2
    pad_r = jnp.full((hrmax * LANES,), n, jnp.int32)
    gidx = jnp.concatenate([ei[0], pad_e, ei[1], pad_e, pad_r]).reshape(
        2 * nrows + hrmax, LANES)
    sidx = jnp.concatenate([ei[1], pad_e, ei[0], pad_e, pad_r]).reshape(
        2 * nrows + hrmax, LANES)
    xpad = jnp.zeros((npad, d), jnp.float32).at[:n].set(id_embedding)

    ones2d = jnp.ones((npad, d), jnp.float32)
    degp = _make_deg(npad, 2 * nrows, d)(ones2d, gidx)
    degt = jnp.concatenate([degp[0, :, :1], degp[1, :, :1]], axis=1)

    row_spec = pl.BlockSpec((blk, d), lambda i: (i, 0))
    w_spec = pl.BlockSpec((d, d), lambda i: (0, 0))
    dg_spec = pl.BlockSpec((blk, 2), lambda i: (i, 0))
    b_spec = pl.BlockSpec((1, d), lambda i: (0, 0))
    p_spec = pl.BlockSpec((NC, blk, d), lambda i: (0, i, 0))
    row_shape = jax.ShapeDtypeStruct((npad, d), jnp.float32)

    g1 = pl.pallas_call(
        _g_body, grid=(grid,),
        in_specs=[row_spec, w_spec, dg_spec],
        out_specs=row_spec, out_shape=row_shape,
    )(xpad, W1, degt)

    agg = _make_agg(npad, 2 * nrows, d, r0, r1)
    p1 = agg(g1, gidx, sidx)

    x1, g2 = pl.pallas_call(
        _fin1_body, grid=(grid,),
        in_specs=[p_spec, row_spec, dg_spec, b_spec, w_spec],
        out_specs=[row_spec, row_spec], out_shape=[row_shape, row_shape],
    )(p1, g1, degt, b1.reshape(1, d), W2)

    p2 = agg(g2, gidx, sidx)

    x2 = pl.pallas_call(
        _fin2_body, grid=(grid,),
        in_specs=[p_spec, row_spec, dg_spec, b_spec],
        out_specs=row_spec, out_shape=row_shape,
    )(p2, g2, degt, b2.reshape(1, d))

    return jnp.concatenate([x1[:n], x2[:n]], axis=1)

# --- scband reference (transcript-rebuilt; emitter-appended) ---
"""Pipeline reference for scband-ngcf-54047868453334 (READ-ONLY COPY).

The authoritative reference and input builder live on the scoring server;
editing this copy changes nothing except your own understanding.
"""

import jax, jax.numpy as jnp
import numpy as np

NUM_USER = 4000
NUM_ITEM = 6000
N = NUM_USER + NUM_ITEM
DIM_E = 128
E_RAW = 160000


def setup_inputs(seed: int = 0) -> dict:
    key = jax.random.key(seed)
    k1, k2, k3, k4 = jax.random.split(key, 4)
    xav_emb = float(np.sqrt(2.0 / (N + DIM_E)))
    xav_w = float(np.sqrt(2.0 / (DIM_E + DIM_E)))
    id_embedding = jax.random.normal(k1, (N, DIM_E), dtype=jnp.float32) * xav_emb
    edge_index = jax.random.randint(k2, (2, E_RAW), 0, N, dtype=jnp.int64 if jax.config.read('jax_enable_x64') else jnp.int32)
    W1 = jax.random.normal(k3, (DIM_E, DIM_E), dtype=jnp.float32) * xav_w
    b1 = jnp.zeros((DIM_E,), dtype=jnp.float32)
    W2 = jax.random.normal(k4, (DIM_E, DIM_E), dtype=jnp.float32) * xav_w
    b2 = jnp.zeros((DIM_E,), dtype=jnp.float32)
    return {"id_embedding": id_embedding, "edge_index": edge_index, "W1": W1, "b1": b1, "W2": W2, "b2": b2}


def _gcn_conv(x, src, dst, W, b):
    # PyG GCNConv: symmetric normalization with self-loops already appended in src/dst
    n = x.shape[0]
    h = x @ W
    deg = jax.ops.segment_sum(jnp.ones_like(dst, dtype=h.dtype), dst, num_segments=n)
    dinv = jnp.where(deg > 0, 1.0 / jnp.sqrt(deg), 0.0)
    norm = dinv[src] * dinv[dst]
    msgs = h[src] * norm[:, None]
    out = jax.ops.segment_sum(msgs, dst, num_segments=n)
    return out + b


def reference(id_embedding, edge_index, W1, b1, W2, b2):
    n = id_embedding.shape[0]
    # to_undirected: add reversed edges (dedup omitted; random graph)
    ei = jnp.concatenate([edge_index, edge_index[::-1]], axis=1)
    loop = jnp.arange(n, dtype=ei.dtype)
    src = jnp.concatenate([ei[0], loop])
    dst = jnp.concatenate([ei[1], loop])
    x1 = jax.nn.leaky_relu(_gcn_conv(id_embedding, src, dst, W1, b1), negative_slope=0.01)
    x2 = jax.nn.leaky_relu(_gcn_conv(x1, src, dst, W2, b2), negative_slope=0.01)
    score = jnp.concatenate([x1, x2], axis=1)
    return score

if __name__ == "__main__":
    import jax
    _d = setup_inputs()
    print(jax.jit(kernel)(*tuple(_d.values())))

</pallas_src>

<mosaic_0001>
#map = affine_map<(d0, d1) -> (0, 0)>
#map1 = affine_map<(d0, d1) -> (0, 0, 0)>
module attributes {stable_mosaic.version = 14 : i64} {
  func.func @deg_kernel(%arg0: i32, %arg1: i32, %arg2: memref<10240x128xf32, #tpu.memory_space<hbm>>, %arg3: memref<2600x128xi32, #tpu.memory_space<hbm>>, %arg4: memref<2x10240x128xf32, #tpu.memory_space<hbm>>, %arg5: memref<80x128xi32, #tpu.memory_space<vmem>>, %arg6: memref<128x128xf32, #tpu.memory_space<vmem>>, %arg7: memref<10240x128xf32, #tpu.memory_space<vmem_shared>>, %arg8: memref<!tpu.dma_semaphore, #tpu.memory_space<semaphore_mem>>, %arg9: memref<!tpu.dma_semaphore, #tpu.memory_space<semaphore_mem>>, %arg10: memref<!tpu.dma_semaphore, #tpu.memory_space<semaphore_mem>>, %arg11: memref<!tpu.dma_semaphore, #tpu.memory_space<semaphore_mem>>) attributes {dimension_semantics = [#tpu.dimension_semantics<core_parallel>, #tpu.dimension_semantics<subcore_parallel>], iteration_bounds = array<i64: 2, 16>, scalar_prefetch = 0 : i64, scratch_operands = 7 : i64, tpu.core_type = #tpu.core_type<sc_vector_subcore>, window_params = [{transform_indices = #map}, {transform_indices = #map}, {transform_indices = #map1}]} {
    %mul3A = arith.constant 2 : i32
    %mul3A_0 = arith.muli %arg1, %mul3A : i32
    %add3A = arith.addi %mul3A_0, %arg0 : i32
    %mul3A_1 = arith.constant 640 : i32
    %mul3A_2 = arith.muli %arg1, %mul3A_1 : i32
    "tpu.region"() ({
      %run_scoped3A = tpu.sem_alloc : memref<!tpu.dma_semaphore, #tpu.memory_space<semaphore_mem>>
      %dma_start3A = arith.constant 0 : i32
      %dma_start3A_11 = tpu.memref_slice %arg7[%mul3A_2, %dma_start3A] : memref<10240x128xf32, #tpu.memory_space<vmem_shared>> -> memref<640x128xf32, #tpu.memory_space<vmem_shared>>
      %dma_start3A_12 = arith.constant 0 : i32
      %dma_start3A_13 = tpu.memref_slice %arg2[%mul3A_2, %dma_start3A_12] : memref<10240x128xf32, #tpu.memory_space<hbm>> -> memref<640x128xf32, #tpu.memory_space<hbm>>
      tpu.enqueue_dma source(%dma_start3A_13 : memref<640x128xf32, #tpu.memory_space<hbm>>) target(%dma_start3A_11 : memref<640x128xf32, #tpu.memory_space<vmem_shared>>) target_semaphore(%run_scoped3A : memref<!tpu.dma_semaphore, #tpu.memory_space<semaphore_mem>>)
      %dma_wait3A = arith.constant 0 : i32
      %dma_wait3A_14 = tpu.memref_slice %arg7[%mul3A_2, %dma_wait3A] : memref<10240x128xf32, #tpu.memory_space<vmem_shared>> -> memref<640x128xf32, #tpu.memory_space<vmem_shared>>
      %dma_wait3A_15 = arith.constant 0 : i32
      %dma_wait3A_16 = tpu.memref_slice %arg2[%mul3A_2, %dma_wait3A_15] : memref<10240x128xf32, #tpu.memory_space<hbm>> -> memref<640x128xf32, #tpu.memory_space<hbm>>
      tpu.wait_dma2 semaphore(%run_scoped3A : memref<!tpu.dma_semaphore, #tpu.memory_space<semaphore_mem>>) src(%dma_wait3A_16 : memref<640x128xf32, #tpu.memory_space<hbm>>) dst(%dma_wait3A_14 : memref<640x128xf32, #tpu.memory_space<vmem_shared>>)
      tpu.yield
    }) : () -> ()
    "tpu.region"() ({
      %run_scoped3A = tpu.sem_alloc : memref<!tpu.dma_semaphore, #tpu.memory_space<semaphore_mem>>
      %dma_start3A = arith.constant 0 : i32
      %dma_start3A_11 = arith.constant 0 : i32
      %dma_start3A_12 = tpu.memref_slice %arg2[%dma_start3A, %dma_start3A_11] : memref<10240x128xf32, #tpu.memory_space<hbm>> -> memref<128x128xf32, #tpu.memory_space<hbm>>
      %dma_start3A_13 = arith.constant 0 : i32
      %dma_start3A_14 = arith.constant 0 : i32
      %dma_start3A_15 = tpu.memref_slice %arg2[%dma_start3A_13, %dma_start3A_14] : memref<10240x128xf32, #tpu.memory_space<hbm>> -> memref<128x128xf32, #tpu.memory_space<hbm>>
      tpu.enqueue_dma source(%dma_start3A_15 : memref<128x128xf32, #tpu.memory_space<hbm>>) target(%arg6 : memref<128x128xf32, #tpu.memory_space<vmem>>) target_semaphore(%run_scoped3A : memref<!tpu.dma_semaphore, #tpu.memory_space<semaphore_mem>>)
      %dma_wait3A = arith.constant 0 : i32
      %dma_wait3A_16 = arith.constant 0 : i32
      %dma_wait3A_17 = tpu.memref_slice %arg2[%dma_wait3A, %dma_wait3A_16] : memref<10240x128xf32, #tpu.memory_space<hbm>> -> memref<128x128xf32, #tpu.memory_space<hbm>>
      %dma_wait3A_18 = arith.constant 0 : i32
      %dma_wait3A_19 = arith.constant 0 : i32
      %dma_wait3A_20 = tpu.memref_slice %arg2[%dma_wait3A_18, %dma_wait3A_19] : memref<10240x128xf32, #tpu.memory_space<hbm>> -> memref<128x128xf32, #tpu.memory_space<hbm>>
      tpu.wait_dma2 semaphore(%run_scoped3A : memref<!tpu.dma_semaphore, #tpu.memory_space<semaphore_mem>>) src(%dma_wait3A_20 : memref<128x128xf32, #tpu.memory_space<hbm>>) dst(%arg6 : memref<128x128xf32, #tpu.memory_space<vmem>>)
      tpu.yield
    }) : () -> ()
    %mul3A_3 = arith.constant 80 : i32
    %mul3A_4 = arith.muli %add3A, %mul3A_3 : i32
    "tpu.region"() ({
      %run_scoped3A = tpu.sem_alloc : memref<!tpu.dma_semaphore, #tpu.memory_space<semaphore_mem>>
      %dma_start3A = arith.constant 0 : i32
      %dma_start3A_11 = tpu.memref_slice %arg3[%mul3A_4, %dma_start3A] : memref<2600x128xi32, #tpu.memory_space<hbm>> -> memref<80x128xi32, #tpu.memory_space<hbm>>
      %dma_start3A_12 = arith.constant 0 : i32
      %dma_start3A_13 = tpu.memref_slice %arg3[%mul3A_4, %dma_start3A_12] : memref<2600x128xi32, #tpu.memory_space<hbm>> -> memref<80x128xi32, #tpu.memory_space<hbm>>
      tpu.enqueue_dma source(%dma_start3A_13 : memref<80x128xi32, #tpu.memory_space<hbm>>) target(%arg5 : memref<80x128xi32, #tpu.memory_space<vmem>>) target_semaphore(%run_scoped3A : memref<!tpu.dma_semaphore, #tpu.memory_space<semaphore_mem>>)
      %dma_wait3A = arith.constant 0 : i32
      %dma_wait3A_14 = tpu.memref_slice %arg3[%mul3A_4, %dma_wait3A] : memref<2600x128xi32, #tpu.memory_space<hbm>> -> memref<80x128xi32, #tpu.memory_space<hbm>>
      %dma_wait3A_15 = arith.constant 0 : i32
      %dma_wait3A_16 = tpu.memref_slice %arg3[%mul3A_4, %dma_wait3A_15] : memref<2600x128xi32, #tpu.memory_space<hbm>> -> memref<80x128xi32, #tpu.memory_space<hbm>>
      tpu.wait_dma2 semaphore(%run_scoped3A : memref<!tpu.dma_semaphore, #tpu.memory_space<semaphore_mem>>) src(%dma_wait3A_16 : memref<80x128xi32, #tpu.memory_space<hbm>>) dst(%arg5 : memref<80x128xi32, #tpu.memory_space<vmem>>)
      tpu.yield
    }) : () -> ()
    %barrier3A = arith.constant 0 : index
    tpu.barrier barrier_id(%barrier3A)
    %scan3A = arith.constant 0 : i32
    %scan3A_5 = arith.constant 0 : i32
    %scan3A_6 = arith.constant 20 : i32
    %scan3A_7 = arith.addi %scan3A_5, %scan3A_6 : i32
    %scan3A_8 = arith.constant 1 : i32
    scf.for %scan3A_11 = %scan3A_5 to %scan3A_7 step %scan3A_8  : i32 {
      %mul3A_12 = arith.constant 4 : i32
      %mul3A_13 = arith.muli %mul3A_12, %scan3A_11 : i32
      %add3A_14 = arith.constant 0 : i32
      %add3A_15 = arith.addi %mul3A_13, %add3A_14 : i32
      %add3A_16 = arith.constant 1 : i32
      %add3A_17 = arith.addi %mul3A_13, %add3A_16 : i32
      %add3A_18 = arith.constant 2 : i32
      %add3A_19 = arith.addi %mul3A_13, %add3A_18 : i32
      %add3A_20 = arith.constant 3 : i32
      %add3A_21 = arith.addi %mul3A_13, %add3A_20 : i32
      %dma_start3A = arith.constant 0 : i32
      %dma_start3A_22 = tpu.memref_slice %arg5[%add3A_15, %dma_start3A] : memref<80x128xi32, #tpu.memory_space<vmem>> -> memref<1x128xi32, #tpu.memory_space<vmem>>
      %dma_start3A_23 = tpu.memref_squeeze %dma_start3A_22 : memref<1x128xi32, #tpu.memory_space<vmem>> -> memref<128xi32, #tpu.memory_space<vmem>>
      %dma_start3A_24 = arith.constant 0 : i32
      %dma_start3A_25 = arith.constant 0 : i32
      %dma_start3A_26 = tpu.memref_slice %arg7[%dma_start3A_24, %dma_start3A_25] : memref<10240x128xf32, #tpu.memory_space<vmem_shared>> -> memref<10240x128xf32, #tpu.memory_space<vmem_shared>>
      tpu.enqueue_indirect_dma source(%arg6 : memref<128x128xf32, #tpu.memory_space<vmem>>) target(%dma_start3A_26 : memref<10240x128xf32, #tpu.memory_space<vmem_shared>>) offsets(%dma_start3A_23 : memref<128xi32, #tpu.memory_space<vmem>>) semaphore(%arg8 : memref<!tpu.dma_semaphore, #tpu.memory_space<semaphore_mem>>) {add = true}
      %dma_start3A_27 = arith.constant 0 : i32
      %dma_start3A_28 = tpu.memref_slice %arg5[%add3A_17, %dma_start3A_27] : memref<80x128xi32, #tpu.memory_space<vmem>> -> memref<1x128xi32, #tpu.memory_space<vmem>>
      %dma_start3A_29 = tpu.memref_squeeze %dma_start3A_28 : memref<1x128xi32, #tpu.memory_space<vmem>> -> memref<128xi32, #tpu.memory_space<vmem>>
      %dma_start3A_30 = arith.constant 0 : i32
      %dma_start3A_31 = arith.constant 0 : i32
      %dma_start3A_32 = tpu.memref_slice %arg7[%dma_start3A_30, %dma_start3A_31] : memref<10240x128xf32, #tpu.memory_space<vmem_shared>> -> memref<10240x128xf32, #tpu.memory_space<vmem_shared>>
      tpu.enqueue_indirect_dma source(%arg6 : memref<128x128xf32, #tpu.memory_space<vmem>>) target(%dma_start3A_32 : memref<10240x128xf32, #tpu.memory_space<vmem_shared>>) offsets(%dma_start3A_29 : memref<128xi32, #tpu.memory_space<vmem>>) semaphore(%arg9 : memref<!tpu.dma_semaphore, #tpu.memory_space<semaphore_mem>>) {add = true}
      %dma_start3A_33 = arith.constant 0 : i32
      %dma_start3A_34 = tpu.memref_slice %arg5[%add3A_19, %dma_start3A_33] : memref<80x128xi32, #tpu.memory_space<vmem>> -> memref<1x128xi32, #tpu.memory_space<vmem>>
      %dma_start3A_35 = tpu.memref_squeeze %dma_start3A_34 : memref<1x128xi32, #tpu.memory_space<vmem>> -> memref<128xi32, #tpu.memory_space<vmem>>
      %dma_start3A_36 = arith.constant 0 : i32
      %dma_start3A_37 = arith.constant 0 : i32
      %dma_start3A_38 = tpu.memref_slice %arg7[%dma_start3A_36, %dma_start3A_37] : memref<10240x128xf32, #tpu.memory_space<vmem_shared>> -> memref<10240x128xf32, #tpu.memory_space<vmem_shared>>
      tpu.enqueue_indirect_dma source(%arg6 : memref<128x128xf32, #tpu.memory_space<vmem>>) target(%dma_start3A_38 : memref<10240x128xf32, #tpu.memory_space<vmem_shared>>) offsets(%dma_start3A_35 : memref<128xi32, #tpu.memory_space<vmem>>) semaphore(%arg10 : memref<!tpu.dma_semaphore, #tpu.memory_space<semaphore_mem>>) {add = true}
      %dma_start3A_39 = arith.constant 0 : i32
      %dma_start3A_40 = tpu.memref_slice %arg5[%add3A_21, %dma_start3A_39] : memref<80x128xi32, #tpu.memory_space<vmem>> -> memref<1x128xi32, #tpu.memory_space<vmem>>
      %dma_start3A_41 = tpu.memref_squeeze %dma_start3A_40 : memref<1x128xi32, #tpu.memory_space<vmem>> -> memref<128xi32, #tpu.memory_space<vmem>>
      %dma_start3A_42 = arith.constant 0 : i32
      %dma_start3A_43 = arith.constant 0 : i32
      %dma_start3A_44 = tpu.memref_slice %arg7[%dma_start3A_42, %dma_start3A_43] : memref<10240x128xf32, #tpu.memory_space<vmem_shared>> -> memref<10240x128xf32, #tpu.memory_space<vmem_shared>>
      tpu.enqueue_indirect_dma source(%arg6 : memref<128x128xf32, #tpu.memory_space<vmem>>) target(%dma_start3A_44 : memref<10240x128xf32, #tpu.memory_space<vmem_shared>>) offsets(%dma_start3A_41 : memref<128xi32, #tpu.memory_space<vmem>>) semaphore(%arg11 : memref<!tpu.dma_semaphore, #tpu.memory_space<semaphore_mem>>) {add = true}
      %dma_wait3A = arith.constant 0 : i32
      %dma_wait3A_45 = tpu.memref_slice %arg5[%add3A_15, %dma_wait3A] : memref<80x128xi32, #tpu.memory_space<vmem>> -> memref<1x128xi32, #tpu.memory_space<vmem>>
      %dma_wait3A_46 = tpu.memref_squeeze %dma_wait3A_45 : memref<1x128xi32, #tpu.memory_space<vmem>> -> memref<128xi32, #tpu.memory_space<vmem>>
      %dma_wait3A_47 = arith.constant 0 : i32
      %dma_wait3A_48 = arith.constant 0 : i32
      %dma_wait3A_49 = tpu.memref_slice %arg7[%dma_wait3A_47, %dma_wait3A_48] : memref<10240x128xf32, #tpu.memory_space<vmem_shared>> -> memref<10240x128xf32, #tpu.memory_space<vmem_shared>>
      tpu.wait_indirect_dma semaphore(%arg8 : memref<!tpu.dma_semaphore, #tpu.memory_space<semaphore_mem>>) src(%arg6 : memref<128x128xf32, #tpu.memory_space<vmem>>) dst(%dma_wait3A_49 : memref<10240x128xf32, #tpu.memory_space<vmem_shared>>)
      %dma_wait3A_50 = arith.constant 0 : i32
      %dma_wait3A_51 = tpu.memref_slice %arg5[%add3A_17, %dma_wait3A_50] : memref<80x128xi32, #tpu.memory_space<vmem>> -> memref<1x128xi32, #tpu.memory_space<vmem>>
      %dma_wait3A_52 = tpu.memref_squeeze %dma_wait3A_51 : memref<1x128xi32, #tpu.memory_space<vmem>> -> memref<128xi32, #tpu.memory_space<vmem>>
      %dma_wait3A_53 = arith.constant 0 : i32
      %dma_wait3A_54 = arith.constant 0 : i32
      %dma_wait3A_55 = tpu.memref_slice %arg7[%dma_wait3A_53, %dma_wait3A_54] : memref<10240x128xf32, #tpu.memory_space<vmem_shared>> -> memref<10240x128xf32, #tpu.memory_space<vmem_shared>>
      tpu.wait_indirect_dma semaphore(%arg9 : memref<!tpu.dma_semaphore, #tpu.memory_space<semaphore_mem>>) src(%arg6 : memref<128x128xf32, #tpu.memory_space<vmem>>) dst(%dma_wait3A_55 : memref<10240x128xf32, #tpu.memory_space<vmem_shared>>)
      %dma_wait3A_56 = arith.constant 0 : i32
      %dma_wait3A_57 = tpu.memref_slice %arg5[%add3A_19, %dma_wait3A_56] : memref<80x128xi32, #tpu.memory_space<vmem>> -> memref<1x128xi32, #tpu.memory_space<vmem>>
      %dma_wait3A_58 = tpu.memref_squeeze %dma_wait3A_57 : memref<1x128xi32, #tpu.memory_space<vmem>> -> memref<128xi32, #tpu.memory_space<vmem>>
      %dma_wait3A_59 = arith.constant 0 : i32
      %dma_wait3A_60 = arith.constant 0 : i32
      %dma_wait3A_61 = tpu.memref_slice %arg7[%dma_wait3A_59, %dma_wait3A_60] : memref<10240x128xf32, #tpu.memory_space<vmem_shared>> -> memref<10240x128xf32, #tpu.memory_space<vmem_shared>>
      tpu.wait_indirect_dma semaphore(%arg10 : memref<!tpu.dma_semaphore, #tpu.memory_space<semaphore_mem>>) src(%arg6 : memref<128x128xf32, #tpu.memory_space<vmem>>) dst(%dma_wait3A_61 : memref<10240x128xf32, #tpu.memory_space<vmem_shared>>)
      %dma_wait3A_62 = arith.constant 0 : i32
      %dma_wait3A_63 = tpu.memref_slice %arg5[%add3A_21, %dma_wait3A_62] : memref<80x128xi32, #tpu.memory_space<vmem>> -> memref<1x128xi32, #tpu.memory_space<vmem>>
      %dma_wait3A_64 = tpu.memref_squeeze %dma_wait3A_63 : memref<1x128xi32, #tpu.memory_space<vmem>> -> memref<128xi32, #tpu.memory_space<vmem>>
      %dma_wait3A_65 = arith.constant 0 : i32
      %dma_wait3A_66 = arith.constant 0 : i32
      %dma_wait3A_67 = tpu.memref_slice %arg7[%dma_wait3A_65, %dma_wait3A_66] : memref<10240x128xf32, #tpu.memory_space<vmem_shared>> -> memref<10240x128xf32, #tpu.memory_space<vmem_shared>>
      tpu.wait_indirect_dma semaphore(%arg11 : memref<!tpu.dma_semaphore, #tpu.memory_space<semaphore_mem>>) src(%arg6 : memref<128x128xf32, #tpu.memory_space<vmem>>) dst(%dma_wait3A_67 : memref<10240x128xf32, #tpu.memory_space<vmem_shared>>)
    }
    %scan3A_9 = arith.constant 20 : i32
    %barrier3A_10 = arith.constant 0 : index
    tpu.barrier barrier_id(%barrier3A_10)
    "tpu.region"() ({
      %run_scoped3A = tpu.sem_alloc : memref<!tpu.dma_semaphore, #tpu.memory_space<semaphore_mem>>
      %dma_start3A = arith.constant 0 : i32
      %dma_start3A_11 = tpu.memref_slice %arg4[%arg0, %mul3A_2, %dma_start3A] : memref<2x10240x128xf32, #tpu.memory_space<hbm>> -> memref<1x640x128xf32, #tpu.memory_space<hbm>>
      %dma_start3A_12 = tpu.memref_squeeze %dma_start3A_11 : memref<1x640x128xf32, #tpu.memory_space<hbm>> -> memref<640x128xf32, #tpu.memory_space<hbm>>
      %dma_start3A_13 = arith.constant 0 : i32
      %dma_start3A_14 = tpu.memref_slice %arg7[%mul3A_2, %dma_start3A_13] : memref<10240x128xf32, #tpu.memory_space<vmem_shared>> -> memref<640x128xf32, #tpu.memory_space<vmem_shared>>
      tpu.enqueue_dma source(%dma_start3A_14 : memref<640x128xf32, #tpu.memory_space<vmem_shared>>) target(%dma_start3A_12 : memref<640x128xf32, #tpu.memory_space<hbm>>) target_semaphore(%run_scoped3A : memref<!tpu.dma_semaphore, #tpu.memory_space<semaphore_mem>>)
      %dma_wait3A = arith.constant 0 : i32
      %dma_wait3A_15 = tpu.memref_slice %arg4[%arg0, %mul3A_2, %dma_wait3A] : memref<2x10240x128xf32, #tpu.memory_space<hbm>> -> memref<1x640x128xf32, #tpu.memory_space<hbm>>
      %dma_wait3A_16 = tpu.memref_squeeze %dma_wait3A_15 : memref<1x640x128xf32, #tpu.memory_space<hbm>> -> memref<640x128xf32, #tpu.memory_space<hbm>>
      %dma_wait3A_17 = arith.constant 0 : i32
      %dma_wait3A_18 = tpu.memref_slice %arg7[%mul3A_2, %dma_wait3A_17] : memref<10240x128xf32, #tpu.memory_space<vmem_shared>> -> memref<640x128xf32, #tpu.memory_space<vmem_shared>>
      tpu.wait_dma2 semaphore(%run_scoped3A : memref<!tpu.dma_semaphore, #tpu.memory_space<semaphore_mem>>) src(%dma_wait3A_18 : memref<640x128xf32, #tpu.memory_space<vmem_shared>>) dst(%dma_wait3A_16 : memref<640x128xf32, #tpu.memory_space<hbm>>)
      tpu.yield
    }) : () -> ()
    return
  }
}

#map = affine_map<(d0, d1) -> (0, 0)>
#map1 = affine_map<(d0, d1) -> (0, 0, 0)>
module attributes {stable_mosaic.version = 14 : i64} {
  func.func @agg_kernel(%arg0: i32, %arg1: i32, %arg2: memref<10240x128xf32, #tpu.memory_space<hbm>>, %arg3: memref<2600x128xi32, #tpu.memory_space<hbm>>, %arg4: memref<2600x128xi32, #tpu.memory_space<hbm>>, %arg5: memref<2x10240x128xf32, #tpu.memory_space<hbm>>, %arg6: memref<40x128xi32, #tpu.memory_space<vmem>>, %arg7: memref<40x128xi32, #tpu.memory_space<vmem>>, %arg8: memref<2x128x128xf32, #tpu.memory_space<vmem>>, %arg9: memref<10240x128xf32, #tpu.memory_space<vmem_shared>>, %arg10: memref<!tpu.dma_semaphore, #tpu.memory_space<semaphore_mem>>, %arg11: memref<!tpu.dma_semaphore, #tpu.memory_space<semaphore_mem>>, %arg12: memref<!tpu.dma_semaphore, #tpu.memory_space<semaphore_mem>>, %arg13: memref<!tpu.dma_semaphore, #tpu.memory_space<semaphore_mem>>, %arg14: memref<!tpu.dma_semaphore, #tpu.memory_space<semaphore_mem>>, %arg15: memref<!tpu.dma_semaphore, #tpu.memory_space<semaphore_mem>>) attributes {dimension_semantics = [#tpu.dimension_semantics<core_parallel>, #tpu.dimension_semantics<subcore_parallel>], iteration_bounds = array<i64: 2, 16>, scalar_prefetch = 0 : i64, scratch_operands = 10 : i64, tpu.core_type = #tpu.core_type<sc_vector_subcore>, window_params = [{transform_indices = #map}, {transform_indices = #map}, {transform_indices = #map}, {transform_indices = #map1}]} {
    %mul3A = arith.constant 640 : i32
    %mul3A_0 = arith.muli %arg1, %mul3A : i32
    %eq3A = arith.constant 0 : i32
    %eq3A_1 = arith.cmpi eq, %arg0, %eq3A : i32
    %jit3A = arith.constant 80 : i32
    %jit3A_2 = arith.constant 80 : i32
    %select_n3A = arith.select %eq3A_1, %jit3A, %jit3A_2 : i32
    %mul3A_3 = arith.constant 1280 : i32
    %mul3A_4 = arith.muli %arg0, %mul3A_3 : i32
    %mul3A_5 = arith.muli %arg1, %select_n3A : i32
    %add3A = arith.addi %mul3A_4, %mul3A_5 : i32
    %jit3A_6 = arith.constant 2 : i32
    %div3A = arith.divsi %select_n3A, %jit3A_6 : i32
    %sign3A = arith.constant 0 : i32
    %sign3A_7 = arith.cmpi sgt, %select_n3A, %sign3A : i32
    %sign3A_8 = arith.extui %sign3A_7 : i1 to i32
    %sign3A_9 = arith.constant 0 : i32
    %sign3A_10 = arith.cmpi slt, %select_n3A, %sign3A_9 : i32
    %sign3A_11 = arith.extui %sign3A_10 : i1 to i32
    %sign3A_12 = arith.subi %sign3A_8, %sign3A_11 : i32
    %sign3A_13 = arith.constant 0 : i32
    %sign3A_14 = arith.cmpi sgt, %jit3A_6, %sign3A_13 : i32
    %sign3A_15 = arith.extui %sign3A_14 : i1 to i32
    %sign3A_16 = arith.constant 0 : i32
    %sign3A_17 = arith.cmpi slt, %jit3A_6, %sign3A_16 : i32
    %sign3A_18 = arith.extui %sign3A_17 : i1 to i32
    %sign3A_19 = arith.subi %sign3A_15, %sign3A_18 : i32
    %ne3A = arith.cmpi ne, %sign3A_12, %sign3A_19 : i32
    %rem3A = arith.remsi %select_n3A, %jit3A_6 : i32
    %ne3A_20 = arith.constant 0 : i32
    %ne3A_21 = arith.cmpi ne, %rem3A, %ne3A_20 : i32
    %and3A = arith.andi %ne3A, %ne3A_21 : i1
    %sub3A = arith.constant 1 : i32
    %sub3A_22 = arith.subi %div3A, %sub3A : i32
    %select_n3A_23 = arith.select %and3A, %sub3A_22, %div3A : i32
    %jit3A_24 = arith.constant 2 : i32
    %div3A_25 = arith.divsi %select_n3A_23, %jit3A_24 : i32
    %sign3A_26 = arith.constant 0 : i32
    %sign3A_27 = arith.cmpi sgt, %select_n3A_23, %sign3A_26 : i32
    %sign3A_28 = arith.extui %sign3A_27 : i1 to i32
    %sign3A_29 = arith.constant 0 : i32
    %sign3A_30 = arith.cmpi slt, %select_n3A_23, %sign3A_29 : i32
    %sign3A_31 = arith.extui %sign3A_30 : i1 to i32
    %sign3A_32 = arith.subi %sign3A_28, %sign3A_31 : i32
    %sign3A_33 = arith.constant 0 : i32
    %sign3A_34 = arith.cmpi sgt, %jit3A_24, %sign3A_33 : i32
    %sign3A_35 = arith.extui %sign3A_34 : i1 to i32
    %sign3A_36 = arith.constant 0 : i32
    %sign3A_37 = arith.cmpi slt, %jit3A_24, %sign3A_36 : i32
    %sign3A_38 = arith.extui %sign3A_37 : i1 to i32
    %sign3A_39 = arith.subi %sign3A_35, %sign3A_38 : i32
    %ne3A_40 = arith.cmpi ne, %sign3A_32, %sign3A_39 : i32
    %rem3A_41 = arith.remsi %select_n3A_23, %jit3A_24 : i32
    %ne3A_42 = arith.constant 0 : i32
    %ne3A_43 = arith.cmpi ne, %rem3A_41, %ne3A_42 : i32
    %and3A_44 = arith.andi %ne3A_40, %ne3A_43 : i1
    %sub3A_45 = arith.constant 1 : i32
    %sub3A_46 = arith.subi %div3A_25, %sub3A_45 : i32
    %select_n3A_47 = arith.select %and3A_44, %sub3A_46, %div3A_25 : i32
    "tpu.region"() ({
      %run_scoped3A = tpu.sem_alloc : memref<!tpu.dma_semaphore, #tpu.memory_space<semaphore_mem>>
      %dma_start3A_170 = arith.constant 0 : i32
      %dma_start3A_171 = tpu.memref_slice %arg9[%mul3A_0, %dma_start3A_170] : memref<10240x128xf32, #tpu.memory_space<vmem_shared>> -> memref<640x128xf32, #tpu.memory_space<vmem_shared>>
      %dma_start3A_172 = arith.constant 0 : i32
      %dma_start3A_173 = tpu.memref_slice %arg2[%mul3A_0, %dma_start3A_172] : memref<10240x128xf32, #tpu.memory_space<hbm>> -> memref<640x128xf32, #tpu.memory_space<hbm>>
      tpu.enqueue_dma source(%dma_start3A_173 : memref<640x128xf32, #tpu.memory_space<hbm>>) target(%dma_start3A_171 : memref<640x128xf32, #tpu.memory_space<vmem_shared>>) target_semaphore(%run_scoped3A : memref<!tpu.dma_semaphore, #tpu.memory_space<semaphore_mem>>)
      %dma_wait3A = arith.constant 0 : i32
      %dma_wait3A_174 = tpu.memref_slice %arg9[%mul3A_0, %dma_wait3A] : memref<10240x128xf32, #tpu.memory_space<vmem_shared>> -> memref<640x128xf32, #tpu.memory_space<vmem_shared>>
      %dma_wait3A_175 = arith.constant 0 : i32
      %dma_wait3A_176 = tpu.memref_slice %arg2[%mul3A_0, %dma_wait3A_175] : memref<10240x128xf32, #tpu.memory_space<hbm>> -> memref<640x128xf32, #tpu.memory_space<hbm>>
      tpu.wait_dma2 semaphore(%run_scoped3A : memref<!tpu.dma_semaphore, #tpu.memory_space<semaphore_mem>>) src(%dma_wait3A_176 : memref<640x128xf32, #tpu.memory_space<hbm>>) dst(%dma_wait3A_174 : memref<640x128xf32, #tpu.memory_space<vmem_shared>>)
      tpu.yield
    }) : () -> ()
    %barrier3A = arith.constant 0 : index
    tpu.barrier barrier_id(%barrier3A)
    %mul3A_48 = arith.constant 0 : i32
    %mul3A_49 = arith.muli %mul3A_48, %select_n3A_23 : i32
    %add3A_50 = arith.addi %add3A, %mul3A_49 : i32
    %multiple_of3A = tpu.assume_multiple %add3A_50, 8 : i32
    "tpu.region"() ({
      %run_scoped3A = tpu.sem_alloc : memref<!tpu.dma_semaphore, #tpu.memory_space<semaphore_mem>>
      %dma_start3A_170 = arith.constant 0 : i32
      %dma_start3A_171 = tpu.memref_slice %arg3[%multiple_of3A, %dma_start3A_170] : memref<2600x128xi32, #tpu.memory_space<hbm>> -> memref<40x128xi32, #tpu.memory_space<hbm>>
      %dma_start3A_172 = arith.constant 0 : i32
      %dma_start3A_173 = tpu.memref_slice %arg3[%multiple_of3A, %dma_start3A_172] : memref<2600x128xi32, #tpu.memory_space<hbm>> -> memref<40x128xi32, #tpu.memory_space<hbm>>
      tpu.enqueue_dma source(%dma_start3A_173 : memref<40x128xi32, #tpu.memory_space<hbm>>) target(%arg6 : memref<40x128xi32, #tpu.memory_space<vmem>>) target_semaphore(%run_scoped3A : memref<!tpu.dma_semaphore, #tpu.memory_space<semaphore_mem>>)
      %dma_wait3A = arith.constant 0 : i32
      %dma_wait3A_174 = tpu.memref_slice %arg3[%multiple_of3A, %dma_wait3A] : memref<2600x128xi32, #tpu.memory_space<hbm>> -> memref<40x128xi32, #tpu.memory_space<hbm>>
      %dma_wait3A_175 = arith.constant 0 : i32
      %dma_wait3A_176 = tpu.memref_slice %arg3[%multiple_of3A, %dma_wait3A_175] : memref<2600x128xi32, #tpu.memory_space<hbm>> -> memref<40x128xi32, #tpu.memory_space<hbm>>
      tpu.wait_dma2 semaphore(%run_scoped3A : memref<!tpu.dma_semaphore, #tpu.memory_space<semaphore_mem>>) src(%dma_wait3A_176 : memref<40x128xi32, #tpu.memory_space<hbm>>) dst(%arg6 : memref<40x128xi32, #tpu.memory_space<vmem>>)
      tpu.yield
    }) : () -> ()
    "tpu.region"() ({
      %run_scoped3A = tpu.sem_alloc : memref<!tpu.dma_semaphore, #tpu.memory_space<semaphore_mem>>
      %dma_start3A_170 = arith.constant 0 : i32
      %dma_start3A_171 = tpu.memref_slice %arg4[%multiple_of3A, %dma_start3A_170] : memref<2600x128xi32, #tpu.memory_space<hbm>> -> memref<40x128xi32, #tpu.memory_space<hbm>>
      %dma_start3A_172 = arith.constant 0 : i32
      %dma_start3A_173 = tpu.memref_slice %arg4[%multiple_of3A, %dma_start3A_172] : memref<2600x128xi32, #tpu.memory_space<hbm>> -> memref<40x128xi32, #tpu.memory_space<hbm>>
      tpu.enqueue_dma source(%dma_start3A_173 : memref<40x128xi32, #tpu.memory_space<hbm>>) target(%arg7 : memref<40x128xi32, #tpu.memory_space<vmem>>) target_semaphore(%run_scoped3A : memref<!tpu.dma_semaphore, #tpu.memory_space<semaphore_mem>>)
      %dma_wait3A = arith.constant 0 : i32
      %dma_wait3A_174 = tpu.memref_slice %arg4[%multiple_of3A, %dma_wait3A] : memref<2600x128xi32, #tpu.memory_space<hbm>> -> memref<40x128xi32, #tpu.memory_space<hbm>>
      %dma_wait3A_175 = arith.constant 0 : i32
      %dma_wait3A_176 = tpu.memref_slice %arg4[%multiple_of3A, %dma_wait3A_175] : memref<2600x128xi32, #tpu.memory_space<hbm>> -> memref<40x128xi32, #tpu.memory_space<hbm>>
      tpu.wait_dma2 semaphore(%run_scoped3A : memref<!tpu.dma_semaphore, #tpu.memory_space<semaphore_mem>>) src(%dma_wait3A_176 : memref<40x128xi32, #tpu.memory_space<hbm>>) dst(%arg7 : memref<40x128xi32, #tpu.memory_space<vmem>>)
      tpu.yield
    }) : () -> ()
    %dma_start3A = arith.constant 0 : i32
    %dma_start3A_51 = arith.constant 0 : i32
    %dma_start3A_52 = arith.constant 0 : i32
    %dma_start3A_53 = arith.constant 0 : i32
    %dma_start3A_54 = tpu.memref_slice %arg8[%dma_start3A_51, %dma_start3A_52, %dma_start3A_53] : memref<2x128x128xf32, #tpu.memory_space<vmem>> -> memref<1x64x128xf32, #tpu.memory_space<vmem>>
    %dma_start3A_55 = tpu.memref_squeeze %dma_start3A_54 : memref<1x64x128xf32, #tpu.memory_space<vmem>> -> memref<64x128xf32, #tpu.memory_space<vmem>>
    %dma_start3A_56 = arith.constant 0 : i32
    %dma_start3A_57 = tpu.memref_slice %arg6[%dma_start3A, %dma_start3A_56] : memref<40x128xi32, #tpu.memory_space<vmem>> -> memref<1x64xi32, #tpu.memory_space<vmem>>
    %dma_start3A_58 = tpu.memref_squeeze %dma_start3A_57 : memref<1x64xi32, #tpu.memory_space<vmem>> -> memref<64xi32, #tpu.memory_space<vmem>>
    %dma_start3A_59 = arith.constant 0 : i32
    %dma_start3A_60 = arith.constant 0 : i32
    %dma_start3A_61 = tpu.memref_slice %arg2[%dma_start3A_59, %dma_start3A_60] : memref<10240x128xf32, #tpu.memory_space<hbm>> -> memref<10240x128xf32, #tpu.memory_space<hbm>>
    tpu.enqueue_indirect_dma source(%dma_start3A_61 : memref<10240x128xf32, #tpu.memory_space<hbm>>) target(%dma_start3A_55 : memref<64x128xf32, #tpu.memory_space<vmem>>) offsets(%dma_start3A_58 : memref<64xi32, #tpu.memory_space<vmem>>) semaphore(%arg10 : memref<!tpu.dma_semaphore, #tpu.memory_space<semaphore_mem>>)
    %dma_start3A_62 = arith.constant 0 : i32
    %dma_start3A_63 = arith.constant 0 : i32
    %dma_start3A_64 = arith.constant 64 : i32
    %dma_start3A_65 = arith.constant 0 : i32
    %dma_start3A_66 = tpu.memref_slice %arg8[%dma_start3A_63, %dma_start3A_64, %dma_start3A_65] : memref<2x128x128xf32, #tpu.memory_space<vmem>> -> memref<1x64x128xf32, #tpu.memory_space<vmem>>
    %dma_start3A_67 = tpu.memref_squeeze %dma_start3A_66 : memref<1x64x128xf32, #tpu.memory_space<vmem>> -> memref<64x128xf32, #tpu.memory_space<vmem>>
    %dma_start3A_68 = arith.constant 64 : i32
    %dma_start3A_69 = tpu.memref_slice %arg6[%dma_start3A_62, %dma_start3A_68] : memref<40x128xi32, #tpu.memory_space<vmem>> -> memref<1x64xi32, #tpu.memory_space<vmem>>
    %dma_start3A_70 = tpu.memref_squeeze %dma_start3A_69 : memref<1x64xi32, #tpu.memory_space<vmem>> -> memref<64xi32, #tpu.memory_space<vmem>>
    %dma_start3A_71 = arith.constant 0 : i32
    %dma_start3A_72 = arith.constant 0 : i32
    %dma_start3A_73 = tpu.memref_slice %arg2[%dma_start3A_71, %dma_start3A_72] : memref<10240x128xf32, #tpu.memory_space<hbm>> -> memref<10240x128xf32, #tpu.memory_space<hbm>>
    tpu.enqueue_indirect_dma source(%dma_start3A_73 : memref<10240x128xf32, #tpu.memory_space<hbm>>) target(%dma_start3A_67 : memref<64x128xf32, #tpu.memory_space<vmem>>) offsets(%dma_start3A_70 : memref<64xi32, #tpu.memory_space<vmem>>) semaphore(%arg11 : memref<!tpu.dma_semaphore, #tpu.memory_space<semaphore_mem>>)
    %dma_start3A_74 = arith.constant 1 : i32
    %dma_start3A_75 = arith.constant 1 : i32
    %dma_start3A_76 = arith.constant 0 : i32
    %dma_start3A_77 = arith.constant 0 : i32
    %dma_start3A_78 = tpu.memref_slice %arg8[%dma_start3A_75, %dma_start3A_76, %dma_start3A_77] : memref<2x128x128xf32, #tpu.memory_space<vmem>> -> memref<1x64x128xf32, #tpu.memory_space<vmem>>
    %dma_start3A_79 = tpu.memref_squeeze %dma_start3A_78 : memref<1x64x128xf32, #tpu.memory_space<vmem>> -> memref<64x128xf32, #tpu.memory_space<vmem>>
    %dma_start3A_80 = arith.constant 0 : i32
    %dma_start3A_81 = tpu.memref_slice %arg6[%dma_start3A_74, %dma_start3A_80] : memref<40x128xi32, #tpu.memory_space<vmem>> -> memref<1x64xi32, #tpu.memory_space<vmem>>
    %dma_start3A_82 = tpu.memref_squeeze %dma_start3A_81 : memref<1x64xi32, #tpu.memory_space<vmem>> -> memref<64xi32, #tpu.memory_space<vmem>>
    %dma_start3A_83 = arith.constant 0 : i32
    %dma_start3A_84 = arith.constant 0 : i32
    %dma_start3A_85 = tpu.memref_slice %arg2[%dma_start3A_83, %dma_start3A_84] : memref<10240x128xf32, #tpu.memory_space<hbm>> -> memref<10240x128xf32, #tpu.memory_space<hbm>>
    tpu.enqueue_indirect_dma source(%dma_start3A_85 : memref<10240x128xf32, #tpu.memory_space<hbm>>) target(%dma_start3A_79 : memref<64x128xf32, #tpu.memory_space<vmem>>) offsets(%dma_start3A_82 : memref<64xi32, #tpu.memory_space<vmem>>) semaphore(%arg12 : memref<!tpu.dma_semaphore, #tpu.memory_space<semaphore_mem>>)
    %dma_start3A_86 = arith.constant 1 : i32
    %dma_start3A_87 = arith.constant 1 : i32
    %dma_start3A_88 = arith.constant 64 : i32
    %dma_start3A_89 = arith.constant 0 : i32
    %dma_start3A_90 = tpu.memref_slice %arg8[%dma_start3A_87, %dma_start3A_88, %dma_start3A_89] : memref<2x128x128xf32, #tpu.memory_space<vmem>> -> memref<1x64x128xf32, #tpu.memory_space<vmem>>
    %dma_start3A_91 = tpu.memref_squeeze %dma_start3A_90 : memref<1x64x128xf32, #tpu.memory_space<vmem>> -> memref<64x128xf32, #tpu.memory_space<vmem>>
    %dma_start3A_92 = arith.constant 64 : i32
    %dma_start3A_93 = tpu.memref_slice %arg6[%dma_start3A_86, %dma_start3A_92] : memref<40x128xi32, #tpu.memory_space<vmem>> -> memref<1x64xi32, #tpu.memory_space<vmem>>
    %dma_start3A_94 = tpu.memref_squeeze %dma_start3A_93 : memref<1x64xi32, #tpu.memory_space<vmem>> -> memref<64xi32, #tpu.memory_space<vmem>>
    %dma_start3A_95 = arith.constant 0 : i32
    %dma_start3A_96 = arith.constant 0 : i32
    %dma_start3A_97 = tpu.memref_slice %arg2[%dma_start3A_95, %dma_start3A_96] : memref<10240x128xf32, #tpu.memory_space<hbm>> -> memref<10240x128xf32, #tpu.memory_space<hbm>>
    tpu.enqueue_indirect_dma source(%dma_start3A_97 : memref<10240x128xf32, #tpu.memory_space<hbm>>) target(%dma_start3A_91 : memref<64x128xf32, #tpu.memory_space<vmem>>) offsets(%dma_start3A_94 : memref<64xi32, #tpu.memory_space<vmem>>) semaphore(%arg13 : memref<!tpu.dma_semaphore, #tpu.memory_space<semaphore_mem>>)
    %while3A = arith.constant 0 : i32
    %while3A_98 = arith.constant 0 : i32
    %while3A_99 = arith.subi %select_n3A_47, %while3A_98 : i32
    %while3A_100 = arith.addi %while3A_98, %while3A_99 : i32
    %while3A_101 = arith.constant 1 : i32
    %while3A_102 = arith.divsi %while3A_99, %while3A_101 : i32
    %while3A_103 = arith.muli %while3A_102, %while3A_101 : i32
    %while3A_104 = arith.addi %while3A_98, %while3A_103 : i32
    %while3A_105 = arith.constant 1 : i32
    scf.for %while3A_170 = %while3A_98 to %while3A_104 step %while3A_105  : i32 {
      %mul3A_171 = arith.constant 2 : i32
      %mul3A_172 = arith.muli %mul3A_171, %while3A_170 : i32
      %add3A_173 = arith.constant 0 : i32
      %add3A_174 = arith.addi %mul3A_172, %add3A_173 : i32
      %dma_wait3A = arith.constant 0 : i32
      %dma_wait3A_175 = arith.constant 0 : i32
      %dma_wait3A_176 = arith.constant 0 : i32
      %dma_wait3A_177 = tpu.memref_slice %arg8[%dma_wait3A, %dma_wait3A_175, %dma_wait3A_176] : memref<2x128x128xf32, #tpu.memory_space<vmem>> -> memref<1x64x128xf32, #tpu.memory_space<vmem>>
      %dma_wait3A_178 = tpu.memref_squeeze %dma_wait3A_177 : memref<1x64x128xf32, #tpu.memory_space<vmem>> -> memref<64x128xf32, #tpu.memory_space<vmem>>
      %dma_wait3A_179 = arith.constant 0 : i32
      %dma_wait3A_180 = tpu.memref_slice %arg6[%add3A_174, %dma_wait3A_179] : memref<40x128xi32, #tpu.memory_space<vmem>> -> memref<1x64xi32, #tpu.memory_space<vmem>>
      %dma_wait3A_181 = tpu.memref_squeeze %dma_wait3A_180 : memref<1x64xi32, #tpu.memory_space<vmem>> -> memref<64xi32, #tpu.memory_space<vmem>>
      %dma_wait3A_182 = arith.constant 0 : i32
      %dma_wait3A_183 = arith.constant 0 : i32
      %dma_wait3A_184 = tpu.memref_slice %arg2[%dma_wait3A_182, %dma_wait3A_183] : memref<10240x128xf32, #tpu.memory_space<hbm>> -> memref<10240x128xf32, #tpu.memory_space<hbm>>
      tpu.wait_indirect_dma semaphore(%arg10 : memref<!tpu.dma_semaphore, #tpu.memory_space<semaphore_mem>>) src(%dma_wait3A_184 : memref<10240x128xf32, #tpu.memory_space<hbm>>) dst(%dma_wait3A_178 : memref<64x128xf32, #tpu.memory_space<vmem>>)
      %dma_wait3A_185 = arith.constant 0 : i32
      %dma_wait3A_186 = arith.constant 64 : i32
      %dma_wait3A_187 = arith.constant 0 : i32
      %dma_wait3A_188 = tpu.memref_slice %arg8[%dma_wait3A_185, %dma_wait3A_186, %dma_wait3A_187] : memref<2x128x128xf32, #tpu.memory_space<vmem>> -> memref<1x64x128xf32, #tpu.memory_space<vmem>>
      %dma_wait3A_189 = tpu.memref_squeeze %dma_wait3A_188 : memref<1x64x128xf32, #tpu.memory_space<vmem>> -> memref<64x128xf32, #tpu.memory_space<vmem>>
      %dma_wait3A_190 = arith.constant 64 : i32
      %dma_wait3A_191 = tpu.memref_slice %arg6[%add3A_174, %dma_wait3A_190] : memref<40x128xi32, #tpu.memory_space<vmem>> -> memref<1x64xi32, #tpu.memory_space<vmem>>
      %dma_wait3A_192 = tpu.memref_squeeze %dma_wait3A_191 : memref<1x64xi32, #tpu.memory_space<vmem>> -> memref<64xi32, #tpu.memory_space<vmem>>
      %dma_wait3A_193 = arith.constant 0 : i32
      %dma_wait3A_194 = arith.constant 0 : i32
      %dma_wait3A_195 = tpu.memref_slice %arg2[%dma_wait3A_193, %dma_wait3A_194] : memref<10240x128xf32, #tpu.memory_space<hbm>> -> memref<10240x128xf32, #tpu.memory_space<hbm>>
      tpu.wait_indirect_dma semaphore(%arg11 : memref<!tpu.dma_semaphore, #tpu.memory_space<semaphore_mem>>) src(%dma_wait3A_195 : memref<10240x128xf32, #tpu.memory_space<hbm>>) dst(%dma_wait3A_189 : memref<64x128xf32, #tpu.memory_space<vmem>>)
      %dma_start3A_196 = arith.constant 0 : i32
      %dma_start3A_197 = arith.constant 0 : i32
      %dma_start3A_198 = arith.constant 0 : i32
      %dma_start3A_199 = tpu.memref_slice %arg8[%dma_start3A_196, %dma_start3A_197, %dma_start3A_198] : memref<2x128x128xf32, #tpu.memory_space<vmem>> -> memref<1x128x128xf32, #tpu.memory_space<vmem>>
      %dma_start3A_200 = tpu.memref_squeeze %dma_start3A_199 : memref<1x128x128xf32, #tpu.memory_space<vmem>> -> memref<128x128xf32, #tpu.memory_space<vmem>>
      %dma_start3A_201 = arith.constant 0 : i32
      %dma_start3A_202 = tpu.memref_slice %arg7[%add3A_174, %dma_start3A_201] : memref<40x128xi32, #tpu.memory_space<vmem>> -> memref<1x128xi32, #tpu.memory_space<vmem>>
      %dma_start3A_203 = tpu.memref_squeeze %dma_start3A_202 : memref<1x128xi32, #tpu.memory_space<vmem>> -> memref<128xi32, #tpu.memory_space<vmem>>
      %dma_start3A_204 = arith.constant 0 : i32
      %dma_start3A_205 = arith.constant 0 : i32
      %dma_start3A_206 = tpu.memref_slice %arg9[%dma_start3A_204, %dma_start3A_205] : memref<10240x128xf32, #tpu.memory_space<vmem_shared>> -> memref<10240x128xf32, #tpu.memory_space<vmem_shared>>
      tpu.enqueue_indirect_dma source(%dma_start3A_200 : memref<128x128xf32, #tpu.memory_space<vmem>>) target(%dma_start3A_206 : memref<10240x128xf32, #tpu.memory_space<vmem_shared>>) offsets(%dma_start3A_203 : memref<128xi32, #tpu.memory_space<vmem>>) semaphore(%arg14 : memref<!tpu.dma_semaphore, #tpu.memory_space<semaphore_mem>>) {add = true}
      %add3A_207 = arith.constant 1 : i32
      %add3A_208 = arith.addi %mul3A_172, %add3A_207 : i32
      %dma_wait3A_209 = arith.constant 1 : i32
      %dma_wait3A_210 = arith.constant 0 : i32
      %dma_wait3A_211 = arith.constant 0 : i32
      %dma_wait3A_212 = tpu.memref_slice %arg8[%dma_wait3A_209, %dma_wait3A_210, %dma_wait3A_211] : memref<2x128x128xf32, #tpu.memory_space<vmem>> -> memref<1x64x128xf32, #tpu.memory_space<vmem>>
      %dma_wait3A_213 = tpu.memref_squeeze %dma_wait3A_212 : memref<1x64x128xf32, #tpu.memory_space<vmem>> -> memref<64x128xf32, #tpu.memory_space<vmem>>
      %dma_wait3A_214 = arith.constant 0 : i32
      %dma_wait3A_215 = tpu.memref_slice %arg6[%add3A_208, %dma_wait3A_214] : memref<40x128xi32, #tpu.memory_space<vmem>> -> memref<1x64xi32, #tpu.memory_space<vmem>>
      %dma_wait3A_216 = tpu.memref_squeeze %dma_wait3A_215 : memref<1x64xi32, #tpu.memory_space<vmem>> -> memref<64xi32, #tpu.memory_space<vmem>>
      %dma_wait3A_217 = arith.constant 0 : i32
      %dma_wait3A_218 = arith.constant 0 : i32
      %dma_wait3A_219 = tpu.memref_slice %arg2[%dma_wait3A_217, %dma_wait3A_218] : memref<10240x128xf32, #tpu.memory_space<hbm>> -> memref<10240x128xf32, #tpu.memory_space<hbm>>
      tpu.wait_indirect_dma semaphore(%arg12 : memref<!tpu.dma_semaphore, #tpu.memory_space<semaphore_mem>>) src(%dma_wait3A_219 : memref<10240x128xf32, #tpu.memory_space<hbm>>) dst(%dma_wait3A_213 : memref<64x128xf32, #tpu.memory_space<vmem>>)
      %dma_wait3A_220 = arith.constant 1 : i32
      %dma_wait3A_221 = arith.constant 64 : i32
      %dma_wait3A_222 = arith.constant 0 : i32
      %dma_wait3A_223 = tpu.memref_slice %arg8[%dma_wait3A_220, %dma_wait3A_221, %dma_wait3A_222] : memref<2x128x128xf32, #tpu.memory_space<vmem>> -> memref<1x64x128xf32, #tpu.memory_space<vmem>>
      %dma_wait3A_224 = tpu.memref_squeeze %dma_wait3A_223 : memref<1x64x128xf32, #tpu.memory_space<vmem>> -> memref<64x128xf32, #tpu.memory_space<vmem>>
      %dma_wait3A_225 = arith.constant 64 : i32
      %dma_wait3A_226 = tpu.memref_slice %arg6[%add3A_208, %dma_wait3A_225] : memref<40x128xi32, #tpu.memory_space<vmem>> -> memref<1x64xi32, #tpu.memory_space<vmem>>
      %dma_wait3A_227 = tpu.memref_squeeze %dma_wait3A_226 : memref<1x64xi32, #tpu.memory_space<vmem>> -> memref<64xi32, #tpu.memory_space<vmem>>
      %dma_wait3A_228 = arith.constant 0 : i32
      %dma_wait3A_229 = arith.constant 0 : i32
      %dma_wait3A_230 = tpu.memref_slice %arg2[%dma_wait3A_228, %dma_wait3A_229] : memref<10240x128xf32, #tpu.memory_space<hbm>> -> memref<10240x128xf32, #tpu.memory_space<hbm>>
      tpu.wait_indirect_dma semaphore(%arg13 : memref<!tpu.dma_semaphore, #tpu.memory_space<semaphore_mem>>) src(%dma_wait3A_230 : memref<10240x128xf32, #tpu.memory_space<hbm>>) dst(%dma_wait3A_224 : memref<64x128xf32, #tpu.memory_space<vmem>>)
      %dma_start3A_231 = arith.constant 1 : i32
      %dma_start3A_232 = arith.constant 0 : i32
      %dma_start3A_233 = arith.constant 0 : i32
      %dma_start3A_234 = tpu.memref_slice %arg8[%dma_start3A_231, %dma_start3A_232, %dma_start3A_233] : memref<2x128x128xf32, #tpu.memory_space<vmem>> -> memref<1x128x128xf32, #tpu.memory_space<vmem>>
      %dma_start3A_235 = tpu.memref_squeeze %dma_start3A_234 : memref<1x128x128xf32, #tpu.memory_space<vmem>> -> memref<128x128xf32, #tpu.memory_space<vmem>>
      %dma_start3A_236 = arith.constant 0 : i32
      %dma_start3A_237 = tpu.memref_slice %arg7[%add3A_208, %dma_start3A_236] : memref<40x128xi32, #tpu.memory_space<vmem>> -> memref<1x128xi32, #tpu.memory_space<vmem>>
      %dma_start3A_238 = tpu.memref_squeeze %dma_start3A_237 : memref<1x128xi32, #tpu.memory_space<vmem>> -> memref<128xi32, #tpu.memory_space<vmem>>
      %dma_start3A_239 = arith.constant 0 : i32
      %dma_start3A_240 = arith.constant 0 : i32
      %dma_start3A_241 = tpu.memref_slice %arg9[%dma_start3A_239, %dma_start3A_240] : memref<10240x128xf32, #tpu.memory_space<vmem_shared>> -> memref<10240x128xf32, #tpu.memory_space<vmem_shared>>
      tpu.enqueue_indirect_dma source(%dma_start3A_235 : memref<128x128xf32, #tpu.memory_space<vmem>>) target(%dma_start3A_241 : memref<10240x128xf32, #tpu.memory_space<vmem_shared>>) offsets(%dma_start3A_238 : memref<128xi32, #tpu.memory_space<vmem>>) semaphore(%arg15 : memref<!tpu.dma_semaphore, #tpu.memory_space<semaphore_mem>>) {add = true}
      %dma_wait3A_242 = arith.constant 0 : i32
      %dma_wait3A_243 = arith.constant 0 : i32
      %dma_wait3A_244 = arith.constant 0 : i32
      %dma_wait3A_245 = tpu.memref_slice %arg8[%dma_wait3A_242, %dma_wait3A_243, %dma_wait3A_244] : memref<2x128x128xf32, #tpu.memory_space<vmem>> -> memref<1x128x128xf32, #tpu.memory_space<vmem>>
      %dma_wait3A_246 = tpu.memref_squeeze %dma_wait3A_245 : memref<1x128x128xf32, #tpu.memory_space<vmem>> -> memref<128x128xf32, #tpu.memory_space<vmem>>
      %dma_wait3A_247 = arith.constant 0 : i32
      %dma_wait3A_248 = tpu.memref_slice %arg7[%add3A_174, %dma_wait3A_247] : memref<40x128xi32, #tpu.memory_space<vmem>> -> memref<1x128xi32, #tpu.memory_space<vmem>>
      %dma_wait3A_249 = tpu.memref_squeeze %dma_wait3A_248 : memref<1x128xi32, #tpu.memory_space<vmem>> -> memref<128xi32, #tpu.memory_space<vmem>>
      %dma_wait3A_250 = arith.constant 0 : i32
      %dma_wait3A_251 = arith.constant 0 : i32
      %dma_wait3A_252 = tpu.memref_slice %arg9[%dma_wait3A_250, %dma_wait3A_251] : memref<10240x128xf32, #tpu.memory_space<vmem_shared>> -> memref<10240x128xf32, #tpu.memory_space<vmem_shared>>
      tpu.wait_indirect_dma semaphore(%arg14 : memref<!tpu.dma_semaphore, #tpu.memory_space<semaphore_mem>>) src(%dma_wait3A_246 : memref<128x128xf32, #tpu.memory_space<vmem>>) dst(%dma_wait3A_252 : memref<10240x128xf32, #tpu.memory_space<vmem_shared>>)
      %sub3A_253 = arith.constant 1 : i32
      %sub3A_254 = arith.subi %select_n3A_47, %sub3A_253 : i32
      %lt3A = arith.cmpi slt, %while3A_170, %sub3A_254 : i32
      %convert_element_type3A = arith.extui %lt3A : i1 to i32
      %cond3A = arith.constant 0 : i32
      %cond3A_255 = arith.cmpi ne, %convert_element_type3A, %cond3A : i32
      scf.if %cond3A_255 {
        %add3A_273 = arith.constant 2 : i32
        %add3A_274 = arith.addi %mul3A_172, %add3A_273 : i32
        %add3A_275 = arith.constant 0 : i32
        %add3A_276 = arith.addi %add3A_274, %add3A_275 : i32
        %dma_start3A_277 = arith.constant 0 : i32
        %dma_start3A_278 = arith.constant 0 : i32
        %dma_start3A_279 = arith.constant 0 : i32
        %dma_start3A_280 = tpu.memref_slice %arg8[%dma_start3A_277, %dma_start3A_278, %dma_start3A_279] : memref<2x128x128xf32, #tpu.memory_space<vmem>> -> memref<1x64x128xf32, #tpu.memory_space<vmem>>
        %dma_start3A_281 = tpu.memref_squeeze %dma_start3A_280 : memref<1x64x128xf32, #tpu.memory_space<vmem>> -> memref<64x128xf32, #tpu.memory_space<vmem>>
        %dma_start3A_282 = arith.constant 0 : i32
        %dma_start3A_283 = tpu.memref_slice %arg6[%add3A_276, %dma_start3A_282] : memref<40x128xi32, #tpu.memory_space<vmem>> -> memref<1x64xi32, #tpu.memory_space<vmem>>
        %dma_start3A_284 = tpu.memref_squeeze %dma_start3A_283 : memref<1x64xi32, #tpu.memory_space<vmem>> -> memref<64xi32, #tpu.memory_space<vmem>>
        %dma_start3A_285 = arith.constant 0 : i32
        %dma_start3A_286 = arith.constant 0 : i32
        %dma_start3A_287 = tpu.memref_slice %arg2[%dma_start3A_285, %dma_start3A_286] : memref<10240x128xf32, #tpu.memory_space<hbm>> -> memref<10240x128xf32, #tpu.memory_space<hbm>>
        tpu.enqueue_indirect_dma source(%dma_start3A_287 : memref<10240x128xf32, #tpu.memory_space<hbm>>) target(%dma_start3A_281 : memref<64x128xf32, #tpu.memory_space<vmem>>) offsets(%dma_start3A_284 : memref<64xi32, #tpu.memory_space<vmem>>) semaphore(%arg10 : memref<!tpu.dma_semaphore, #tpu.memory_space<semaphore_mem>>)
        %dma_start3A_288 = arith.constant 0 : i32
        %dma_start3A_289 = arith.constant 64 : i32
        %dma_start3A_290 = arith.constant 0 : i32
        %dma_start3A_291 = tpu.memref_slice %arg8[%dma_start3A_288, %dma_start3A_289, %dma_start3A_290] : memref<2x128x128xf32, #tpu.memory_space<vmem>> -> memref<1x64x128xf32, #tpu.memory_space<vmem>>
        %dma_start3A_292 = tpu.memref_squeeze %dma_start3A_291 : memref<1x64x128xf32, #tpu.memory_space<vmem>> -> memref<64x128xf32, #tpu.memory_space<vmem>>
        %dma_start3A_293 = arith.constant 64 : i32
        %dma_start3A_294 = tpu.memref_slice %arg6[%add3A_276, %dma_start3A_293] : memref<40x128xi32, #tpu.memory_space<vmem>> -> memref<1x64xi32, #tpu.memory_space<vmem>>
        %dma_start3A_295 = tpu.memref_squeeze %dma_start3A_294 : memref<1x64xi32, #tpu.memory_space<vmem>> -> memref<64xi32, #tpu.memory_space<vmem>>
        %dma_start3A_296 = arith.constant 0 : i32
        %dma_start3A_297 = arith.constant 0 : i32
        %dma_start3A_298 = tpu.memref_slice %arg2[%dma_start3A_296, %dma_start3A_297] : memref<10240x128xf32, #tpu.memory_space<hbm>> -> memref<10240x128xf32, #tpu.memory_space<hbm>>
        tpu.enqueue_indirect_dma source(%dma_start3A_298 : memref<10240x128xf32, #tpu.memory_space<hbm>>) target(%dma_start3A_292 : memref<64x128xf32, #tpu.memory_space<vmem>>) offsets(%dma_start3A_295 : memref<64xi32, #tpu.memory_space<vmem>>) semaphore(%arg11 : memref<!tpu.dma_semaphore, #tpu.memory_space<semaphore_mem>>)
      } else {
      }
      %dma_wait3A_256 = arith.constant 1 : i32
      %dma_wait3A_257 = arith.constant 0 : i32
      %dma_wait3A_258 = arith.constant 0 : i32
      %dma_wait3A_259 = tpu.memref_slice %arg8[%dma_wait3A_256, %dma_wait3A_257, %dma_wait3A_258] : memref<2x128x128xf32, #tpu.memory_space<vmem>> -> memref<1x128x128xf32, #tpu.memory_space<vmem>>
      %dma_wait3A_260 = tpu.memref_squeeze %dma_wait3A_259 : memref<1x128x128xf32, #tpu.memory_space<vmem>> -> memref<128x128xf32, #tpu.memory_space<vmem>>
      %dma_wait3A_261 = arith.constant 0 : i32
      %dma_wait3A_262 = tpu.memref_slice %arg7[%add3A_208, %dma_wait3A_261] : memref<40x128xi32, #tpu.memory_space<vmem>> -> memref<1x128xi32, #tpu.memory_space<vmem>>
      %dma_wait3A_263 = tpu.memref_squeeze %dma_wait3A_262 : memref<1x128xi32, #tpu.memory_space<vmem>> -> memref<128xi32, #tpu.memory_space<vmem>>
      %dma_wait3A_264 = arith.constant 0 : i32
      %dma_wait3A_265 = arith.constant 0 : i32
      %dma_wait3A_266 = tpu.memref_slice %arg9[%dma_wait3A_264, %dma_wait3A_265] : memref<10240x128xf32, #tpu.memory_space<vmem_shared>> -> memref<10240x128xf32, #tpu.memory_space<vmem_shared>>
      tpu.wait_indirect_dma semaphore(%arg15 : memref<!tpu.dma_semaphore, #tpu.memory_space<semaphore_mem>>) src(%dma_wait3A_260 : memref<128x128xf32, #tpu.memory_space<vmem>>) dst(%dma_wait3A_266 : memref<10240x128xf32, #tpu.memory_space<vmem_shared>>)
      %sub3A_267 = arith.constant 1 : i32
      %sub3A_268 = arith.subi %select_n3A_47, %sub3A_267 : i32
      %lt3A_269 = arith.cmpi slt, %while3A_170, %sub3A_268 : i32
      %convert_element_type3A_270 = arith.extui %lt3A_269 : i1 to i32
      %cond3A_271 = arith.constant 0 : i32
      %cond3A_272 = arith.cmpi ne, %convert_element_type3A_270, %cond3A_271 : i32
      scf.if %cond3A_272 {
        %add3A_273 = arith.constant 2 : i32
        %add3A_274 = arith.addi %mul3A_172, %add3A_273 : i32
        %add3A_275 = arith.constant 1 : i32
        %add3A_276 = arith.addi %add3A_274, %add3A_275 : i32
        %dma_start3A_277 = arith.constant 1 : i32
        %dma_start3A_278 = arith.constant 0 : i32
        %dma_start3A_279 = arith.constant 0 : i32
        %dma_start3A_280 = tpu.memref_slice %arg8[%dma_start3A_277, %dma_start3A_278, %dma_start3A_279] : memref<2x128x128xf32, #tpu.memory_space<vmem>> -> memref<1x64x128xf32, #tpu.memory_space<vmem>>
        %dma_start3A_281 = tpu.memref_squeeze %dma_start3A_280 : memref<1x64x128xf32, #tpu.memory_space<vmem>> -> memref<64x128xf32, #tpu.memory_space<vmem>>
        %dma_start3A_282 = arith.constant 0 : i32
        %dma_start3A_283 = tpu.memref_slice %arg6[%add3A_276, %dma_start3A_282] : memref<40x128xi32, #tpu.memory_space<vmem>> -> memref<1x64xi32, #tpu.memory_space<vmem>>
        %dma_start3A_284 = tpu.memref_squeeze %dma_start3A_283 : memref<1x64xi32, #tpu.memory_space<vmem>> -> memref<64xi32, #tpu.memory_space<vmem>>
        %dma_start3A_285 = arith.constant 0 : i32
        %dma_start3A_286 = arith.constant 0 : i32
        %dma_start3A_287 = tpu.memref_slice %arg2[%dma_start3A_285, %dma_start3A_286] : memref<10240x128xf32, #tpu.memory_space<hbm>> -> memref<10240x128xf32, #tpu.memory_space<hbm>>
        tpu.enqueue_indirect_dma source(%dma_start3A_287 : memref<10240x128xf32, #tpu.memory_space<hbm>>) target(%dma_start3A_281 : memref<64x128xf32, #tpu.memory_space<vmem>>) offsets(%dma_start3A_284 : memref<64xi32, #tpu.memory_space<vmem>>) semaphore(%arg12 : memref<!tpu.dma_semaphore, #tpu.memory_space<semaphore_mem>>)
        %dma_start3A_288 = arith.constant 1 : i32
        %dma_start3A_289 = arith.constant 64 : i32
        %dma_start3A_290 = arith.constant 0 : i32
        %dma_start3A_291 = tpu.memref_slice %arg8[%dma_start3A_288, %dma_start3A_289, %dma_start3A_290] : memref<2x128x128xf32, #tpu.memory_space<vmem>> -> memref<1x64x128xf32, #tpu.memory_space<vmem>>
        %dma_start3A_292 = tpu.memref_squeeze %dma_start3A_291 : memref<1x64x128xf32, #tpu.memory_space<vmem>> -> memref<64x128xf32, #tpu.memory_space<vmem>>
        %dma_start3A_293 = arith.constant 64 : i32
        %dma_start3A_294 = tpu.memref_slice %arg6[%add3A_276, %dma_start3A_293] : memref<40x128xi32, #tpu.memory_space<vmem>> -> memref<1x64xi32, #tpu.memory_space<vmem>>
        %dma_start3A_295 = tpu.memref_squeeze %dma_start3A_294 : memref<1x64xi32, #tpu.memory_space<vmem>> -> memref<64xi32, #tpu.memory_space<vmem>>
        %dma_start3A_296 = arith.constant 0 : i32
        %dma_start3A_297 = arith.constant 0 : i32
        %dma_start3A_298 = tpu.memref_slice %arg2[%dma_start3A_296, %dma_start3A_297] : memref<10240x128xf32, #tpu.memory_space<hbm>> -> memref<10240x128xf32, #tpu.memory_space<hbm>>
        tpu.enqueue_indirect_dma source(%dma_start3A_298 : memref<10240x128xf32, #tpu.memory_space<hbm>>) target(%dma_start3A_292 : memref<64x128xf32, #tpu.memory_space<vmem>>) offsets(%dma_start3A_295 : memref<64xi32, #tpu.memory_space<vmem>>) semaphore(%arg13 : memref<!tpu.dma_semaphore, #tpu.memory_space<semaphore_mem>>)
      } else {
      }
    }
    %while3A_106 = arith.constant 1 : i32
    scf.for %while3A_170 = %while3A_104 to %while3A_100 step %while3A_106  : i32 {
      %mul3A_171 = arith.constant 2 : i32
      %mul3A_172 = arith.muli %mul3A_171, %while3A_170 : i32
      %add3A_173 = arith.constant 0 : i32
      %add3A_174 = arith.addi %mul3A_172, %add3A_173 : i32
      %dma_wait3A = arith.constant 0 : i32
      %dma_wait3A_175 = arith.constant 0 : i32
      %dma_wait3A_176 = arith.constant 0 : i32
      %dma_wait3A_177 = tpu.memref_slice %arg8[%dma_wait3A, %dma_wait3A_175, %dma_wait3A_176] : memref<2x128x128xf32, #tpu.memory_space<vmem>> -> memref<1x64x128xf32, #tpu.memory_space<vmem>>
      %dma_wait3A_178 = tpu.memref_squeeze %dma_wait3A_177 : memref<1x64x128xf32, #tpu.memory_space<vmem>> -> memref<64x128xf32, #tpu.memory_space<vmem>>
      %dma_wait3A_179 = arith.constant 0 : i32
      %dma_wait3A_180 = tpu.memref_slice %arg6[%add3A_174, %dma_wait3A_179] : memref<40x128xi32, #tpu.memory_space<vmem>> -> memref<1x64xi32, #tpu.memory_space<vmem>>
      %dma_wait3A_181 = tpu.memref_squeeze %dma_wait3A_180 : memref<1x64xi32, #tpu.memory_space<vmem>> -> memref<64xi32, #tpu.memory_space<vmem>>
      %dma_wait3A_182 = arith.constant 0 : i32
      %dma_wait3A_183 = arith.constant 0 : i32
      %dma_wait3A_184 = tpu.memref_slice %arg2[%dma_wait3A_182, %dma_wait3A_183] : memref<10240x128xf32, #tpu.memory_space<hbm>> -> memref<10240x128xf32, #tpu.memory_space<hbm>>
      tpu.wait_indirect_dma semaphore(%arg10 : memref<!tpu.dma_semaphore, #tpu.memory_space<semaphore_mem>>) src(%dma_wait3A_184 : memref<10240x128xf32, #tpu.memory_space<hbm>>) dst(%dma_wait3A_178 : memref<64x128xf32, #tpu.memory_space<vmem>>)
      %dma_wait3A_185 = arith.constant 0 : i32
      %dma_wait3A_186 = arith.constant 64 : i32
      %dma_wait3A_187 = arith.constant 0 : i32
      %dma_wait3A_188 = tpu.memref_slice %arg8[%dma_wait3A_185, %dma_wait3A_186, %dma_wait3A_187] : memref<2x128x128xf32, #tpu.memory_space<vmem>> -> memref<1x64x128xf32, #tpu.memory_space<vmem>>
      %dma_wait3A_189 = tpu.memref_squeeze %dma_wait3A_188 : memref<1x64x128xf32, #tpu.memory_space<vmem>> -> memref<64x128xf32, #tpu.memory_space<vmem>>
      %dma_wait3A_190 = arith.constant 64 : i32
      %dma_wait3A_191 = tpu.memref_slice %arg6[%add3A_174, %dma_wait3A_190] : memref<40x128xi32, #tpu.memory_space<vmem>> -> memref<1x64xi32, #tpu.memory_space<vmem>>
      %dma_wait3A_192 = tpu.memref_squeeze %dma_wait3A_191 : memref<1x64xi32, #tpu.memory_space<vmem>> -> memref<64xi32, #tpu.memory_space<vmem>>
      %dma_wait3A_193 = arith.constant 0 : i32
      %dma_wait3A_194 = arith.constant 0 : i32
      %dma_wait3A_195 = tpu.memref_slice %arg2[%dma_wait3A_193, %dma_wait3A_194] : memref<10240x128xf32, #tpu.memory_space<hbm>> -> memref<10240x128xf32, #tpu.memory_space<hbm>>
      tpu.wait_indirect_dma semaphore(%arg11 : memref<!tpu.dma_semaphore, #tpu.memory_space<semaphore_mem>>) src(%dma_wait3A_195 : memref<10240x128xf32, #tpu.memory_space<hbm>>) dst(%dma_wait3A_189 : memref<64x128xf32, #tpu.memory_space<vmem>>)
      %dma_start3A_196 = arith.constant 0 : i32
      %dma_start3A_197 = arith.constant 0 : i32
      %dma_start3A_198 = arith.constant 0 : i32
      %dma_start3A_199 = tpu.memref_slice %arg8[%dma_start3A_196, %dma_start3A_197, %dma_start3A_198] : memref<2x128x128xf32, #tpu.memory_space<vmem>> -> memref<1x128x128xf32, #tpu.memory_space<vmem>>
      %dma_start3A_200 = tpu.memref_squeeze %dma_start3A_199 : memref<1x128x128xf32, #tpu.memory_space<vmem>> -> memref<128x128xf32, #tpu.memory_space<vmem>>
      %dma_start3A_201 = arith.constant 0 : i32
      %dma_start3A_202 = tpu.memref_slice %arg7[%add3A_174, %dma_start3A_201] : memref<40x128xi32, #tpu.memory_space<vmem>> -> memref<1x128xi32, #tpu.memory_space<vmem>>
      %dma_start3A_203 = tpu.memref_squeeze %dma_start3A_202 : memref<1x128xi32, #tpu.memory_space<vmem>> -> memref<128xi32, #tpu.memory_space<vmem>>
      %dma_start3A_204 = arith.constant 0 : i32
      %dma_start3A_205 = arith.constant 0 : i32
      %dma_start3A_206 = tpu.memref_slice %arg9[%dma_start3A_204, %dma_start3A_205] : memref<10240x128xf32, #tpu.memory_space<vmem_shared>> -> memref<10240x128xf32, #tpu.memory_space<vmem_shared>>
      tpu.enqueue_indirect_dma source(%dma_start3A_200 : memref<128x128xf32, #tpu.memory_space<vmem>>) target(%dma_start3A_206 : memref<10240x128xf32, #tpu.memory_space<vmem_shared>>) offsets(%dma_start3A_203 : memref<128xi32, #tpu.memory_space<vmem>>) semaphore(%arg14 : memref<!tpu.dma_semaphore, #tpu.memory_space<semaphore_mem>>) {add = true}
      %add3A_207 = arith.constant 1 : i32
      %add3A_208 = arith.addi %mul3A_172, %add3A_207 : i32
      %dma_wait3A_209 = arith.constant 1 : i32
      %dma_wait3A_210 = arith.constant 0 : i32
      %dma_wait3A_211 = arith.constant 0 : i32
      %dma_wait3A_212 = tpu.memref_slice %arg8[%dma_wait3A_209, %dma_wait3A_210, %dma_wait3A_211] : memref<2x128x128xf32, #tpu.memory_space<vmem>> -> memref<1x64x128xf32, #tpu.memory_space<vmem>>
      %dma_wait3A_213 = tpu.memref_squeeze %dma_wait3A_212 : memref<1x64x128xf32, #tpu.memory_space<vmem>> -> memref<64x128xf32, #tpu.memory_space<vmem>>
      %dma_wait3A_214 = arith.constant 0 : i32
      %dma_wait3A_215 = tpu.memref_slice %arg6[%add3A_208, %dma_wait3A_214] : memref<40x128xi32, #tpu.memory_space<vmem>> -> memref<1x64xi32, #tpu.memory_space<vmem>>
      %dma_wait3A_216 = tpu.memref_squeeze %dma_wait3A_215 : memref<1x64xi32, #tpu.memory_space<vmem>> -> memref<64xi32, #tpu.memory_space<vmem>>
      %dma_wait3A_217 = arith.constant 0 : i32
      %dma_wait3A_218 = arith.constant 0 : i32
      %dma_wait3A_219 = tpu.memref_slice %arg2[%dma_wait3A_217, %dma_wait3A_218] : memref<10240x128xf32, #tpu.memory_space<hbm>> -> memref<10240x128xf32, #tpu.memory_space<hbm>>
      tpu.wait_indirect_dma semaphore(%arg12 : memref<!tpu.dma_semaphore, #tpu.memory_space<semaphore_mem>>) src(%dma_wait3A_219 : memref<10240x128xf32, #tpu.memory_space<hbm>>) dst(%dma_wait3A_213 : memref<64x128xf32, #tpu.memory_space<vmem>>)
      %dma_wait3A_220 = arith.constant 1 : i32
      %dma_wait3A_221 = arith.constant 64 : i32
      %dma_wait3A_222 = arith.constant 0 : i32
      %dma_wait3A_223 = tpu.memref_slice %arg8[%dma_wait3A_220, %dma_wait3A_221, %dma_wait3A_222] : memref<2x128x128xf32, #tpu.memory_space<vmem>> -> memref<1x64x128xf32, #tpu.memory_space<vmem>>
      %dma_wait3A_224 = tpu.memref_squeeze %dma_wait3A_223 : memref<1x64x128xf32, #tpu.memory_space<vmem>> -> memref<64x128xf32, #tpu.memory_space<vmem>>
      %dma_wait3A_225 = arith.constant 64 : i32
      %dma_wait3A_226 = tpu.memref_slice %arg6[%add3A_208, %dma_wait3A_225] : memref<40x128xi32, #tpu.memory_space<vmem>> -> memref<1x64xi32, #tpu.memory_space<vmem>>
      %dma_wait3A_227 = tpu.memref_squeeze %dma_wait3A_226 : memref<1x64xi32, #tpu.memory_space<vmem>> -> memref<64xi32, #tpu.memory_space<vmem>>
      %dma_wait3A_228 = arith.constant 0 : i32
      %dma_wait3A_229 = arith.constant 0 : i32
      %dma_wait3A_230 = tpu.memref_slice %arg2[%dma_wait3A_228, %dma_wait3A_229] : memref<10240x128xf32, #tpu.memory_space<hbm>> -> memref<10240x128xf32, #tpu.memory_space<hbm>>
      tpu.wait_indirect_dma semaphore(%arg13 : memref<!tpu.dma_semaphore, #tpu.memory_space<semaphore_mem>>) src(%dma_wait3A_230 : memref<10240x128xf32, #tpu.memory_space<hbm>>) dst(%dma_wait3A_224 : memref<64x128xf32, #tpu.memory_space<vmem>>)
      %dma_start3A_231 = arith.constant 1 : i32
      %dma_start3A_232 = arith.constant 0 : i32
      %dma_start3A_233 = arith.constant 0 : i32
      %dma_start3A_234 = tpu.memref_slice %arg8[%dma_start3A_231, %dma_start3A_232, %dma_start3A_233] : memref<2x128x128xf32, #tpu.memory_space<vmem>> -> memref<1x128x128xf32, #tpu.memory_space<vmem>>
      %dma_start3A_235 = tpu.memref_squeeze %dma_start3A_234 : memref<1x128x128xf32, #tpu.memory_space<vmem>> -> memref<128x128xf32, #tpu.memory_space<vmem>>
      %dma_start3A_236 = arith.constant 0 : i32
      %dma_start3A_237 = tpu.memref_slice %arg7[%add3A_208, %dma_start3A_236] : memref<40x128xi32, #tpu.memory_space<vmem>> -> memref<1x128xi32, #tpu.memory_space<vmem>>
      %dma_start3A_238 = tpu.memref_squeeze %dma_start3A_237 : memref<1x128xi32, #tpu.memory_space<vmem>> -> memref<128xi32, #tpu.memory_space<vmem>>
      %dma_start3A_239 = arith.constant 0 : i32
      %dma_start3A_240 = arith.constant 0 : i32
      %dma_start3A_241 = tpu.memref_slice %arg9[%dma_start3A_239, %dma_start3A_240] : memref<10240x128xf32, #tpu.memory_space<vmem_shared>> -> memref<10240x128xf32, #tpu.memory_space<vmem_shared>>
      tpu.enqueue_indirect_dma source(%dma_start3A_235 : memref<128x128xf32, #tpu.memory_space<vmem>>) target(%dma_start3A_241 : memref<10240x128xf32, #tpu.memory_space<vmem_shared>>) offsets(%dma_start3A_238 : memref<128xi32, #tpu.memory_space<vmem>>) semaphore(%arg15 : memref<!tpu.dma_semaphore, #tpu.memory_space<semaphore_mem>>) {add = true}
      %dma_wait3A_242 = arith.constant 0 : i32
      %dma_wait3A_243 = arith.constant 0 : i32
      %dma_wait3A_244 = arith.constant 0 : i32
      %dma_wait3A_245 = tpu.memref_slice %arg8[%dma_wait3A_242, %dma_wait3A_243, %dma_wait3A_244] : memref<2x128x128xf32, #tpu.memory_space<vmem>> -> memref<1x128x128xf32, #tpu.memory_space<vmem>>
      %dma_wait3A_246 = tpu.memref_squeeze %dma_wait3A_245 : memref<1x128x128xf32, #tpu.memory_space<vmem>> -> memref<128x128xf32, #tpu.memory_space<vmem>>
      %dma_wait3A_247 = arith.constant 0 : i32
      %dma_wait3A_248 = tpu.memref_slice %arg7[%add3A_174, %dma_wait3A_247] : memref<40x128xi32, #tpu.memory_space<vmem>> -> memref<1x128xi32, #tpu.memory_space<vmem>>
      %dma_wait3A_249 = tpu.memref_squeeze %dma_wait3A_248 : memref<1x128xi32, #tpu.memory_space<vmem>> -> memref<128xi32, #tpu.memory_space<vmem>>
      %dma_wait3A_250 = arith.constant 0 : i32
      %dma_wait3A_251 = arith.constant 0 : i32
      %dma_wait3A_252 = tpu.memref_slice %arg9[%dma_wait3A_250, %dma_wait3A_251] : memref<10240x128xf32, #tpu.memory_space<vmem_shared>> -> memref<10240x128xf32, #tpu.memory_space<vmem_shared>>
      tpu.wait_indirect_dma semaphore(%arg14 : memref<!tpu.dma_semaphore, #tpu.memory_space<semaphore_mem>>) src(%dma_wait3A_246 : memref<128x128xf32, #tpu.memory_space<vmem>>) dst(%dma_wait3A_252 : memref<10240x128xf32, #tpu.memory_space<vmem_shared>>)
      %sub3A_253 = arith.constant 1 : i32
      %sub3A_254 = arith.subi %select_n3A_47, %sub3A_253 : i32
      %lt3A = arith.cmpi slt, %while3A_170, %sub3A_254 : i32
      %convert_element_type3A = arith.extui %lt3A : i1 to i32
      %cond3A = arith.constant 0 : i32
      %cond3A_255 = arith.cmpi ne, %convert_element_type3A, %cond3A : i32
      scf.if %cond3A_255 {
        %add3A_273 = arith.constant 2 : i32
        %add3A_274 = arith.addi %mul3A_172, %add3A_273 : i32
        %add3A_275 = arith.constant 0 : i32
        %add3A_276 = arith.addi %add3A_274, %add3A_275 : i32
        %dma_start3A_277 = arith.constant 0 : i32
        %dma_start3A_278 = arith.constant 0 : i32
        %dma_start3A_279 = arith.constant 0 : i32
        %dma_start3A_280 = tpu.memref_slice %arg8[%dma_start3A_277, %dma_start3A_278, %dma_start3A_279] : memref<2x128x128xf32, #tpu.memory_space<vmem>> -> memref<1x64x128xf32, #tpu.memory_space<vmem>>
        %dma_start3A_281 = tpu.memref_squeeze %dma_start3A_280 : memref<1x64x128xf32, #tpu.memory_space<vmem>> -> memref<64x128xf32, #tpu.memory_space<vmem>>
        %dma_start3A_282 = arith.constant 0 : i32
        %dma_start3A_283 = tpu.memref_slice %arg6[%add3A_276, %dma_start3A_282] : memref<40x128xi32, #tpu.memory_space<vmem>> -> memref<1x64xi32, #tpu.memory_space<vmem>>
        %dma_start3A_284 = tpu.memref_squeeze %dma_start3A_283 : memref<1x64xi32, #tpu.memory_space<vmem>> -> memref<64xi32, #tpu.memory_space<vmem>>
        %dma_start3A_285 = arith.constant 0 : i32
        %dma_start3A_286 = arith.constant 0 : i32
        %dma_start3A_287 = tpu.memref_slice %arg2[%dma_start3A_285, %dma_start3A_286] : memref<10240x128xf32, #tpu.memory_space<hbm>> -> memref<10240x128xf32, #tpu.memory_space<hbm>>
        tpu.enqueue_indirect_dma source(%dma_start3A_287 : memref<10240x128xf32, #tpu.memory_space<hbm>>) target(%dma_start3A_281 : memref<64x128xf32, #tpu.memory_space<vmem>>) offsets(%dma_start3A_284 : memref<64xi32, #tpu.memory_space<vmem>>) semaphore(%arg10 : memref<!tpu.dma_semaphore, #tpu.memory_space<semaphore_mem>>)
        %dma_start3A_288 = arith.constant 0 : i32
        %dma_start3A_289 = arith.constant 64 : i32
        %dma_start3A_290 = arith.constant 0 : i32
        %dma_start3A_291 = tpu.memref_slice %arg8[%dma_start3A_288, %dma_start3A_289, %dma_start3A_290] : memref<2x128x128xf32, #tpu.memory_space<vmem>> -> memref<1x64x128xf32, #tpu.memory_space<vmem>>
        %dma_start3A_292 = tpu.memref_squeeze %dma_start3A_291 : memref<1x64x128xf32, #tpu.memory_space<vmem>> -> memref<64x128xf32, #tpu.memory_space<vmem>>
        %dma_start3A_293 = arith.constant 64 : i32
        %dma_start3A_294 = tpu.memref_slice %arg6[%add3A_276, %dma_start3A_293] : memref<40x128xi32, #tpu.memory_space<vmem>> -> memref<1x64xi32, #tpu.memory_space<vmem>>
        %dma_start3A_295 = tpu.memref_squeeze %dma_start3A_294 : memref<1x64xi32, #tpu.memory_space<vmem>> -> memref<64xi32, #tpu.memory_space<vmem>>
        %dma_start3A_296 = arith.constant 0 : i32
        %dma_start3A_297 = arith.constant 0 : i32
        %dma_start3A_298 = tpu.memref_slice %arg2[%dma_start3A_296, %dma_start3A_297] : memref<10240x128xf32, #tpu.memory_space<hbm>> -> memref<10240x128xf32, #tpu.memory_space<hbm>>
        tpu.enqueue_indirect_dma source(%dma_start3A_298 : memref<10240x128xf32, #tpu.memory_space<hbm>>) target(%dma_start3A_292 : memref<64x128xf32, #tpu.memory_space<vmem>>) offsets(%dma_start3A_295 : memref<64xi32, #tpu.memory_space<vmem>>) semaphore(%arg11 : memref<!tpu.dma_semaphore, #tpu.memory_space<semaphore_mem>>)
      } else {
      }
      %dma_wait3A_256 = arith.constant 1 : i32
      %dma_wait3A_257 = arith.constant 0 : i32
      %dma_wait3A_258 = arith.constant 0 : i32
      %dma_wait3A_259 = tpu.memref_slice %arg8[%dma_wait3A_256, %dma_wait3A_257, %dma_wait3A_258] : memref<2x128x128xf32, #tpu.memory_space<vmem>> -> memref<1x128x128xf32, #tpu.memory_space<vmem>>
      %dma_wait3A_260 = tpu.memref_squeeze %dma_wait3A_259 : memref<1x128x128xf32, #tpu.memory_space<vmem>> -> memref<128x128xf32, #tpu.memory_space<vmem>>
      %dma_wait3A_261 = arith.constant 0 : i32
      %dma_wait3A_262 = tpu.memref_slice %arg7[%add3A_208, %dma_wait3A_261] : memref<40x128xi32, #tpu.memory_space<vmem>> -> memref<1x128xi32, #tpu.memory_space<vmem>>
      %dma_wait3A_263 = tpu.memref_squeeze %dma_wait3A_262 : memref<1x128xi32, #tpu.memory_space<vmem>> -> memref<128xi32, #tpu.memory_space<vmem>>
      %dma_wait3A_264 = arith.constant 0 : i32
      %dma_wait3A_265 = arith.constant 0 : i32
      %dma_wait3A_266 = tpu.memref_slice %arg9[%dma_wait3A_264, %dma_wait3A_265] : memref<10240x128xf32, #tpu.memory_space<vmem_shared>> -> memref<10240x128xf32, #tpu.memory_space<vmem_shared>>
      tpu.wait_indirect_dma semaphore(%arg15 : memref<!tpu.dma_semaphore, #tpu.memory_space<semaphore_mem>>) src(%dma_wait3A_260 : memref<128x128xf32, #tpu.memory_space<vmem>>) dst(%dma_wait3A_266 : memref<10240x128xf32, #tpu.memory_space<vmem_shared>>)
      %sub3A_267 = arith.constant 1 : i32
      %sub3A_268 = arith.subi %select_n3A_47, %sub3A_267 : i32
      %lt3A_269 = arith.cmpi slt, %while3A_170, %sub3A_268 : i32
      %convert_element_type3A_270 = arith.extui %lt3A_269 : i1 to i32
      %cond3A_271 = arith.constant 0 : i32
      %cond3A_272 = arith.cmpi ne, %convert_element_type3A_270, %cond3A_271 : i32
      scf.if %cond3A_272 {
        %add3A_273 = arith.constant 2 : i32
        %add3A_274 = arith.addi %mul3A_172, %add3A_273 : i32
        %add3A_275 = arith.constant 1 : i32
        %add3A_276 = arith.addi %add3A_274, %add3A_275 : i32
        %dma_start3A_277 = arith.constant 1 : i32
        %dma_start3A_278 = arith.constant 0 : i32
        %dma_start3A_279 = arith.constant 0 : i32
        %dma_start3A_280 = tpu.memref_slice %arg8[%dma_start3A_277, %dma_start3A_278, %dma_start3A_279] : memref<2x128x128xf32, #tpu.memory_space<vmem>> -> memref<1x64x128xf32, #tpu.memory_space<vmem>>
        %dma_start3A_281 = tpu.memref_squeeze %dma_start3A_280 : memref<1x64x128xf32, #tpu.memory_space<vmem>> -> memref<64x128xf32, #tpu.memory_space<vmem>>
        %dma_start3A_282 = arith.constant 0 : i32
        %dma_start3A_283 = tpu.memref_slice %arg6[%add3A_276, %dma_start3A_282] : memref<40x128xi32, #tpu.memory_space<vmem>> -> memref<1x64xi32, #tpu.memory_space<vmem>>
        %dma_start3A_284 = tpu.memref_squeeze %dma_start3A_283 : memref<1x64xi32, #tpu.memory_space<vmem>> -> memref<64xi32, #tpu.memory_space<vmem>>
        %dma_start3A_285 = arith.constant 0 : i32
        %dma_start3A_286 = arith.constant 0 : i32
        %dma_start3A_287 = tpu.memref_slice %arg2[%dma_start3A_285, %dma_start3A_286] : memref<10240x128xf32, #tpu.memory_space<hbm>> -> memref<10240x128xf32, #tpu.memory_space<hbm>>
        tpu.enqueue_indirect_dma source(%dma_start3A_287 : memref<10240x128xf32, #tpu.memory_space<hbm>>) target(%dma_start3A_281 : memref<64x128xf32, #tpu.memory_space<vmem>>) offsets(%dma_start3A_284 : memref<64xi32, #tpu.memory_space<vmem>>) semaphore(%arg12 : memref<!tpu.dma_semaphore, #tpu.memory_space<semaphore_mem>>)
        %dma_start3A_288 = arith.constant 1 : i32
        %dma_start3A_289 = arith.constant 64 : i32
        %dma_start3A_290 = arith.constant 0 : i32
        %dma_start3A_291 = tpu.memref_slice %arg8[%dma_start3A_288, %dma_start3A_289, %dma_start3A_290] : memref<2x128x128xf32, #tpu.memory_space<vmem>> -> memref<1x64x128xf32, #tpu.memory_space<vmem>>
        %dma_start3A_292 = tpu.memref_squeeze %dma_start3A_291 : memref<1x64x128xf32, #tpu.memory_space<vmem>> -> memref<64x128xf32, #tpu.memory_space<vmem>>
        %dma_start3A_293 = arith.constant 64 : i32
        %dma_start3A_294 = tpu.memref_slice %arg6[%add3A_276, %dma_start3A_293] : memref<40x128xi32, #tpu.memory_space<vmem>> -> memref<1x64xi32, #tpu.memory_space<vmem>>
        %dma_start3A_295 = tpu.memref_squeeze %dma_start3A_294 : memref<1x64xi32, #tpu.memory_space<vmem>> -> memref<64xi32, #tpu.memory_space<vmem>>
        %dma_start3A_296 = arith.constant 0 : i32
        %dma_start3A_297 = arith.constant 0 : i32
        %dma_start3A_298 = tpu.memref_slice %arg2[%dma_start3A_296, %dma_start3A_297] : memref<10240x128xf32, #tpu.memory_space<hbm>> -> memref<10240x128xf32, #tpu.memory_space<hbm>>
        tpu.enqueue_indirect_dma source(%dma_start3A_298 : memref<10240x128xf32, #tpu.memory_space<hbm>>) target(%dma_start3A_292 : memref<64x128xf32, #tpu.memory_space<vmem>>) offsets(%dma_start3A_295 : memref<64xi32, #tpu.memory_space<vmem>>) semaphore(%arg13 : memref<!tpu.dma_semaphore, #tpu.memory_space<semaphore_mem>>)
      } else {
      }
    }
    %mul3A_107 = arith.constant 1 : i32
    %mul3A_108 = arith.muli %mul3A_107, %select_n3A_23 : i32
    %add3A_109 = arith.addi %add3A, %mul3A_108 : i32
    %multiple_of3A_110 = tpu.assume_multiple %add3A_109, 8 : i32
    "tpu.region"() ({
      %run_scoped3A = tpu.sem_alloc : memref<!tpu.dma_semaphore, #tpu.memory_space<semaphore_mem>>
      %dma_start3A_170 = arith.constant 0 : i32
      %dma_start3A_171 = tpu.memref_slice %arg3[%multiple_of3A_110, %dma_start3A_170] : memref<2600x128xi32, #tpu.memory_space<hbm>> -> memref<40x128xi32, #tpu.memory_space<hbm>>
      %dma_start3A_172 = arith.constant 0 : i32
      %dma_start3A_173 = tpu.memref_slice %arg3[%multiple_of3A_110, %dma_start3A_172] : memref<2600x128xi32, #tpu.memory_space<hbm>> -> memref<40x128xi32, #tpu.memory_space<hbm>>
      tpu.enqueue_dma source(%dma_start3A_173 : memref<40x128xi32, #tpu.memory_space<hbm>>) target(%arg6 : memref<40x128xi32, #tpu.memory_space<vmem>>) target_semaphore(%run_scoped3A : memref<!tpu.dma_semaphore, #tpu.memory_space<semaphore_mem>>)
      %dma_wait3A = arith.constant 0 : i32
      %dma_wait3A_174 = tpu.memref_slice %arg3[%multiple_of3A_110, %dma_wait3A] : memref<2600x128xi32, #tpu.memory_space<hbm>> -> memref<40x128xi32, #tpu.memory_space<hbm>>
      %dma_wait3A_175 = arith.constant 0 : i32
      %dma_wait3A_176 = tpu.memref_slice %arg3[%multiple_of3A_110, %dma_wait3A_175] : memref<2600x128xi32, #tpu.memory_space<hbm>> -> memref<40x128xi32, #tpu.memory_space<hbm>>
      tpu.wait_dma2 semaphore(%run_scoped3A : memref<!tpu.dma_semaphore, #tpu.memory_space<semaphore_mem>>) src(%dma_wait3A_176 : memref<40x128xi32, #tpu.memory_space<hbm>>) dst(%arg6 : memref<40x128xi32, #tpu.memory_space<vmem>>)
      tpu.yield
    }) : () -> ()
    "tpu.region"() ({
      %run_scoped3A = tpu.sem_alloc : memref<!tpu.dma_semaphore, #tpu.memory_space<semaphore_mem>>
      %dma_start3A_170 = arith.constant 0 : i32
      %dma_start3A_171 = tpu.memref_slice %arg4[%multiple_of3A_110, %dma_start3A_170] : memref<2600x128xi32, #tpu.memory_space<hbm>> -> memref<40x128xi32, #tpu.memory_space<hbm>>
      %dma_start3A_172 = arith.constant 0 : i32
      %dma_start3A_173 = tpu.memref_slice %arg4[%multiple_of3A_110, %dma_start3A_172] : memref<2600x128xi32, #tpu.memory_space<hbm>> -> memref<40x128xi32, #tpu.memory_space<hbm>>
      tpu.enqueue_dma source(%dma_start3A_173 : memref<40x128xi32, #tpu.memory_space<hbm>>) target(%arg7 : memref<40x128xi32, #tpu.memory_space<vmem>>) target_semaphore(%run_scoped3A : memref<!tpu.dma_semaphore, #tpu.memory_space<semaphore_mem>>)
      %dma_wait3A = arith.constant 0 : i32
      %dma_wait3A_174 = tpu.memref_slice %arg4[%multiple_of3A_110, %dma_wait3A] : memref<2600x128xi32, #tpu.memory_space<hbm>> -> memref<40x128xi32, #tpu.memory_space<hbm>>
      %dma_wait3A_175 = arith.constant 0 : i32
      %dma_wait3A_176 = tpu.memref_slice %arg4[%multiple_of3A_110, %dma_wait3A_175] : memref<2600x128xi32, #tpu.memory_space<hbm>> -> memref<40x128xi32, #tpu.memory_space<hbm>>
      tpu.wait_dma2 semaphore(%run_scoped3A : memref<!tpu.dma_semaphore, #tpu.memory_space<semaphore_mem>>) src(%dma_wait3A_176 : memref<40x128xi32, #tpu.memory_space<hbm>>) dst(%arg7 : memref<40x128xi32, #tpu.memory_space<vmem>>)
      tpu.yield
    }) : () -> ()
    %dma_start3A_111 = arith.constant 0 : i32
    %dma_start3A_112 = arith.constant 0 : i32
    %dma_start3A_113 = arith.constant 0 : i32
    %dma_start3A_114 = arith.constant 0 : i32
    %dma_start3A_115 = tpu.memref_slice %arg8[%dma_start3A_112, %dma_start3A_113, %dma_start3A_114] : memref<2x128x128xf32, #tpu.memory_space<vmem>> -> memref<1x64x128xf32, #tpu.memory_space<vmem>>
    %dma_start3A_116 = tpu.memref_squeeze %dma_start3A_115 : memref<1x64x128xf32, #tpu.memory_space<vmem>> -> memref<64x128xf32, #tpu.memory_space<vmem>>
    %dma_start3A_117 = arith.constant 0 : i32
    %dma_start3A_118 = tpu.memref_slice %arg6[%dma_start3A_111, %dma_start3A_117] : memref<40x128xi32, #tpu.memory_space<vmem>> -> memref<1x64xi32, #tpu.memory_space<vmem>>
    %dma_start3A_119 = tpu.memref_squeeze %dma_start3A_118 : memref<1x64xi32, #tpu.memory_space<vmem>> -> memref<64xi32, #tpu.memory_space<vmem>>
    %dma_start3A_120 = arith.constant 0 : i32
    %dma_start3A_121 = arith.constant 0 : i32
    %dma_start3A_122 = tpu.memref_slice %arg2[%dma_start3A_120, %dma_start3A_121] : memref<10240x128xf32, #tpu.memory_space<hbm>> -> memref<10240x128xf32, #tpu.memory_space<hbm>>
    tpu.enqueue_indirect_dma source(%dma_start3A_122 : memref<10240x128xf32, #tpu.memory_space<hbm>>) target(%dma_start3A_116 : memref<64x128xf32, #tpu.memory_space<vmem>>) offsets(%dma_start3A_119 : memref<64xi32, #tpu.memory_space<vmem>>) semaphore(%arg10 : memref<!tpu.dma_semaphore, #tpu.memory_space<semaphore_mem>>)
    %dma_start3A_123 = arith.constant 0 : i32
    %dma_start3A_124 = arith.constant 0 : i32
    %dma_start3A_125 = arith.constant 64 : i32
    %dma_start3A_126 = arith.constant 0 : i32
    %dma_start3A_127 = tpu.memref_slice %arg8[%dma_start3A_124, %dma_start3A_125, %dma_start3A_126] : memref<2x128x128xf32, #tpu.memory_space<vmem>> -> memref<1x64x128xf32, #tpu.memory_space<vmem>>
    %dma_start3A_128 = tpu.memref_squeeze %dma_start3A_127 : memref<1x64x128xf32, #tpu.memory_space<vmem>> -> memref<64x128xf32, #tpu.memory_space<vmem>>
    %dma_start3A_129 = arith.constant 64 : i32
    %dma_start3A_130 = tpu.memref_slice %arg6[%dma_start3A_123, %dma_start3A_129] : memref<40x128xi32, #tpu.memory_space<vmem>> -> memref<1x64xi32, #tpu.memory_space<vmem>>
    %dma_start3A_131 = tpu.memref_squeeze %dma_start3A_130 : memref<1x64xi32, #tpu.memory_space<vmem>> -> memref<64xi32, #tpu.memory_space<vmem>>
    %dma_start3A_132 = arith.constant 0 : i32
    %dma_start3A_133 = arith.constant 0 : i32
    %dma_start3A_134 = tpu.memref_slice %arg2[%dma_start3A_132, %dma_start3A_133] : memref<10240x128xf32, #tpu.memory_space<hbm>> -> memref<10240x128xf32, #tpu.memory_space<hbm>>
    tpu.enqueue_indirect_dma source(%dma_start3A_134 : memref<10240x128xf32, #tpu.memory_space<hbm>>) target(%dma_start3A_128 : memref<64x128xf32, #tpu.memory_space<vmem>>) offsets(%dma_start3A_131 : memref<64xi32, #tpu.memory_space<vmem>>) semaphore(%arg11 : memref<!tpu.dma_semaphore, #tpu.memory_space<semaphore_mem>>)
    %dma_start3A_135 = arith.constant 1 : i32
    %dma_start3A_136 = arith.constant 1 : i32
    %dma_start3A_137 = arith.constant 0 : i32
    %dma_start3A_138 = arith.constant 0 : i32
    %dma_start3A_139 = tpu.memref_slice %arg8[%dma_start3A_136, %dma_start3A_137, %dma_start3A_138] : memref<2x128x128xf32, #tpu.memory_space<vmem>> -> memref<1x64x128xf32, #tpu.memory_space<vmem>>
    %dma_start3A_140 = tpu.memref_squeeze %dma_start3A_139 : memref<1x64x128xf32, #tpu.memory_space<vmem>> -> memref<64x128xf32, #tpu.memory_space<vmem>>
    %dma_start3A_141 = arith.constant 0 : i32
    %dma_start3A_142 = tpu.memref_slice %arg6[%dma_start3A_135, %dma_start3A_141] : memref<40x128xi32, #tpu.memory_space<vmem>> -> memref<1x64xi32, #tpu.memory_space<vmem>>
    %dma_start3A_143 = tpu.memref_squeeze %dma_start3A_142 : memref<1x64xi32, #tpu.memory_space<vmem>> -> memref<64xi32, #tpu.memory_space<vmem>>
    %dma_start3A_144 = arith.constant 0 : i32
    %dma_start3A_145 = arith.constant 0 : i32
    %dma_start3A_146 = tpu.memref_slice %arg2[%dma_start3A_144, %dma_start3A_145] : memref<10240x128xf32, #tpu.memory_space<hbm>> -> memref<10240x128xf32, #tpu.memory_space<hbm>>
    tpu.enqueue_indirect_dma source(%dma_start3A_146 : memref<10240x128xf32, #tpu.memory_space<hbm>>) target(%dma_start3A_140 : memref<64x128xf32, #tpu.memory_space<vmem>>) offsets(%dma_start3A_143 : memref<64xi32, #tpu.memory_space<vmem>>) semaphore(%arg12 : memref<!tpu.dma_semaphore, #tpu.memory_space<semaphore_mem>>)
    %dma_start3A_147 = arith.constant 1 : i32
    %dma_start3A_148 = arith.constant 1 : i32
    %dma_start3A_149 = arith.constant 64 : i32
    %dma_start3A_150 = arith.constant 0 : i32
    %dma_start3A_151 = tpu.memref_slice %arg8[%dma_start3A_148, %dma_start3A_149, %dma_start3A_150] : memref<2x128x128xf32, #tpu.memory_space<vmem>> -> memref<1x64x128xf32, #tpu.memory_space<vmem>>
    %dma_start3A_152 = tpu.memref_squeeze %dma_start3A_151 : memref<1x64x128xf32, #tpu.memory_space<vmem>> -> memref<64x128xf32, #tpu.memory_space<vmem>>
    %dma_start3A_153 = arith.constant 64 : i32
    %dma_start3A_154 = tpu.memref_slice %arg6[%dma_start3A_147, %dma_start3A_153] : memref<40x128xi32, #tpu.memory_space<vmem>> -> memref<1x64xi32, #tpu.memory_space<vmem>>
    %dma_start3A_155 = tpu.memref_squeeze %dma_start3A_154 : memref<1x64xi32, #tpu.memory_space<vmem>> -> memref<64xi32, #tpu.memory_space<vmem>>
    %dma_start3A_156 = arith.constant 0 : i32
    %dma_start3A_157 = arith.constant 0 : i32
    %dma_start3A_158 = tpu.memref_slice %arg2[%dma_start3A_156, %dma_start3A_157] : memref<10240x128xf32, #tpu.memory_space<hbm>> -> memref<10240x128xf32, #tpu.memory_space<hbm>>
    tpu.enqueue_indirect_dma source(%dma_start3A_158 : memref<10240x128xf32, #tpu.memory_space<hbm>>) target(%dma_start3A_152 : memref<64x128xf32, #tpu.memory_space<vmem>>) offsets(%dma_start3A_155 : memref<64xi32, #tpu.memory_space<vmem>>) semaphore(%arg13 : memref<!tpu.dma_semaphore, #tpu.memory_space<semaphore_mem>>)
    %while3A_159 = arith.constant 0 : i32
    %while3A_160 = arith.constant 0 : i32
    %while3A_161 = arith.subi %select_n3A_47, %while3A_160 : i32
    %while3A_162 = arith.addi %while3A_160, %while3A_161 : i32
    %while3A_163 = arith.constant 1 : i32
    %while3A_164 = arith.divsi %while3A_161, %while3A_163 : i32
    %while3A_165 = arith.muli %while3A_164, %while3A_163 : i32
    %while3A_166 = arith.addi %while3A_160, %while3A_165 : i32
    %while3A_167 = arith.constant 1 : i32
    scf.for %while3A_170 = %while3A_160 to %while3A_166 step %while3A_167  : i32 {
      %mul3A_171 = arith.constant 2 : i32
      %mul3A_172 = arith.muli %mul3A_171, %while3A_170 : i32
      %add3A_173 = arith.constant 0 : i32
      %add3A_174 = arith.addi %mul3A_172, %add3A_173 : i32
      %dma_wait3A = arith.constant 0 : i32
      %dma_wait3A_175 = arith.constant 0 : i32
      %dma_wait3A_176 = arith.constant 0 : i32
      %dma_wait3A_177 = tpu.memref_slice %arg8[%dma_wait3A, %dma_wait3A_175, %dma_wait3A_176] : memref<2x128x128xf32, #tpu.memory_space<vmem>> -> memref<1x64x128xf32, #tpu.memory_space<vmem>>
      %dma_wait3A_178 = tpu.memref_squeeze %dma_wait3A_177 : memref<1x64x128xf32, #tpu.memory_space<vmem>> -> memref<64x128xf32, #tpu.memory_space<vmem>>
      %dma_wait3A_179 = arith.constant 0 : i32
      %dma_wait3A_180 = tpu.memref_slice %arg6[%add3A_174, %dma_wait3A_179] : memref<40x128xi32, #tpu.memory_space<vmem>> -> memref<1x64xi32, #tpu.memory_space<vmem>>
      %dma_wait3A_181 = tpu.memref_squeeze %dma_wait3A_180 : memref<1x64xi32, #tpu.memory_space<vmem>> -> memref<64xi32, #tpu.memory_space<vmem>>
      %dma_wait3A_182 = arith.constant 0 : i32
      %dma_wait3A_183 = arith.constant 0 : i32
      %dma_wait3A_184 = tpu.memref_slice %arg2[%dma_wait3A_182, %dma_wait3A_183] : memref<10240x128xf32, #tpu.memory_space<hbm>> -> memref<10240x128xf32, #tpu.memory_space<hbm>>
      tpu.wait_indirect_dma semaphore(%arg10 : memref<!tpu.dma_semaphore, #tpu.memory_space<semaphore_mem>>) src(%dma_wait3A_184 : memref<10240x128xf32, #tpu.memory_space<hbm>>) dst(%dma_wait3A_178 : memref<64x128xf32, #tpu.memory_space<vmem>>)
      %dma_wait3A_185 = arith.constant 0 : i32
      %dma_wait3A_186 = arith.constant 64 : i32
      %dma_wait3A_187 = arith.constant 0 : i32
      %dma_wait3A_188 = tpu.memref_slice %arg8[%dma_wait3A_185, %dma_wait3A_186, %dma_wait3A_187] : memref<2x128x128xf32, #tpu.memory_space<vmem>> -> memref<1x64x128xf32, #tpu.memory_space<vmem>>
      %dma_wait3A_189 = tpu.memref_squeeze %dma_wait3A_188 : memref<1x64x128xf32, #tpu.memory_space<vmem>> -> memref<64x128xf32, #tpu.memory_space<vmem>>
      %dma_wait3A_190 = arith.constant 64 : i32
      %dma_wait3A_191 = tpu.memref_slice %arg6[%add3A_174, %dma_wait3A_190] : memref<40x128xi32, #tpu.memory_space<vmem>> -> memref<1x64xi32, #tpu.memory_space<vmem>>
      %dma_wait3A_192 = tpu.memref_squeeze %dma_wait3A_191 : memref<1x64xi32, #tpu.memory_space<vmem>> -> memref<64xi32, #tpu.memory_space<vmem>>
      %dma_wait3A_193 = arith.constant 0 : i32
      %dma_wait3A_194 = arith.constant 0 : i32
      %dma_wait3A_195 = tpu.memref_slice %arg2[%dma_wait3A_193, %dma_wait3A_194] : memref<10240x128xf32, #tpu.memory_space<hbm>> -> memref<10240x128xf32, #tpu.memory_space<hbm>>
      tpu.wait_indirect_dma semaphore(%arg11 : memref<!tpu.dma_semaphore, #tpu.memory_space<semaphore_mem>>) src(%dma_wait3A_195 : memref<10240x128xf32, #tpu.memory_space<hbm>>) dst(%dma_wait3A_189 : memref<64x128xf32, #tpu.memory_space<vmem>>)
      %dma_start3A_196 = arith.constant 0 : i32
      %dma_start3A_197 = arith.constant 0 : i32
      %dma_start3A_198 = arith.constant 0 : i32
      %dma_start3A_199 = tpu.memref_slice %arg8[%dma_start3A_196, %dma_start3A_197, %dma_start3A_198] : memref<2x128x128xf32, #tpu.memory_space<vmem>> -> memref<1x128x128xf32, #tpu.memory_space<vmem>>
      %dma_start3A_200 = tpu.memref_squeeze %dma_start3A_199 : memref<1x128x128xf32, #tpu.memory_space<vmem>> -> memref<128x128xf32, #tpu.memory_space<vmem>>
      %dma_start3A_201 = arith.constant 0 : i32
      %dma_start3A_202 = tpu.memref_slice %arg7[%add3A_174, %dma_start3A_201] : memref<40x128xi32, #tpu.memory_space<vmem>> -> memref<1x128xi32, #tpu.memory_space<vmem>>
      %dma_start3A_203 = tpu.memref_squeeze %dma_start3A_202 : memref<1x128xi32, #tpu.memory_space<vmem>> -> memref<128xi32, #tpu.memory_space<vmem>>
      %dma_start3A_204 = arith.constant 0 : i32
      %dma_start3A_205 = arith.constant 0 : i32
      %dma_start3A_206 = tpu.memref_slice %arg9[%dma_start3A_204, %dma_start3A_205] : memref<10240x128xf32, #tpu.memory_space<vmem_shared>> -> memref<10240x128xf32, #tpu.memory_space<vmem_shared>>
      tpu.enqueue_indirect_dma source(%dma_start3A_200 : memref<128x128xf32, #tpu.memory_space<vmem>>) target(%dma_start3A_206 : memref<10240x128xf32, #tpu.memory_space<vmem_shared>>) offsets(%dma_start3A_203 : memref<128xi32, #tpu.memory_space<vmem>>) semaphore(%arg14 : memref<!tpu.dma_semaphore, #tpu.memory_space<semaphore_mem>>) {add = true}
      %add3A_207 = arith.constant 1 : i32
      %add3A_208 = arith.addi %mul3A_172, %add3A_207 : i32
      %dma_wait3A_209 = arith.constant 1 : i32
      %dma_wait3A_210 = arith.constant 0 : i32
      %dma_wait3A_211 = arith.constant 0 : i32
      %dma_wait3A_212 = tpu.memref_slice %arg8[%dma_wait3A_209, %dma_wait3A_210, %dma_wait3A_211] : memref<2x128x128xf32, #tpu.memory_space<vmem>> -> memref<1x64x128xf32, #tpu.memory_space<vmem>>
      %dma_wait3A_213 = tpu.memref_squeeze %dma_wait3A_212 : memref<1x64x128xf32, #tpu.memory_space<vmem>> -> memref<64x128xf32, #tpu.memory_space<vmem>>
      %dma_wait3A_214 = arith.constant 0 : i32
      %dma_wait3A_215 = tpu.memref_slice %arg6[%add3A_208, %dma_wait3A_214] : memref<40x128xi32, #tpu.memory_space<vmem>> -> memref<1x64xi32, #tpu.memory_space<vmem>>
      %dma_wait3A_216 = tpu.memref_squeeze %dma_wait3A_215 : memref<1x64xi32, #tpu.memory_space<vmem>> -> memref<64xi32, #tpu.memory_space<vmem>>
      %dma_wait3A_217 = arith.constant 0 : i32
      %dma_wait3A_218 = arith.constant 0 : i32
      %dma_wait3A_219 = tpu.memref_slice %arg2[%dma_wait3A_217, %dma_wait3A_218] : memref<10240x128xf32, #tpu.memory_space<hbm>> -> memref<10240x128xf32, #tpu.memory_space<hbm>>
      tpu.wait_indirect_dma semaphore(%arg12 : memref<!tpu.dma_semaphore, #tpu.memory_space<semaphore_mem>>) src(%dma_wait3A_219 : memref<10240x128xf32, #tpu.memory_space<hbm>>) dst(%dma_wait3A_213 : memref<64x128xf32, #tpu.memory_space<vmem>>)
      %dma_wait3A_220 = arith.constant 1 : i32
      %dma_wait3A_221 = arith.constant 64 : i32
      %dma_wait3A_222 = arith.constant 0 : i32
      %dma_wait3A_223 = tpu.memref_slice %arg8[%dma_wait3A_220, %dma_wait3A_221, %dma_wait3A_222] : memref<2x128x128xf32, #tpu.memory_space<vmem>> -> memref<1x64x128xf32, #tpu.memory_space<vmem>>
      %dma_wait3A_224 = tpu.memref_squeeze %dma_wait3A_223 : memref<1x64x128xf32, #tpu.memory_space<vmem>> -> memref<64x128xf32, #tpu.memory_space<vmem>>
      %dma_wait3A_225 = arith.constant 64 : i32
      %dma_wait3A_226 = tpu.memref_slice %arg6[%add3A_208, %dma_wait3A_225] : memref<40x128xi32, #tpu.memory_space<vmem>> -> memref<1x64xi32, #tpu.memory_space<vmem>>
      %dma_wait3A_227 = tpu.memref_squeeze %dma_wait3A_226 : memref<1x64xi32, #tpu.memory_space<vmem>> -> memref<64xi32, #tpu.memory_space<vmem>>
      %dma_wait3A_228 = arith.constant 0 : i32
      %dma_wait3A_229 = arith.constant 0 : i32
      %dma_wait3A_230 = tpu.memref_slice %arg2[%dma_wait3A_228, %dma_wait3A_229] : memref<10240x128xf32, #tpu.memory_space<hbm>> -> memref<10240x128xf32, #tpu.memory_space<hbm>>
      tpu.wait_indirect_dma semaphore(%arg13 : memref<!tpu.dma_semaphore, #tpu.memory_space<semaphore_mem>>) src(%dma_wait3A_230 : memref<10240x128xf32, #tpu.memory_space<hbm>>) dst(%dma_wait3A_224 : memref<64x128xf32, #tpu.memory_space<vmem>>)
      %dma_start3A_231 = arith.constant 1 : i32
      %dma_start3A_232 = arith.constant 0 : i32
      %dma_start3A_233 = arith.constant 0 : i32
      %dma_start3A_234 = tpu.memref_slice %arg8[%dma_start3A_231, %dma_start3A_232, %dma_start3A_233] : memref<2x128x128xf32, #tpu.memory_space<vmem>> -> memref<1x128x128xf32, #tpu.memory_space<vmem>>
      %dma_start3A_235 = tpu.memref_squeeze %dma_start3A_234 : memref<1x128x128xf32, #tpu.memory_space<vmem>> -> memref<128x128xf32, #tpu.memory_space<vmem>>
      %dma_start3A_236 = arith.constant 0 : i32
      %dma_start3A_237 = tpu.memref_slice %arg7[%add3A_208, %dma_start3A_236] : memref<40x128xi32, #tpu.memory_space<vmem>> -> memref<1x128xi32, #tpu.memory_space<vmem>>
      %dma_start3A_238 = tpu.memref_squeeze %dma_start3A_237 : memref<1x128xi32, #tpu.memory_space<vmem>> -> memref<128xi32, #tpu.memory_space<vmem>>
      %dma_start3A_239 = arith.constant 0 : i32
      %dma_start3A_240 = arith.constant 0 : i32
      %dma_start3A_241 = tpu.memref_slice %arg9[%dma_start3A_239, %dma_start3A_240] : memref<10240x128xf32, #tpu.memory_space<vmem_shared>> -> memref<10240x128xf32, #tpu.memory_space<vmem_shared>>
      tpu.enqueue_indirect_dma source(%dma_start3A_235 : memref<128x128xf32, #tpu.memory_space<vmem>>) target(%dma_start3A_241 : memref<10240x128xf32, #tpu.memory_space<vmem_shared>>) offsets(%dma_start3A_238 : memref<128xi32, #tpu.memory_space<vmem>>) semaphore(%arg15 : memref<!tpu.dma_semaphore, #tpu.memory_space<semaphore_mem>>) {add = true}
      %dma_wait3A_242 = arith.constant 0 : i32
      %dma_wait3A_243 = arith.constant 0 : i32
      %dma_wait3A_244 = arith.constant 0 : i32
      %dma_wait3A_245 = tpu.memref_slice %arg8[%dma_wait3A_242, %dma_wait3A_243, %dma_wait3A_244] : memref<2x128x128xf32, #tpu.memory_space<vmem>> -> memref<1x128x128xf32, #tpu.memory_space<vmem>>
      %dma_wait3A_246 = tpu.memref_squeeze %dma_wait3A_245 : memref<1x128x128xf32, #tpu.memory_space<vmem>> -> memref<128x128xf32, #tpu.memory_space<vmem>>
      %dma_wait3A_247 = arith.constant 0 : i32
      %dma_wait3A_248 = tpu.memref_slice %arg7[%add3A_174, %dma_wait3A_247] : memref<40x128xi32, #tpu.memory_space<vmem>> -> memref<1x128xi32, #tpu.memory_space<vmem>>
      %dma_wait3A_249 = tpu.memref_squeeze %dma_wait3A_248 : memref<1x128xi32, #tpu.memory_space<vmem>> -> memref<128xi32, #tpu.memory_space<vmem>>
      %dma_wait3A_250 = arith.constant 0 : i32
      %dma_wait3A_251 = arith.constant 0 : i32
      %dma_wait3A_252 = tpu.memref_slice %arg9[%dma_wait3A_250, %dma_wait3A_251] : memref<10240x128xf32, #tpu.memory_space<vmem_shared>> -> memref<10240x128xf32, #tpu.memory_space<vmem_shared>>
      tpu.wait_indirect_dma semaphore(%arg14 : memref<!tpu.dma_semaphore, #tpu.memory_space<semaphore_mem>>) src(%dma_wait3A_246 : memref<128x128xf32, #tpu.memory_space<vmem>>) dst(%dma_wait3A_252 : memref<10240x128xf32, #tpu.memory_space<vmem_shared>>)
      %sub3A_253 = arith.constant 1 : i32
      %sub3A_254 = arith.subi %select_n3A_47, %sub3A_253 : i32
      %lt3A = arith.cmpi slt, %while3A_170, %sub3A_254 : i32
      %convert_element_type3A = arith.extui %lt3A : i1 to i32
      %cond3A = arith.constant 0 : i32
      %cond3A_255 = arith.cmpi ne, %convert_element_type3A, %cond3A : i32
      scf.if %cond3A_255 {
        %add3A_273 = arith.constant 2 : i32
        %add3A_274 = arith.addi %mul3A_172, %add3A_273 : i32
        %add3A_275 = arith.constant 0 : i32
        %add3A_276 = arith.addi %add3A_274, %add3A_275 : i32
        %dma_start3A_277 = arith.constant 0 : i32
        %dma_start3A_278 = arith.constant 0 : i32
        %dma_start3A_279 = arith.constant 0 : i32
        %dma_start3A_280 = tpu.memref_slice %arg8[%dma_start3A_277, %dma_start3A_278, %dma_start3A_279] : memref<2x128x128xf32, #tpu.memory_space<vmem>> -> memref<1x64x128xf32, #tpu.memory_space<vmem>>
        %dma_start3A_281 = tpu.memref_squeeze %dma_start3A_280 : memref<1x64x128xf32, #tpu.memory_space<vmem>> -> memref<64x128xf32, #tpu.memory_space<vmem>>
        %dma_start3A_282 = arith.constant 0 : i32
        %dma_start3A_283 = tpu.memref_slice %arg6[%add3A_276, %dma_start3A_282] : memref<40x128xi32, #tpu.memory_space<vmem>> -> memref<1x64xi32, #tpu.memory_space<vmem>>
        %dma_start3A_284 = tpu.memref_squeeze %dma_start3A_283 : memref<1x64xi32, #tpu.memory_space<vmem>> -> memref<64xi32, #tpu.memory_space<vmem>>
        %dma_start3A_285 = arith.constant 0 : i32
        %dma_start3A_286 = arith.constant 0 : i32
        %dma_start3A_287 = tpu.memref_slice %arg2[%dma_start3A_285, %dma_start3A_286] : memref<10240x128xf32, #tpu.memory_space<hbm>> -> memref<10240x128xf32, #tpu.memory_space<hbm>>
        tpu.enqueue_indirect_dma source(%dma_start3A_287 : memref<10240x128xf32, #tpu.memory_space<hbm>>) target(%dma_start3A_281 : memref<64x128xf32, #tpu.memory_space<vmem>>) offsets(%dma_start3A_284 : memref<64xi32, #tpu.memory_space<vmem>>) semaphore(%arg10 : memref<!tpu.dma_semaphore, #tpu.memory_space<semaphore_mem>>)
        %dma_start3A_288 = arith.constant 0 : i32
        %dma_start3A_289 = arith.constant 64 : i32
        %dma_start3A_290 = arith.constant 0 : i32
        %dma_start3A_291 = tpu.memref_slice %arg8[%dma_start3A_288, %dma_start3A_289, %dma_start3A_290] : memref<2x128x128xf32, #tpu.memory_space<vmem>> -> memref<1x64x128xf32, #tpu.memory_space<vmem>>
        %dma_start3A_292 = tpu.memref_squeeze %dma_start3A_291 : memref<1x64x128xf32, #tpu.memory_space<vmem>> -> memref<64x128xf32, #tpu.memory_space<vmem>>
        %dma_start3A_293 = arith.constant 64 : i32
        %dma_start3A_294 = tpu.memref_slice %arg6[%add3A_276, %dma_start3A_293] : memref<40x128xi32, #tpu.memory_space<vmem>> -> memref<1x64xi32, #tpu.memory_space<vmem>>
        %dma_start3A_295 = tpu.memref_squeeze %dma_start3A_294 : memref<1x64xi32, #tpu.memory_space<vmem>> -> memref<64xi32, #tpu.memory_space<vmem>>
        %dma_start3A_296 = arith.constant 0 : i32
        %dma_start3A_297 = arith.constant 0 : i32
        %dma_start3A_298 = tpu.memref_slice %arg2[%dma_start3A_296, %dma_start3A_297] : memref<10240x128xf32, #tpu.memory_space<hbm>> -> memref<10240x128xf32, #tpu.memory_space<hbm>>
        tpu.enqueue_indirect_dma source(%dma_start3A_298 : memref<10240x128xf32, #tpu.memory_space<hbm>>) target(%dma_start3A_292 : memref<64x128xf32, #tpu.memory_space<vmem>>) offsets(%dma_start3A_295 : memref<64xi32, #tpu.memory_space<vmem>>) semaphore(%arg11 : memref<!tpu.dma_semaphore, #tpu.memory_space<semaphore_mem>>)
      } else {
      }
      %dma_wait3A_256 = arith.constant 1 : i32
      %dma_wait3A_257 = arith.constant 0 : i32
      %dma_wait3A_258 = arith.constant 0 : i32
      %dma_wait3A_259 = tpu.memref_slice %arg8[%dma_wait3A_256, %dma_wait3A_257, %dma_wait3A_258] : memref<2x128x128xf32, #tpu.memory_space<vmem>> -> memref<1x128x128xf32, #tpu.memory_space<vmem>>
      %dma_wait3A_260 = tpu.memref_squeeze %dma_wait3A_259 : memref<1x128x128xf32, #tpu.memory_space<vmem>> -> memref<128x128xf32, #tpu.memory_space<vmem>>
      %dma_wait3A_261 = arith.constant 0 : i32
      %dma_wait3A_262 = tpu.memref_slice %arg7[%add3A_208, %dma_wait3A_261] : memref<40x128xi32, #tpu.memory_space<vmem>> -> memref<1x128xi32, #tpu.memory_space<vmem>>
      %dma_wait3A_263 = tpu.memref_squeeze %dma_wait3A_262 : memref<1x128xi32, #tpu.memory_space<vmem>> -> memref<128xi32, #tpu.memory_space<vmem>>
      %dma_wait3A_264 = arith.constant 0 : i32
      %dma_wait3A_265 = arith.constant 0 : i32
      %dma_wait3A_266 = tpu.memref_slice %arg9[%dma_wait3A_264, %dma_wait3A_265] : memref<10240x128xf32, #tpu.memory_space<vmem_shared>> -> memref<10240x128xf32, #tpu.memory_space<vmem_shared>>
      tpu.wait_indirect_dma semaphore(%arg15 : memref<!tpu.dma_semaphore, #tpu.memory_space<semaphore_mem>>) src(%dma_wait3A_260 : memref<128x128xf32, #tpu.memory_space<vmem>>) dst(%dma_wait3A_266 : memref<10240x128xf32, #tpu.memory_space<vmem_shared>>)
      %sub3A_267 = arith.constant 1 : i32
      %sub3A_268 = arith.subi %select_n3A_47, %sub3A_267 : i32
      %lt3A_269 = arith.cmpi slt, %while3A_170, %sub3A_268 : i32
      %convert_element_type3A_270 = arith.extui %lt3A_269 : i1 to i32
      %cond3A_271 = arith.constant 0 : i32
      %cond3A_272 = arith.cmpi ne, %convert_element_type3A_270, %cond3A_271 : i32
      scf.if %cond3A_272 {
        %add3A_273 = arith.constant 2 : i32
        %add3A_274 = arith.addi %mul3A_172, %add3A_273 : i32
        %add3A_275 = arith.constant 1 : i32
        %add3A_276 = arith.addi %add3A_274, %add3A_275 : i32
        %dma_start3A_277 = arith.constant 1 : i32
        %dma_start3A_278 = arith.constant 0 : i32
        %dma_start3A_279 = arith.constant 0 : i32
        %dma_start3A_280 = tpu.memref_slice %arg8[%dma_start3A_277, %dma_start3A_278, %dma_start3A_279] : memref<2x128x128xf32, #tpu.memory_space<vmem>> -> memref<1x64x128xf32, #tpu.memory_space<vmem>>
        %dma_start3A_281 = tpu.memref_squeeze %dma_start3A_280 : memref<1x64x128xf32, #tpu.memory_space<vmem>> -> memref<64x128xf32, #tpu.memory_space<vmem>>
        %dma_start3A_282 = arith.constant 0 : i32
        %dma_start3A_283 = tpu.memref_slice %arg6[%add3A_276, %dma_start3A_282] : memref<40x128xi32, #tpu.memory_space<vmem>> -> memref<1x64xi32, #tpu.memory_space<vmem>>
        %dma_start3A_284 = tpu.memref_squeeze %dma_start3A_283 : memref<1x64xi32, #tpu.memory_space<vmem>> -> memref<64xi32, #tpu.memory_space<vmem>>
        %dma_start3A_285 = arith.constant 0 : i32
        %dma_start3A_286 = arith.constant 0 : i32
        %dma_start3A_287 = tpu.memref_slice %arg2[%dma_start3A_285, %dma_start3A_286] : memref<10240x128xf32, #tpu.memory_space<hbm>> -> memref<10240x128xf32, #tpu.memory_space<hbm>>
        tpu.enqueue_indirect_dma source(%dma_start3A_287 : memref<10240x128xf32, #tpu.memory_space<hbm>>) target(%dma_start3A_281 : memref<64x128xf32, #tpu.memory_space<vmem>>) offsets(%dma_start3A_284 : memref<64xi32, #tpu.memory_space<vmem>>) semaphore(%arg12 : memref<!tpu.dma_semaphore, #tpu.memory_space<semaphore_mem>>)
        %dma_start3A_288 = arith.constant 1 : i32
        %dma_start3A_289 = arith.constant 64 : i32
        %dma_start3A_290 = arith.constant 0 : i32
        %dma_start3A_291 = tpu.memref_slice %arg8[%dma_start3A_288, %dma_start3A_289, %dma_start3A_290] : memref<2x128x128xf32, #tpu.memory_space<vmem>> -> memref<1x64x128xf32, #tpu.memory_space<vmem>>
        %dma_start3A_292 = tpu.memref_squeeze %dma_start3A_291 : memref<1x64x128xf32, #tpu.memory_space<vmem>> -> memref<64x128xf32, #tpu.memory_space<vmem>>
        %dma_start3A_293 = arith.constant 64 : i32
        %dma_start3A_294 = tpu.memref_slice %arg6[%add3A_276, %dma_start3A_293] : memref<40x128xi32, #tpu.memory_space<vmem>> -> memref<1x64xi32, #tpu.memory_space<vmem>>
        %dma_start3A_295 = tpu.memref_squeeze %dma_start3A_294 : memref<1x64xi32, #tpu.memory_space<vmem>> -> memref<64xi32, #tpu.memory_space<vmem>>
        %dma_start3A_296 = arith.constant 0 : i32
        %dma_start3A_297 = arith.constant 0 : i32
        %dma_start3A_298 = tpu.memref_slice %arg2[%dma_start3A_296, %dma_start3A_297] : memref<10240x128xf32, #tpu.memory_space<hbm>> -> memref<10240x128xf32, #tpu.memory_space<hbm>>
        tpu.enqueue_indirect_dma source(%dma_start3A_298 : memref<10240x128xf32, #tpu.memory_space<hbm>>) target(%dma_start3A_292 : memref<64x128xf32, #tpu.memory_space<vmem>>) offsets(%dma_start3A_295 : memref<64xi32, #tpu.memory_space<vmem>>) semaphore(%arg13 : memref<!tpu.dma_semaphore, #tpu.memory_space<semaphore_mem>>)
      } else {
      }
    }
    %while3A_168 = arith.constant 1 : i32
    scf.for %while3A_170 = %while3A_166 to %while3A_162 step %while3A_168  : i32 {
      %mul3A_171 = arith.constant 2 : i32
      %mul3A_172 = arith.muli %mul3A_171, %while3A_170 : i32
      %add3A_173 = arith.constant 0 : i32
      %add3A_174 = arith.addi %mul3A_172, %add3A_173 : i32
      %dma_wait3A = arith.constant 0 : i32
      %dma_wait3A_175 = arith.constant 0 : i32
      %dma_wait3A_176 = arith.constant 0 : i32
      %dma_wait3A_177 = tpu.memref_slice %arg8[%dma_wait3A, %dma_wait3A_175, %dma_wait3A_176] : memref<2x128x128xf32, #tpu.memory_space<vmem>> -> memref<1x64x128xf32, #tpu.memory_space<vmem>>
      %dma_wait3A_178 = tpu.memref_squeeze %dma_wait3A_177 : memref<1x64x128xf32, #tpu.memory_space<vmem>> -> memref<64x128xf32, #tpu.memory_space<vmem>>
      %dma_wait3A_179 = arith.constant 0 : i32
      %dma_wait3A_180 = tpu.memref_slice %arg6[%add3A_174, %dma_wait3A_179] : memref<40x128xi32, #tpu.memory_space<vmem>> -> memref<1x64xi32, #tpu.memory_space<vmem>>
      %dma_wait3A_181 = tpu.memref_squeeze %dma_wait3A_180 : memref<1x64xi32, #tpu.memory_space<vmem>> -> memref<64xi32, #tpu.memory_space<vmem>>
      %dma_wait3A_182 = arith.constant 0 : i32
      %dma_wait3A_183 = arith.constant 0 : i32
      %dma_wait3A_184 = tpu.memref_slice %arg2[%dma_wait3A_182, %dma_wait3A_183] : memref<10240x128xf32, #tpu.memory_space<hbm>> -> memref<10240x128xf32, #tpu.memory_space<hbm>>
      tpu.wait_indirect_dma semaphore(%arg10 : memref<!tpu.dma_semaphore, #tpu.memory_space<semaphore_mem>>) src(%dma_wait3A_184 : memref<10240x128xf32, #tpu.memory_space<hbm>>) dst(%dma_wait3A_178 : memref<64x128xf32, #tpu.memory_space<vmem>>)
      %dma_wait3A_185 = arith.constant 0 : i32
      %dma_wait3A_186 = arith.constant 64 : i32
      %dma_wait3A_187 = arith.constant 0 : i32
      %dma_wait3A_188 = tpu.memref_slice %arg8[%dma_wait3A_185, %dma_wait3A_186, %dma_wait3A_187] : memref<2x128x128xf32, #tpu.memory_space<vmem>> -> memref<1x64x128xf32, #tpu.memory_space<vmem>>
      %dma_wait3A_189 = tpu.memref_squeeze %dma_wait3A_188 : memref<1x64x128xf32, #tpu.memory_space<vmem>> -> memref<64x128xf32, #tpu.memory_space<vmem>>
      %dma_wait3A_190 = arith.constant 64 : i32
      %dma_wait3A_191 = tpu.memref_slice %arg6[%add3A_174, %dma_wait3A_190] : memref<40x128xi32, #tpu.memory_space<vmem>> -> memref<1x64xi32, #tpu.memory_space<vmem>>
      %dma_wait3A_192 = tpu.memref_squeeze %dma_wait3A_191 : memref<1x64xi32, #tpu.memory_space<vmem>> -> memref<64xi32, #tpu.memory_space<vmem>>
      %dma_wait3A_193 = arith.constant 0 : i32
      %dma_wait3A_194 = arith.constant 0 : i32
      %dma_wait3A_195 = tpu.memref_slice %arg2[%dma_wait3A_193, %dma_wait3A_194] : memref<10240x128xf32, #tpu.memory_space<hbm>> -> memref<10240x128xf32, #tpu.memory_space<hbm>>
      tpu.wait_indirect_dma semaphore(%arg11 : memref<!tpu.dma_semaphore, #tpu.memory_space<semaphore_mem>>) src(%dma_wait3A_195 : memref<10240x128xf32, #tpu.memory_space<hbm>>) dst(%dma_wait3A_189 : memref<64x128xf32, #tpu.memory_space<vmem>>)
      %dma_start3A_196 = arith.constant 0 : i32
      %dma_start3A_197 = arith.constant 0 : i32
      %dma_start3A_198 = arith.constant 0 : i32
      %dma_start3A_199 = tpu.memref_slice %arg8[%dma_start3A_196, %dma_start3A_197, %dma_start3A_198] : memref<2x128x128xf32, #tpu.memory_space<vmem>> -> memref<1x128x128xf32, #tpu.memory_space<vmem>>
      %dma_start3A_200 = tpu.memref_squeeze %dma_start3A_199 : memref<1x128x128xf32, #tpu.memory_space<vmem>> -> memref<128x128xf32, #tpu.memory_space<vmem>>
      %dma_start3A_201 = arith.constant 0 : i32
      %dma_start3A_202 = tpu.memref_slice %arg7[%add3A_174, %dma_start3A_201] : memref<40x128xi32, #tpu.memory_space<vmem>> -> memref<1x128xi32, #tpu.memory_space<vmem>>
      %dma_start3A_203 = tpu.memref_squeeze %dma_start3A_202 : memref<1x128xi32, #tpu.memory_space<vmem>> -> memref<128xi32, #tpu.memory_space<vmem>>
      %dma_start3A_204 = arith.constant 0 : i32
      %dma_start3A_205 = arith.constant 0 : i32
      %dma_start3A_206 = tpu.memref_slice %arg9[%dma_start3A_204, %dma_start3A_205] : memref<10240x128xf32, #tpu.memory_space<vmem_shared>> -> memref<10240x128xf32, #tpu.memory_space<vmem_shared>>
      tpu.enqueue_indirect_dma source(%dma_start3A_200 : memref<128x128xf32, #tpu.memory_space<vmem>>) target(%dma_start3A_206 : memref<10240x128xf32, #tpu.memory_space<vmem_shared>>) offsets(%dma_start3A_203 : memref<128xi32, #tpu.memory_space<vmem>>) semaphore(%arg14 : memref<!tpu.dma_semaphore, #tpu.memory_space<semaphore_mem>>) {add = true}
      %add3A_207 = arith.constant 1 : i32
      %add3A_208 = arith.addi %mul3A_172, %add3A_207 : i32
      %dma_wait3A_209 = arith.constant 1 : i32
      %dma_wait3A_210 = arith.constant 0 : i32
      %dma_wait3A_211 = arith.constant 0 : i32
      %dma_wait3A_212 = tpu.memref_slice %arg8[%dma_wait3A_209, %dma_wait3A_210, %dma_wait3A_211] : memref<2x128x128xf32, #tpu.memory_space<vmem>> -> memref<1x64x128xf32, #tpu.memory_space<vmem>>
      %dma_wait3A_213 = tpu.memref_squeeze %dma_wait3A_212 : memref<1x64x128xf32, #tpu.memory_space<vmem>> -> memref<64x128xf32, #tpu.memory_space<vmem>>
      %dma_wait3A_214 = arith.constant 0 : i32
      %dma_wait3A_215 = tpu.memref_slice %arg6[%add3A_208, %dma_wait3A_214] : memref<40x128xi32, #tpu.memory_space<vmem>> -> memref<1x64xi32, #tpu.memory_space<vmem>>
      %dma_wait3A_216 = tpu.memref_squeeze %dma_wait3A_215 : memref<1x64xi32, #tpu.memory_space<vmem>> -> memref<64xi32, #tpu.memory_space<vmem>>
      %dma_wait3A_217 = arith.constant 0 : i32
      %dma_wait3A_218 = arith.constant 0 : i32
      %dma_wait3A_219 = tpu.memref_slice %arg2[%dma_wait3A_217, %dma_wait3A_218] : memref<10240x128xf32, #tpu.memory_space<hbm>> -> memref<10240x128xf32, #tpu.memory_space<hbm>>
      tpu.wait_indirect_dma semaphore(%arg12 : memref<!tpu.dma_semaphore, #tpu.memory_space<semaphore_mem>>) src(%dma_wait3A_219 : memref<10240x128xf32, #tpu.memory_space<hbm>>) dst(%dma_wait3A_213 : memref<64x128xf32, #tpu.memory_space<vmem>>)
      %dma_wait3A_220 = arith.constant 1 : i32
      %dma_wait3A_221 = arith.constant 64 : i32
      %dma_wait3A_222 = arith.constant 0 : i32
      %dma_wait3A_223 = tpu.memref_slice %arg8[%dma_wait3A_220, %dma_wait3A_221, %dma_wait3A_222] : memref<2x128x128xf32, #tpu.memory_space<vmem>> -> memref<1x64x128xf32, #tpu.memory_space<vmem>>
      %dma_wait3A_224 = tpu.memref_squeeze %dma_wait3A_223 : memref<1x64x128xf32, #tpu.memory_space<vmem>> -> memref<64x128xf32, #tpu.memory_space<vmem>>
      %dma_wait3A_225 = arith.constant 64 : i32
      %dma_wait3A_226 = tpu.memref_slice %arg6[%add3A_208, %dma_wait3A_225] : memref<40x128xi32, #tpu.memory_space<vmem>> -> memref<1x64xi32, #tpu.memory_space<vmem>>
      %dma_wait3A_227 = tpu.memref_squeeze %dma_wait3A_226 : memref<1x64xi32, #tpu.memory_space<vmem>> -> memref<64xi32, #tpu.memory_space<vmem>>
      %dma_wait3A_228 = arith.constant 0 : i32
      %dma_wait3A_229 = arith.constant 0 : i32
      %dma_wait3A_230 = tpu.memref_slice %arg2[%dma_wait3A_228, %dma_wait3A_229] : memref<10240x128xf32, #tpu.memory_space<hbm>> -> memref<10240x128xf32, #tpu.memory_space<hbm>>
      tpu.wait_indirect_dma semaphore(%arg13 : memref<!tpu.dma_semaphore, #tpu.memory_space<semaphore_mem>>) src(%dma_wait3A_230 : memref<10240x128xf32, #tpu.memory_space<hbm>>) dst(%dma_wait3A_224 : memref<64x128xf32, #tpu.memory_space<vmem>>)
      %dma_start3A_231 = arith.constant 1 : i32
      %dma_start3A_232 = arith.constant 0 : i32
      %dma_start3A_233 = arith.constant 0 : i32
      %dma_start3A_234 = tpu.memref_slice %arg8[%dma_start3A_231, %dma_start3A_232, %dma_start3A_233] : memref<2x128x128xf32, #tpu.memory_space<vmem>> -> memref<1x128x128xf32, #tpu.memory_space<vmem>>
      %dma_start3A_235 = tpu.memref_squeeze %dma_start3A_234 : memref<1x128x128xf32, #tpu.memory_space<vmem>> -> memref<128x128xf32, #tpu.memory_space<vmem>>
      %dma_start3A_236 = arith.constant 0 : i32
      %dma_start3A_237 = tpu.memref_slice %arg7[%add3A_208, %dma_start3A_236] : memref<40x128xi32, #tpu.memory_space<vmem>> -> memref<1x128xi32, #tpu.memory_space<vmem>>
      %dma_start3A_238 = tpu.memref_squeeze %dma_start3A_237 : memref<1x128xi32, #tpu.memory_space<vmem>> -> memref<128xi32, #tpu.memory_space<vmem>>
      %dma_start3A_239 = arith.constant 0 : i32
      %dma_start3A_240 = arith.constant 0 : i32
      %dma_start3A_241 = tpu.memref_slice %arg9[%dma_start3A_239, %dma_start3A_240] : memref<10240x128xf32, #tpu.memory_space<vmem_shared>> -> memref<10240x128xf32, #tpu.memory_space<vmem_shared>>
      tpu.enqueue_indirect_dma source(%dma_start3A_235 : memref<128x128xf32, #tpu.memory_space<vmem>>) target(%dma_start3A_241 : memref<10240x128xf32, #tpu.memory_space<vmem_shared>>) offsets(%dma_start3A_238 : memref<128xi32, #tpu.memory_space<vmem>>) semaphore(%arg15 : memref<!tpu.dma_semaphore, #tpu.memory_space<semaphore_mem>>) {add = true}
      %dma_wait3A_242 = arith.constant 0 : i32
      %dma_wait3A_243 = arith.constant 0 : i32
      %dma_wait3A_244 = arith.constant 0 : i32
      %dma_wait3A_245 = tpu.memref_slice %arg8[%dma_wait3A_242, %dma_wait3A_243, %dma_wait3A_244] : memref<2x128x128xf32, #tpu.memory_space<vmem>> -> memref<1x128x128xf32, #tpu.memory_space<vmem>>
      %dma_wait3A_246 = tpu.memref_squeeze %dma_wait3A_245 : memref<1x128x128xf32, #tpu.memory_space<vmem>> -> memref<128x128xf32, #tpu.memory_space<vmem>>
      %dma_wait3A_247 = arith.constant 0 : i32
      %dma_wait3A_248 = tpu.memref_slice %arg7[%add3A_174, %dma_wait3A_247] : memref<40x128xi32, #tpu.memory_space<vmem>> -> memref<1x128xi32, #tpu.memory_space<vmem>>
      %dma_wait3A_249 = tpu.memref_squeeze %dma_wait3A_248 : memref<1x128xi32, #tpu.memory_space<vmem>> -> memref<128xi32, #tpu.memory_space<vmem>>
      %dma_wait3A_250 = arith.constant 0 : i32
      %dma_wait3A_251 = arith.constant 0 : i32
      %dma_wait3A_252 = tpu.memref_slice %arg9[%dma_wait3A_250, %dma_wait3A_251] : memref<10240x128xf32, #tpu.memory_space<vmem_shared>> -> memref<10240x128xf32, #tpu.memory_space<vmem_shared>>
      tpu.wait_indirect_dma semaphore(%arg14 : memref<!tpu.dma_semaphore, #tpu.memory_space<semaphore_mem>>) src(%dma_wait3A_246 : memref<128x128xf32, #tpu.memory_space<vmem>>) dst(%dma_wait3A_252 : memref<10240x128xf32, #tpu.memory_space<vmem_shared>>)
      %sub3A_253 = arith.constant 1 : i32
      %sub3A_254 = arith.subi %select_n3A_47, %sub3A_253 : i32
      %lt3A = arith.cmpi slt, %while3A_170, %sub3A_254 : i32
      %convert_element_type3A = arith.extui %lt3A : i1 to i32
      %cond3A = arith.constant 0 : i32
      %cond3A_255 = arith.cmpi ne, %convert_element_type3A, %cond3A : i32
      scf.if %cond3A_255 {
        %add3A_273 = arith.constant 2 : i32
        %add3A_274 = arith.addi %mul3A_172, %add3A_273 : i32
        %add3A_275 = arith.constant 0 : i32
        %add3A_276 = arith.addi %add3A_274, %add3A_275 : i32
        %dma_start3A_277 = arith.constant 0 : i32
        %dma_start3A_278 = arith.constant 0 : i32
        %dma_start3A_279 = arith.constant 0 : i32
        %dma_start3A_280 = tpu.memref_slice %arg8[%dma_start3A_277, %dma_start3A_278, %dma_start3A_279] : memref<2x128x128xf32, #tpu.memory_space<vmem>> -> memref<1x64x128xf32, #tpu.memory_space<vmem>>
        %dma_start3A_281 = tpu.memref_squeeze %dma_start3A_280 : memref<1x64x128xf32, #tpu.memory_space<vmem>> -> memref<64x128xf32, #tpu.memory_space<vmem>>
        %dma_start3A_282 = arith.constant 0 : i32
        %dma_start3A_283 = tpu.memref_slice %arg6[%add3A_276, %dma_start3A_282] : memref<40x128xi32, #tpu.memory_space<vmem>> -> memref<1x64xi32, #tpu.memory_space<vmem>>
        %dma_start3A_284 = tpu.memref_squeeze %dma_start3A_283 : memref<1x64xi32, #tpu.memory_space<vmem>> -> memref<64xi32, #tpu.memory_space<vmem>>
        %dma_start3A_285 = arith.constant 0 : i32
        %dma_start3A_286 = arith.constant 0 : i32
        %dma_start3A_287 = tpu.memref_slice %arg2[%dma_start3A_285, %dma_start3A_286] : memref<10240x128xf32, #tpu.memory_space<hbm>> -> memref<10240x128xf32, #tpu.memory_space<hbm>>
        tpu.enqueue_indirect_dma source(%dma_start3A_287 : memref<10240x128xf32, #tpu.memory_space<hbm>>) target(%dma_start3A_281 : memref<64x128xf32, #tpu.memory_space<vmem>>) offsets(%dma_start3A_284 : memref<64xi32, #tpu.memory_space<vmem>>) semaphore(%arg10 : memref<!tpu.dma_semaphore, #tpu.memory_space<semaphore_mem>>)
        %dma_start3A_288 = arith.constant 0 : i32
        %dma_start3A_289 = arith.constant 64 : i32
        %dma_start3A_290 = arith.constant 0 : i32
        %dma_start3A_291 = tpu.memref_slice %arg8[%dma_start3A_288, %dma_start3A_289, %dma_start3A_290] : memref<2x128x128xf32, #tpu.memory_space<vmem>> -> memref<1x64x128xf32, #tpu.memory_space<vmem>>
        %dma_start3A_292 = tpu.memref_squeeze %dma_start3A_291 : memref<1x64x128xf32, #tpu.memory_space<vmem>> -> memref<64x128xf32, #tpu.memory_space<vmem>>
        %dma_start3A_293 = arith.constant 64 : i32
        %dma_start3A_294 = tpu.memref_slice %arg6[%add3A_276, %dma_start3A_293] : memref<40x128xi32, #tpu.memory_space<vmem>> -> memref<1x64xi32, #tpu.memory_space<vmem>>
        %dma_start3A_295 = tpu.memref_squeeze %dma_start3A_294 : memref<1x64xi32, #tpu.memory_space<vmem>> -> memref<64xi32, #tpu.memory_space<vmem>>
        %dma_start3A_296 = arith.constant 0 : i32
        %dma_start3A_297 = arith.constant 0 : i32
        %dma_start3A_298 = tpu.memref_slice %arg2[%dma_start3A_296, %dma_start3A_297] : memref<10240x128xf32, #tpu.memory_space<hbm>> -> memref<10240x128xf32, #tpu.memory_space<hbm>>
        tpu.enqueue_indirect_dma source(%dma_start3A_298 : memref<10240x128xf32, #tpu.memory_space<hbm>>) target(%dma_start3A_292 : memref<64x128xf32, #tpu.memory_space<vmem>>) offsets(%dma_start3A_295 : memref<64xi32, #tpu.memory_space<vmem>>) semaphore(%arg11 : memref<!tpu.dma_semaphore, #tpu.memory_space<semaphore_mem>>)
      } else {
      }
      %dma_wait3A_256 = arith.constant 1 : i32
      %dma_wait3A_257 = arith.constant 0 : i32
      %dma_wait3A_258 = arith.constant 0 : i32
      %dma_wait3A_259 = tpu.memref_slice %arg8[%dma_wait3A_256, %dma_wait3A_257, %dma_wait3A_258] : memref<2x128x128xf32, #tpu.memory_space<vmem>> -> memref<1x128x128xf32, #tpu.memory_space<vmem>>
      %dma_wait3A_260 = tpu.memref_squeeze %dma_wait3A_259 : memref<1x128x128xf32, #tpu.memory_space<vmem>> -> memref<128x128xf32, #tpu.memory_space<vmem>>
      %dma_wait3A_261 = arith.constant 0 : i32
      %dma_wait3A_262 = tpu.memref_slice %arg7[%add3A_208, %dma_wait3A_261] : memref<40x128xi32, #tpu.memory_space<vmem>> -> memref<1x128xi32, #tpu.memory_space<vmem>>
      %dma_wait3A_263 = tpu.memref_squeeze %dma_wait3A_262 : memref<1x128xi32, #tpu.memory_space<vmem>> -> memref<128xi32, #tpu.memory_space<vmem>>
      %dma_wait3A_264 = arith.constant 0 : i32
      %dma_wait3A_265 = arith.constant 0 : i32
      %dma_wait3A_266 = tpu.memref_slice %arg9[%dma_wait3A_264, %dma_wait3A_265] : memref<10240x128xf32, #tpu.memory_space<vmem_shared>> -> memref<10240x128xf32, #tpu.memory_space<vmem_shared>>
      tpu.wait_indirect_dma semaphore(%arg15 : memref<!tpu.dma_semaphore, #tpu.memory_space<semaphore_mem>>) src(%dma_wait3A_260 : memref<128x128xf32, #tpu.memory_space<vmem>>) dst(%dma_wait3A_266 : memref<10240x128xf32, #tpu.memory_space<vmem_shared>>)
      %sub3A_267 = arith.constant 1 : i32
      %sub3A_268 = arith.subi %select_n3A_47, %sub3A_267 : i32
      %lt3A_269 = arith.cmpi slt, %while3A_170, %sub3A_268 : i32
      %convert_element_type3A_270 = arith.extui %lt3A_269 : i1 to i32
      %cond3A_271 = arith.constant 0 : i32
      %cond3A_272 = arith.cmpi ne, %convert_element_type3A_270, %cond3A_271 : i32
      scf.if %cond3A_272 {
        %add3A_273 = arith.constant 2 : i32
        %add3A_274 = arith.addi %mul3A_172, %add3A_273 : i32
        %add3A_275 = arith.constant 1 : i32
        %add3A_276 = arith.addi %add3A_274, %add3A_275 : i32
        %dma_start3A_277 = arith.constant 1 : i32
        %dma_start3A_278 = arith.constant 0 : i32
        %dma_start3A_279 = arith.constant 0 : i32
        %dma_start3A_280 = tpu.memref_slice %arg8[%dma_start3A_277, %dma_start3A_278, %dma_start3A_279] : memref<2x128x128xf32, #tpu.memory_space<vmem>> -> memref<1x64x128xf32, #tpu.memory_space<vmem>>
        %dma_start3A_281 = tpu.memref_squeeze %dma_start3A_280 : memref<1x64x128xf32, #tpu.memory_space<vmem>> -> memref<64x128xf32, #tpu.memory_space<vmem>>
        %dma_start3A_282 = arith.constant 0 : i32
        %dma_start3A_283 = tpu.memref_slice %arg6[%add3A_276, %dma_start3A_282] : memref<40x128xi32, #tpu.memory_space<vmem>> -> memref<1x64xi32, #tpu.memory_space<vmem>>
        %dma_start3A_284 = tpu.memref_squeeze %dma_start3A_283 : memref<1x64xi32, #tpu.memory_space<vmem>> -> memref<64xi32, #tpu.memory_space<vmem>>
        %dma_start3A_285 = arith.constant 0 : i32
        %dma_start3A_286 = arith.constant 0 : i32
        %dma_start3A_287 = tpu.memref_slice %arg2[%dma_start3A_285, %dma_start3A_286] : memref<10240x128xf32, #tpu.memory_space<hbm>> -> memref<10240x128xf32, #tpu.memory_space<hbm>>
        tpu.enqueue_indirect_dma source(%dma_start3A_287 : memref<10240x128xf32, #tpu.memory_space<hbm>>) target(%dma_start3A_281 : memref<64x128xf32, #tpu.memory_space<vmem>>) offsets(%dma_start3A_284 : memref<64xi32, #tpu.memory_space<vmem>>) semaphore(%arg12 : memref<!tpu.dma_semaphore, #tpu.memory_space<semaphore_mem>>)
        %dma_start3A_288 = arith.constant 1 : i32
        %dma_start3A_289 = arith.constant 64 : i32
        %dma_start3A_290 = arith.constant 0 : i32
        %dma_start3A_291 = tpu.memref_slice %arg8[%dma_start3A_288, %dma_start3A_289, %dma_start3A_290] : memref<2x128x128xf32, #tpu.memory_space<vmem>> -> memref<1x64x128xf32, #tpu.memory_space<vmem>>
        %dma_start3A_292 = tpu.memref_squeeze %dma_start3A_291 : memref<1x64x128xf32, #tpu.memory_space<vmem>> -> memref<64x128xf32, #tpu.memory_space<vmem>>
        %dma_start3A_293 = arith.constant 64 : i32
        %dma_start3A_294 = tpu.memref_slice %arg6[%add3A_276, %dma_start3A_293] : memref<40x128xi32, #tpu.memory_space<vmem>> -> memref<1x64xi32, #tpu.memory_space<vmem>>
        %dma_start3A_295 = tpu.memref_squeeze %dma_start3A_294 : memref<1x64xi32, #tpu.memory_space<vmem>> -> memref<64xi32, #tpu.memory_space<vmem>>
        %dma_start3A_296 = arith.constant 0 : i32
        %dma_start3A_297 = arith.constant 0 : i32
        %dma_start3A_298 = tpu.memref_slice %arg2[%dma_start3A_296, %dma_start3A_297] : memref<10240x128xf32, #tpu.memory_space<hbm>> -> memref<10240x128xf32, #tpu.memory_space<hbm>>
        tpu.enqueue_indirect_dma source(%dma_start3A_298 : memref<10240x128xf32, #tpu.memory_space<hbm>>) target(%dma_start3A_292 : memref<64x128xf32, #tpu.memory_space<vmem>>) offsets(%dma_start3A_295 : memref<64xi32, #tpu.memory_space<vmem>>) semaphore(%arg13 : memref<!tpu.dma_semaphore, #tpu.memory_space<semaphore_mem>>)
      } else {
      }
    }
    %barrier3A_169 = arith.constant 0 : index
    tpu.barrier barrier_id(%barrier3A_169)
    "tpu.region"() ({
      %run_scoped3A = tpu.sem_alloc : memref<!tpu.dma_semaphore, #tpu.memory_space<semaphore_mem>>
      %dma_start3A_170 = arith.constant 0 : i32
      %dma_start3A_171 = tpu.memref_slice %arg5[%arg0, %mul3A_0, %dma_start3A_170] : memref<2x10240x128xf32, #tpu.memory_space<hbm>> -> memref<1x640x128xf32, #tpu.memory_space<hbm>>
      %dma_start3A_172 = tpu.memref_squeeze %dma_start3A_171 : memref<1x640x128xf32, #tpu.memory_space<hbm>> -> memref<640x128xf32, #tpu.memory_space<hbm>>
      %dma_start3A_173 = arith.constant 0 : i32
      %dma_start3A_174 = tpu.memref_slice %arg9[%mul3A_0, %dma_start3A_173] : memref<10240x128xf32, #tpu.memory_space<vmem_shared>> -> memref<640x128xf32, #tpu.memory_space<vmem_shared>>
      tpu.enqueue_dma source(%dma_start3A_174 : memref<640x128xf32, #tpu.memory_space<vmem_shared>>) target(%dma_start3A_172 : memref<640x128xf32, #tpu.memory_space<hbm>>) target_semaphore(%run_scoped3A : memref<!tpu.dma_semaphore, #tpu.memory_space<semaphore_mem>>)
      %dma_wait3A = arith.constant 0 : i32
      %dma_wait3A_175 = tpu.memref_slice %arg5[%arg0, %mul3A_0, %dma_wait3A] : memref<2x10240x128xf32, #tpu.memory_space<hbm>> -> memref<1x640x128xf32, #tpu.memory_space<hbm>>
      %dma_wait3A_176 = tpu.memref_squeeze %dma_wait3A_175 : memref<1x640x128xf32, #tpu.memory_space<hbm>> -> memref<640x128xf32, #tpu.memory_space<hbm>>
      %dma_wait3A_177 = arith.constant 0 : i32
      %dma_wait3A_178 = tpu.memref_slice %arg9[%mul3A_0, %dma_wait3A_177] : memref<10240x128xf32, #tpu.memory_space<vmem_shared>> -> memref<640x128xf32, #tpu.memory_space<vmem_shared>>
      tpu.wait_dma2 semaphore(%run_scoped3A : memref<!tpu.dma_semaphore, #tpu.memory_space<semaphore_mem>>) src(%dma_wait3A_178 : memref<640x128xf32, #tpu.memory_space<vmem_shared>>) dst(%dma_wait3A_176 : memref<640x128xf32, #tpu.memory_space<hbm>>)
      tpu.yield
    }) : () -> ()
    return
  }
}

#map = affine_map<(d0, d1) -> (0, 0)>
#map1 = affine_map<(d0, d1) -> (0, 0, 0)>
module attributes {stable_mosaic.version = 14 : i64} {
  func.func @agg_kernel(%arg0: i32, %arg1: i32, %arg2: memref<10240x128xf32, #tpu.memory_space<hbm>>, %arg3: memref<2600x128xi32, #tpu.memory_space<hbm>>, %arg4: memref<2600x128xi32, #tpu.memory_space<hbm>>, %arg5: memref<2x10240x128xf32, #tpu.memory_space<hbm>>, %arg6: memref<40x128xi32, #tpu.memory_space<vmem>>, %arg7: memref<40x128xi32, #tpu.memory_space<vmem>>, %arg8: memref<2x128x128xf32, #tpu.memory_space<vmem>>, %arg9: memref<10240x128xf32, #tpu.memory_space<vmem_shared>>, %arg10: memref<!tpu.dma_semaphore, #tpu.memory_space<semaphore_mem>>, %arg11: memref<!tpu.dma_semaphore, #tpu.memory_space<semaphore_mem>>, %arg12: memref<!tpu.dma_semaphore, #tpu.memory_space<semaphore_mem>>, %arg13: memref<!tpu.dma_semaphore, #tpu.memory_space<semaphore_mem>>, %arg14: memref<!tpu.dma_semaphore, #tpu.memory_space<semaphore_mem>>, %arg15: memref<!tpu.dma_semaphore, #tpu.memory_space<semaphore_mem>>) attributes {dimension_semantics = [#tpu.dimension_semantics<core_parallel>, #tpu.dimension_semantics<subcore_parallel>], iteration_bounds = array<i64: 2, 16>, scalar_prefetch = 0 : i64, scratch_operands = 10 : i64, tpu.core_type = #tpu.core_type<sc_vector_subcore>, window_params = [{transform_indices = #map}, {transform_indices = #map}, {transform_indices = #map}, {transform_indices = #map1}]} {
    %mul3A = arith.constant 640 : i32
    %mul3A_0 = arith.muli %arg1, %mul3A : i32
    %eq3A = arith.constant 0 : i32
    %eq3A_1 = arith.cmpi eq, %arg0, %eq3A : i32
    %jit3A = arith.constant 80 : i32
    %jit3A_2 = arith.constant 80 : i32
    %select_n3A = arith.select %eq3A_1, %jit3A, %jit3A_2 : i32
    %mul3A_3 = arith.constant 1280 : i32
    %mul3A_4 = arith.muli %arg0, %mul3A_3 : i32
    %mul3A_5 = arith.muli %arg1, %select_n3A : i32
    %add3A = arith.addi %mul3A_4, %mul3A_5 : i32
    %jit3A_6 = arith.constant 2 : i32
    %div3A = arith.divsi %select_n3A, %jit3A_6 : i32
    %sign3A = arith.constant 0 : i32
    %sign3A_7 = arith.cmpi sgt, %select_n3A, %sign3A : i32
    %sign3A_8 = arith.extui %sign3A_7 : i1 to i32
    %sign3A_9 = arith.constant 0 : i32
    %sign3A_10 = arith.cmpi slt, %select_n3A, %sign3A_9 : i32
    %sign3A_11 = arith.extui %sign3A_10 : i1 to i32
    %sign3A_12 = arith.subi %sign3A_8, %sign3A_11 : i32
    %sign3A_13 = arith.constant 0 : i32
    %sign3A_14 = arith.cmpi sgt, %jit3A_6, %sign3A_13 : i32
    %sign3A_15 = arith.extui %sign3A_14 : i1 to i32
    %sign3A_16 = arith.constant 0 : i32
    %sign3A_17 = arith.cmpi slt, %jit3A_6, %sign3A_16 : i32
    %sign3A_18 = arith.extui %sign3A_17 : i1 to i32
    %sign3A_19 = arith.subi %sign3A_15, %sign3A_18 : i32
    %ne3A = arith.cmpi ne, %sign3A_12, %sign3A_19 : i32
    %rem3A = arith.remsi %select_n3A, %jit3A_6 : i32
    %ne3A_20 = arith.constant 0 : i32
    %ne3A_21 = arith.cmpi ne, %rem3A, %ne3A_20 : i32
    %and3A = arith.andi %ne3A, %ne3A_21 : i1
    %sub3A = arith.constant 1 : i32
    %sub3A_22 = arith.subi %div3A, %sub3A : i32
    %select_n3A_23 = arith.select %and3A, %sub3A_22, %div3A : i32
    %jit3A_24 = arith.constant 2 : i32
    %div3A_25 = arith.divsi %select_n3A_23, %jit3A_24 : i32
    %sign3A_26 = arith.constant 0 : i32
    %sign3A_27 = arith.cmpi sgt, %select_n3A_23, %sign3A_26 : i32
    %sign3A_28 = arith.extui %sign3A_27 : i1 to i32
    %sign3A_29 = arith.constant 0 : i32
    %sign3A_30 = arith.cmpi slt, %select_n3A_23, %sign3A_29 : i32
    %sign3A_31 = arith.extui %sign3A_30 : i1 to i32
    %sign3A_32 = arith.subi %sign3A_28, %sign3A_31 : i32
    %sign3A_33 = arith.constant 0 : i32
    %sign3A_34 = arith.cmpi sgt, %jit3A_24, %sign3A_33 : i32
    %sign3A_35 = arith.extui %sign3A_34 : i1 to i32
    %sign3A_36 = arith.constant 0 : i32
    %sign3A_37 = arith.cmpi slt, %jit3A_24, %sign3A_36 : i32
    %sign3A_38 = arith.extui %sign3A_37 : i1 to i32
    %sign3A_39 = arith.subi %sign3A_35, %sign3A_38 : i32
    %ne3A_40 = arith.cmpi ne, %sign3A_32, %sign3A_39 : i32
    %rem3A_41 = arith.remsi %select_n3A_23, %jit3A_24 : i32
    %ne3A_42 = arith.constant 0 : i32
    %ne3A_43 = arith.cmpi ne, %rem3A_41, %ne3A_42 : i32
    %and3A_44 = arith.andi %ne3A_40, %ne3A_43 : i1
    %sub3A_45 = arith.constant 1 : i32
    %sub3A_46 = arith.subi %div3A_25, %sub3A_45 : i32
    %select_n3A_47 = arith.select %and3A_44, %sub3A_46, %div3A_25 : i32
    "tpu.region"() ({
      %run_scoped3A = tpu.sem_alloc : memref<!tpu.dma_semaphore, #tpu.memory_space<semaphore_mem>>
      %dma_start3A_170 = arith.constant 0 : i32
      %dma_start3A_171 = tpu.memref_slice %arg9[%mul3A_0, %dma_start3A_170] : memref<10240x128xf32, #tpu.memory_space<vmem_shared>> -> memref<640x128xf32, #tpu.memory_space<vmem_shared>>
      %dma_start3A_172 = arith.constant 0 : i32
      %dma_start3A_173 = tpu.memref_slice %arg2[%mul3A_0, %dma_start3A_172] : memref<10240x128xf32, #tpu.memory_space<hbm>> -> memref<640x128xf32, #tpu.memory_space<hbm>>
      tpu.enqueue_dma source(%dma_start3A_173 : memref<640x128xf32, #tpu.memory_space<hbm>>) target(%dma_start3A_171 : memref<640x128xf32, #tpu.memory_space<vmem_shared>>) target_semaphore(%run_scoped3A : memref<!tpu.dma_semaphore, #tpu.memory_space<semaphore_mem>>)
      %dma_wait3A = arith.constant 0 : i32
      %dma_wait3A_174 = tpu.memref_slice %arg9[%mul3A_0, %dma_wait3A] : memref<10240x128xf32, #tpu.memory_space<vmem_shared>> -> memref<640x128xf32, #tpu.memory_space<vmem_shared>>
      %dma_wait3A_175 = arith.constant 0 : i32
      %dma_wait3A_176 = tpu.memref_slice %arg2[%mul3A_0, %dma_wait3A_175] : memref<10240x128xf32, #tpu.memory_space<hbm>> -> memref<640x128xf32, #tpu.memory_space<hbm>>
      tpu.wait_dma2 semaphore(%run_scoped3A : memref<!tpu.dma_semaphore, #tpu.memory_space<semaphore_mem>>) src(%dma_wait3A_176 : memref<640x128xf32, #tpu.memory_space<hbm>>) dst(%dma_wait3A_174 : memref<640x128xf32, #tpu.memory_space<vmem_shared>>)
      tpu.yield
    }) : () -> ()
    %barrier3A = arith.constant 0 : index
    tpu.barrier barrier_id(%barrier3A)
    %mul3A_48 = arith.constant 0 : i32
    %mul3A_49 = arith.muli %mul3A_48, %select_n3A_23 : i32
    %add3A_50 = arith.addi %add3A, %mul3A_49 : i32
    %multiple_of3A = tpu.assume_multiple %add3A_50, 8 : i32
    "tpu.region"() ({
      %run_scoped3A = tpu.sem_alloc : memref<!tpu.dma_semaphore, #tpu.memory_space<semaphore_mem>>
      %dma_start3A_170 = arith.constant 0 : i32
      %dma_start3A_171 = tpu.memref_slice %arg3[%multiple_of3A, %dma_start3A_170] : memref<2600x128xi32, #tpu.memory_space<hbm>> -> memref<40x128xi32, #tpu.memory_space<hbm>>
      %dma_start3A_172 = arith.constant 0 : i32
      %dma_start3A_173 = tpu.memref_slice %arg3[%multiple_of3A, %dma_start3A_172] : memref<2600x128xi32, #tpu.memory_space<hbm>> -> memref<40x128xi32, #tpu.memory_space<hbm>>
      tpu.enqueue_dma source(%dma_start3A_173 : memref<40x128xi32, #tpu.memory_space<hbm>>) target(%arg6 : memref<40x128xi32, #tpu.memory_space<vmem>>) target_semaphore(%run_scoped3A : memref<!tpu.dma_semaphore, #tpu.memory_space<semaphore_mem>>)
      %dma_wait3A = arith.constant 0 : i32
      %dma_wait3A_174 = tpu.memref_slice %arg3[%multiple_of3A, %dma_wait3A] : memref<2600x128xi32, #tpu.memory_space<hbm>> -> memref<40x128xi32, #tpu.memory_space<hbm>>
      %dma_wait3A_175 = arith.constant 0 : i32
      %dma_wait3A_176 = tpu.memref_slice %arg3[%multiple_of3A, %dma_wait3A_175] : memref<2600x128xi32, #tpu.memory_space<hbm>> -> memref<40x128xi32, #tpu.memory_space<hbm>>
      tpu.wait_dma2 semaphore(%run_scoped3A : memref<!tpu.dma_semaphore, #tpu.memory_space<semaphore_mem>>) src(%dma_wait3A_176 : memref<40x128xi32, #tpu.memory_space<hbm>>) dst(%arg6 : memref<40x128xi32, #tpu.memory_space<vmem>>)
      tpu.yield
    }) : () -> ()
    "tpu.region"() ({
      %run_scoped3A = tpu.sem_alloc : memref<!tpu.dma_semaphore, #tpu.memory_space<semaphore_mem>>
      %dma_start3A_170 = arith.constant 0 : i32
      %dma_start3A_171 = tpu.memref_slice %arg4[%multiple_of3A, %dma_start3A_170] : memref<2600x128xi32, #tpu.memory_space<hbm>> -> memref<40x128xi32, #tpu.memory_space<hbm>>
      %dma_start3A_172 = arith.constant 0 : i32
      %dma_start3A_173 = tpu.memref_slice %arg4[%multiple_of3A, %dma_start3A_172] : memref<2600x128xi32, #tpu.memory_space<hbm>> -> memref<40x128xi32, #tpu.memory_space<hbm>>
      tpu.enqueue_dma source(%dma_start3A_173 : memref<40x128xi32, #tpu.memory_space<hbm>>) target(%arg7 : memref<40x128xi32, #tpu.memory_space<vmem>>) target_semaphore(%run_scoped3A : memref<!tpu.dma_semaphore, #tpu.memory_space<semaphore_mem>>)
      %dma_wait3A = arith.constant 0 : i32
      %dma_wait3A_174 = tpu.memref_slice %arg4[%multiple_of3A, %dma_wait3A] : memref<2600x128xi32, #tpu.memory_space<hbm>> -> memref<40x128xi32, #tpu.memory_space<hbm>>
      %dma_wait3A_175 = arith.constant 0 : i32
      %dma_wait3A_176 = tpu.memref_slice %arg4[%multiple_of3A, %dma_wait3A_175] : memref<2600x128xi32, #tpu.memory_space<hbm>> -> memref<40x128xi32, #tpu.memory_space<hbm>>
      tpu.wait_dma2 semaphore(%run_scoped3A : memref<!tpu.dma_semaphore, #tpu.memory_space<semaphore_mem>>) src(%dma_wait3A_176 : memref<40x128xi32, #tpu.memory_space<hbm>>) dst(%arg7 : memref<40x128xi32, #tpu.memory_space<vmem>>)
      tpu.yield
    }) : () -> ()
    %dma_start3A = arith.constant 0 : i32
    %dma_start3A_51 = arith.constant 0 : i32
    %dma_start3A_52 = arith.constant 0 : i32
    %dma_start3A_53 = arith.constant 0 : i32
    %dma_start3A_54 = tpu.memref_slice %arg8[%dma_start3A_51, %dma_start3A_52, %dma_start3A_53] : memref<2x128x128xf32, #tpu.memory_space<vmem>> -> memref<1x64x128xf32, #tpu.memory_space<vmem>>
    %dma_start3A_55 = tpu.memref_squeeze %dma_start3A_54 : memref<1x64x128xf32, #tpu.memory_space<vmem>> -> memref<64x128xf32, #tpu.memory_space<vmem>>
    %dma_start3A_56 = arith.constant 0 : i32
    %dma_start3A_57 = tpu.memref_slice %arg6[%dma_start3A, %dma_start3A_56] : memref<40x128xi32, #tpu.memory_space<vmem>> -> memref<1x64xi32, #tpu.memory_space<vmem>>
    %dma_start3A_58 = tpu.memref_squeeze %dma_start3A_57 : memref<1x64xi32, #tpu.memory_space<vmem>> -> memref<64xi32, #tpu.memory_space<vmem>>
    %dma_start3A_59 = arith.constant 0 : i32
    %dma_start3A_60 = arith.constant 0 : i32
    %dma_start3A_61 = tpu.memref_slice %arg2[%dma_start3A_59, %dma_start3A_60] : memref<10240x128xf32, #tpu.memory_space<hbm>> -> memref<10240x128xf32, #tpu.memory_space<hbm>>
    tpu.enqueue_indirect_dma source(%dma_start3A_61 : memref<10240x128xf32, #tpu.memory_space<hbm>>) target(%dma_start3A_55 : memref<64x128xf32, #tpu.memory_space<vmem>>) offsets(%dma_start3A_58 : memref<64xi32, #tpu.memory_space<vmem>>) semaphore(%arg10 : memref<!tpu.dma_semaphore, #tpu.memory_space<semaphore_mem>>)
    %dma_start3A_62 = arith.constant 0 : i32
    %dma_start3A_63 = arith.constant 0 : i32
    %dma_start3A_64 = arith.constant 64 : i32
    %dma_start3A_65 = arith.constant 0 : i32
    %dma_start3A_66 = tpu.memref_slice %arg8[%dma_start3A_63, %dma_start3A_64, %dma_start3A_65] : memref<2x128x128xf32, #tpu.memory_space<vmem>> -> memref<1x64x128xf32, #tpu.memory_space<vmem>>
    %dma_start3A_67 = tpu.memref_squeeze %dma_start3A_66 : memref<1x64x128xf32, #tpu.memory_space<vmem>> -> memref<64x128xf32, #tpu.memory_space<vmem>>
    %dma_start3A_68 = arith.constant 64 : i32
    %dma_start3A_69 = tpu.memref_slice %arg6[%dma_start3A_62, %dma_start3A_68] : memref<40x128xi32, #tpu.memory_space<vmem>> -> memref<1x64xi32, #tpu.memory_space<vmem>>
    %dma_start3A_70 = tpu.memref_squeeze %dma_start3A_69 : memref<1x64xi32, #tpu.memory_space<vmem>> -> memref<64xi32, #tpu.memory_space<vmem>>
    %dma_start3A_71 = arith.constant 0 : i32
    %dma_start3A_72 = arith.constant 0 : i32
    %dma_start3A_73 = tpu.memref_slice %arg2[%dma_start3A_71, %dma_start3A_72] : memref<10240x128xf32, #tpu.memory_space<hbm>> -> memref<10240x128xf32, #tpu.memory_space<hbm>>
    tpu.enqueue_indirect_dma source(%dma_start3A_73 : memref<10240x128xf32, #tpu.memory_space<hbm>>) target(%dma_start3A_67 : memref<64x128xf32, #tpu.memory_space<vmem>>) offsets(%dma_start3A_70 : memref<64xi32, #tpu.memory_space<vmem>>) semaphore(%arg11 : memref<!tpu.dma_semaphore, #tpu.memory_space<semaphore_mem>>)
    %dma_start3A_74 = arith.constant 1 : i32
    %dma_start3A_75 = arith.constant 1 : i32
    %dma_start3A_76 = arith.constant 0 : i32
    %dma_start3A_77 = arith.constant 0 : i32
    %dma_start3A_78 = tpu.memref_slice %arg8[%dma_start3A_75, %dma_start3A_76, %dma_start3A_77] : memref<2x128x128xf32, #tpu.memory_space<vmem>> -> memref<1x64x128xf32, #tpu.memory_space<vmem>>
    %dma_start3A_79 = tpu.memref_squeeze %dma_start3A_78 : memref<1x64x128xf32, #tpu.memory_space<vmem>> -> memref<64x128xf32, #tpu.memory_space<vmem>>
    %dma_start3A_80 = arith.constant 0 : i32
    %dma_start3A_81 = tpu.memref_slice %arg6[%dma_start3A_74, %dma_start3A_80] : memref<40x128xi32, #tpu.memory_space<vmem>> -> memref<1x64xi32, #tpu.memory_space<vmem>>
    %dma_start3A_82 = tpu.memref_squeeze %dma_start3A_81 : memref<1x64xi32, #tpu.memory_space<vmem>> -> memref<64xi32, #tpu.memory_space<vmem>>
    %dma_start3A_83 = arith.constant 0 : i32
    %dma_start3A_84 = arith.constant 0 : i32
    %dma_start3A_85 = tpu.memref_slice %arg2[%dma_start3A_83, %dma_start3A_84] : memref<10240x128xf32, #tpu.memory_space<hbm>> -> memref<10240x128xf32, #tpu.memory_space<hbm>>
    tpu.enqueue_indirect_dma source(%dma_start3A_85 : memref<10240x128xf32, #tpu.memory_space<hbm>>) target(%dma_start3A_79 : memref<64x128xf32, #tpu.memory_space<vmem>>) offsets(%dma_start3A_82 : memref<64xi32, #tpu.memory_space<vmem>>) semaphore(%arg12 : memref<!tpu.dma_semaphore, #tpu.memory_space<semaphore_mem>>)
    %dma_start3A_86 = arith.constant 1 : i32
    %dma_start3A_87 = arith.constant 1 : i32
    %dma_start3A_88 = arith.constant 64 : i32
    %dma_start3A_89 = arith.constant 0 : i32
    %dma_start3A_90 = tpu.memref_slice %arg8[%dma_start3A_87, %dma_start3A_88, %dma_start3A_89] : memref<2x128x128xf32, #tpu.memory_space<vmem>> -> memref<1x64x128xf32, #tpu.memory_space<vmem>>
    %dma_start3A_91 = tpu.memref_squeeze %dma_start3A_90 : memref<1x64x128xf32, #tpu.memory_space<vmem>> -> memref<64x128xf32, #tpu.memory_space<vmem>>
    %dma_start3A_92 = arith.constant 64 : i32
    %dma_start3A_93 = tpu.memref_slice %arg6[%dma_start3A_86, %dma_start3A_92] : memref<40x128xi32, #tpu.memory_space<vmem>> -> memref<1x64xi32, #tpu.memory_space<vmem>>
    %dma_start3A_94 = tpu.memref_squeeze %dma_start3A_93 : memref<1x64xi32, #tpu.memory_space<vmem>> -> memref<64xi32, #tpu.memory_space<vmem>>
    %dma_start3A_95 = arith.constant 0 : i32
    %dma_start3A_96 = arith.constant 0 : i32
    %dma_start3A_97 = tpu.memref_slice %arg2[%dma_start3A_95, %dma_start3A_96] : memref<10240x128xf32, #tpu.memory_space<hbm>> -> memref<10240x128xf32, #tpu.memory_space<hbm>>
    tpu.enqueue_indirect_dma source(%dma_start3A_97 : memref<10240x128xf32, #tpu.memory_space<hbm>>) target(%dma_start3A_91 : memref<64x128xf32, #tpu.memory_space<vmem>>) offsets(%dma_start3A_94 : memref<64xi32, #tpu.memory_space<vmem>>) semaphore(%arg13 : memref<!tpu.dma_semaphore, #tpu.memory_space<semaphore_mem>>)
    %while3A = arith.constant 0 : i32
    %while3A_98 = arith.constant 0 : i32
    %while3A_99 = arith.subi %select_n3A_47, %while3A_98 : i32
    %while3A_100 = arith.addi %while3A_98, %while3A_99 : i32
    %while3A_101 = arith.constant 1 : i32
    %while3A_102 = arith.divsi %while3A_99, %while3A_101 : i32
    %while3A_103 = arith.muli %while3A_102, %while3A_101 : i32
    %while3A_104 = arith.addi %while3A_98, %while3A_103 : i32
    %while3A_105 = arith.constant 1 : i32
    scf.for %while3A_170 = %while3A_98 to %while3A_104 step %while3A_105  : i32 {
      %mul3A_171 = arith.constant 2 : i32
      %mul3A_172 = arith.muli %mul3A_171, %while3A_170 : i32
      %add3A_173 = arith.constant 0 : i32
      %add3A_174 = arith.addi %mul3A_172, %add3A_173 : i32
      %dma_wait3A = arith.constant 0 : i32
      %dma_wait3A_175 = arith.constant 0 : i32
      %dma_wait3A_176 = arith.constant 0 : i32
      %dma_wait3A_177 = tpu.memref_slice %arg8[%dma_wait3A, %dma_wait3A_175, %dma_wait3A_176] : memref<2x128x128xf32, #tpu.memory_space<vmem>> -> memref<1x64x128xf32, #tpu.memory_space<vmem>>
      %dma_wait3A_178 = tpu.memref_squeeze %dma_wait3A_177 : memref<1x64x128xf32, #tpu.memory_space<vmem>> -> memref<64x128xf32, #tpu.memory_space<vmem>>
      %dma_wait3A_179 = arith.constant 0 : i32
      %dma_wait3A_180 = tpu.memref_slice %arg6[%add3A_174, %dma_wait3A_179] : memref<40x128xi32, #tpu.memory_space<vmem>> -> memref<1x64xi32, #tpu.memory_space<vmem>>
      %dma_wait3A_181 = tpu.memref_squeeze %dma_wait3A_180 : memref<1x64xi32, #tpu.memory_space<vmem>> -> memref<64xi32, #tpu.memory_space<vmem>>
      %dma_wait3A_182 = arith.constant 0 : i32
      %dma_wait3A_183 = arith.constant 0 : i32
      %dma_wait3A_184 = tpu.memref_slice %arg2[%dma_wait3A_182, %dma_wait3A_183] : memref<10240x128xf32, #tpu.memory_space<hbm>> -> memref<10240x128xf32, #tpu.memory_space<hbm>>
      tpu.wait_indirect_dma semaphore(%arg10 : memref<!tpu.dma_semaphore, #tpu.memory_space<semaphore_mem>>) src(%dma_wait3A_184 : memref<10240x128xf32, #tpu.memory_space<hbm>>) dst(%dma_wait3A_178 : memref<64x128xf32, #tpu.memory_space<vmem>>)
      %dma_wait3A_185 = arith.constant 0 : i32
      %dma_wait3A_186 = arith.constant 64 : i32
      %dma_wait3A_187 = arith.constant 0 : i32
      %dma_wait3A_188 = tpu.memref_slice %arg8[%dma_wait3A_185, %dma_wait3A_186, %dma_wait3A_187] : memref<2x128x128xf32, #tpu.memory_space<vmem>> -> memref<1x64x128xf32, #tpu.memory_space<vmem>>
      %dma_wait3A_189 = tpu.memref_squeeze %dma_wait3A_188 : memref<1x64x128xf32, #tpu.memory_space<vmem>> -> memref<64x128xf32, #tpu.memory_space<vmem>>
      %dma_wait3A_190 = arith.constant 64 : i32
      %dma_wait3A_191 = tpu.memref_slice %arg6[%add3A_174, %dma_wait3A_190] : memref<40x128xi32, #tpu.memory_space<vmem>> -> memref<1x64xi32, #tpu.memory_space<vmem>>
      %dma_wait3A_192 = tpu.memref_squeeze %dma_wait3A_191 : memref<1x64xi32, #tpu.memory_space<vmem>> -> memref<64xi32, #tpu.memory_space<vmem>>
      %dma_wait3A_193 = arith.constant 0 : i32
      %dma_wait3A_194 = arith.constant 0 : i32
      %dma_wait3A_195 = tpu.memref_slice %arg2[%dma_wait3A_193, %dma_wait3A_194] : memref<10240x128xf32, #tpu.memory_space<hbm>> -> memref<10240x128xf32, #tpu.memory_space<hbm>>
      tpu.wait_indirect_dma semaphore(%arg11 : memref<!tpu.dma_semaphore, #tpu.memory_space<semaphore_mem>>) src(%dma_wait3A_195 : memref<10240x128xf32, #tpu.memory_space<hbm>>) dst(%dma_wait3A_189 : memref<64x128xf32, #tpu.memory_space<vmem>>)
      %dma_start3A_196 = arith.constant 0 : i32
      %dma_start3A_197 = arith.constant 0 : i32
      %dma_start3A_198 = arith.constant 0 : i32
      %dma_start3A_199 = tpu.memref_slice %arg8[%dma_start3A_196, %dma_start3A_197, %dma_start3A_198] : memref<2x128x128xf32, #tpu.memory_space<vmem>> -> memref<1x128x128xf32, #tpu.memory_space<vmem>>
      %dma_start3A_200 = tpu.memref_squeeze %dma_start3A_199 : memref<1x128x128xf32, #tpu.memory_space<vmem>> -> memref<128x128xf32, #tpu.memory_space<vmem>>
      %dma_start3A_201 = arith.constant 0 : i32
      %dma_start3A_202 = tpu.memref_slice %arg7[%add3A_174, %dma_start3A_201] : memref<40x128xi32, #tpu.memory_space<vmem>> -> memref<1x128xi32, #tpu.memory_space<vmem>>
      %dma_start3A_203 = tpu.memref_squeeze %dma_start3A_202 : memref<1x128xi32, #tpu.memory_space<vmem>> -> memref<128xi32, #tpu.memory_space<vmem>>
      %dma_start3A_204 = arith.constant 0 : i32
      %dma_start3A_205 = arith.constant 0 : i32
      %dma_start3A_206 = tpu.memref_slice %arg9[%dma_start3A_204, %dma_start3A_205] : memref<10240x128xf32, #tpu.memory_space<vmem_shared>> -> memref<10240x128xf32, #tpu.memory_space<vmem_shared>>
      tpu.enqueue_indirect_dma source(%dma_start3A_200 : memref<128x128xf32, #tpu.memory_space<vmem>>) target(%dma_start3A_206 : memref<10240x128xf32, #tpu.memory_space<vmem_shared>>) offsets(%dma_start3A_203 : memref<128xi32, #tpu.memory_space<vmem>>) semaphore(%arg14 : memref<!tpu.dma_semaphore, #tpu.memory_space<semaphore_mem>>) {add = true}
      %add3A_207 = arith.constant 1 : i32
      %add3A_208 = arith.addi %mul3A_172, %add3A_207 : i32
      %dma_wait3A_209 = arith.constant 1 : i32
      %dma_wait3A_210 = arith.constant 0 : i32
      %dma_wait3A_211 = arith.constant 0 : i32
      %dma_wait3A_212 = tpu.memref_slice %arg8[%dma_wait3A_209, %dma_wait3A_210, %dma_wait3A_211] : memref<2x128x128xf32, #tpu.memory_space<vmem>> -> memref<1x64x128xf32, #tpu.memory_space<vmem>>
      %dma_wait3A_213 = tpu.memref_squeeze %dma_wait3A_212 : memref<1x64x128xf32, #tpu.memory_space<vmem>> -> memref<64x128xf32, #tpu.memory_space<vmem>>
      %dma_wait3A_214 = arith.constant 0 : i32
      %dma_wait3A_215 = tpu.memref_slice %arg6[%add3A_208, %dma_wait3A_214] : memref<40x128xi32, #tpu.memory_space<vmem>> -> memref<1x64xi32, #tpu.memory_space<vmem>>
      %dma_wait3A_216 = tpu.memref_squeeze %dma_wait3A_215 : memref<1x64xi32, #tpu.memory_space<vmem>> -> memref<64xi32, #tpu.memory_space<vmem>>
      %dma_wait3A_217 = arith.constant 0 : i32
      %dma_wait3A_218 = arith.constant 0 : i32
      %dma_wait3A_219 = tpu.memref_slice %arg2[%dma_wait3A_217, %dma_wait3A_218] : memref<10240x128xf32, #tpu.memory_space<hbm>> -> memref<10240x128xf32, #tpu.memory_space<hbm>>
      tpu.wait_indirect_dma semaphore(%arg12 : memref<!tpu.dma_semaphore, #tpu.memory_space<semaphore_mem>>) src(%dma_wait3A_219 : memref<10240x128xf32, #tpu.memory_space<hbm>>) dst(%dma_wait3A_213 : memref<64x128xf32, #tpu.memory_space<vmem>>)
      %dma_wait3A_220 = arith.constant 1 : i32
      %dma_wait3A_221 = arith.constant 64 : i32
      %dma_wait3A_222 = arith.constant 0 : i32
      %dma_wait3A_223 = tpu.memref_slice %arg8[%dma_wait3A_220, %dma_wait3A_221, %dma_wait3A_222] : memref<2x128x128xf32, #tpu.memory_space<vmem>> -> memref<1x64x128xf32, #tpu.memory_space<vmem>>
      %dma_wait3A_224 = tpu.memref_squeeze %dma_wait3A_223 : memref<1x64x128xf32, #tpu.memory_space<vmem>> -> memref<64x128xf32, #tpu.memory_space<vmem>>
      %dma_wait3A_225 = arith.constant 64 : i32
      %dma_wait3A_226 = tpu.memref_slice %arg6[%add3A_208, %dma_wait3A_225] : memref<40x128xi32, #tpu.memory_space<vmem>> -> memref<1x64xi32, #tpu.memory_space<vmem>>
      %dma_wait3A_227 = tpu.memref_squeeze %dma_wait3A_226 : memref<1x64xi32, #tpu.memory_space<vmem>> -> memref<64xi32, #tpu.memory_space<vmem>>
      %dma_wait3A_228 = arith.constant 0 : i32
      %dma_wait3A_229 = arith.constant 0 : i32
      %dma_wait3A_230 = tpu.memref_slice %arg2[%dma_wait3A_228, %dma_wait3A_229] : memref<10240x128xf32, #tpu.memory_space<hbm>> -> memref<10240x128xf32, #tpu.memory_space<hbm>>
      tpu.wait_indirect_dma semaphore(%arg13 : memref<!tpu.dma_semaphore, #tpu.memory_space<semaphore_mem>>) src(%dma_wait3A_230 : memref<10240x128xf32, #tpu.memory_space<hbm>>) dst(%dma_wait3A_224 : memref<64x128xf32, #tpu.memory_space<vmem>>)
      %dma_start3A_231 = arith.constant 1 : i32
      %dma_start3A_232 = arith.constant 0 : i32
      %dma_start3A_233 = arith.constant 0 : i32
      %dma_start3A_234 = tpu.memref_slice %arg8[%dma_start3A_231, %dma_start3A_232, %dma_start3A_233] : memref<2x128x128xf32, #tpu.memory_space<vmem>> -> memref<1x128x128xf32, #tpu.memory_space<vmem>>
      %dma_start3A_235 = tpu.memref_squeeze %dma_start3A_234 : memref<1x128x128xf32, #tpu.memory_space<vmem>> -> memref<128x128xf32, #tpu.memory_space<vmem>>
      %dma_start3A_236 = arith.constant 0 : i32
      %dma_start3A_237 = tpu.memref_slice %arg7[%add3A_208, %dma_start3A_236] : memref<40x128xi32, #tpu.memory_space<vmem>> -> memref<1x128xi32, #tpu.memory_space<vmem>>
      %dma_start3A_238 = tpu.memref_squeeze %dma_start3A_237 : memref<1x128xi32, #tpu.memory_space<vmem>> -> memref<128xi32, #tpu.memory_space<vmem>>
      %dma_start3A_239 = arith.constant 0 : i32
      %dma_start3A_240 = arith.constant 0 : i32
      %dma_start3A_241 = tpu.memref_slice %arg9[%dma_start3A_239, %dma_start3A_240] : memref<10240x128xf32, #tpu.memory_space<vmem_shared>> -> memref<10240x128xf32, #tpu.memory_space<vmem_shared>>
      tpu.enqueue_indirect_dma source(%dma_start3A_235 : memref<128x128xf32, #tpu.memory_space<vmem>>) target(%dma_start3A_241 : memref<10240x128xf32, #tpu.memory_space<vmem_shared>>) offsets(%dma_start3A_238 : memref<128xi32, #tpu.memory_space<vmem>>) semaphore(%arg15 : memref<!tpu.dma_semaphore, #tpu.memory_space<semaphore_mem>>) {add = true}
      %dma_wait3A_242 = arith.constant 0 : i32
      %dma_wait3A_243 = arith.constant 0 : i32
      %dma_wait3A_244 = arith.constant 0 : i32
      %dma_wait3A_245 = tpu.memref_slice %arg8[%dma_wait3A_242, %dma_wait3A_243, %dma_wait3A_244] : memref<2x128x128xf32, #tpu.memory_space<vmem>> -> memref<1x128x128xf32, #tpu.memory_space<vmem>>
      %dma_wait3A_246 = tpu.memref_squeeze %dma_wait3A_245 : memref<1x128x128xf32, #tpu.memory_space<vmem>> -> memref<128x128xf32, #tpu.memory_space<vmem>>
      %dma_wait3A_247 = arith.constant 0 : i32
      %dma_wait3A_248 = tpu.memref_slice %arg7[%add3A_174, %dma_wait3A_247] : memref<40x128xi32, #tpu.memory_space<vmem>> -> memref<1x128xi32, #tpu.memory_space<vmem>>
      %dma_wait3A_249 = tpu.memref_squeeze %dma_wait3A_248 : memref<1x128xi32, #tpu.memory_space<vmem>> -> memref<128xi32, #tpu.memory_space<vmem>>
      %dma_wait3A_250 = arith.constant 0 : i32
      %dma_wait3A_251 = arith.constant 0 : i32
      %dma_wait3A_252 = tpu.memref_slice %arg9[%dma_wait3A_250, %dma_wait3A_251] : memref<10240x128xf32, #tpu.memory_space<vmem_shared>> -> memref<10240x128xf32, #tpu.memory_space<vmem_shared>>
      tpu.wait_indirect_dma semaphore(%arg14 : memref<!tpu.dma_semaphore, #tpu.memory_space<semaphore_mem>>) src(%dma_wait3A_246 : memref<128x128xf32, #tpu.memory_space<vmem>>) dst(%dma_wait3A_252 : memref<10240x128xf32, #tpu.memory_space<vmem_shared>>)
      %sub3A_253 = arith.constant 1 : i32
      %sub3A_254 = arith.subi %select_n3A_47, %sub3A_253 : i32
      %lt3A = arith.cmpi slt, %while3A_170, %sub3A_254 : i32
      %convert_element_type3A = arith.extui %lt3A : i1 to i32
      %cond3A = arith.constant 0 : i32
      %cond3A_255 = arith.cmpi ne, %convert_element_type3A, %cond3A : i32
      scf.if %cond3A_255 {
        %add3A_273 = arith.constant 2 : i32
        %add3A_274 = arith.addi %mul3A_172, %add3A_273 : i32
        %add3A_275 = arith.constant 0 : i32
        %add3A_276 = arith.addi %add3A_274, %add3A_275 : i32
        %dma_start3A_277 = arith.constant 0 : i32
        %dma_start3A_278 = arith.constant 0 : i32
        %dma_start3A_279 = arith.constant 0 : i32
        %dma_start3A_280 = tpu.memref_slice %arg8[%dma_start3A_277, %dma_start3A_278, %dma_start3A_279] : memref<2x128x128xf32, #tpu.memory_space<vmem>> -> memref<1x64x128xf32, #tpu.memory_space<vmem>>
        %dma_start3A_281 = tpu.memref_squeeze %dma_start3A_280 : memref<1x64x128xf32, #tpu.memory_space<vmem>> -> memref<64x128xf32, #tpu.memory_space<vmem>>
        %dma_start3A_282 = arith.constant 0 : i32
        %dma_start3A_283 = tpu.memref_slice %arg6[%add3A_276, %dma_start3A_282] : memref<40x128xi32, #tpu.memory_space<vmem>> -> memref<1x64xi32, #tpu.memory_space<vmem>>
        %dma_start3A_284 = tpu.memref_squeeze %dma_start3A_283 : memref<1x64xi32, #tpu.memory_space<vmem>> -> memref<64xi32, #tpu.memory_space<vmem>>
        %dma_start3A_285 = arith.constant 0 : i32
        %dma_start3A_286 = arith.constant 0 : i32
        %dma_start3A_287 = tpu.memref_slice %arg2[%dma_start3A_285, %dma_start3A_286] : memref<10240x128xf32, #tpu.memory_space<hbm>> -> memref<10240x128xf32, #tpu.memory_space<hbm>>
        tpu.enqueue_indirect_dma source(%dma_start3A_287 : memref<10240x128xf32, #tpu.memory_space<hbm>>) target(%dma_start3A_281 : memref<64x128xf32, #tpu.memory_space<vmem>>) offsets(%dma_start3A_284 : memref<64xi32, #tpu.memory_space<vmem>>) semaphore(%arg10 : memref<!tpu.dma_semaphore, #tpu.memory_space<semaphore_mem>>)
        %dma_start3A_288 = arith.constant 0 : i32
        %dma_start3A_289 = arith.constant 64 : i32
        %dma_start3A_290 = arith.constant 0 : i32
        %dma_start3A_291 = tpu.memref_slice %arg8[%dma_start3A_288, %dma_start3A_289, %dma_start3A_290] : memref<2x128x128xf32, #tpu.memory_space<vmem>> -> memref<1x64x128xf32, #tpu.memory_space<vmem>>
        %dma_start3A_292 = tpu.memref_squeeze %dma_start3A_291 : memref<1x64x128xf32, #tpu.memory_space<vmem>> -> memref<64x128xf32, #tpu.memory_space<vmem>>
        %dma_start3A_293 = arith.constant 64 : i32
        %dma_start3A_294 = tpu.memref_slice %arg6[%add3A_276, %dma_start3A_293] : memref<40x128xi32, #tpu.memory_space<vmem>> -> memref<1x64xi32, #tpu.memory_space<vmem>>
        %dma_start3A_295 = tpu.memref_squeeze %dma_start3A_294 : memref<1x64xi32, #tpu.memory_space<vmem>> -> memref<64xi32, #tpu.memory_space<vmem>>
        %dma_start3A_296 = arith.constant 0 : i32
        %dma_start3A_297 = arith.constant 0 : i32
        %dma_start3A_298 = tpu.memref_slice %arg2[%dma_start3A_296, %dma_start3A_297] : memref<10240x128xf32, #tpu.memory_space<hbm>> -> memref<10240x128xf32, #tpu.memory_space<hbm>>
        tpu.enqueue_indirect_dma source(%dma_start3A_298 : memref<10240x128xf32, #tpu.memory_space<hbm>>) target(%dma_start3A_292 : memref<64x128xf32, #tpu.memory_space<vmem>>) offsets(%dma_start3A_295 : memref<64xi32, #tpu.memory_space<vmem>>) semaphore(%arg11 : memref<!tpu.dma_semaphore, #tpu.memory_space<semaphore_mem>>)
      } else {
      }
      %dma_wait3A_256 = arith.constant 1 : i32
      %dma_wait3A_257 = arith.constant 0 : i32
      %dma_wait3A_258 = arith.constant 0 : i32
      %dma_wait3A_259 = tpu.memref_slice %arg8[%dma_wait3A_256, %dma_wait3A_257, %dma_wait3A_258] : memref<2x128x128xf32, #tpu.memory_space<vmem>> -> memref<1x128x128xf32, #tpu.memory_space<vmem>>
      %dma_wait3A_260 = tpu.memref_squeeze %dma_wait3A_259 : memref<1x128x128xf32, #tpu.memory_space<vmem>> -> memref<128x128xf32, #tpu.memory_space<vmem>>
      %dma_wait3A_261 = arith.constant 0 : i32
      %dma_wait3A_262 = tpu.memref_slice %arg7[%add3A_208, %dma_wait3A_261] : memref<40x128xi32, #tpu.memory_space<vmem>> -> memref<1x128xi32, #tpu.memory_space<vmem>>
      %dma_wait3A_263 = tpu.memref_squeeze %dma_wait3A_262 : memref<1x128xi32, #tpu.memory_space<vmem>> -> memref<128xi32, #tpu.memory_space<vmem>>
      %dma_wait3A_264 = arith.constant 0 : i32
      %dma_wait3A_265 = arith.constant 0 : i32
      %dma_wait3A_266 = tpu.memref_slice %arg9[%dma_wait3A_264, %dma_wait3A_265] : memref<10240x128xf32, #tpu.memory_space<vmem_shared>> -> memref<10240x128xf32, #tpu.memory_space<vmem_shared>>
      tpu.wait_indirect_dma semaphore(%arg15 : memref<!tpu.dma_semaphore, #tpu.memory_space<semaphore_mem>>) src(%dma_wait3A_260 : memref<128x128xf32, #tpu.memory_space<vmem>>) dst(%dma_wait3A_266 : memref<10240x128xf32, #tpu.memory_space<vmem_shared>>)
      %sub3A_267 = arith.constant 1 : i32
      %sub3A_268 = arith.subi %select_n3A_47, %sub3A_267 : i32
      %lt3A_269 = arith.cmpi slt, %while3A_170, %sub3A_268 : i32
      %convert_element_type3A_270 = arith.extui %lt3A_269 : i1 to i32
      %cond3A_271 = arith.constant 0 : i32
      %cond3A_272 = arith.cmpi ne, %convert_element_type3A_270, %cond3A_271 : i32
      scf.if %cond3A_272 {
        %add3A_273 = arith.constant 2 : i32
        %add3A_274 = arith.addi %mul3A_172, %add3A_273 : i32
        %add3A_275 = arith.constant 1 : i32
        %add3A_276 = arith.addi %add3A_274, %add3A_275 : i32
        %dma_start3A_277 = arith.constant 1 : i32
        %dma_start3A_278 = arith.constant 0 : i32
        %dma_start3A_279 = arith.constant 0 : i32
        %dma_start3A_280 = tpu.memref_slice %arg8[%dma_start3A_277, %dma_start3A_278, %dma_start3A_279] : memref<2x128x128xf32, #tpu.memory_space<vmem>> -> memref<1x64x128xf32, #tpu.memory_space<vmem>>
        %dma_start3A_281 = tpu.memref_squeeze %dma_start3A_280 : memref<1x64x128xf32, #tpu.memory_space<vmem>> -> memref<64x128xf32, #tpu.memory_space<vmem>>
        %dma_start3A_282 = arith.constant 0 : i32
        %dma_start3A_283 = tpu.memref_slice %arg6[%add3A_276, %dma_start3A_282] : memref<40x128xi32, #tpu.memory_space<vmem>> -> memref<1x64xi32, #tpu.memory_space<vmem>>
        %dma_start3A_284 = tpu.memref_squeeze %dma_start3A_283 : memref<1x64xi32, #tpu.memory_space<vmem>> -> memref<64xi32, #tpu.memory_space<vmem>>
        %dma_start3A_285 = arith.constant 0 : i32
        %dma_start3A_286 = arith.constant 0 : i32
        %dma_start3A_287 = tpu.memref_slice %arg2[%dma_start3A_285, %dma_start3A_286] : memref<10240x128xf32, #tpu.memory_space<hbm>> -> memref<10240x128xf32, #tpu.memory_space<hbm>>
        tpu.enqueue_indirect_dma source(%dma_start3A_287 : memref<10240x128xf32, #tpu.memory_space<hbm>>) target(%dma_start3A_281 : memref<64x128xf32, #tpu.memory_space<vmem>>) offsets(%dma_start3A_284 : memref<64xi32, #tpu.memory_space<vmem>>) semaphore(%arg12 : memref<!tpu.dma_semaphore, #tpu.memory_space<semaphore_mem>>)
        %dma_start3A_288 = arith.constant 1 : i32
        %dma_start3A_289 = arith.constant 64 : i32
        %dma_start3A_290 = arith.constant 0 : i32
        %dma_start3A_291 = tpu.memref_slice %arg8[%dma_start3A_288, %dma_start3A_289, %dma_start3A_290] : memref<2x128x128xf32, #tpu.memory_space<vmem>> -> memref<1x64x128xf32, #tpu.memory_space<vmem>>
        %dma_start3A_292 = tpu.memref_squeeze %dma_start3A_291 : memref<1x64x128xf32, #tpu.memory_space<vmem>> -> memref<64x128xf32, #tpu.memory_space<vmem>>
        %dma_start3A_293 = arith.constant 64 : i32
        %dma_start3A_294 = tpu.memref_slice %arg6[%add3A_276, %dma_start3A_293] : memref<40x128xi32, #tpu.memory_space<vmem>> -> memref<1x64xi32, #tpu.memory_space<vmem>>
        %dma_start3A_295 = tpu.memref_squeeze %dma_start3A_294 : memref<1x64xi32, #tpu.memory_space<vmem>> -> memref<64xi32, #tpu.memory_space<vmem>>
        %dma_start3A_296 = arith.constant 0 : i32
        %dma_start3A_297 = arith.constant 0 : i32
        %dma_start3A_298 = tpu.memref_slice %arg2[%dma_start3A_296, %dma_start3A_297] : memref<10240x128xf32, #tpu.memory_space<hbm>> -> memref<10240x128xf32, #tpu.memory_space<hbm>>
        tpu.enqueue_indirect_dma source(%dma_start3A_298 : memref<10240x128xf32, #tpu.memory_space<hbm>>) target(%dma_start3A_292 : memref<64x128xf32, #tpu.memory_space<vmem>>) offsets(%dma_start3A_295 : memref<64xi32, #tpu.memory_space<vmem>>) semaphore(%arg13 : memref<!tpu.dma_semaphore, #tpu.memory_space<semaphore_mem>>)
      } else {
      }
    }
    %while3A_106 = arith.constant 1 : i32
    scf.for %while3A_170 = %while3A_104 to %while3A_100 step %while3A_106  : i32 {
      %mul3A_171 = arith.constant 2 : i32
      %mul3A_172 = arith.muli %mul3A_171, %while3A_170 : i32
      %add3A_173 = arith.constant 0 : i32
      %add3A_174 = arith.addi %mul3A_172, %add3A_173 : i32
      %dma_wait3A = arith.constant 0 : i32
      %dma_wait3A_175 = arith.constant 0 : i32
      %dma_wait3A_176 = arith.constant 0 : i32
      %dma_wait3A_177 = tpu.memref_slice %arg8[%dma_wait3A, %dma_wait3A_175, %dma_wait3A_176] : memref<2x128x128xf32, #tpu.memory_space<vmem>> -> memref<1x64x128xf32, #tpu.memory_space<vmem>>
      %dma_wait3A_178 = tpu.memref_squeeze %dma_wait3A_177 : memref<1x64x128xf32, #tpu.memory_space<vmem>> -> memref<64x128xf32, #tpu.memory_space<vmem>>
      %dma_wait3A_179 = arith.constant 0 : i32
      %dma_wait3A_180 = tpu.memref_slice %arg6[%add3A_174, %dma_wait3A_179] : memref<40x128xi32, #tpu.memory_space<vmem>> -> memref<1x64xi32, #tpu.memory_space<vmem>>
      %dma_wait3A_181 = tpu.memref_squeeze %dma_wait3A_180 : memref<1x64xi32, #tpu.memory_space<vmem>> -> memref<64xi32, #tpu.memory_space<vmem>>
      %dma_wait3A_182 = arith.constant 0 : i32
      %dma_wait3A_183 = arith.constant 0 : i32
      %dma_wait3A_184 = tpu.memref_slice %arg2[%dma_wait3A_182, %dma_wait3A_183] : memref<10240x128xf32, #tpu.memory_space<hbm>> -> memref<10240x128xf32, #tpu.memory_space<hbm>>
      tpu.wait_indirect_dma semaphore(%arg10 : memref<!tpu.dma_semaphore, #tpu.memory_space<semaphore_mem>>) src(%dma_wait3A_184 : memref<10240x128xf32, #tpu.memory_space<hbm>>) dst(%dma_wait3A_178 : memref<64x128xf32, #tpu.memory_space<vmem>>)
      %dma_wait3A_185 = arith.constant 0 : i32
      %dma_wait3A_186 = arith.constant 64 : i32
      %dma_wait3A_187 = arith.constant 0 : i32
      %dma_wait3A_188 = tpu.memref_slice %arg8[%dma_wait3A_185, %dma_wait3A_186, %dma_wait3A_187] : memref<2x128x128xf32, #tpu.memory_space<vmem>> -> memref<1x64x128xf32, #tpu.memory_space<vmem>>
      %dma_wait3A_189 = tpu.memref_squeeze %dma_wait3A_188 : memref<1x64x128xf32, #tpu.memory_space<vmem>> -> memref<64x128xf32, #tpu.memory_space<vmem>>
      %dma_wait3A_190 = arith.constant 64 : i32
      %dma_wait3A_191 = tpu.memref_slice %arg6[%add3A_174, %dma_wait3A_190] : memref<40x128xi32, #tpu.memory_space<vmem>> -> memref<1x64xi32, #tpu.memory_space<vmem>>
      %dma_wait3A_192 = tpu.memref_squeeze %dma_wait3A_191 : memref<1x64xi32, #tpu.memory_space<vmem>> -> memref<64xi32, #tpu.memory_space<vmem>>
      %dma_wait3A_193 = arith.constant 0 : i32
      %dma_wait3A_194 = arith.constant 0 : i32
      %dma_wait3A_195 = tpu.memref_slice %arg2[%dma_wait3A_193, %dma_wait3A_194] : memref<10240x128xf32, #tpu.memory_space<hbm>> -> memref<10240x128xf32, #tpu.memory_space<hbm>>
      tpu.wait_indirect_dma semaphore(%arg11 : memref<!tpu.dma_semaphore, #tpu.memory_space<semaphore_mem>>) src(%dma_wait3A_195 : memref<10240x128xf32, #tpu.memory_space<hbm>>) dst(%dma_wait3A_189 : memref<64x128xf32, #tpu.memory_space<vmem>>)
      %dma_start3A_196 = arith.constant 0 : i32
      %dma_start3A_197 = arith.constant 0 : i32
      %dma_start3A_198 = arith.constant 0 : i32
      %dma_start3A_199 = tpu.memref_slice %arg8[%dma_start3A_196, %dma_start3A_197, %dma_start3A_198] : memref<2x128x128xf32, #tpu.memory_space<vmem>> -> memref<1x128x128xf32, #tpu.memory_space<vmem>>
      %dma_start3A_200 = tpu.memref_squeeze %dma_start3A_199 : memref<1x128x128xf32, #tpu.memory_space<vmem>> -> memref<128x128xf32, #tpu.memory_space<vmem>>
      %dma_start3A_201 = arith.constant 0 : i32
      %dma_start3A_202 = tpu.memref_slice %arg7[%add3A_174, %dma_start3A_201] : memref<40x128xi32, #tpu.memory_space<vmem>> -> memref<1x128xi32, #tpu.memory_space<vmem>>
      %dma_start3A_203 = tpu.memref_squeeze %dma_start3A_202 : memref<1x128xi32, #tpu.memory_space<vmem>> -> memref<128xi32, #tpu.memory_space<vmem>>
      %dma_start3A_204 = arith.constant 0 : i32
      %dma_start3A_205 = arith.constant 0 : i32
      %dma_start3A_206 = tpu.memref_slice %arg9[%dma_start3A_204, %dma_start3A_205] : memref<10240x128xf32, #tpu.memory_space<vmem_shared>> -> memref<10240x128xf32, #tpu.memory_space<vmem_shared>>
      tpu.enqueue_indirect_dma source(%dma_start3A_200 : memref<128x128xf32, #tpu.memory_space<vmem>>) target(%dma_start3A_206 : memref<10240x128xf32, #tpu.memory_space<vmem_shared>>) offsets(%dma_start3A_203 : memref<128xi32, #tpu.memory_space<vmem>>) semaphore(%arg14 : memref<!tpu.dma_semaphore, #tpu.memory_space<semaphore_mem>>) {add = true}
      %add3A_207 = arith.constant 1 : i32
      %add3A_208 = arith.addi %mul3A_172, %add3A_207 : i32
      %dma_wait3A_209 = arith.constant 1 : i32
      %dma_wait3A_210 = arith.constant 0 : i32
      %dma_wait3A_211 = arith.constant 0 : i32
      %dma_wait3A_212 = tpu.memref_slice %arg8[%dma_wait3A_209, %dma_wait3A_210, %dma_wait3A_211] : memref<2x128x128xf32, #tpu.memory_space<vmem>> -> memref<1x64x128xf32, #tpu.memory_space<vmem>>
      %dma_wait3A_213 = tpu.memref_squeeze %dma_wait3A_212 : memref<1x64x128xf32, #tpu.memory_space<vmem>> -> memref<64x128xf32, #tpu.memory_space<vmem>>
      %dma_wait3A_214 = arith.constant 0 : i32
      %dma_wait3A_215 = tpu.memref_slice %arg6[%add3A_208, %dma_wait3A_214] : memref<40x128xi32, #tpu.memory_space<vmem>> -> memref<1x64xi32, #tpu.memory_space<vmem>>
      %dma_wait3A_216 = tpu.memref_squeeze %dma_wait3A_215 : memref<1x64xi32, #tpu.memory_space<vmem>> -> memref<64xi32, #tpu.memory_space<vmem>>
      %dma_wait3A_217 = arith.constant 0 : i32
      %dma_wait3A_218 = arith.constant 0 : i32
      %dma_wait3A_219 = tpu.memref_slice %arg2[%dma_wait3A_217, %dma_wait3A_218] : memref<10240x128xf32, #tpu.memory_space<hbm>> -> memref<10240x128xf32, #tpu.memory_space<hbm>>
      tpu.wait_indirect_dma semaphore(%arg12 : memref<!tpu.dma_semaphore, #tpu.memory_space<semaphore_mem>>) src(%dma_wait3A_219 : memref<10240x128xf32, #tpu.memory_space<hbm>>) dst(%dma_wait3A_213 : memref<64x128xf32, #tpu.memory_space<vmem>>)
      %dma_wait3A_220 = arith.constant 1 : i32
      %dma_wait3A_221 = arith.constant 64 : i32
      %dma_wait3A_222 = arith.constant 0 : i32
      %dma_wait3A_223 = tpu.memref_slice %arg8[%dma_wait3A_220, %dma_wait3A_221, %dma_wait3A_222] : memref<2x128x128xf32, #tpu.memory_space<vmem>> -> memref<1x64x128xf32, #tpu.memory_space<vmem>>
      %dma_wait3A_224 = tpu.memref_squeeze %dma_wait3A_223 : memref<1x64x128xf32, #tpu.memory_space<vmem>> -> memref<64x128xf32, #tpu.memory_space<vmem>>
      %dma_wait3A_225 = arith.constant 64 : i32
      %dma_wait3A_226 = tpu.memref_slice %arg6[%add3A_208, %dma_wait3A_225] : memref<40x128xi32, #tpu.memory_space<vmem>> -> memref<1x64xi32, #tpu.memory_space<vmem>>
      %dma_wait3A_227 = tpu.memref_squeeze %dma_wait3A_226 : memref<1x64xi32, #tpu.memory_space<vmem>> -> memref<64xi32, #tpu.memory_space<vmem>>
      %dma_wait3A_228 = arith.constant 0 : i32
      %dma_wait3A_229 = arith.constant 0 : i32
      %dma_wait3A_230 = tpu.memref_slice %arg2[%dma_wait3A_228, %dma_wait3A_229] : memref<10240x128xf32, #tpu.memory_space<hbm>> -> memref<10240x128xf32, #tpu.memory_space<hbm>>
      tpu.wait_indirect_dma semaphore(%arg13 : memref<!tpu.dma_semaphore, #tpu.memory_space<semaphore_mem>>) src(%dma_wait3A_230 : memref<10240x128xf32, #tpu.memory_space<hbm>>) dst(%dma_wait3A_224 : memref<64x128xf32, #tpu.memory_space<vmem>>)
      %dma_start3A_231 = arith.constant 1 : i32
      %dma_start3A_232 = arith.constant 0 : i32
      %dma_start3A_233 = arith.constant 0 : i32
      %dma_start3A_234 = tpu.memref_slice %arg8[%dma_start3A_231, %dma_start3A_232, %dma_start3A_233] : memref<2x128x128xf32, #tpu.memory_space<vmem>> -> memref<1x128x128xf32, #tpu.memory_space<vmem>>
      %dma_start3A_235 = tpu.memref_squeeze %dma_start3A_234 : memref<1x128x128xf32, #tpu.memory_space<vmem>> -> memref<128x128xf32, #tpu.memory_space<vmem>>
      %dma_start3A_236 = arith.constant 0 : i32
      %dma_start3A_237 = tpu.memref_slice %arg7[%add3A_208, %dma_start3A_236] : memref<40x128xi32, #tpu.memory_space<vmem>> -> memref<1x128xi32, #tpu.memory_space<vmem>>
      %dma_start3A_238 = tpu.memref_squeeze %dma_start3A_237 : memref<1x128xi32, #tpu.memory_space<vmem>> -> memref<128xi32, #tpu.memory_space<vmem>>
      %dma_start3A_239 = arith.constant 0 : i32
      %dma_start3A_240 = arith.constant 0 : i32
      %dma_start3A_241 = tpu.memref_slice %arg9[%dma_start3A_239, %dma_start3A_240] : memref<10240x128xf32, #tpu.memory_space<vmem_shared>> -> memref<10240x128xf32, #tpu.memory_space<vmem_shared>>
      tpu.enqueue_indirect_dma source(%dma_start3A_235 : memref<128x128xf32, #tpu.memory_space<vmem>>) target(%dma_start3A_241 : memref<10240x128xf32, #tpu.memory_space<vmem_shared>>) offsets(%dma_start3A_238 : memref<128xi32, #tpu.memory_space<vmem>>) semaphore(%arg15 : memref<!tpu.dma_semaphore, #tpu.memory_space<semaphore_mem>>) {add = true}
      %dma_wait3A_242 = arith.constant 0 : i32
      %dma_wait3A_243 = arith.constant 0 : i32
      %dma_wait3A_244 = arith.constant 0 : i32
      %dma_wait3A_245 = tpu.memref_slice %arg8[%dma_wait3A_242, %dma_wait3A_243, %dma_wait3A_244] : memref<2x128x128xf32, #tpu.memory_space<vmem>> -> memref<1x128x128xf32, #tpu.memory_space<vmem>>
      %dma_wait3A_246 = tpu.memref_squeeze %dma_wait3A_245 : memref<1x128x128xf32, #tpu.memory_space<vmem>> -> memref<128x128xf32, #tpu.memory_space<vmem>>
      %dma_wait3A_247 = arith.constant 0 : i32
      %dma_wait3A_248 = tpu.memref_slice %arg7[%add3A_174, %dma_wait3A_247] : memref<40x128xi32, #tpu.memory_space<vmem>> -> memref<1x128xi32, #tpu.memory_space<vmem>>
      %dma_wait3A_249 = tpu.memref_squeeze %dma_wait3A_248 : memref<1x128xi32, #tpu.memory_space<vmem>> -> memref<128xi32, #tpu.memory_space<vmem>>
      %dma_wait3A_250 = arith.constant 0 : i32
      %dma_wait3A_251 = arith.constant 0 : i32
      %dma_wait3A_252 = tpu.memref_slice %arg9[%dma_wait3A_250, %dma_wait3A_251] : memref<10240x128xf32, #tpu.memory_space<vmem_shared>> -> memref<10240x128xf32, #tpu.memory_space<vmem_shared>>
      tpu.wait_indirect_dma semaphore(%arg14 : memref<!tpu.dma_semaphore, #tpu.memory_space<semaphore_mem>>) src(%dma_wait3A_246 : memref<128x128xf32, #tpu.memory_space<vmem>>) dst(%dma_wait3A_252 : memref<10240x128xf32, #tpu.memory_space<vmem_shared>>)
      %sub3A_253 = arith.constant 1 : i32
      %sub3A_254 = arith.subi %select_n3A_47, %sub3A_253 : i32
      %lt3A = arith.cmpi slt, %while3A_170, %sub3A_254 : i32
      %convert_element_type3A = arith.extui %lt3A : i1 to i32
      %cond3A = arith.constant 0 : i32
      %cond3A_255 = arith.cmpi ne, %convert_element_type3A, %cond3A : i32
      scf.if %cond3A_255 {
        %add3A_273 = arith.constant 2 : i32
        %add3A_274 = arith.addi %mul3A_172, %add3A_273 : i32
        %add3A_275 = arith.constant 0 : i32
        %add3A_276 = arith.addi %add3A_274, %add3A_275 : i32
        %dma_start3A_277 = arith.constant 0 : i32
        %dma_start3A_278 = arith.constant 0 : i32
        %dma_start3A_279 = arith.constant 0 : i32
        %dma_start3A_280 = tpu.memref_slice %arg8[%dma_start3A_277, %dma_start3A_278, %dma_start3A_279] : memref<2x128x128xf32, #tpu.memory_space<vmem>> -> memref<1x64x128xf32, #tpu.memory_space<vmem>>
        %dma_start3A_281 = tpu.memref_squeeze %dma_start3A_280 : memref<1x64x128xf32, #tpu.memory_space<vmem>> -> memref<64x128xf32, #tpu.memory_space<vmem>>
        %dma_start3A_282 = arith.constant 0 : i32
        %dma_start3A_283 = tpu.memref_slice %arg6[%add3A_276, %dma_start3A_282] : memref<40x128xi32, #tpu.memory_space<vmem>> -> memref<1x64xi32, #tpu.memory_space<vmem>>
        %dma_start3A_284 = tpu.memref_squeeze %dma_start3A_283 : memref<1x64xi32, #tpu.memory_space<vmem>> -> memref<64xi32, #tpu.memory_space<vmem>>
        %dma_start3A_285 = arith.constant 0 : i32
        %dma_start3A_286 = arith.constant 0 : i32
        %dma_start3A_287 = tpu.memref_slice %arg2[%dma_start3A_285, %dma_start3A_286] : memref<10240x128xf32, #tpu.memory_space<hbm>> -> memref<10240x128xf32, #tpu.memory_space<hbm>>
        tpu.enqueue_indirect_dma source(%dma_start3A_287 : memref<10240x128xf32, #tpu.memory_space<hbm>>) target(%dma_start3A_281 : memref<64x128xf32, #tpu.memory_space<vmem>>) offsets(%dma_start3A_284 : memref<64xi32, #tpu.memory_space<vmem>>) semaphore(%arg10 : memref<!tpu.dma_semaphore, #tpu.memory_space<semaphore_mem>>)
        %dma_start3A_288 = arith.constant 0 : i32
        %dma_start3A_289 = arith.constant 64 : i32
        %dma_start3A_290 = arith.constant 0 : i32
        %dma_start3A_291 = tpu.memref_slice %arg8[%dma_start3A_288, %dma_start3A_289, %dma_start3A_290] : memref<2x128x128xf32, #tpu.memory_space<vmem>> -> memref<1x64x128xf32, #tpu.memory_space<vmem>>
        %dma_start3A_292 = tpu.memref_squeeze %dma_start3A_291 : memref<1x64x128xf32, #tpu.memory_space<vmem>> -> memref<64x128xf32, #tpu.memory_space<vmem>>
        %dma_start3A_293 = arith.constant 64 : i32
        %dma_start3A_294 = tpu.memref_slice %arg6[%add3A_276, %dma_start3A_293] : memref<40x128xi32, #tpu.memory_space<vmem>> -> memref<1x64xi32, #tpu.memory_space<vmem>>
        %dma_start3A_295 = tpu.memref_squeeze %dma_start3A_294 : memref<1x64xi32, #tpu.memory_space<vmem>> -> memref<64xi32, #tpu.memory_space<vmem>>
        %dma_start3A_296 = arith.constant 0 : i32
        %dma_start3A_297 = arith.constant 0 : i32
        %dma_start3A_298 = tpu.memref_slice %arg2[%dma_start3A_296, %dma_start3A_297] : memref<10240x128xf32, #tpu.memory_space<hbm>> -> memref<10240x128xf32, #tpu.memory_space<hbm>>
        tpu.enqueue_indirect_dma source(%dma_start3A_298 : memref<10240x128xf32, #tpu.memory_space<hbm>>) target(%dma_start3A_292 : memref<64x128xf32, #tpu.memory_space<vmem>>) offsets(%dma_start3A_295 : memref<64xi32, #tpu.memory_space<vmem>>) semaphore(%arg11 : memref<!tpu.dma_semaphore, #tpu.memory_space<semaphore_mem>>)
      } else {
      }
      %dma_wait3A_256 = arith.constant 1 : i32
      %dma_wait3A_257 = arith.constant 0 : i32
      %dma_wait3A_258 = arith.constant 0 : i32
      %dma_wait3A_259 = tpu.memref_slice %arg8[%dma_wait3A_256, %dma_wait3A_257, %dma_wait3A_258] : memref<2x128x128xf32, #tpu.memory_space<vmem>> -> memref<1x128x128xf32, #tpu.memory_space<vmem>>
      %dma_wait3A_260 = tpu.memref_squeeze %dma_wait3A_259 : memref<1x128x128xf32, #tpu.memory_space<vmem>> -> memref<128x128xf32, #tpu.memory_space<vmem>>
      %dma_wait3A_261 = arith.constant 0 : i32
      %dma_wait3A_262 = tpu.memref_slice %arg7[%add3A_208, %dma_wait3A_261] : memref<40x128xi32, #tpu.memory_space<vmem>> -> memref<1x128xi32, #tpu.memory_space<vmem>>
      %dma_wait3A_263 = tpu.memref_squeeze %dma_wait3A_262 : memref<1x128xi32, #tpu.memory_space<vmem>> -> memref<128xi32, #tpu.memory_space<vmem>>
      %dma_wait3A_264 = arith.constant 0 : i32
      %dma_wait3A_265 = arith.constant 0 : i32
      %dma_wait3A_266 = tpu.memref_slice %arg9[%dma_wait3A_264, %dma_wait3A_265] : memref<10240x128xf32, #tpu.memory_space<vmem_shared>> -> memref<10240x128xf32, #tpu.memory_space<vmem_shared>>
      tpu.wait_indirect_dma semaphore(%arg15 : memref<!tpu.dma_semaphore, #tpu.memory_space<semaphore_mem>>) src(%dma_wait3A_260 : memref<128x128xf32, #tpu.memory_space<vmem>>) dst(%dma_wait3A_266 : memref<10240x128xf32, #tpu.memory_space<vmem_shared>>)
      %sub3A_267 = arith.constant 1 : i32
      %sub3A_268 = arith.subi %select_n3A_47, %sub3A_267 : i32
      %lt3A_269 = arith.cmpi slt, %while3A_170, %sub3A_268 : i32
      %convert_element_type3A_270 = arith.extui %lt3A_269 : i1 to i32
      %cond3A_271 = arith.constant 0 : i32
      %cond3A_272 = arith.cmpi ne, %convert_element_type3A_270, %cond3A_271 : i32
      scf.if %cond3A_272 {
        %add3A_273 = arith.constant 2 : i32
        %add3A_274 = arith.addi %mul3A_172, %add3A_273 : i32
        %add3A_275 = arith.constant 1 : i32
        %add3A_276 = arith.addi %add3A_274, %add3A_275 : i32
        %dma_start3A_277 = arith.constant 1 : i32
        %dma_start3A_278 = arith.constant 0 : i32
        %dma_start3A_279 = arith.constant 0 : i32
        %dma_start3A_280 = tpu.memref_slice %arg8[%dma_start3A_277, %dma_start3A_278, %dma_start3A_279] : memref<2x128x128xf32, #tpu.memory_space<vmem>> -> memref<1x64x128xf32, #tpu.memory_space<vmem>>
        %dma_start3A_281 = tpu.memref_squeeze %dma_start3A_280 : memref<1x64x128xf32, #tpu.memory_space<vmem>> -> memref<64x128xf32, #tpu.memory_space<vmem>>
        %dma_start3A_282 = arith.constant 0 : i32
        %dma_start3A_283 = tpu.memref_slice %arg6[%add3A_276, %dma_start3A_282] : memref<40x128xi32, #tpu.memory_space<vmem>> -> memref<1x64xi32, #tpu.memory_space<vmem>>
        %dma_start3A_284 = tpu.memref_squeeze %dma_start3A_283 : memref<1x64xi32, #tpu.memory_space<vmem>> -> memref<64xi32, #tpu.memory_space<vmem>>
        %dma_start3A_285 = arith.constant 0 : i32
        %dma_start3A_286 = arith.constant 0 : i32
        %dma_start3A_287 = tpu.memref_slice %arg2[%dma_start3A_285, %dma_start3A_286] : memref<10240x128xf32, #tpu.memory_space<hbm>> -> memref<10240x128xf32, #tpu.memory_space<hbm>>
        tpu.enqueue_indirect_dma source(%dma_start3A_287 : memref<10240x128xf32, #tpu.memory_space<hbm>>) target(%dma_start3A_281 : memref<64x128xf32, #tpu.memory_space<vmem>>) offsets(%dma_start3A_284 : memref<64xi32, #tpu.memory_space<vmem>>) semaphore(%arg12 : memref<!tpu.dma_semaphore, #tpu.memory_space<semaphore_mem>>)
        %dma_start3A_288 = arith.constant 1 : i32
        %dma_start3A_289 = arith.constant 64 : i32
        %dma_start3A_290 = arith.constant 0 : i32
        %dma_start3A_291 = tpu.memref_slice %arg8[%dma_start3A_288, %dma_start3A_289, %dma_start3A_290] : memref<2x128x128xf32, #tpu.memory_space<vmem>> -> memref<1x64x128xf32, #tpu.memory_space<vmem>>
        %dma_start3A_292 = tpu.memref_squeeze %dma_start3A_291 : memref<1x64x128xf32, #tpu.memory_space<vmem>> -> memref<64x128xf32, #tpu.memory_space<vmem>>
        %dma_start3A_293 = arith.constant 64 : i32
        %dma_start3A_294 = tpu.memref_slice %arg6[%add3A_276, %dma_start3A_293] : memref<40x128xi32, #tpu.memory_space<vmem>> -> memref<1x64xi32, #tpu.memory_space<vmem>>
        %dma_start3A_295 = tpu.memref_squeeze %dma_start3A_294 : memref<1x64xi32, #tpu.memory_space<vmem>> -> memref<64xi32, #tpu.memory_space<vmem>>
        %dma_start3A_296 = arith.constant 0 : i32
        %dma_start3A_297 = arith.constant 0 : i32
        %dma_start3A_298 = tpu.memref_slice %arg2[%dma_start3A_296, %dma_start3A_297] : memref<10240x128xf32, #tpu.memory_space<hbm>> -> memref<10240x128xf32, #tpu.memory_space<hbm>>
        tpu.enqueue_indirect_dma source(%dma_start3A_298 : memref<10240x128xf32, #tpu.memory_space<hbm>>) target(%dma_start3A_292 : memref<64x128xf32, #tpu.memory_space<vmem>>) offsets(%dma_start3A_295 : memref<64xi32, #tpu.memory_space<vmem>>) semaphore(%arg13 : memref<!tpu.dma_semaphore, #tpu.memory_space<semaphore_mem>>)
      } else {
      }
    }
    %mul3A_107 = arith.constant 1 : i32
    %mul3A_108 = arith.muli %mul3A_107, %select_n3A_23 : i32
    %add3A_109 = arith.addi %add3A, %mul3A_108 : i32
    %multiple_of3A_110 = tpu.assume_multiple %add3A_109, 8 : i32
    "tpu.region"() ({
      %run_scoped3A = tpu.sem_alloc : memref<!tpu.dma_semaphore, #tpu.memory_space<semaphore_mem>>
      %dma_start3A_170 = arith.constant 0 : i32
      %dma_start3A_171 = tpu.memref_slice %arg3[%multiple_of3A_110, %dma_start3A_170] : memref<2600x128xi32, #tpu.memory_space<hbm>> -> memref<40x128xi32, #tpu.memory_space<hbm>>
      %dma_start3A_172 = arith.constant 0 : i32
      %dma_start3A_173 = tpu.memref_slice %arg3[%multiple_of3A_110, %dma_start3A_172] : memref<2600x128xi32, #tpu.memory_space<hbm>> -> memref<40x128xi32, #tpu.memory_space<hbm>>
      tpu.enqueue_dma source(%dma_start3A_173 : memref<40x128xi32, #tpu.memory_space<hbm>>) target(%arg6 : memref<40x128xi32, #tpu.memory_space<vmem>>) target_semaphore(%run_scoped3A : memref<!tpu.dma_semaphore, #tpu.memory_space<semaphore_mem>>)
      %dma_wait3A = arith.constant 0 : i32
      %dma_wait3A_174 = tpu.memref_slice %arg3[%multiple_of3A_110, %dma_wait3A] : memref<2600x128xi32, #tpu.memory_space<hbm>> -> memref<40x128xi32, #tpu.memory_space<hbm>>
      %dma_wait3A_175 = arith.constant 0 : i32
      %dma_wait3A_176 = tpu.memref_slice %arg3[%multiple_of3A_110, %dma_wait3A_175] : memref<2600x128xi32, #tpu.memory_space<hbm>> -> memref<40x128xi32, #tpu.memory_space<hbm>>
      tpu.wait_dma2 semaphore(%run_scoped3A : memref<!tpu.dma_semaphore, #tpu.memory_space<semaphore_mem>>) src(%dma_wait3A_176 : memref<40x128xi32, #tpu.memory_space<hbm>>) dst(%arg6 : memref<40x128xi32, #tpu.memory_space<vmem>>)
      tpu.yield
    }) : () -> ()
    "tpu.region"() ({
      %run_scoped3A = tpu.sem_alloc : memref<!tpu.dma_semaphore, #tpu.memory_space<semaphore_mem>>
      %dma_start3A_170 = arith.constant 0 : i32
      %dma_start3A_171 = tpu.memref_slice %arg4[%multiple_of3A_110, %dma_start3A_170] : memref<2600x128xi32, #tpu.memory_space<hbm>> -> memref<40x128xi32, #tpu.memory_space<hbm>>
      %dma_start3A_172 = arith.constant 0 : i32
      %dma_start3A_173 = tpu.memref_slice %arg4[%multiple_of3A_110, %dma_start3A_172] : memref<2600x128xi32, #tpu.memory_space<hbm>> -> memref<40x128xi32, #tpu.memory_space<hbm>>
      tpu.enqueue_dma source(%dma_start3A_173 : memref<40x128xi32, #tpu.memory_space<hbm>>) target(%arg7 : memref<40x128xi32, #tpu.memory_space<vmem>>) target_semaphore(%run_scoped3A : memref<!tpu.dma_semaphore, #tpu.memory_space<semaphore_mem>>)
      %dma_wait3A = arith.constant 0 : i32
      %dma_wait3A_174 = tpu.memref_slice %arg4[%multiple_of3A_110, %dma_wait3A] : memref<2600x128xi32, #tpu.memory_space<hbm>> -> memref<40x128xi32, #tpu.memory_space<hbm>>
      %dma_wait3A_175 = arith.constant 0 : i32
      %dma_wait3A_176 = tpu.memref_slice %arg4[%multiple_of3A_110, %dma_wait3A_175] : memref<2600x128xi32, #tpu.memory_space<hbm>> -> memref<40x128xi32, #tpu.memory_space<hbm>>
      tpu.wait_dma2 semaphore(%run_scoped3A : memref<!tpu.dma_semaphore, #tpu.memory_space<semaphore_mem>>) src(%dma_wait3A_176 : memref<40x128xi32, #tpu.memory_space<hbm>>) dst(%arg7 : memref<40x128xi32, #tpu.memory_space<vmem>>)
      tpu.yield
    }) : () -> ()
    %dma_start3A_111 = arith.constant 0 : i32
    %dma_start3A_112 = arith.constant 0 : i32
    %dma_start3A_113 = arith.constant 0 : i32
    %dma_start3A_114 = arith.constant 0 : i32
    %dma_start3A_115 = tpu.memref_slice %arg8[%dma_start3A_112, %dma_start3A_113, %dma_start3A_114] : memref<2x128x128xf32, #tpu.memory_space<vmem>> -> memref<1x64x128xf32, #tpu.memory_space<vmem>>
    %dma_start3A_116 = tpu.memref_squeeze %dma_start3A_115 : memref<1x64x128xf32, #tpu.memory_space<vmem>> -> memref<64x128xf32, #tpu.memory_space<vmem>>
    %dma_start3A_117 = arith.constant 0 : i32
    %dma_start3A_118 = tpu.memref_slice %arg6[%dma_start3A_111, %dma_start3A_117] : memref<40x128xi32, #tpu.memory_space<vmem>> -> memref<1x64xi32, #tpu.memory_space<vmem>>
    %dma_start3A_119 = tpu.memref_squeeze %dma_start3A_118 : memref<1x64xi32, #tpu.memory_space<vmem>> -> memref<64xi32, #tpu.memory_space<vmem>>
    %dma_start3A_120 = arith.constant 0 : i32
    %dma_start3A_121 = arith.constant 0 : i32
    %dma_start3A_122 = tpu.memref_slice %arg2[%dma_start3A_120, %dma_start3A_121] : memref<10240x128xf32, #tpu.memory_space<hbm>> -> memref<10240x128xf32, #tpu.memory_space<hbm>>
    tpu.enqueue_indirect_dma source(%dma_start3A_122 : memref<10240x128xf32, #tpu.memory_space<hbm>>) target(%dma_start3A_116 : memref<64x128xf32, #tpu.memory_space<vmem>>) offsets(%dma_start3A_119 : memref<64xi32, #tpu.memory_space<vmem>>) semaphore(%arg10 : memref<!tpu.dma_semaphore, #tpu.memory_space<semaphore_mem>>)
    %dma_start3A_123 = arith.constant 0 : i32
    %dma_start3A_124 = arith.constant 0 : i32
    %dma_start3A_125 = arith.constant 64 : i32
    %dma_start3A_126 = arith.constant 0 : i32
    %dma_start3A_127 = tpu.memref_slice %arg8[%dma_start3A_124, %dma_start3A_125, %dma_start3A_126] : memref<2x128x128xf32, #tpu.memory_space<vmem>> -> memref<1x64x128xf32, #tpu.memory_space<vmem>>
    %dma_start3A_128 = tpu.memref_squeeze %dma_start3A_127 : memref<1x64x128xf32, #tpu.memory_space<vmem>> -> memref<64x128xf32, #tpu.memory_space<vmem>>
    %dma_start3A_129 = arith.constant 64 : i32
    %dma_start3A_130 = tpu.memref_slice %arg6[%dma_start3A_123, %dma_start3A_129] : memref<40x128xi32, #tpu.memory_space<vmem>> -> memref<1x64xi32, #tpu.memory_space<vmem>>
    %dma_start3A_131 = tpu.memref_squeeze %dma_start3A_130 : memref<1x64xi32, #tpu.memory_space<vmem>> -> memref<64xi32, #tpu.memory_space<vmem>>
    %dma_start3A_132 = arith.constant 0 : i32
    %dma_start3A_133 = arith.constant 0 : i32
    %dma_start3A_134 = tpu.memref_slice %arg2[%dma_start3A_132, %dma_start3A_133] : memref<10240x128xf32, #tpu.memory_space<hbm>> -> memref<10240x128xf32, #tpu.memory_space<hbm>>
    tpu.enqueue_indirect_dma source(%dma_start3A_134 : memref<10240x128xf32, #tpu.memory_space<hbm>>) target(%dma_start3A_128 : memref<64x128xf32, #tpu.memory_space<vmem>>) offsets(%dma_start3A_131 : memref<64xi32, #tpu.memory_space<vmem>>) semaphore(%arg11 : memref<!tpu.dma_semaphore, #tpu.memory_space<semaphore_mem>>)
    %dma_start3A_135 = arith.constant 1 : i32
    %dma_start3A_136 = arith.constant 1 : i32
    %dma_start3A_137 = arith.constant 0 : i32
    %dma_start3A_138 = arith.constant 0 : i32
    %dma_start3A_139 = tpu.memref_slice %arg8[%dma_start3A_136, %dma_start3A_137, %dma_start3A_138] : memref<2x128x128xf32, #tpu.memory_space<vmem>> -> memref<1x64x128xf32, #tpu.memory_space<vmem>>
    %dma_start3A_140 = tpu.memref_squeeze %dma_start3A_139 : memref<1x64x128xf32, #tpu.memory_space<vmem>> -> memref<64x128xf32, #tpu.memory_space<vmem>>
    %dma_start3A_141 = arith.constant 0 : i32
    %dma_start3A_142 = tpu.memref_slice %arg6[%dma_start3A_135, %dma_start3A_141] : memref<40x128xi32, #tpu.memory_space<vmem>> -> memref<1x64xi32, #tpu.memory_space<vmem>>
    %dma_start3A_143 = tpu.memref_squeeze %dma_start3A_142 : memref<1x64xi32, #tpu.memory_space<vmem>> -> memref<64xi32, #tpu.memory_space<vmem>>
    %dma_start3A_144 = arith.constant 0 : i32
    %dma_start3A_145 = arith.constant 0 : i32
    %dma_start3A_146 = tpu.memref_slice %arg2[%dma_start3A_144, %dma_start3A_145] : memref<10240x128xf32, #tpu.memory_space<hbm>> -> memref<10240x128xf32, #tpu.memory_space<hbm>>
    tpu.enqueue_indirect_dma source(%dma_start3A_146 : memref<10240x128xf32, #tpu.memory_space<hbm>>) target(%dma_start3A_140 : memref<64x128xf32, #tpu.memory_space<vmem>>) offsets(%dma_start3A_143 : memref<64xi32, #tpu.memory_space<vmem>>) semaphore(%arg12 : memref<!tpu.dma_semaphore, #tpu.memory_space<semaphore_mem>>)
    %dma_start3A_147 = arith.constant 1 : i32
    %dma_start3A_148 = arith.constant 1 : i32
    %dma_start3A_149 = arith.constant 64 : i32
    %dma_start3A_150 = arith.constant 0 : i32
    %dma_start3A_151 = tpu.memref_slice %arg8[%dma_start3A_148, %dma_start3A_149, %dma_start3A_150] : memref<2x128x128xf32, #tpu.memory_space<vmem>> -> memref<1x64x128xf32, #tpu.memory_space<vmem>>
    %dma_start3A_152 = tpu.memref_squeeze %dma_start3A_151 : memref<1x64x128xf32, #tpu.memory_space<vmem>> -> memref<64x128xf32, #tpu.memory_space<vmem>>
    %dma_start3A_153 = arith.constant 64 : i32
    %dma_start3A_154 = tpu.memref_slice %arg6[%dma_start3A_147, %dma_start3A_153] : memref<40x128xi32, #tpu.memory_space<vmem>> -> memref<1x64xi32, #tpu.memory_space<vmem>>
    %dma_start3A_155 = tpu.memref_squeeze %dma_start3A_154 : memref<1x64xi32, #tpu.memory_space<vmem>> -> memref<64xi32, #tpu.memory_space<vmem>>
    %dma_start3A_156 = arith.constant 0 : i32
    %dma_start3A_157 = arith.constant 0 : i32
    %dma_start3A_158 = tpu.memref_slice %arg2[%dma_start3A_156, %dma_start3A_157] : memref<10240x128xf32, #tpu.memory_space<hbm>> -> memref<10240x128xf32, #tpu.memory_space<hbm>>
    tpu.enqueue_indirect_dma source(%dma_start3A_158 : memref<10240x128xf32, #tpu.memory_space<hbm>>) target(%dma_start3A_152 : memref<64x128xf32, #tpu.memory_space<vmem>>) offsets(%dma_start3A_155 : memref<64xi32, #tpu.memory_space<vmem>>) semaphore(%arg13 : memref<!tpu.dma_semaphore, #tpu.memory_space<semaphore_mem>>)
    %while3A_159 = arith.constant 0 : i32
    %while3A_160 = arith.constant 0 : i32
    %while3A_161 = arith.subi %select_n3A_47, %while3A_160 : i32
    %while3A_162 = arith.addi %while3A_160, %while3A_161 : i32
    %while3A_163 = arith.constant 1 : i32
    %while3A_164 = arith.divsi %while3A_161, %while3A_163 : i32
    %while3A_165 = arith.muli %while3A_164, %while3A_163 : i32
    %while3A_166 = arith.addi %while3A_160, %while3A_165 : i32
    %while3A_167 = arith.constant 1 : i32
    scf.for %while3A_170 = %while3A_160 to %while3A_166 step %while3A_167  : i32 {
      %mul3A_171 = arith.constant 2 : i32
      %mul3A_172 = arith.muli %mul3A_171, %while3A_170 : i32
      %add3A_173 = arith.constant 0 : i32
      %add3A_174 = arith.addi %mul3A_172, %add3A_173 : i32
      %dma_wait3A = arith.constant 0 : i32
      %dma_wait3A_175 = arith.constant 0 : i32
      %dma_wait3A_176 = arith.constant 0 : i32
      %dma_wait3A_177 = tpu.memref_slice %arg8[%dma_wait3A, %dma_wait3A_175, %dma_wait3A_176] : memref<2x128x128xf32, #tpu.memory_space<vmem>> -> memref<1x64x128xf32, #tpu.memory_space<vmem>>
      %dma_wait3A_178 = tpu.memref_squeeze %dma_wait3A_177 : memref<1x64x128xf32, #tpu.memory_space<vmem>> -> memref<64x128xf32, #tpu.memory_space<vmem>>
      %dma_wait3A_179 = arith.constant 0 : i32
      %dma_wait3A_180 = tpu.memref_slice %arg6[%add3A_174, %dma_wait3A_179] : memref<40x128xi32, #tpu.memory_space<vmem>> -> memref<1x64xi32, #tpu.memory_space<vmem>>
      %dma_wait3A_181 = tpu.memref_squeeze %dma_wait3A_180 : memref<1x64xi32, #tpu.memory_space<vmem>> -> memref<64xi32, #tpu.memory_space<vmem>>
      %dma_wait3A_182 = arith.constant 0 : i32
      %dma_wait3A_183 = arith.constant 0 : i32
      %dma_wait3A_184 = tpu.memref_slice %arg2[%dma_wait3A_182, %dma_wait3A_183] : memref<10240x128xf32, #tpu.memory_space<hbm>> -> memref<10240x128xf32, #tpu.memory_space<hbm>>
      tpu.wait_indirect_dma semaphore(%arg10 : memref<!tpu.dma_semaphore, #tpu.memory_space<semaphore_mem>>) src(%dma_wait3A_184 : memref<10240x128xf32, #tpu.memory_space<hbm>>) dst(%dma_wait3A_178 : memref<64x128xf32, #tpu.memory_space<vmem>>)
      %dma_wait3A_185 = arith.constant 0 : i32
      %dma_wait3A_186 = arith.constant 64 : i32
      %dma_wait3A_187 = arith.constant 0 : i32
      %dma_wait3A_188 = tpu.memref_slice %arg8[%dma_wait3A_185, %dma_wait3A_186, %dma_wait3A_187] : memref<2x128x128xf32, #tpu.memory_space<vmem>> -> memref<1x64x128xf32, #tpu.memory_space<vmem>>
      %dma_wait3A_189 = tpu.memref_squeeze %dma_wait3A_188 : memref<1x64x128xf32, #tpu.memory_space<vmem>> -> memref<64x128xf32, #tpu.memory_space<vmem>>
      %dma_wait3A_190 = arith.constant 64 : i32
      %dma_wait3A_191 = tpu.memref_slice %arg6[%add3A_174, %dma_wait3A_190] : memref<40x128xi32, #tpu.memory_space<vmem>> -> memref<1x64xi32, #tpu.memory_space<vmem>>
      %dma_wait3A_192 = tpu.memref_squeeze %dma_wait3A_191 : memref<1x64xi32, #tpu.memory_space<vmem>> -> memref<64xi32, #tpu.memory_space<vmem>>
      %dma_wait3A_193 = arith.constant 0 : i32
      %dma_wait3A_194 = arith.constant 0 : i32
      %dma_wait3A_195 = tpu.memref_slice %arg2[%dma_wait3A_193, %dma_wait3A_194] : memref<10240x128xf32, #tpu.memory_space<hbm>> -> memref<10240x128xf32, #tpu.memory_space<hbm>>
      tpu.wait_indirect_dma semaphore(%arg11 : memref<!tpu.dma_semaphore, #tpu.memory_space<semaphore_mem>>) src(%dma_wait3A_195 : memref<10240x128xf32, #tpu.memory_space<hbm>>) dst(%dma_wait3A_189 : memref<64x128xf32, #tpu.memory_space<vmem>>)
      %dma_start3A_196 = arith.constant 0 : i32
      %dma_start3A_197 = arith.constant 0 : i32
      %dma_start3A_198 = arith.constant 0 : i32
      %dma_start3A_199 = tpu.memref_slice %arg8[%dma_start3A_196, %dma_start3A_197, %dma_start3A_198] : memref<2x128x128xf32, #tpu.memory_space<vmem>> -> memref<1x128x128xf32, #tpu.memory_space<vmem>>
      %dma_start3A_200 = tpu.memref_squeeze %dma_start3A_199 : memref<1x128x128xf32, #tpu.memory_space<vmem>> -> memref<128x128xf32, #tpu.memory_space<vmem>>
      %dma_start3A_201 = arith.constant 0 : i32
      %dma_start3A_202 = tpu.memref_slice %arg7[%add3A_174, %dma_start3A_201] : memref<40x128xi32, #tpu.memory_space<vmem>> -> memref<1x128xi32, #tpu.memory_space<vmem>>
      %dma_start3A_203 = tpu.memref_squeeze %dma_start3A_202 : memref<1x128xi32, #tpu.memory_space<vmem>> -> memref<128xi32, #tpu.memory_space<vmem>>
      %dma_start3A_204 = arith.constant 0 : i32
      %dma_start3A_205 = arith.constant 0 : i32
      %dma_start3A_206 = tpu.memref_slice %arg9[%dma_start3A_204, %dma_start3A_205] : memref<10240x128xf32, #tpu.memory_space<vmem_shared>> -> memref<10240x128xf32, #tpu.memory_space<vmem_shared>>
      tpu.enqueue_indirect_dma source(%dma_start3A_200 : memref<128x128xf32, #tpu.memory_space<vmem>>) target(%dma_start3A_206 : memref<10240x128xf32, #tpu.memory_space<vmem_shared>>) offsets(%dma_start3A_203 : memref<128xi32, #tpu.memory_space<vmem>>) semaphore(%arg14 : memref<!tpu.dma_semaphore, #tpu.memory_space<semaphore_mem>>) {add = true}
      %add3A_207 = arith.constant 1 : i32
      %add3A_208 = arith.addi %mul3A_172, %add3A_207 : i32
      %dma_wait3A_209 = arith.constant 1 : i32
      %dma_wait3A_210 = arith.constant 0 : i32
      %dma_wait3A_211 = arith.constant 0 : i32
      %dma_wait3A_212 = tpu.memref_slice %arg8[%dma_wait3A_209, %dma_wait3A_210, %dma_wait3A_211] : memref<2x128x128xf32, #tpu.memory_space<vmem>> -> memref<1x64x128xf32, #tpu.memory_space<vmem>>
      %dma_wait3A_213 = tpu.memref_squeeze %dma_wait3A_212 : memref<1x64x128xf32, #tpu.memory_space<vmem>> -> memref<64x128xf32, #tpu.memory_space<vmem>>
      %dma_wait3A_214 = arith.constant 0 : i32
      %dma_wait3A_215 = tpu.memref_slice %arg6[%add3A_208, %dma_wait3A_214] : memref<40x128xi32, #tpu.memory_space<vmem>> -> memref<1x64xi32, #tpu.memory_space<vmem>>
      %dma_wait3A_216 = tpu.memref_squeeze %dma_wait3A_215 : memref<1x64xi32, #tpu.memory_space<vmem>> -> memref<64xi32, #tpu.memory_space<vmem>>
      %dma_wait3A_217 = arith.constant 0 : i32
      %dma_wait3A_218 = arith.constant 0 : i32
      %dma_wait3A_219 = tpu.memref_slice %arg2[%dma_wait3A_217, %dma_wait3A_218] : memref<10240x128xf32, #tpu.memory_space<hbm>> -> memref<10240x128xf32, #tpu.memory_space<hbm>>
      tpu.wait_indirect_dma semaphore(%arg12 : memref<!tpu.dma_semaphore, #tpu.memory_space<semaphore_mem>>) src(%dma_wait3A_219 : memref<10240x128xf32, #tpu.memory_space<hbm>>) dst(%dma_wait3A_213 : memref<64x128xf32, #tpu.memory_space<vmem>>)
      %dma_wait3A_220 = arith.constant 1 : i32
      %dma_wait3A_221 = arith.constant 64 : i32
      %dma_wait3A_222 = arith.constant 0 : i32
      %dma_wait3A_223 = tpu.memref_slice %arg8[%dma_wait3A_220, %dma_wait3A_221, %dma_wait3A_222] : memref<2x128x128xf32, #tpu.memory_space<vmem>> -> memref<1x64x128xf32, #tpu.memory_space<vmem>>
      %dma_wait3A_224 = tpu.memref_squeeze %dma_wait3A_223 : memref<1x64x128xf32, #tpu.memory_space<vmem>> -> memref<64x128xf32, #tpu.memory_space<vmem>>
      %dma_wait3A_225 = arith.constant 64 : i32
      %dma_wait3A_226 = tpu.memref_slice %arg6[%add3A_208, %dma_wait3A_225] : memref<40x128xi32, #tpu.memory_space<vmem>> -> memref<1x64xi32, #tpu.memory_space<vmem>>
      %dma_wait3A_227 = tpu.memref_squeeze %dma_wait3A_226 : memref<1x64xi32, #tpu.memory_space<vmem>> -> memref<64xi32, #tpu.memory_space<vmem>>
      %dma_wait3A_228 = arith.constant 0 : i32
      %dma_wait3A_229 = arith.constant 0 : i32
      %dma_wait3A_230 = tpu.memref_slice %arg2[%dma_wait3A_228, %dma_wait3A_229] : memref<10240x128xf32, #tpu.memory_space<hbm>> -> memref<10240x128xf32, #tpu.memory_space<hbm>>
      tpu.wait_indirect_dma semaphore(%arg13 : memref<!tpu.dma_semaphore, #tpu.memory_space<semaphore_mem>>) src(%dma_wait3A_230 : memref<10240x128xf32, #tpu.memory_space<hbm>>) dst(%dma_wait3A_224 : memref<64x128xf32, #tpu.memory_space<vmem>>)
      %dma_start3A_231 = arith.constant 1 : i32
      %dma_start3A_232 = arith.constant 0 : i32
      %dma_start3A_233 = arith.constant 0 : i32
      %dma_start3A_234 = tpu.memref_slice %arg8[%dma_start3A_231, %dma_start3A_232, %dma_start3A_233] : memref<2x128x128xf32, #tpu.memory_space<vmem>> -> memref<1x128x128xf32, #tpu.memory_space<vmem>>
      %dma_start3A_235 = tpu.memref_squeeze %dma_start3A_234 : memref<1x128x128xf32, #tpu.memory_space<vmem>> -> memref<128x128xf32, #tpu.memory_space<vmem>>
      %dma_start3A_236 = arith.constant 0 : i32
      %dma_start3A_237 = tpu.memref_slice %arg7[%add3A_208, %dma_start3A_236] : memref<40x128xi32, #tpu.memory_space<vmem>> -> memref<1x128xi32, #tpu.memory_space<vmem>>
      %dma_start3A_238 = tpu.memref_squeeze %dma_start3A_237 : memref<1x128xi32, #tpu.memory_space<vmem>> -> memref<128xi32, #tpu.memory_space<vmem>>
      %dma_start3A_239 = arith.constant 0 : i32
      %dma_start3A_240 = arith.constant 0 : i32
      %dma_start3A_241 = tpu.memref_slice %arg9[%dma_start3A_239, %dma_start3A_240] : memref<10240x128xf32, #tpu.memory_space<vmem_shared>> -> memref<10240x128xf32, #tpu.memory_space<vmem_shared>>
      tpu.enqueue_indirect_dma source(%dma_start3A_235 : memref<128x128xf32, #tpu.memory_space<vmem>>) target(%dma_start3A_241 : memref<10240x128xf32, #tpu.memory_space<vmem_shared>>) offsets(%dma_start3A_238 : memref<128xi32, #tpu.memory_space<vmem>>) semaphore(%arg15 : memref<!tpu.dma_semaphore, #tpu.memory_space<semaphore_mem>>) {add = true}
      %dma_wait3A_242 = arith.constant 0 : i32
      %dma_wait3A_243 = arith.constant 0 : i32
      %dma_wait3A_244 = arith.constant 0 : i32
      %dma_wait3A_245 = tpu.memref_slice %arg8[%dma_wait3A_242, %dma_wait3A_243, %dma_wait3A_244] : memref<2x128x128xf32, #tpu.memory_space<vmem>> -> memref<1x128x128xf32, #tpu.memory_space<vmem>>
      %dma_wait3A_246 = tpu.memref_squeeze %dma_wait3A_245 : memref<1x128x128xf32, #tpu.memory_space<vmem>> -> memref<128x128xf32, #tpu.memory_space<vmem>>
      %dma_wait3A_247 = arith.constant 0 : i32
      %dma_wait3A_248 = tpu.memref_slice %arg7[%add3A_174, %dma_wait3A_247] : memref<40x128xi32, #tpu.memory_space<vmem>> -> memref<1x128xi32, #tpu.memory_space<vmem>>
      %dma_wait3A_249 = tpu.memref_squeeze %dma_wait3A_248 : memref<1x128xi32, #tpu.memory_space<vmem>> -> memref<128xi32, #tpu.memory_space<vmem>>
      %dma_wait3A_250 = arith.constant 0 : i32
      %dma_wait3A_251 = arith.constant 0 : i32
      %dma_wait3A_252 = tpu.memref_slice %arg9[%dma_wait3A_250, %dma_wait3A_251] : memref<10240x128xf32, #tpu.memory_space<vmem_shared>> -> memref<10240x128xf32, #tpu.memory_space<vmem_shared>>
      tpu.wait_indirect_dma semaphore(%arg14 : memref<!tpu.dma_semaphore, #tpu.memory_space<semaphore_mem>>) src(%dma_wait3A_246 : memref<128x128xf32, #tpu.memory_space<vmem>>) dst(%dma_wait3A_252 : memref<10240x128xf32, #tpu.memory_space<vmem_shared>>)
      %sub3A_253 = arith.constant 1 : i32
      %sub3A_254 = arith.subi %select_n3A_47, %sub3A_253 : i32
      %lt3A = arith.cmpi slt, %while3A_170, %sub3A_254 : i32
      %convert_element_type3A = arith.extui %lt3A : i1 to i32
      %cond3A = arith.constant 0 : i32
      %cond3A_255 = arith.cmpi ne, %convert_element_type3A, %cond3A : i32
      scf.if %cond3A_255 {
        %add3A_273 = arith.constant 2 : i32
        %add3A_274 = arith.addi %mul3A_172, %add3A_273 : i32
        %add3A_275 = arith.constant 0 : i32
        %add3A_276 = arith.addi %add3A_274, %add3A_275 : i32
        %dma_start3A_277 = arith.constant 0 : i32
        %dma_start3A_278 = arith.constant 0 : i32
        %dma_start3A_279 = arith.constant 0 : i32
        %dma_start3A_280 = tpu.memref_slice %arg8[%dma_start3A_277, %dma_start3A_278, %dma_start3A_279] : memref<2x128x128xf32, #tpu.memory_space<vmem>> -> memref<1x64x128xf32, #tpu.memory_space<vmem>>
        %dma_start3A_281 = tpu.memref_squeeze %dma_start3A_280 : memref<1x64x128xf32, #tpu.memory_space<vmem>> -> memref<64x128xf32, #tpu.memory_space<vmem>>
        %dma_start3A_282 = arith.constant 0 : i32
        %dma_start3A_283 = tpu.memref_slice %arg6[%add3A_276, %dma_start3A_282] : memref<40x128xi32, #tpu.memory_space<vmem>> -> memref<1x64xi32, #tpu.memory_space<vmem>>
        %dma_start3A_284 = tpu.memref_squeeze %dma_start3A_283 : memref<1x64xi32, #tpu.memory_space<vmem>> -> memref<64xi32, #tpu.memory_space<vmem>>
        %dma_start3A_285 = arith.constant 0 : i32
        %dma_start3A_286 = arith.constant 0 : i32
        %dma_start3A_287 = tpu.memref_slice %arg2[%dma_start3A_285, %dma_start3A_286] : memref<10240x128xf32, #tpu.memory_space<hbm>> -> memref<10240x128xf32, #tpu.memory_space<hbm>>
        tpu.enqueue_indirect_dma source(%dma_start3A_287 : memref<10240x128xf32, #tpu.memory_space<hbm>>) target(%dma_start3A_281 : memref<64x128xf32, #tpu.memory_space<vmem>>) offsets(%dma_start3A_284 : memref<64xi32, #tpu.memory_space<vmem>>) semaphore(%arg10 : memref<!tpu.dma_semaphore, #tpu.memory_space<semaphore_mem>>)
        %dma_start3A_288 = arith.constant 0 : i32
        %dma_start3A_289 = arith.constant 64 : i32
        %dma_start3A_290 = arith.constant 0 : i32
        %dma_start3A_291 = tpu.memref_slice %arg8[%dma_start3A_288, %dma_start3A_289, %dma_start3A_290] : memref<2x128x128xf32, #tpu.memory_space<vmem>> -> memref<1x64x128xf32, #tpu.memory_space<vmem>>
        %dma_start3A_292 = tpu.memref_squeeze %dma_start3A_291 : memref<1x64x128xf32, #tpu.memory_space<vmem>> -> memref<64x128xf32, #tpu.memory_space<vmem>>
        %dma_start3A_293 = arith.constant 64 : i32
        %dma_start3A_294 = tpu.memref_slice %arg6[%add3A_276, %dma_start3A_293] : memref<40x128xi32, #tpu.memory_space<vmem>> -> memref<1x64xi32, #tpu.memory_space<vmem>>
        %dma_start3A_295 = tpu.memref_squeeze %dma_start3A_294 : memref<1x64xi32, #tpu.memory_space<vmem>> -> memref<64xi32, #tpu.memory_space<vmem>>
        %dma_start3A_296 = arith.constant 0 : i32
        %dma_start3A_297 = arith.constant 0 : i32
        %dma_start3A_298 = tpu.memref_slice %arg2[%dma_start3A_296, %dma_start3A_297] : memref<10240x128xf32, #tpu.memory_space<hbm>> -> memref<10240x128xf32, #tpu.memory_space<hbm>>
        tpu.enqueue_indirect_dma source(%dma_start3A_298 : memref<10240x128xf32, #tpu.memory_space<hbm>>) target(%dma_start3A_292 : memref<64x128xf32, #tpu.memory_space<vmem>>) offsets(%dma_start3A_295 : memref<64xi32, #tpu.memory_space<vmem>>) semaphore(%arg11 : memref<!tpu.dma_semaphore, #tpu.memory_space<semaphore_mem>>)
      } else {
      }
      %dma_wait3A_256 = arith.constant 1 : i32
      %dma_wait3A_257 = arith.constant 0 : i32
      %dma_wait3A_258 = arith.constant 0 : i32
      %dma_wait3A_259 = tpu.memref_slice %arg8[%dma_wait3A_256, %dma_wait3A_257, %dma_wait3A_258] : memref<2x128x128xf32, #tpu.memory_space<vmem>> -> memref<1x128x128xf32, #tpu.memory_space<vmem>>
      %dma_wait3A_260 = tpu.memref_squeeze %dma_wait3A_259 : memref<1x128x128xf32, #tpu.memory_space<vmem>> -> memref<128x128xf32, #tpu.memory_space<vmem>>
      %dma_wait3A_261 = arith.constant 0 : i32
      %dma_wait3A_262 = tpu.memref_slice %arg7[%add3A_208, %dma_wait3A_261] : memref<40x128xi32, #tpu.memory_space<vmem>> -> memref<1x128xi32, #tpu.memory_space<vmem>>
      %dma_wait3A_263 = tpu.memref_squeeze %dma_wait3A_262 : memref<1x128xi32, #tpu.memory_space<vmem>> -> memref<128xi32, #tpu.memory_space<vmem>>
      %dma_wait3A_264 = arith.constant 0 : i32
      %dma_wait3A_265 = arith.constant 0 : i32
      %dma_wait3A_266 = tpu.memref_slice %arg9[%dma_wait3A_264, %dma_wait3A_265] : memref<10240x128xf32, #tpu.memory_space<vmem_shared>> -> memref<10240x128xf32, #tpu.memory_space<vmem_shared>>
      tpu.wait_indirect_dma semaphore(%arg15 : memref<!tpu.dma_semaphore, #tpu.memory_space<semaphore_mem>>) src(%dma_wait3A_260 : memref<128x128xf32, #tpu.memory_space<vmem>>) dst(%dma_wait3A_266 : memref<10240x128xf32, #tpu.memory_space<vmem_shared>>)
      %sub3A_267 = arith.constant 1 : i32
      %sub3A_268 = arith.subi %select_n3A_47, %sub3A_267 : i32
      %lt3A_269 = arith.cmpi slt, %while3A_170, %sub3A_268 : i32
      %convert_element_type3A_270 = arith.extui %lt3A_269 : i1 to i32
      %cond3A_271 = arith.constant 0 : i32
      %cond3A_272 = arith.cmpi ne, %convert_element_type3A_270, %cond3A_271 : i32
      scf.if %cond3A_272 {
        %add3A_273 = arith.constant 2 : i32
        %add3A_274 = arith.addi %mul3A_172, %add3A_273 : i32
        %add3A_275 = arith.constant 1 : i32
        %add3A_276 = arith.addi %add3A_274, %add3A_275 : i32
        %dma_start3A_277 = arith.constant 1 : i32
        %dma_start3A_278 = arith.constant 0 : i32
        %dma_start3A_279 = arith.constant 0 : i32
        %dma_start3A_280 = tpu.memref_slice %arg8[%dma_start3A_277, %dma_start3A_278, %dma_start3A_279] : memref<2x128x128xf32, #tpu.memory_space<vmem>> -> memref<1x64x128xf32, #tpu.memory_space<vmem>>
        %dma_start3A_281 = tpu.memref_squeeze %dma_start3A_280 : memref<1x64x128xf32, #tpu.memory_space<vmem>> -> memref<64x128xf32, #tpu.memory_space<vmem>>
        %dma_start3A_282 = arith.constant 0 : i32
        %dma_start3A_283 = tpu.memref_slice %arg6[%add3A_276, %dma_start3A_282] : memref<40x128xi32, #tpu.memory_space<vmem>> -> memref<1x64xi32, #tpu.memory_space<vmem>>
        %dma_start3A_284 = tpu.memref_squeeze %dma_start3A_283 : memref<1x64xi32, #tpu.memory_space<vmem>> -> memref<64xi32, #tpu.memory_space<vmem>>
        %dma_start3A_285 = arith.constant 0 : i32
        %dma_start3A_286 = arith.constant 0 : i32
        %dma_start3A_287 = tpu.memref_slice %arg2[%dma_start3A_285, %dma_start3A_286] : memref<10240x128xf32, #tpu.memory_space<hbm>> -> memref<10240x128xf32, #tpu.memory_space<hbm>>
        tpu.enqueue_indirect_dma source(%dma_start3A_287 : memref<10240x128xf32, #tpu.memory_space<hbm>>) target(%dma_start3A_281 : memref<64x128xf32, #tpu.memory_space<vmem>>) offsets(%dma_start3A_284 : memref<64xi32, #tpu.memory_space<vmem>>) semaphore(%arg12 : memref<!tpu.dma_semaphore, #tpu.memory_space<semaphore_mem>>)
        %dma_start3A_288 = arith.constant 1 : i32
        %dma_start3A_289 = arith.constant 64 : i32
        %dma_start3A_290 = arith.constant 0 : i32
        %dma_start3A_291 = tpu.memref_slice %arg8[%dma_start3A_288, %dma_start3A_289, %dma_start3A_290] : memref<2x128x128xf32, #tpu.memory_space<vmem>> -> memref<1x64x128xf32, #tpu.memory_space<vmem>>
        %dma_start3A_292 = tpu.memref_squeeze %dma_start3A_291 : memref<1x64x128xf32, #tpu.memory_space<vmem>> -> memref<64x128xf32, #tpu.memory_space<vmem>>
        %dma_start3A_293 = arith.constant 64 : i32
        %dma_start3A_294 = tpu.memref_slice %arg6[%add3A_276, %dma_start3A_293] : memref<40x128xi32, #tpu.memory_space<vmem>> -> memref<1x64xi32, #tpu.memory_space<vmem>>
        %dma_start3A_295 = tpu.memref_squeeze %dma_start3A_294 : memref<1x64xi32, #tpu.memory_space<vmem>> -> memref<64xi32, #tpu.memory_space<vmem>>
        %dma_start3A_296 = arith.constant 0 : i32
        %dma_start3A_297 = arith.constant 0 : i32
        %dma_start3A_298 = tpu.memref_slice %arg2[%dma_start3A_296, %dma_start3A_297] : memref<10240x128xf32, #tpu.memory_space<hbm>> -> memref<10240x128xf32, #tpu.memory_space<hbm>>
        tpu.enqueue_indirect_dma source(%dma_start3A_298 : memref<10240x128xf32, #tpu.memory_space<hbm>>) target(%dma_start3A_292 : memref<64x128xf32, #tpu.memory_space<vmem>>) offsets(%dma_start3A_295 : memref<64xi32, #tpu.memory_space<vmem>>) semaphore(%arg13 : memref<!tpu.dma_semaphore, #tpu.memory_space<semaphore_mem>>)
      } else {
      }
    }
    %while3A_168 = arith.constant 1 : i32
    scf.for %while3A_170 = %while3A_166 to %while3A_162 step %while3A_168  : i32 {
      %mul3A_171 = arith.constant 2 : i32
      %mul3A_172 = arith.muli %mul3A_171, %while3A_170 : i32
      %add3A_173 = arith.constant 0 : i32
      %add3A_174 = arith.addi %mul3A_172, %add3A_173 : i32
      %dma_wait3A = arith.constant 0 : i32
      %dma_wait3A_175 = arith.constant 0 : i32
      %dma_wait3A_176 = arith.constant 0 : i32
      %dma_wait3A_177 = tpu.memref_slice %arg8[%dma_wait3A, %dma_wait3A_175, %dma_wait3A_176] : memref<2x128x128xf32, #tpu.memory_space<vmem>> -> memref<1x64x128xf32, #tpu.memory_space<vmem>>
      %dma_wait3A_178 = tpu.memref_squeeze %dma_wait3A_177 : memref<1x64x128xf32, #tpu.memory_space<vmem>> -> memref<64x128xf32, #tpu.memory_space<vmem>>
      %dma_wait3A_179 = arith.constant 0 : i32
      %dma_wait3A_180 = tpu.memref_slice %arg6[%add3A_174, %dma_wait3A_179] : memref<40x128xi32, #tpu.memory_space<vmem>> -> memref<1x64xi32, #tpu.memory_space<vmem>>
      %dma_wait3A_181 = tpu.memref_squeeze %dma_wait3A_180 : memref<1x64xi32, #tpu.memory_space<vmem>> -> memref<64xi32, #tpu.memory_space<vmem>>
      %dma_wait3A_182 = arith.constant 0 : i32
      %dma_wait3A_183 = arith.constant 0 : i32
      %dma_wait3A_184 = tpu.memref_slice %arg2[%dma_wait3A_182, %dma_wait3A_183] : memref<10240x128xf32, #tpu.memory_space<hbm>> -> memref<10240x128xf32, #tpu.memory_space<hbm>>
      tpu.wait_indirect_dma semaphore(%arg10 : memref<!tpu.dma_semaphore, #tpu.memory_space<semaphore_mem>>) src(%dma_wait3A_184 : memref<10240x128xf32, #tpu.memory_space<hbm>>) dst(%dma_wait3A_178 : memref<64x128xf32, #tpu.memory_space<vmem>>)
      %dma_wait3A_185 = arith.constant 0 : i32
      %dma_wait3A_186 = arith.constant 64 : i32
      %dma_wait3A_187 = arith.constant 0 : i32
      %dma_wait3A_188 = tpu.memref_slice %arg8[%dma_wait3A_185, %dma_wait3A_186, %dma_wait3A_187] : memref<2x128x128xf32, #tpu.memory_space<vmem>> -> memref<1x64x128xf32, #tpu.memory_space<vmem>>
      %dma_wait3A_189 = tpu.memref_squeeze %dma_wait3A_188 : memref<1x64x128xf32, #tpu.memory_space<vmem>> -> memref<64x128xf32, #tpu.memory_space<vmem>>
      %dma_wait3A_190 = arith.constant 64 : i32
      %dma_wait3A_191 = tpu.memref_slice %arg6[%add3A_174, %dma_wait3A_190] : memref<40x128xi32, #tpu.memory_space<vmem>> -> memref<1x64xi32, #tpu.memory_space<vmem>>
      %dma_wait3A_192 = tpu.memref_squeeze %dma_wait3A_191 : memref<1x64xi32, #tpu.memory_space<vmem>> -> memref<64xi32, #tpu.memory_space<vmem>>
      %dma_wait3A_193 = arith.constant 0 : i32
      %dma_wait3A_194 = arith.constant 0 : i32
      %dma_wait3A_195 = tpu.memref_slice %arg2[%dma_wait3A_193, %dma_wait3A_194] : memref<10240x128xf32, #tpu.memory_space<hbm>> -> memref<10240x128xf32, #tpu.memory_space<hbm>>
      tpu.wait_indirect_dma semaphore(%arg11 : memref<!tpu.dma_semaphore, #tpu.memory_space<semaphore_mem>>) src(%dma_wait3A_195 : memref<10240x128xf32, #tpu.memory_space<hbm>>) dst(%dma_wait3A_189 : memref<64x128xf32, #tpu.memory_space<vmem>>)
      %dma_start3A_196 = arith.constant 0 : i32
      %dma_start3A_197 = arith.constant 0 : i32
      %dma_start3A_198 = arith.constant 0 : i32
      %dma_start3A_199 = tpu.memref_slice %arg8[%dma_start3A_196, %dma_start3A_197, %dma_start3A_198] : memref<2x128x128xf32, #tpu.memory_space<vmem>> -> memref<1x128x128xf32, #tpu.memory_space<vmem>>
      %dma_start3A_200 = tpu.memref_squeeze %dma_start3A_199 : memref<1x128x128xf32, #tpu.memory_space<vmem>> -> memref<128x128xf32, #tpu.memory_space<vmem>>
      %dma_start3A_201 = arith.constant 0 : i32
      %dma_start3A_202 = tpu.memref_slice %arg7[%add3A_174, %dma_start3A_201] : memref<40x128xi32, #tpu.memory_space<vmem>> -> memref<1x128xi32, #tpu.memory_space<vmem>>
      %dma_start3A_203 = tpu.memref_squeeze %dma_start3A_202 : memref<1x128xi32, #tpu.memory_space<vmem>> -> memref<128xi32, #tpu.memory_space<vmem>>
      %dma_start3A_204 = arith.constant 0 : i32
      %dma_start3A_205 = arith.constant 0 : i32
      %dma_start3A_206 = tpu.memref_slice %arg9[%dma_start3A_204, %dma_start3A_205] : memref<10240x128xf32, #tpu.memory_space<vmem_shared>> -> memref<10240x128xf32, #tpu.memory_space<vmem_shared>>
      tpu.enqueue_indirect_dma source(%dma_start3A_200 : memref<128x128xf32, #tpu.memory_space<vmem>>) target(%dma_start3A_206 : memref<10240x128xf32, #tpu.memory_space<vmem_shared>>) offsets(%dma_start3A_203 : memref<128xi32, #tpu.memory_space<vmem>>) semaphore(%arg14 : memref<!tpu.dma_semaphore, #tpu.memory_space<semaphore_mem>>) {add = true}
      %add3A_207 = arith.constant 1 : i32
      %add3A_208 = arith.addi %mul3A_172, %add3A_207 : i32
      %dma_wait3A_209 = arith.constant 1 : i32
      %dma_wait3A_210 = arith.constant 0 : i32
      %dma_wait3A_211 = arith.constant 0 : i32
      %dma_wait3A_212 = tpu.memref_slice %arg8[%dma_wait3A_209, %dma_wait3A_210, %dma_wait3A_211] : memref<2x128x128xf32, #tpu.memory_space<vmem>> -> memref<1x64x128xf32, #tpu.memory_space<vmem>>
      %dma_wait3A_213 = tpu.memref_squeeze %dma_wait3A_212 : memref<1x64x128xf32, #tpu.memory_space<vmem>> -> memref<64x128xf32, #tpu.memory_space<vmem>>
      %dma_wait3A_214 = arith.constant 0 : i32
      %dma_wait3A_215 = tpu.memref_slice %arg6[%add3A_208, %dma_wait3A_214] : memref<40x128xi32, #tpu.memory_space<vmem>> -> memref<1x64xi32, #tpu.memory_space<vmem>>
      %dma_wait3A_216 = tpu.memref_squeeze %dma_wait3A_215 : memref<1x64xi32, #tpu.memory_space<vmem>> -> memref<64xi32, #tpu.memory_space<vmem>>
      %dma_wait3A_217 = arith.constant 0 : i32
      %dma_wait3A_218 = arith.constant 0 : i32
      %dma_wait3A_219 = tpu.memref_slice %arg2[%dma_wait3A_217, %dma_wait3A_218] : memref<10240x128xf32, #tpu.memory_space<hbm>> -> memref<10240x128xf32, #tpu.memory_space<hbm>>
      tpu.wait_indirect_dma semaphore(%arg12 : memref<!tpu.dma_semaphore, #tpu.memory_space<semaphore_mem>>) src(%dma_wait3A_219 : memref<10240x128xf32, #tpu.memory_space<hbm>>) dst(%dma_wait3A_213 : memref<64x128xf32, #tpu.memory_space<vmem>>)
      %dma_wait3A_220 = arith.constant 1 : i32
      %dma_wait3A_221 = arith.constant 64 : i32
      %dma_wait3A_222 = arith.constant 0 : i32
      %dma_wait3A_223 = tpu.memref_slice %arg8[%dma_wait3A_220, %dma_wait3A_221, %dma_wait3A_222] : memref<2x128x128xf32, #tpu.memory_space<vmem>> -> memref<1x64x128xf32, #tpu.memory_space<vmem>>
      %dma_wait3A_224 = tpu.memref_squeeze %dma_wait3A_223 : memref<1x64x128xf32, #tpu.memory_space<vmem>> -> memref<64x128xf32, #tpu.memory_space<vmem>>
      %dma_wait3A_225 = arith.constant 64 : i32
      %dma_wait3A_226 = tpu.memref_slice %arg6[%add3A_208, %dma_wait3A_225] : memref<40x128xi32, #tpu.memory_space<vmem>> -> memref<1x64xi32, #tpu.memory_space<vmem>>
      %dma_wait3A_227 = tpu.memref_squeeze %dma_wait3A_226 : memref<1x64xi32, #tpu.memory_space<vmem>> -> memref<64xi32, #tpu.memory_space<vmem>>
      %dma_wait3A_228 = arith.constant 0 : i32
      %dma_wait3A_229 = arith.constant 0 : i32
      %dma_wait3A_230 = tpu.memref_slice %arg2[%dma_wait3A_228, %dma_wait3A_229] : memref<10240x128xf32, #tpu.memory_space<hbm>> -> memref<10240x128xf32, #tpu.memory_space<hbm>>
      tpu.wait_indirect_dma semaphore(%arg13 : memref<!tpu.dma_semaphore, #tpu.memory_space<semaphore_mem>>) src(%dma_wait3A_230 : memref<10240x128xf32, #tpu.memory_space<hbm>>) dst(%dma_wait3A_224 : memref<64x128xf32, #tpu.memory_space<vmem>>)
      %dma_start3A_231 = arith.constant 1 : i32
      %dma_start3A_232 = arith.constant 0 : i32
      %dma_start3A_233 = arith.constant 0 : i32
      %dma_start3A_234 = tpu.memref_slice %arg8[%dma_start3A_231, %dma_start3A_232, %dma_start3A_233] : memref<2x128x128xf32, #tpu.memory_space<vmem>> -> memref<1x128x128xf32, #tpu.memory_space<vmem>>
      %dma_start3A_235 = tpu.memref_squeeze %dma_start3A_234 : memref<1x128x128xf32, #tpu.memory_space<vmem>> -> memref<128x128xf32, #tpu.memory_space<vmem>>
      %dma_start3A_236 = arith.constant 0 : i32
      %dma_start3A_237 = tpu.memref_slice %arg7[%add3A_208, %dma_start3A_236] : memref<40x128xi32, #tpu.memory_space<vmem>> -> memref<1x128xi32, #tpu.memory_space<vmem>>
      %dma_start3A_238 = tpu.memref_squeeze %dma_start3A_237 : memref<1x128xi32, #tpu.memory_space<vmem>> -> memref<128xi32, #tpu.memory_space<vmem>>
      %dma_start3A_239 = arith.constant 0 : i32
      %dma_start3A_240 = arith.constant 0 : i32
      %dma_start3A_241 = tpu.memref_slice %arg9[%dma_start3A_239, %dma_start3A_240] : memref<10240x128xf32, #tpu.memory_space<vmem_shared>> -> memref<10240x128xf32, #tpu.memory_space<vmem_shared>>
      tpu.enqueue_indirect_dma source(%dma_start3A_235 : memref<128x128xf32, #tpu.memory_space<vmem>>) target(%dma_start3A_241 : memref<10240x128xf32, #tpu.memory_space<vmem_shared>>) offsets(%dma_start3A_238 : memref<128xi32, #tpu.memory_space<vmem>>) semaphore(%arg15 : memref<!tpu.dma_semaphore, #tpu.memory_space<semaphore_mem>>) {add = true}
      %dma_wait3A_242 = arith.constant 0 : i32
      %dma_wait3A_243 = arith.constant 0 : i32
      %dma_wait3A_244 = arith.constant 0 : i32
      %dma_wait3A_245 = tpu.memref_slice %arg8[%dma_wait3A_242, %dma_wait3A_243, %dma_wait3A_244] : memref<2x128x128xf32, #tpu.memory_space<vmem>> -> memref<1x128x128xf32, #tpu.memory_space<vmem>>
      %dma_wait3A_246 = tpu.memref_squeeze %dma_wait3A_245 : memref<1x128x128xf32, #tpu.memory_space<vmem>> -> memref<128x128xf32, #tpu.memory_space<vmem>>
      %dma_wait3A_247 = arith.constant 0 : i32
      %dma_wait3A_248 = tpu.memref_slice %arg7[%add3A_174, %dma_wait3A_247] : memref<40x128xi32, #tpu.memory_space<vmem>> -> memref<1x128xi32, #tpu.memory_space<vmem>>
      %dma_wait3A_249 = tpu.memref_squeeze %dma_wait3A_248 : memref<1x128xi32, #tpu.memory_space<vmem>> -> memref<128xi32, #tpu.memory_space<vmem>>
      %dma_wait3A_250 = arith.constant 0 : i32
      %dma_wait3A_251 = arith.constant 0 : i32
      %dma_wait3A_252 = tpu.memref_slice %arg9[%dma_wait3A_250, %dma_wait3A_251] : memref<10240x128xf32, #tpu.memory_space<vmem_shared>> -> memref<10240x128xf32, #tpu.memory_space<vmem_shared>>
      tpu.wait_indirect_dma semaphore(%arg14 : memref<!tpu.dma_semaphore, #tpu.memory_space<semaphore_mem>>) src(%dma_wait3A_246 : memref<128x128xf32, #tpu.memory_space<vmem>>) dst(%dma_wait3A_252 : memref<10240x128xf32, #tpu.memory_space<vmem_shared>>)
      %sub3A_253 = arith.constant 1 : i32
      %sub3A_254 = arith.subi %select_n3A_47, %sub3A_253 : i32
      %lt3A = arith.cmpi slt, %while3A_170, %sub3A_254 : i32
      %convert_element_type3A = arith.extui %lt3A : i1 to i32
      %cond3A = arith.constant 0 : i32
      %cond3A_255 = arith.cmpi ne, %convert_element_type3A, %cond3A : i32
      scf.if %cond3A_255 {
        %add3A_273 = arith.constant 2 : i32
        %add3A_274 = arith.addi %mul3A_172, %add3A_273 : i32
        %add3A_275 = arith.constant 0 : i32
        %add3A_276 = arith.addi %add3A_274, %add3A_275 : i32
        %dma_start3A_277 = arith.constant 0 : i32
        %dma_start3A_278 = arith.constant 0 : i32
        %dma_start3A_279 = arith.constant 0 : i32
        %dma_start3A_280 = tpu.memref_slice %arg8[%dma_start3A_277, %dma_start3A_278, %dma_start3A_279] : memref<2x128x128xf32, #tpu.memory_space<vmem>> -> memref<1x64x128xf32, #tpu.memory_space<vmem>>
        %dma_start3A_281 = tpu.memref_squeeze %dma_start3A_280 : memref<1x64x128xf32, #tpu.memory_space<vmem>> -> memref<64x128xf32, #tpu.memory_space<vmem>>
        %dma_start3A_282 = arith.constant 0 : i32
        %dma_start3A_283 = tpu.memref_slice %arg6[%add3A_276, %dma_start3A_282] : memref<40x128xi32, #tpu.memory_space<vmem>> -> memref<1x64xi32, #tpu.memory_space<vmem>>
        %dma_start3A_284 = tpu.memref_squeeze %dma_start3A_283 : memref<1x64xi32, #tpu.memory_space<vmem>> -> memref<64xi32, #tpu.memory_space<vmem>>
        %dma_start3A_285 = arith.constant 0 : i32
        %dma_start3A_286 = arith.constant 0 : i32
        %dma_start3A_287 = tpu.memref_slice %arg2[%dma_start3A_285, %dma_start3A_286] : memref<10240x128xf32, #tpu.memory_space<hbm>> -> memref<10240x128xf32, #tpu.memory_space<hbm>>
        tpu.enqueue_indirect_dma source(%dma_start3A_287 : memref<10240x128xf32, #tpu.memory_space<hbm>>) target(%dma_start3A_281 : memref<64x128xf32, #tpu.memory_space<vmem>>) offsets(%dma_start3A_284 : memref<64xi32, #tpu.memory_space<vmem>>) semaphore(%arg10 : memref<!tpu.dma_semaphore, #tpu.memory_space<semaphore_mem>>)
        %dma_start3A_288 = arith.constant 0 : i32
        %dma_start3A_289 = arith.constant 64 : i32
        %dma_start3A_290 = arith.constant 0 : i32
        %dma_start3A_291 = tpu.memref_slice %arg8[%dma_start3A_288, %dma_start3A_289, %dma_start3A_290] : memref<2x128x128xf32, #tpu.memory_space<vmem>> -> memref<1x64x128xf32, #tpu.memory_space<vmem>>
        %dma_start3A_292 = tpu.memref_squeeze %dma_start3A_291 : memref<1x64x128xf32, #tpu.memory_space<vmem>> -> memref<64x128xf32, #tpu.memory_space<vmem>>
        %dma_start3A_293 = arith.constant 64 : i32
        %dma_start3A_294 = tpu.memref_slice %arg6[%add3A_276, %dma_start3A_293] : memref<40x128xi32, #tpu.memory_space<vmem>> -> memref<1x64xi32, #tpu.memory_space<vmem>>
        %dma_start3A_295 = tpu.memref_squeeze %dma_start3A_294 : memref<1x64xi32, #tpu.memory_space<vmem>> -> memref<64xi32, #tpu.memory_space<vmem>>
        %dma_start3A_296 = arith.constant 0 : i32
        %dma_start3A_297 = arith.constant 0 : i32
        %dma_start3A_298 = tpu.memref_slice %arg2[%dma_start3A_296, %dma_start3A_297] : memref<10240x128xf32, #tpu.memory_space<hbm>> -> memref<10240x128xf32, #tpu.memory_space<hbm>>
        tpu.enqueue_indirect_dma source(%dma_start3A_298 : memref<10240x128xf32, #tpu.memory_space<hbm>>) target(%dma_start3A_292 : memref<64x128xf32, #tpu.memory_space<vmem>>) offsets(%dma_start3A_295 : memref<64xi32, #tpu.memory_space<vmem>>) semaphore(%arg11 : memref<!tpu.dma_semaphore, #tpu.memory_space<semaphore_mem>>)
      } else {
      }
      %dma_wait3A_256 = arith.constant 1 : i32
      %dma_wait3A_257 = arith.constant 0 : i32
      %dma_wait3A_258 = arith.constant 0 : i32
      %dma_wait3A_259 = tpu.memref_slice %arg8[%dma_wait3A_256, %dma_wait3A_257, %dma_wait3A_258] : memref<2x128x128xf32, #tpu.memory_space<vmem>> -> memref<1x128x128xf32, #tpu.memory_space<vmem>>
      %dma_wait3A_260 = tpu.memref_squeeze %dma_wait3A_259 : memref<1x128x128xf32, #tpu.memory_space<vmem>> -> memref<128x128xf32, #tpu.memory_space<vmem>>
      %dma_wait3A_261 = arith.constant 0 : i32
      %dma_wait3A_262 = tpu.memref_slice %arg7[%add3A_208, %dma_wait3A_261] : memref<40x128xi32, #tpu.memory_space<vmem>> -> memref<1x128xi32, #tpu.memory_space<vmem>>
      %dma_wait3A_263 = tpu.memref_squeeze %dma_wait3A_262 : memref<1x128xi32, #tpu.memory_space<vmem>> -> memref<128xi32, #tpu.memory_space<vmem>>
      %dma_wait3A_264 = arith.constant 0 : i32
      %dma_wait3A_265 = arith.constant 0 : i32
      %dma_wait3A_266 = tpu.memref_slice %arg9[%dma_wait3A_264, %dma_wait3A_265] : memref<10240x128xf32, #tpu.memory_space<vmem_shared>> -> memref<10240x128xf32, #tpu.memory_space<vmem_shared>>
      tpu.wait_indirect_dma semaphore(%arg15 : memref<!tpu.dma_semaphore, #tpu.memory_space<semaphore_mem>>) src(%dma_wait3A_260 : memref<128x128xf32, #tpu.memory_space<vmem>>) dst(%dma_wait3A_266 : memref<10240x128xf32, #tpu.memory_space<vmem_shared>>)
      %sub3A_267 = arith.constant 1 : i32
      %sub3A_268 = arith.subi %select_n3A_47, %sub3A_267 : i32
      %lt3A_269 = arith.cmpi slt, %while3A_170, %sub3A_268 : i32
      %convert_element_type3A_270 = arith.extui %lt3A_269 : i1 to i32
      %cond3A_271 = arith.constant 0 : i32
      %cond3A_272 = arith.cmpi ne, %convert_element_type3A_270, %cond3A_271 : i32
      scf.if %cond3A_272 {
        %add3A_273 = arith.constant 2 : i32
        %add3A_274 = arith.addi %mul3A_172, %add3A_273 : i32
        %add3A_275 = arith.constant 1 : i32
        %add3A_276 = arith.addi %add3A_274, %add3A_275 : i32
        %dma_start3A_277 = arith.constant 1 : i32
        %dma_start3A_278 = arith.constant 0 : i32
        %dma_start3A_279 = arith.constant 0 : i32
        %dma_start3A_280 = tpu.memref_slice %arg8[%dma_start3A_277, %dma_start3A_278, %dma_start3A_279] : memref<2x128x128xf32, #tpu.memory_space<vmem>> -> memref<1x64x128xf32, #tpu.memory_space<vmem>>
        %dma_start3A_281 = tpu.memref_squeeze %dma_start3A_280 : memref<1x64x128xf32, #tpu.memory_space<vmem>> -> memref<64x128xf32, #tpu.memory_space<vmem>>
        %dma_start3A_282 = arith.constant 0 : i32
        %dma_start3A_283 = tpu.memref_slice %arg6[%add3A_276, %dma_start3A_282] : memref<40x128xi32, #tpu.memory_space<vmem>> -> memref<1x64xi32, #tpu.memory_space<vmem>>
        %dma_start3A_284 = tpu.memref_squeeze %dma_start3A_283 : memref<1x64xi32, #tpu.memory_space<vmem>> -> memref<64xi32, #tpu.memory_space<vmem>>
        %dma_start3A_285 = arith.constant 0 : i32
        %dma_start3A_286 = arith.constant 0 : i32
        %dma_start3A_287 = tpu.memref_slice %arg2[%dma_start3A_285, %dma_start3A_286] : memref<10240x128xf32, #tpu.memory_space<hbm>> -> memref<10240x128xf32, #tpu.memory_space<hbm>>
        tpu.enqueue_indirect_dma source(%dma_start3A_287 : memref<10240x128xf32, #tpu.memory_space<hbm>>) target(%dma_start3A_281 : memref<64x128xf32, #tpu.memory_space<vmem>>) offsets(%dma_start3A_284 : memref<64xi32, #tpu.memory_space<vmem>>) semaphore(%arg12 : memref<!tpu.dma_semaphore, #tpu.memory_space<semaphore_mem>>)
        %dma_start3A_288 = arith.constant 1 : i32
        %dma_start3A_289 = arith.constant 64 : i32
        %dma_start3A_290 = arith.constant 0 : i32
        %dma_start3A_291 = tpu.memref_slice %arg8[%dma_start3A_288, %dma_start3A_289, %dma_start3A_290] : memref<2x128x128xf32, #tpu.memory_space<vmem>> -> memref<1x64x128xf32, #tpu.memory_space<vmem>>
        %dma_start3A_292 = tpu.memref_squeeze %dma_start3A_291 : memref<1x64x128xf32, #tpu.memory_space<vmem>> -> memref<64x128xf32, #tpu.memory_space<vmem>>
        %dma_start3A_293 = arith.constant 64 : i32
        %dma_start3A_294 = tpu.memref_slice %arg6[%add3A_276, %dma_start3A_293] : memref<40x128xi32, #tpu.memory_space<vmem>> -> memref<1x64xi32, #tpu.memory_space<vmem>>
        %dma_start3A_295 = tpu.memref_squeeze %dma_start3A_294 : memref<1x64xi32, #tpu.memory_space<vmem>> -> memref<64xi32, #tpu.memory_space<vmem>>
        %dma_start3A_296 = arith.constant 0 : i32
        %dma_start3A_297 = arith.constant 0 : i32
        %dma_start3A_298 = tpu.memref_slice %arg2[%dma_start3A_296, %dma_start3A_297] : memref<10240x128xf32, #tpu.memory_space<hbm>> -> memref<10240x128xf32, #tpu.memory_space<hbm>>
        tpu.enqueue_indirect_dma source(%dma_start3A_298 : memref<10240x128xf32, #tpu.memory_space<hbm>>) target(%dma_start3A_292 : memref<64x128xf32, #tpu.memory_space<vmem>>) offsets(%dma_start3A_295 : memref<64xi32, #tpu.memory_space<vmem>>) semaphore(%arg13 : memref<!tpu.dma_semaphore, #tpu.memory_space<semaphore_mem>>)
      } else {
      }
    }
    %barrier3A_169 = arith.constant 0 : index
    tpu.barrier barrier_id(%barrier3A_169)
    "tpu.region"() ({
      %run_scoped3A = tpu.sem_alloc : memref<!tpu.dma_semaphore, #tpu.memory_space<semaphore_mem>>
      %dma_start3A_170 = arith.constant 0 : i32
      %dma_start3A_171 = tpu.memref_slice %arg5[%arg0, %mul3A_0, %dma_start3A_170] : memref<2x10240x128xf32, #tpu.memory_space<hbm>> -> memref<1x640x128xf32, #tpu.memory_space<hbm>>
      %dma_start3A_172 = tpu.memref_squeeze %dma_start3A_171 : memref<1x640x128xf32, #tpu.memory_space<hbm>> -> memref<640x128xf32, #tpu.memory_space<hbm>>
      %dma_start3A_173 = arith.constant 0 : i32
      %dma_start3A_174 = tpu.memref_slice %arg9[%mul3A_0, %dma_start3A_173] : memref<10240x128xf32, #tpu.memory_space<vmem_shared>> -> memref<640x128xf32, #tpu.memory_space<vmem_shared>>
      tpu.enqueue_dma source(%dma_start3A_174 : memref<640x128xf32, #tpu.memory_space<vmem_shared>>) target(%dma_start3A_172 : memref<640x128xf32, #tpu.memory_space<hbm>>) target_semaphore(%run_scoped3A : memref<!tpu.dma_semaphore, #tpu.memory_space<semaphore_mem>>)
      %dma_wait3A = arith.constant 0 : i32
      %dma_wait3A_175 = tpu.memref_slice %arg5[%arg0, %mul3A_0, %dma_wait3A] : memref<2x10240x128xf32, #tpu.memory_space<hbm>> -> memref<1x640x128xf32, #tpu.memory_space<hbm>>
      %dma_wait3A_176 = tpu.memref_squeeze %dma_wait3A_175 : memref<1x640x128xf32, #tpu.memory_space<hbm>> -> memref<640x128xf32, #tpu.memory_space<hbm>>
      %dma_wait3A_177 = arith.constant 0 : i32
      %dma_wait3A_178 = tpu.memref_slice %arg9[%mul3A_0, %dma_wait3A_177] : memref<10240x128xf32, #tpu.memory_space<vmem_shared>> -> memref<640x128xf32, #tpu.memory_space<vmem_shared>>
      tpu.wait_dma2 semaphore(%run_scoped3A : memref<!tpu.dma_semaphore, #tpu.memory_space<semaphore_mem>>) src(%dma_wait3A_178 : memref<640x128xf32, #tpu.memory_space<vmem_shared>>) dst(%dma_wait3A_176 : memref<640x128xf32, #tpu.memory_space<hbm>>)
      tpu.yield
    }) : () -> ()
    return
  }
}

module attributes {stable_mosaic.version = 14 : i64} {
  func.func @_g_body(%arg0: i32, %arg1: memref<1280x128xf32, #tpu.memory_space<vmem>>, %arg2: memref<128x128xf32, #tpu.memory_space<vmem>>, %arg3: memref<1280x2xf32, #tpu.memory_space<vmem>>, %arg4: memref<1280x128xf32, #tpu.memory_space<vmem>>) attributes {dimension_semantics = [#tpu.dimension_semantics<arbitrary>], iteration_bounds = array<i64: 8>, scalar_prefetch = 0 : i64, scratch_operands = 0 : i64, tpu.core_type = #tpu.core_type<tc>, window_params = [{transform_indices = @transform_0, window_bounds = array<i64: 1280, 128>}, {pipeline_mode = #tpu.pipeline_mode<synchronous>, transform_indices = @transform_1, window_bounds = array<i64: 128, 128>}, {transform_indices = @transform_2, window_bounds = array<i64: 1280, 2>}, {transform_indices = @transform_3, window_bounds = array<i64: 1280, 128>}]} {
    %get3A = arith.constant 0 : index
    %get3A_0 = arith.constant 0 : index
    %get3A_1 = vector.load %arg3[%get3A, %get3A_0] : memref<1280x2xf32, #tpu.memory_space<vmem>>, vector<1280x1xf32>
    %get3A_2 = arith.constant 0 : index
    %get3A_3 = arith.constant 1 : index
    %get3A_4 = vector.load %arg3[%get3A_2, %get3A_3] : memref<1280x2xf32, #tpu.memory_space<vmem>>, vector<1280x1xf32>
    %add3A = arith.addf %get3A_1, %get3A_4 : vector<1280x1xf32>
    %sub3A = arith.constant 1.000000e+00 : f32
    %sub3A_5 = vector.broadcast %sub3A : f32 to vector<1280x1xf32>
    %sub3A_6 = arith.subf %add3A, %sub3A_5 : vector<1280x1xf32>
    %rsqrt3A = math.rsqrt %sub3A_6 : vector<1280x1xf32>
    %get3A_7 = arith.constant 0 : index
    %get3A_8 = arith.constant 0 : index
    %get3A_9 = vector.load %arg1[%get3A_7, %get3A_8] : memref<1280x128xf32, #tpu.memory_space<vmem>>, vector<1280x128xf32>
    %get3A_10 = arith.constant 0 : index
    %get3A_11 = arith.constant 0 : index
    %get3A_12 = vector.load %arg2[%get3A_10, %get3A_11] : memref<128x128xf32, #tpu.memory_space<vmem>>, vector<128x128xf32>
    %dot_general3A = arith.constant dense<0.000000e+00> : vector<1280x128xf32>
    %dot_general3A_13 = tpu.matmul %get3A_9, %get3A_12, %dot_general3A {dimension_numbers = #tpu.dot_dimension_numbers<[1], [0], [0], [1], [0, 0, 1, 1], [], []>, transpose_lhs_hint = false} : vector<1280x128xf32>, vector<128x128xf32>, vector<1280x128xf32> -> vector<1280x128xf32>
    %mul3A = vector.broadcast %rsqrt3A : vector<1280x1xf32> to vector<1280x128xf32>
    %mul3A_14 = arith.mulf %dot_general3A_13, %mul3A : vector<1280x128xf32>
    %swap3A = arith.constant 0 : index
    %swap3A_15 = arith.constant 0 : index
    %swap3A_16 = vector.load %arg4[%swap3A, %swap3A_15] : memref<1280x128xf32, #tpu.memory_space<vmem>>, vector<1280x128xf32>
    tpu.vector_store %arg4[%swap3A, %swap3A_15], %mul3A_14 {strides = array<i32>} : memref<1280x128xf32, #tpu.memory_space<vmem>>, vector<1280x128xf32>,
    return
  }
  func.func @transform_0(%arg0: i32) -> (i32, i32) {
    %c0_i32 = arith.constant 0 : i32
    %c0_i32_0 = arith.constant 0 : i32
    return %arg0, %c0_i32 : i32, i32
  }
  func.func @transform_1(%arg0: i32) -> (i32, i32) {
    %c0_i32 = arith.constant 0 : i32
    %c0_i32_0 = arith.constant 0 : i32
    %c0_i32_1 = arith.constant 0 : i32
    return %c0_i32, %c0_i32_0 : i32, i32
  }
  func.func @transform_2(%arg0: i32) -> (i32, i32) {
    %c0_i32 = arith.constant 0 : i32
    %c0_i32_0 = arith.constant 0 : i32
    return %arg0, %c0_i32 : i32, i32
  }
  func.func @transform_3(%arg0: i32) -> (i32, i32) {
    %c0_i32 = arith.constant 0 : i32
    %c0_i32_0 = arith.constant 0 : i32
    return %arg0, %c0_i32 : i32, i32
  }
}

module attributes {stable_mosaic.version = 14 : i64} {
  func.func @_fin1_body(%arg0: i32, %arg1: memref<2x1280x128xf32, #tpu.memory_space<vmem>>, %arg2: memref<1280x128xf32, #tpu.memory_space<vmem>>, %arg3: memref<1280x2xf32, #tpu.memory_space<vmem>>, %arg4: memref<1x128xf32, #tpu.memory_space<vmem>>, %arg5: memref<128x128xf32, #tpu.memory_space<vmem>>, %arg6: memref<1280x128xf32, #tpu.memory_space<vmem>>, %arg7: memref<1280x128xf32, #tpu.memory_space<vmem>>) attributes {dimension_semantics = [#tpu.dimension_semantics<arbitrary>], iteration_bounds = array<i64: 8>, scalar_prefetch = 0 : i64, scratch_operands = 0 : i64, tpu.core_type = #tpu.core_type<tc>, window_params = [{transform_indices = @transform_0, window_bounds = array<i64: 2, 1280, 128>}, {transform_indices = @transform_1, window_bounds = array<i64: 1280, 128>}, {transform_indices = @transform_2, window_bounds = array<i64: 1280, 2>}, {pipeline_mode = #tpu.pipeline_mode<synchronous>, transform_indices = @transform_3, window_bounds = array<i64: 1, 128>}, {pipeline_mode = #tpu.pipeline_mode<synchronous>, transform_indices = @transform_4, window_bounds = array<i64: 128, 128>}, {transform_indices = @transform_5, window_bounds = array<i64: 1280, 128>}, {transform_indices = @transform_6, window_bounds = array<i64: 1280, 128>}]} {
    %get3A = arith.constant 0 : index
    %get3A_0 = arith.constant 0 : index
    %get3A_1 = vector.load %arg3[%get3A, %get3A_0] : memref<1280x2xf32, #tpu.memory_space<vmem>>, vector<1280x1xf32>
    %get3A_2 = arith.constant 0 : index
    %get3A_3 = arith.constant 1 : index
    %get3A_4 = vector.load %arg3[%get3A_2, %get3A_3] : memref<1280x2xf32, #tpu.memory_space<vmem>>, vector<1280x1xf32>
    %add3A = arith.addf %get3A_1, %get3A_4 : vector<1280x1xf32>
    %sub3A = arith.constant 1.000000e+00 : f32
    %sub3A_5 = vector.broadcast %sub3A : f32 to vector<1280x1xf32>
    %sub3A_6 = arith.subf %add3A, %sub3A_5 : vector<1280x1xf32>
    %rsqrt3A = math.rsqrt %sub3A_6 : vector<1280x1xf32>
    %get3A_7 = arith.constant 0 : index
    %get3A_8 = arith.constant 0 : index
    %get3A_9 = arith.constant 0 : index
    %get3A_10 = vector.load %arg1[%get3A_7, %get3A_8, %get3A_9] : memref<2x1280x128xf32, #tpu.memory_space<vmem>>, vector<1x1280x128xf32>
    %get3A_11 = vector.shape_cast %get3A_10 : vector<1x1280x128xf32> to vector<1280x128xf32>
    %get3A_12 = arith.constant 1 : index
    %get3A_13 = arith.constant 0 : index
    %get3A_14 = arith.constant 0 : index
    %get3A_15 = vector.load %arg1[%get3A_12, %get3A_13, %get3A_14] : memref<2x1280x128xf32, #tpu.memory_space<vmem>>, vector<1x1280x128xf32>
    %get3A_16 = vector.shape_cast %get3A_15 : vector<1x1280x128xf32> to vector<1280x128xf32>
    %add3A_17 = arith.addf %get3A_11, %get3A_16 : vector<1280x128xf32>
    %get3A_18 = arith.constant 0 : index
    %get3A_19 = arith.constant 0 : index
    %get3A_20 = vector.load %arg2[%get3A_18, %get3A_19] : memref<1280x128xf32, #tpu.memory_space<vmem>>, vector<1280x128xf32>
    %sub3A_21 = arith.subf %add3A_17, %get3A_20 : vector<1280x128xf32>
    %mul3A = vector.broadcast %rsqrt3A : vector<1280x1xf32> to vector<1280x128xf32>
    %mul3A_22 = arith.mulf %sub3A_21, %mul3A : vector<1280x128xf32>
    %get3A_23 = arith.constant 0 : index
    %get3A_24 = arith.constant 0 : index
    %get3A_25 = vector.load %arg4[%get3A_23, %get3A_24] : memref<1x128xf32, #tpu.memory_space<vmem>>, vector<1x128xf32>
    %add3A_26 = vector.broadcast %get3A_25 : vector<1x128xf32> to vector<1280x128xf32>
    %add3A_27 = arith.addf %mul3A_22, %add3A_26 : vector<1280x128xf32>
    %mul3A_28 = arith.constant 0.00999999977 : f32
    %mul3A_29 = vector.broadcast %mul3A_28 : f32 to vector<1280x128xf32>
    %mul3A_30 = arith.mulf %mul3A_29, %add3A_27 : vector<1280x128xf32>
    %max3A = arith.maximumf %add3A_27, %mul3A_30 : vector<1280x128xf32>
    %swap3A = arith.constant 0 : index
    %swap3A_31 = arith.constant 0 : index
    %swap3A_32 = vector.load %arg6[%swap3A, %swap3A_31] : memref<1280x128xf32, #tpu.memory_space<vmem>>, vector<1280x128xf32>
    tpu.vector_store %arg6[%swap3A, %swap3A_31], %max3A {strides = array<i32>} : memref<1280x128xf32, #tpu.memory_space<vmem>>, vector<1280x128xf32>,
    %get3A_33 = arith.constant 0 : index
    %get3A_34 = arith.constant 0 : index
    %get3A_35 = vector.load %arg5[%get3A_33, %get3A_34] : memref<128x128xf32, #tpu.memory_space<vmem>>, vector<128x128xf32>
    %dot_general3A = arith.constant dense<0.000000e+00> : vector<1280x128xf32>
    %dot_general3A_36 = tpu.matmul %max3A, %get3A_35, %dot_general3A {dimension_numbers = #tpu.dot_dimension_numbers<[1], [0], [0], [1], [0, 0, 1, 1], [], []>, transpose_lhs_hint = false} : vector<1280x128xf32>, vector<128x128xf32>, vector<1280x128xf32> -> vector<1280x128xf32>
    %mul3A_37 = vector.broadcast %rsqrt3A : vector<1280x1xf32> to vector<1280x128xf32>
    %mul3A_38 = arith.mulf %dot_general3A_36, %mul3A_37 : vector<1280x128xf32>
    %swap3A_39 = arith.constant 0 : index
    %swap3A_40 = arith.constant 0 : index
    %swap3A_41 = vector.load %arg7[%swap3A_39, %swap3A_40] : memref<1280x128xf32, #tpu.memory_space<vmem>>, vector<1280x128xf32>
    tpu.vector_store %arg7[%swap3A_39, %swap3A_40], %mul3A_38 {strides = array<i32>} : memref<1280x128xf32, #tpu.memory_space<vmem>>, vector<1280x128xf32>,
    return
  }
  func.func @transform_0(%arg0: i32) -> (i32, i32, i32) {
    %c0_i32 = arith.constant 0 : i32
    %c0_i32_0 = arith.constant 0 : i32
    %c0_i32_1 = arith.constant 0 : i32
    return %c0_i32, %arg0, %c0_i32_0 : i32, i32, i32
  }
  func.func @transform_1(%arg0: i32) -> (i32, i32) {
    %c0_i32 = arith.constant 0 : i32
    %c0_i32_0 = arith.constant 0 : i32
    return %arg0, %c0_i32 : i32, i32
  }
  func.func @transform_2(%arg0: i32) -> (i32, i32) {
    %c0_i32 = arith.constant 0 : i32
    %c0_i32_0 = arith.constant 0 : i32
    return %arg0, %c0_i32 : i32, i32
  }
  func.func @transform_3(%arg0: i32) -> (i32, i32) {
    %c0_i32 = arith.constant 0 : i32
    %c0_i32_0 = arith.constant 0 : i32
    %c0_i32_1 = arith.constant 0 : i32
    return %c0_i32, %c0_i32_0 : i32, i32
  }
  func.func @transform_4(%arg0: i32) -> (i32, i32) {
    %c0_i32 = arith.constant 0 : i32
    %c0_i32_0 = arith.constant 0 : i32
    %c0_i32_1 = arith.constant 0 : i32
    return %c0_i32, %c0_i32_0 : i32, i32
  }
  func.func @transform_5(%arg0: i32) -> (i32, i32) {
    %c0_i32 = arith.constant 0 : i32
    %c0_i32_0 = arith.constant 0 : i32
    return %arg0, %c0_i32 : i32, i32
  }
  func.func @transform_6(%arg0: i32) -> (i32, i32) {
    %c0_i32 = arith.constant 0 : i32
    %c0_i32_0 = arith.constant 0 : i32
    return %arg0, %c0_i32 : i32, i32
  }
}

module attributes {stable_mosaic.version = 14 : i64} {
  func.func @_fin2_body(%arg0: i32, %arg1: memref<2x1280x128xf32, #tpu.memory_space<vmem>>, %arg2: memref<1280x128xf32, #tpu.memory_space<vmem>>, %arg3: memref<1280x2xf32, #tpu.memory_space<vmem>>, %arg4: memref<1x128xf32, #tpu.memory_space<vmem>>, %arg5: memref<1280x128xf32, #tpu.memory_space<vmem>>) attributes {dimension_semantics = [#tpu.dimension_semantics<arbitrary>], iteration_bounds = array<i64: 8>, scalar_prefetch = 0 : i64, scratch_operands = 0 : i64, tpu.core_type = #tpu.core_type<tc>, window_params = [{transform_indices = @transform_0, window_bounds = array<i64: 2, 1280, 128>}, {transform_indices = @transform_1, window_bounds = array<i64: 1280, 128>}, {transform_indices = @transform_2, window_bounds = array<i64: 1280, 2>}, {pipeline_mode = #tpu.pipeline_mode<synchronous>, transform_indices = @transform_3, window_bounds = array<i64: 1, 128>}, {transform_indices = @transform_4, window_bounds = array<i64: 1280, 128>}]} {
    %get3A = arith.constant 0 : index
    %get3A_0 = arith.constant 0 : index
    %get3A_1 = vector.load %arg3[%get3A, %get3A_0] : memref<1280x2xf32, #tpu.memory_space<vmem>>, vector<1280x1xf32>
    %get3A_2 = arith.constant 0 : index
    %get3A_3 = arith.constant 1 : index
    %get3A_4 = vector.load %arg3[%get3A_2, %get3A_3] : memref<1280x2xf32, #tpu.memory_space<vmem>>, vector<1280x1xf32>
    %add3A = arith.addf %get3A_1, %get3A_4 : vector<1280x1xf32>
    %sub3A = arith.constant 1.000000e+00 : f32
    %sub3A_5 = vector.broadcast %sub3A : f32 to vector<1280x1xf32>
    %sub3A_6 = arith.subf %add3A, %sub3A_5 : vector<1280x1xf32>
    %rsqrt3A = math.rsqrt %sub3A_6 : vector<1280x1xf32>
    %get3A_7 = arith.constant 0 : index
    %get3A_8 = arith.constant 0 : index
    %get3A_9 = arith.constant 0 : index
    %get3A_10 = vector.load %arg1[%get3A_7, %get3A_8, %get3A_9] : memref<2x1280x128xf32, #tpu.memory_space<vmem>>, vector<1x1280x128xf32>
    %get3A_11 = vector.shape_cast %get3A_10 : vector<1x1280x128xf32> to vector<1280x128xf32>
    %get3A_12 = arith.constant 1 : index
    %get3A_13 = arith.constant 0 : index
    %get3A_14 = arith.constant 0 : index
    %get3A_15 = vector.load %arg1[%get3A_12, %get3A_13, %get3A_14] : memref<2x1280x128xf32, #tpu.memory_space<vmem>>, vector<1x1280x128xf32>
    %get3A_16 = vector.shape_cast %get3A_15 : vector<1x1280x128xf32> to vector<1280x128xf32>
    %add3A_17 = arith.addf %get3A_11, %get3A_16 : vector<1280x128xf32>
    %get3A_18 = arith.constant 0 : index
    %get3A_19 = arith.constant 0 : index
    %get3A_20 = vector.load %arg2[%get3A_18, %get3A_19] : memref<1280x128xf32, #tpu.memory_space<vmem>>, vector<1280x128xf32>
    %sub3A_21 = arith.subf %add3A_17, %get3A_20 : vector<1280x128xf32>
    %mul3A = vector.broadcast %rsqrt3A : vector<1280x1xf32> to vector<1280x128xf32>
    %mul3A_22 = arith.mulf %sub3A_21, %mul3A : vector<1280x128xf32>
    %get3A_23 = arith.constant 0 : index
    %get3A_24 = arith.constant 0 : index
    %get3A_25 = vector.load %arg4[%get3A_23, %get3A_24] : memref<1x128xf32, #tpu.memory_space<vmem>>, vector<1x128xf32>
    %add3A_26 = vector.broadcast %get3A_25 : vector<1x128xf32> to vector<1280x128xf32>
    %add3A_27 = arith.addf %mul3A_22, %add3A_26 : vector<1280x128xf32>
    %mul3A_28 = arith.constant 0.00999999977 : f32
    %mul3A_29 = vector.broadcast %mul3A_28 : f32 to vector<1280x128xf32>
    %mul3A_30 = arith.mulf %mul3A_29, %add3A_27 : vector<1280x128xf32>
    %max3A = arith.maximumf %add3A_27, %mul3A_30 : vector<1280x128xf32>
    %swap3A = arith.constant 0 : index
    %swap3A_31 = arith.constant 0 : index
    %swap3A_32 = vector.load %arg5[%swap3A, %swap3A_31] : memref<1280x128xf32, #tpu.memory_space<vmem>>, vector<1280x128xf32>
    tpu.vector_store %arg5[%swap3A, %swap3A_31], %max3A {strides = array<i32>} : memref<1280x128xf32, #tpu.memory_space<vmem>>, vector<1280x128xf32>,
    return
  }
  func.func @transform_0(%arg0: i32) -> (i32, i32, i32) {
    %c0_i32 = arith.constant 0 : i32
    %c0_i32_0 = arith.constant 0 : i32
    %c0_i32_1 = arith.constant 0 : i32
    return %c0_i32, %arg0, %c0_i32_0 : i32, i32, i32
  }
  func.func @transform_1(%arg0: i32) -> (i32, i32) {
    %c0_i32 = arith.constant 0 : i32
    %c0_i32_0 = arith.constant 0 : i32
    return %arg0, %c0_i32 : i32, i32
  }
  func.func @transform_2(%arg0: i32) -> (i32, i32) {
    %c0_i32 = arith.constant 0 : i32
    %c0_i32_0 = arith.constant 0 : i32
    return %arg0, %c0_i32 : i32, i32
  }
  func.func @transform_3(%arg0: i32) -> (i32, i32) {
    %c0_i32 = arith.constant 0 : i32
    %c0_i32_0 = arith.constant 0 : i32
    %c0_i32_1 = arith.constant 0 : i32
    return %c0_i32, %c0_i32_0 : i32, i32
  }
  func.func @transform_4(%arg0: i32) -> (i32, i32) {
    %c0_i32 = arith.constant 0 : i32
    %c0_i32_0 = arith.constant 0 : i32
    return %arg0, %c0_i32 : i32, i32
  }
}

</mosaic_0001>

<sc_bundles>
// kernel: kernel.11.cloned.1.call-start
scs
__scs_entry_jumppad:
0x0: {  	(pc) =	sbr.rel $0x88, $3  }
0x1: {  	(tag) =	ssettag $0x0;
	lr =	simm.s32 $0x1  }
0x2: {  	[smem:$0x3F9B] =	sst lr;
	_ =	strace $0xD0000000  }
0x3: {  	_ = 	snop  }
0x4: {  	_ = 	snop  }
0x5: {  	_ = 	snop  }
0x6: {  	_ = 	snop  }
0x7: {  	_ = 	snop  }
__scs_overlays_trampoline_lowered:
0x8: {  	[smem:$0x3FAA] =	sst s0  }
0x9: {  	[smem:$0x3FAB] =	sst s1  }
0xa: {  	[smem:$0x3FAC] =	sst s2  }
0xb: {  	[smem:$0x3FAD] =	sst s3  }
0xc: {  	[smem:$0x3FAE] =	sst s4  }
0xd: {  	[smem:$0x3FAF] =	sst s5  }
0xe: {  	[smem:$0x3FB0] =	sst s6  }
0xf: {  	[smem:$0x3FB1] =	sst s7  }
0x10: {  	[smem:$0x3FB2] =	sst s8  }
0x11: {  	[smem:$0x3FB3] =	sst s9;
	s0 =	simm.s32 @!p0 $0x0  }
0x12: {  	s1 =	sld [smem:$0x3F99];
	s0 =	simm.s32 @p0 $0x1  }
0x13: {  	[smem:$0x3FB4] =	sst s0;
	s0 =	simm.s32 @!p1 $0x0  }
0x14: {  	s2 =	sld [smem:$0x3F98];
	s0 =	simm.s32 @p1 $0x1  }
0x15: {  	[smem:$0x3FB5] =	sst s0;
	s0 =	simm.s32 @!p2 $0x0  }
0x16: {  	s3 =	sld [smem:$0x3FDB];
	s0 =	simm.s32 @p2 $0x1  }
0x17: {  	s4 =	simm.s32 $0x1BF5;
	[smem:$0x3FB7] =	sst s0  }
0x18: {  	s0 =	sld [smem:$0x3F9A];
	_ =	swait.ge [sflag:s4], $0x0  }
0x19: {  	s7 =	sld [smem:$0x3F9B]  }
0x1a: {  	s8 =	sadd.s32 $0xFFFFE003, lr  }
0x1b: {  	s9 =	sadd.s32 $0xFFFFFEF7, lr;
	s5 =	simm.s32 $0xFFFFFFFF;
	p2 =	slt.u32 s8, $0xFFFFF086  }
0x1c: {  	p1 =	slt.u32 s9, $0xF7A;
	s5 =	simm.s32 @!p2 $0x0  }
0x1d: {  	s5 =	simm.s32 @p1 $0x1;
	p0 =	seq.s32 s7, s2  }
0x1e: {  	s7 =	smul.u32 @!p0 $0xF7A, s2;
	p2 =	seq.s32 @!p0 s5, $0x0  }
0x1f: {  	s9 =	smul.u32 $0xF7A, s1;
	s8 =	simm.s32 @!p0 $0x1BF5;
	p2 =	por !p2, p0  }
0x20: {  	[sflag:s8] =	ssyncset.s32 @!p0 $0xFFFFF086;
	s6 =	sadd.s32 @!p0 s3, s7;
	s7 =	simm.s32 @!p0 $0x108  }
0x21: {  	s3 =	sadd.s32 s3, s9;
	s6 =	sadd.s32 @!p0 $0x88, s6;
	s7 =	simm.s32 @p2 $0x1082  }
0x22: {  	[simem:s7], [sflag:s8] =	dma.local @!p0 [hbm:s6], $0xF7A  }
0x23: {  	s9 =	sor.u32 $0xD0000000, s2;
	s6 =	simm.s32 $0x108;
	_ =	swait.ge @!p0 [sflag:s8], $0x0  }
0x24: {  	s3 =	sadd.s32 $0x88, s3;
	s6 =	simm.s32 @!p1 $0x1082;
	[sflag:s4] =	ssyncset.s32 $0xFFFFF086  }
0x25: {  	[simem:s6], [sflag:s4] =	dma.local [hbm:s3], $0xF7A  }
0x26: {  	[smem:$0x3F9B] =	sst s1;
	(tag) =	ssettag s2;
	_ =	strace s9  }
0x27: {  	s1 =	sld [smem:$0x3FAB]  }
0x28: {  	s2 =	sld [smem:$0x3FAC]  }
0x29: {  	s4 =	sld [smem:$0x3FAE]  }
0x2a: {  	p0 =	seq.s32 s5, $0x0;
	s5 =	sld [smem:$0x3FAF]  }
0x2b: {  	s6 =	sld [smem:$0x3FB0]  }
0x2c: {  	s7 =	sld [smem:$0x3FB1]  }
0x2d: {  	s3 =	simm.s32 $0x108;
	s8 =	sld [smem:$0x3FB2]  }
0x2e: {  	s3 =	simm.s32 @!p0 $0x1082;
	s9 =	sld [smem:$0x3FB3]  }
0x2f: {  	lr =	sadd.s32 s0, s3;
	s0 =	sld [smem:$0x3FAA]  }
0x30: {  	s3 =	sld [smem:$0x3FAD]  }
0x31: {  	[smem:$0x3FB6] =	sst s10  }
0x32: {  	s10 =	sld [smem:$0x3FB4];
	_ =	sdelay $0x3  }
0x33: {  	p0 =	seq.s32 s10, $0x1;
	s10 =	sld [smem:$0x3FB6];
	_ =	sdelay $0x3  }
0x34: {  	[smem:$0x3FB6] =	sst s10  }
0x35: {  	s10 =	sld [smem:$0x3FB5];
	_ =	sdelay $0x3  }
0x36: {  	p1 =	seq.s32 s10, $0x1;
	s10 =	sld [smem:$0x3FB6];
	_ =	sdelay $0x3  }
0x37: {  	[smem:$0x3FB6] =	sst s10  }
0x38: {  	s10 =	sld [smem:$0x3FB7]  }
0x39: {  	_ = 	snop;
	(pc) =	sbr.ind lr, $3  }
0x3a: {  	_ = 	snop  }
0x3b: {  	_ = 	snop  }
0x3c: {  	p2 =	seq.s32 s10, $0x1;
	s10 =	sld [smem:$0x3FB6]  }
0x3d: {  	_ =	shalt  }
0x3e: {  	_ =	shalt  }
0x3f: {  	_ =	shalt  }
0x40: {  	_ =	shalt  }
0x41: {  	_ =	shalt  }
0x42: {  	_ =	shalt  }
0x43: {  	_ =	shalt  }
0x44: {  	_ =	shalt  }
0x45: {  	_ =	shalt  }
0x46: {  	_ =	shalt  }
0x47: {  	_ =	shalt  }
0x48: {  	_ =	shalt  }
0x49: {  	_ =	shalt  }
0x4a: {  	_ =	shalt  }
0x4b: {  	_ =	shalt  }
0x4c: {  	_ =	shalt  }
0x4d: {  	_ =	shalt  }
0x4e: {  	_ =	shalt  }
0x4f: {  	_ =	shalt  }
0x50: {  	_ =	shalt  }
0x51: {  	_ =	shalt  }
0x52: {  	_ =	shalt  }
0x53: {  	_ =	shalt  }
0x54: {  	_ =	shalt  }
0x55: {  	_ =	shalt  }
0x56: {  	_ =	shalt  }
0x57: {  	_ =	shalt  }
0x58: {  	_ =	shalt  }
0x59: {  	_ =	shalt  }
0x5a: {  	_ =	shalt  }
0x5b: {  	_ =	shalt  }
0x5c: {  	_ =	shalt  }
0x5d: {  	_ =	shalt  }
0x5e: {  	_ =	shalt  }
0x5f: {  	_ =	shalt  }
0x60: {  	_ =	shalt  }
0x61: {  	_ =	shalt  }
0x62: {  	_ =	shalt  }
0x63: {  	_ =	shalt  }
0x64: {  	_ =	shalt  }
0x65: {  	_ =	shalt  }
0x66: {  	_ =	shalt  }
0x67: {  	_ =	shalt  }
0x68: {  	_ =	shalt  }
0x69: {  	_ =	shalt  }
0x6a: {  	_ =	shalt  }
0x6b: {  	_ =	shalt  }
0x6c: {  	_ =	shalt  }
0x6d: {  	_ =	shalt  }
0x6e: {  	_ =	shalt  }
0x6f: {  	_ =	shalt  }
0x70: {  	_ =	shalt  }
0x71: {  	_ =	shalt  }
0x72: {  	_ =	shalt  }
0x73: {  	_ =	shalt  }
0x74: {  	_ =	shalt  }
0x75: {  	_ =	shalt  }
0x76: {  	_ =	shalt  }
0x77: {  	_ =	shalt  }
0x78: {  	_ =	shalt  }
0x79: {  	_ =	shalt  }
0x7a: {  	_ =	shalt  }
0x7b: {  	_ =	shalt  }
0x7c: {  	_ =	shalt  }
0x7d: {  	_ =	shalt  }
0x7e: {  	_ =	shalt  }
0x7f: {  	_ =	shalt  }
0x80: {  	_ =	shalt  }
0x81: {  	_ =	shalt  }
0x82: {  	_ =	shalt  }
0x83: {  	_ =	shalt  }
0x84: {  	_ =	shalt  }
0x85: {  	_ =	shalt  }
0x86: {  	_ =	shalt  }
0x87: {  	_ =	shalt  }
.Lfunc_end0:
.L_simem_size_0:
called_computation.1_lowered:
.L_overlay_start_0:
0x88: {  	s2 =	sld [smem:$0x3FD9]  }
0x89: {  	s3 =	sld [smem:$0x3FFE];
	_ =	sdelay $0x1  }
0x8a: {  	s1 =	srdreg.scid  }
0x8b: {  	s0 =	sand.u32 $0x1, s1  }
0x8c: {  	s17 =	sshll.u32 s0, $0xA;
	s2 =	sadd.s32 s3, s2  }
0x8d: {  	s2 =	sadd.s32 s2, s17  }
0x8e: {  	[smem:$0x3FC2] =	sst s2  }
0x8f: {  	_ = 	snop  }
0x90: {  	s2 =	sld [smem:$0x3FD0];
	(tm) =	ssettm $0x1  }
0x91: {  	s18 =	sld [smem:$0x3FFB];
	_ =	sdelay $0x3  }
0x92: {  	_ =	strace s18  }
0x93: {  	s3 =	sld [smem:$0x3FFC];
	_ =	sdelay $0x3  }
0x94: {  	_ =	strace s3  }
0x95: {  	s3 =	sld [smem:$0x3FFD];
	_ =	sdelay $0x3  }
0x96: {  	_ =	strace s3  }
0x97: {  	_ =	strace $0x8FFFFFFF  }
0x98: {  	s19 =	sld [smem:$0x3FDB];
	_ =	sdelay $0x1  }
0x99: {  	s4 =	simm.s32 $_scs_section_size  }
0x9a: {  	s5 =	simm.s32 $_size__tile_overlayer_lowered;
	s6 =	simm.s32 $_tile_overlayer_lowered  }
0x9b: {  	s22 =	simm.s32 $0x1BFF;
	s21 =	sshll.u32 s6, $0x1;
	s3 =	sadd.s32 s4, s19  }
0x9c: {  	s7 =	simm.s32 $0x0;
	s20 =	sshll.u32 s5, $0x1;
	s5 =	sadd.s32 s21, s3  }
0x9d: {  	[timem:s7], [sflag:s22] =	dma.local [hbm:s5], s20  }
0x9e: {  	_ =	swait.ge [sflag:s22], s20  }
0x9f: {  	s4 =	ssub.s32 $0x0, s20;
	[sflag:s22] =	ssyncset.done $0x0  }
0xa0: {  	[sflag:s22] =	ssyncadd.s32 s4;
	_ =	sdelay $0x1  }
0xa1: {  	s23 =	simm.s32 $0x1B8B  }
0xa2: {  	_ =	swait.ge [sflag:s23], $0x1  }
0xa3: {  	[sflag:s23] =	ssyncset.done $0x0  }
0xa4: {  	s25 =	simm.s32 $0x1B8E;
	s24 =	sld [smem:$0x3FFE];
	[sflag:s23] =	ssyncadd.s32 $0xFFFFFFFF  }
0xa5: {  	s26 =	simm.s32 $execute0_lowered;
	[smem:$0x3FD2] =	sst s25  }
0xa6: {  	s5 =	sshll.u32 s26, $0x1;
	_ =	strace $0x80000049;
	[dreg:$0x1] =	wrdreg $0xFFFFFFFF  }
0xa7: {  	s28 =	simm.s32 $_size_execute0_lowered;
	s3 =	sadd.s32 s3, s5;
	[dreg:$0x0] =	wrdreg $0x0  }
0xa8: {  	s5 =	sshll.u32 s28, $0x1;
	[dreg:$0x2] =	wrdreg s3  }
0xa9: {  	[dreg:$0x3] =	wrdreg s5  }
0xaa: {  	[dreg:$0x4] =	wrdreg $0xC0  }
0xab: {  	_ =	task [dreg:s7], $0x5FFFF  }
0xac: {  	[dreg:$0x1] =	wrdreg $0xFFFFFFFF  }
0xad: {  	[dreg:$0x0] =	wrdreg $0x60  }
0xae: {  	[dreg:$0x2] =	wrdreg s2  }
0xaf: {  	[dreg:$0x3] =	wrdreg s24  }
0xb0: {  	[dreg:$0x4] =	wrdreg $0xA8000  }
0xb1: {  	[dreg:$0x5] =	wrdreg $0x9  }
0xb2: {  	_ =	task.clear_ibuf [dreg:s7], $0x6FFFF;
	_ =	strace $0x90000049  }
0xb3: {  	s29 =	simm.s32 $0x9;
	_ =	strace $0x8000004B  }
0xb4: {  	_ =	swait.ge [sflag:s29], $0x1  }
0xb5: {  	[sflag:s29] =	ssyncadd.s32 $0xFFFFFFFF  }
0xb6: {  	_ =	strace $0x9000004B  }
0xb7: {  	_ =	sfence  }
0xb8: {  	s30 =	sld [smem:$0x0];
	_ =	sdelay $0x2  }
0xb9: {  	s31 =	sshll.u32 s1, $0xD;
	s1 =	sshrl.u32 s1, $0x2  }
0xba: {  	s3 =	sand.u32 $0x4000, s31;
	s1 =	sadd.s32 s1, s30  }
0xbb: {  	s0 =	sor.u32 s3, s0;
	s1 =	sshll.u32 s1, $0x11  }
0xbc: {  	s0 =	sor.u32 s1, s0  }
0xbd: {  	s0 =	sadd.s32 $0x8F2B, s0  }
0xbe: {  	[sflag:s0] =	ssyncadd.remote.s32 $0x1  }
0xbf: {  	_ =	sfence.sel $0xFFFF  }
0xc0: {  	[dreg:$0x0] =	wrdreg $0xFFFFFFFF;
	(pc) =	sbr.abs _section_cstart, $3  }
0xc1: {  	[dreg:$0x1] =	wrdreg $0xFFFFFFFF  }
0xc2: {  	_ =	task.clear_ibuf [dreg:s7], $0x2FFFF;
	_ =	strace $0x9FFFFFFF  }
0xc3: {  	(tm) =	ssettm $0x7FFFFFFF  }
tec
execute0_lowered:
.L_overlay_start_1:
0x0: {  	(tag) =	ssettag $0x1  }
0x1: {  	s1 =	rddreg [dreg:$0x0]  }
0x2: {  	s0 =	rddreg [dreg:$0x1]  }
0x3: {  	s3 =	rddreg [dreg:$0x2];
	s4 =	simm.s32 $0x0  }
0x4: {  	s2 =	srdreg.scid;
	s14 =	stileid.u32;
	s15 =	simm.s32 $0x1400  }
0x5: {  	s16 =	simm.s32 $0x40;
	s17 =	simm.s32 $0x2800;
	s18 =	simm.s32 $0x4800  }
0x6: {  	s19 =	simm.s32 $0x80;
	s20 =	simm.s32 $0x6800;
	s21 =	simm.s32 $0xC0  }
0x7: {  	s28 =	simm.s32 $0x5;
	s29 =	simm.s32 $0x6;
	s5 =	smul.u32 $0x14000, s14  }
0x8: {  	s30 =	simm.s32 $0x2700;
	s31 =	simm.s32 $0x2780;
	s8 =	smul.u32 $0x50000, s14  }
0x9: {  	[smem:$0x7FF] =	sst s4;
	s2 =	sand.u32 $0x1, s2;
	s12 =	smul.u32 $0x50, s14  }
0xa: {  	s9 =	sadd.s32 $0x2800, s0;
	s10 =	sadd.s32 $0x5CC00, s0;
	s6 =	smul.u32 $0x140000, s2  }
0xb: {  	s23 =	sshll.u32 s14, $0x6;
	s7 =	smul.u32 $0x500, s2;
	s2 =	ssub.s32 $0x2, s2  }
0xc: {  	s14 =	simm.s32 $0x7;
	_ =	strace $0x8000004A;
	s11 =	sshrl.u32 s2, $0x1  }
0xd: {  	s22 =	sshrl.u32 s8, $0x2;
	s6 =	sadd.s32 s5, s6;
	s2 =	ssub.s32 s2, s11  }
0xe: {  	s7 =	sadd.s32 s12, s7;
	s13 =	sadd.s32 s22, s3;
	s5 =	sshrl.u32 s5, $0x3  }
0xf: {  	s22 =	simm.s32 $0x8800;
	s6 =	sshrl.u32 s6, $0x3;
	s5 =	sadd.s32 s1, s5  }
0x10: {  	s24 =	sshll.u32 s7, $0x4;
	s12 =	smax.u32 s2, $0x1;
	s13 =	sshrl.u32 s13, $0x3  }
0x11: {  	s0 =	sadd.s32 s6, s0;
	[dreg:$0x4] =	wrdreg s5;
	s6 =	sor.u32 $0x1C07, s23  }
0x12: {  	s25 =	sadd.s32 s9, s24;
	s26 =	sadd.s32 $0x280, s24;
	s8 =	sadd.s32 s10, s24  }
0x13: {  	s23 =	simm.s32 $0x1;
	s24 =	simm.s32 $0x2;
	[dreg:$0x5] =	wrdreg s25  }
0x14: {  	s9 =	sadd.s32 s9, s26;
	s10 =	sadd.s32 s10, s26;
	s11 =	sadd.s32 $0xCC00, s0  }
0x15: {  	s25 =	simm.s32 $0x3;
	s26 =	simm.s32 $0x4;
	s0 =	simm.s32 $0x0  }
.LBB2_1:
0x16: {  	s2 =	rddreg [dreg:$0x4]  }
0x17: {  	[spmem:s13], [sflag:s6] =	dma.local [hbm:s2], $0x2800  }
0x18: {  	_ =	swait.ge [sflag:s14], $0x2800  }
0x19: {  	[sflag:s14] =	ssyncset.done $0x0  }
0x1a: {  	[sflag:s14] =	ssyncadd.s32 $0xFFFFD800  }
0x1b: {  	[bflag:$0x0] =	sbarrier.arrive $0xFFFF  }
0x1c: {  	s5 =	rddreg [dreg:$0x5]  }
0x1d: {  	[tilespmem:s4], [sflag:$0x7] =	stream.linear.gather [hbm4b:s5+s4], $0x1400, $0x38;
	[tilespmem:$0x1E800] =	vst v63  }
0x1e: {  	_ =	swait.ge [sflag:s14], $0x1400  }
0x1f: {  	[sflag:s14] =	ssyncset.done $0x0  }
0x20: {  	[sflag:s14] =	ssyncadd.s32 $0xFFFFEC00  }
0x21: {  	[tilespmem:s15], [sflag:$0x7] =	stream.linear.gather [hbm4b:s8+s4], $0x1400, $0x38;
	[tilespmem:$0x1E800] =	vst v63  }
0x22: {  	_ =	swait.ge [sflag:s14], $0x1400  }
0x23: {  	[sflag:s14] =	ssyncset.done $0x0  }
0x24: {  	[sflag:s14] =	ssyncadd.s32 $0xFFFFEC00  }
0x25: {  	[tilespmem:s17], [sflag:$0x1] =	stream.indirect.gather [hbm4b:s1+s16], $0x80, s4, s16, $0xb8;
	[tilespmem:$0x1E800] =	vst v63  }
0x26: {  	_ = 	snop  }
0x27: {  	[tilespmem:s18], [sflag:$0x2] =	stream.indirect.gather [hbm4b:s1+s16], $0x80, s16, s16, $0xb8;
	[tilespmem:$0x1E800] =	vst v63  }
0x28: {  	_ = 	snop  }
0x29: {  	[tilespmem:s20], [sflag:$0x3] =	stream.indirect.gather [hbm4b:s1+s16], $0x80, s19, s16, $0xb8;
	[tilespmem:$0x1E800] =	vst v63  }
0x2a: {  	_ = 	snop  }
0x2b: {  	[tilespmem:s22], [sflag:$0x4] =	stream.indirect.gather [hbm4b:s1+s16], $0x80, s21, s16, $0xb8;
	[tilespmem:$0x1E800] =	vst v63  }
0x2c: {  	_ =	swait.ge [sflag:s23], $0x2000  }
0x2d: {  	[sflag:s23] =	ssyncset.done $0x0  }
0x2e: {  	[sflag:s23] =	ssyncadd.s32 $0xFFFFE000  }
0x2f: {  	_ =	swait.ge [sflag:s24], $0x2000  }
0x30: {  	[sflag:s24] =	ssyncset.done $0x0  }
0x31: {  	s7 =	simm.s32 $0x1400;
	[sflag:s24] =	ssyncadd.s32 $0xFFFFE000  }
0x32: {  	[spmem:s3] =	stream.indirect.scatter.add.f32 [tilespmem:s17], [sflag:$0x5], $0x80, s7, s19, $0xb8;
	[tilespmem:$0x1E800] =	vst v63  }
0x33: {  	_ =	swait.ge [sflag:s25], $0x2000  }
0x34: {  	[sflag:s25] =	ssyncset.done $0x0  }
0x35: {  	[sflag:s25] =	ssyncadd.s32 $0xFFFFE000  }
0x36: {  	_ =	swait.ge [sflag:s26], $0x2000  }
0x37: {  	[sflag:s26] =	ssyncset.done $0x0  }
0x38: {  	s5 =	simm.s32 $0x1480;
	[sflag:s26] =	ssyncadd.s32 $0xFFFFE000  }
0x39: {  	[spmem:s3] =	stream.indirect.scatter.add.f32 [tilespmem:s20], [sflag:$0x6], $0x80, s5, s19, $0xb8;
	[tilespmem:$0x1E800] =	vst v63  }
0x3a: {  	_ =	swait.ge [sflag:s28], $0x4000  }
0x3b: {  	[sflag:s28] =	ssyncset.done $0x0  }
0x3c: {  	s7 =	simm.s32 $0x100;
	[sflag:s28] =	ssyncadd.s32 $0xFFFFC000  }
0x3d: {  	[tilespmem:s17], [sflag:$0x1] =	stream.indirect.gather [hbm4b:s1+s16], $0x80, s7, s16, $0xb8;
	[tilespmem:$0x1E800] =	vst v63  }
0x3e: {  	s5 =	simm.s32 $0x140  }
0x3f: {  	[tilespmem:s18], [sflag:$0x2] =	stream.indirect.gather [hbm4b:s1+s16], $0x80, s5, s16, $0xb8;
	[tilespmem:$0x1E800] =	vst v63  }
0x40: {  	_ =	swait.ge [sflag:s29], $0x4000  }
0x41: {  	s2 =	simm.s32 $0x400;
	[sflag:s29] =	ssyncset.done $0x0  }
0x42: {  	s7 =	simm.s32 $0x180;
	s5 =	simm.s32 $0x1C0;
	[sflag:s29] =	ssyncadd.s32 $0xFFFFC000  }
0x43: {  	[tilespmem:s20], [sflag:$0x3] =	stream.indirect.gather [hbm4b:s1+s16], $0x80, s7, s16, $0xb8;
	[tilespmem:$0x1E800] =	vst v63  }
.LBB2_2:
0x44: {  	[tilespmem:s22], [sflag:$0x4] =	stream.indirect.gather [hbm4b:s1+s16], $0x80, s5, s16, $0xb8;
	[tilespmem:$0x1E800] =	vst v63  }
0x45: {  	s5 =	smov.u32 s2  }
0x46: {  	p0 =	sne.s32 s2, $0x4800;
	s2 =	sadd.s32 $0x400, s2;
	_ =	swait.ge [sflag:s23], $0x2000  }
0x47: {  	[sflag:s23] =	ssyncset.done $0x0  }
0x48: {  	[sflag:s23] =	ssyncadd.s32 $0xFFFFE000  }
0x49: {  	_ =	swait.ge [sflag:s24], $0x2000  }
0x4a: {  	s5 =	sshra.s32 s5, $0x2;
	[sflag:s24] =	ssyncset.done $0x0  }
0x4b: {  	s7 =	sadd.s32 $0x1400, s5;
	[sflag:s24] =	ssyncadd.s32 $0xFFFFE000  }
0x4c: {  	[spmem:s3] =	stream.indirect.scatter.add.f32 [tilespmem:s17], [sflag:$0x5], $0x80, s7, s19, $0xb8;
	[tilespmem:$0x1E800] =	vst v63  }
0x4d: {  	_ =	swait.ge [sflag:s25], $0x2000  }
0x4e: {  	[sflag:s25] =	ssyncset.done $0x0  }
0x4f: {  	[sflag:s25] =	ssyncadd.s32 $0xFFFFE000  }
0x50: {  	_ =	swait.ge [sflag:s26], $0x2000  }
0x51: {  	[sflag:s26] =	ssyncset.done $0x0  }
0x52: {  	s7 =	sadd.s32 $0x1480, s5;
	[sflag:s26] =	ssyncadd.s32 $0xFFFFE000  }
0x53: {  	[spmem:s3] =	stream.indirect.scatter.add.f32 [tilespmem:s20], [sflag:$0x6], $0x80, s7, s19, $0xb8;
	[tilespmem:$0x1E800] =	vst v63  }
0x54: {  	_ =	swait.ge [sflag:s28], $0x4000  }
0x55: {  	[sflag:s28] =	ssyncset.done $0x0  }
0x56: {  	s7 =	sadd.s32 $0x100, s5;
	[sflag:s28] =	ssyncadd.s32 $0xFFFFC000  }
0x57: {  	[tilespmem:s17], [sflag:$0x1] =	stream.indirect.gather [hbm4b:s1+s16], $0x80, s7, s16, $0xb8;
	[tilespmem:$0x1E800] =	vst v63  }
0x58: {  	s7 =	sadd.s32 $0x140, s5  }
0x59: {  	[tilespmem:s18], [sflag:$0x2] =	stream.indirect.gather [hbm4b:s1+s16], $0x80, s7, s16, $0xb8;
	[tilespmem:$0x1E800] =	vst v63  }
.Ltmp0:
0x5a: {  	_ =	swait.ge [sflag:s29], $0x4000;
	(pc) =	sbr.rel @p0 .LBB2_2-.Ltmp0, $4  }
0x5b: {  	[sflag:s29] =	ssyncset.done $0x0  }
0x5c: {  	s7 =	sadd.s32 $0x180, s5;
	[sflag:s29] =	ssyncadd.s32 $0xFFFFC000  }
0x5d: {  	[tilespmem:s20], [sflag:$0x3] =	stream.indirect.gather [hbm4b:s1+s16], $0x80, s7, s16, $0xb8;
	[tilespmem:$0x1E800] =	vst v63  }
0x5e: {  	s5 =	sadd.s32 $0x1C0, s5  }
0x5f: {  	[tilespmem:s22], [sflag:$0x4] =	stream.indirect.gather [hbm4b:s1+s16], $0x80, s5, s16, $0xb8;
	[tilespmem:$0x1E800] =	vst v63  }
0x60: {  	_ =	swait.ge [sflag:s23], $0x2000  }
0x61: {  	[sflag:s23] =	ssyncset.done $0x0  }
0x62: {  	[sflag:s23] =	ssyncadd.s32 $0xFFFFE000  }
0x63: {  	_ =	swait.ge [sflag:s24], $0x2000  }
0x64: {  	[sflag:s24] =	ssyncset.done $0x0  }
0x65: {  	[sflag:s24] =	ssyncadd.s32 $0xFFFFE000  }
0x66: {  	[spmem:s3] =	stream.indirect.scatter.add.f32 [tilespmem:s17], [sflag:$0x5], $0x80, s30, s19, $0xb8;
	[tilespmem:$0x1E800] =	vst v63  }
0x67: {  	_ =	swait.ge [sflag:s25], $0x2000  }
0x68: {  	[sflag:s25] =	ssyncset.done $0x0  }
0x69: {  	[sflag:s25] =	ssyncadd.s32 $0xFFFFE000  }
0x6a: {  	_ =	swait.ge [sflag:s26], $0x2000  }
0x6b: {  	[sflag:s26] =	ssyncset.done $0x0  }
0x6c: {  	[sflag:s26] =	ssyncadd.s32 $0xFFFFE000  }
0x6d: {  	[spmem:s3] =	stream.indirect.scatter.add.f32 [tilespmem:s20], [sflag:$0x6], $0x80, s31, s19, $0xb8;
	[tilespmem:$0x1E800] =	vst v63  }
0x6e: {  	_ =	swait.ge [sflag:s28], $0x4000  }
0x6f: {  	[sflag:s28] =	ssyncset.done $0x0  }
0x70: {  	[sflag:s28] =	ssyncadd.s32 $0xFFFFC000  }
0x71: {  	_ =	swait.ge [sflag:s29], $0x4000  }
0x72: {  	[sflag:s29] =	ssyncset.done $0x0  }
0x73: {  	s2 =	simm.s32 $0x0;
	[sflag:s29] =	ssyncadd.s32 $0xFFFFC000  }
0x74: {  	[tilespmem:s2], [sflag:$0x7] =	stream.linear.gather [hbm4b:s9+s2], $0x1400, $0x38;
	[tilespmem:$0x1E800] =	vst v63  }
0x75: {  	_ =	swait.ge [sflag:s14], $0x1400  }
0x76: {  	[sflag:s14] =	ssyncset.done $0x0  }
0x77: {  	[sflag:s14] =	ssyncadd.s32 $0xFFFFEC00  }
0x78: {  	[tilespmem:s15], [sflag:$0x7] =	stream.linear.gather [hbm4b:s10+s2], $0x1400, $0x38;
	[tilespmem:$0x1E800] =	vst v63  }
0x79: {  	_ =	swait.ge [sflag:s14], $0x1400  }
0x7a: {  	[sflag:s14] =	ssyncset.done $0x0  }
0x7b: {  	[sflag:s14] =	ssyncadd.s32 $0xFFFFEC00  }
0x7c: {  	[tilespmem:s17], [sflag:$0x1] =	stream.indirect.gather [hbm4b:s1+s16], $0x80, s2, s16, $0xb8;
	[tilespmem:$0x1E800] =	vst v63  }
0x7d: {  	_ = 	snop  }
0x7e: {  	[tilespmem:s18], [sflag:$0x2] =	stream.indirect.gather [hbm4b:s1+s16], $0x80, s16, s16, $0xb8;
	[tilespmem:$0x1E800] =	vst v63  }
0x7f: {  	_ = 	snop  }
0x80: {  	[tilespmem:s20], [sflag:$0x3] =	stream.indirect.gather [hbm4b:s1+s16], $0x80, s19, s16, $0xb8;
	[tilespmem:$0x1E800] =	vst v63  }
0x81: {  	_ = 	snop  }
0x82: {  	[tilespmem:s22], [sflag:$0x4] =	stream.indirect.gather [hbm4b:s1+s16], $0x80, s21, s16, $0xb8;
	[tilespmem:$0x1E800] =	vst v63  }
0x83: {  	_ =	swait.ge [sflag:s23], $0x2000  }
0x84: {  	[sflag:s23] =	ssyncset.done $0x0  }
0x85: {  	[sflag:s23] =	ssyncadd.s32 $0xFFFFE000  }
0x86: {  	_ =	swait.ge [sflag:s24], $0x2000  }
0x87: {  	[sflag:s24] =	ssyncset.done $0x0  }
0x88: {  	s7 =	simm.s32 $0x1400;
	[sflag:s24] =	ssyncadd.s32 $0xFFFFE000  }
0x89: {  	[spmem:s3] =	stream.indirect.scatter.add.f32 [tilespmem:s17], [sflag:$0x5], $0x80, s7, s19, $0xb8;
	[tilespmem:$0x1E800] =	vst v63  }
0x8a: {  	_ =	swait.ge [sflag:s25], $0x2000  }
0x8b: {  	[sflag:s25] =	ssyncset.done $0x0  }
0x8c: {  	[sflag:s25] =	ssyncadd.s32 $0xFFFFE000  }
0x8d: {  	_ =	swait.ge [sflag:s26], $0x2000  }
0x8e: {  	[sflag:s26] =	ssyncset.done $0x0  }
0x8f: {  	s5 =	simm.s32 $0x1480;
	[sflag:s26] =	ssyncadd.s32 $0xFFFFE000  }
0x90: {  	[spmem:s3] =	stream.indirect.scatter.add.f32 [tilespmem:s20], [sflag:$0x6], $0x80, s5, s19, $0xb8;
	[tilespmem:$0x1E800] =	vst v63  }
0x91: {  	_ =	swait.ge [sflag:s28], $0x4000  }
0x92: {  	[sflag:s28] =	ssyncset.done $0x0  }
0x93: {  	s7 =	simm.s32 $0x100;
	[sflag:s28] =	ssyncadd.s32 $0xFFFFC000  }
0x94: {  	[tilespmem:s17], [sflag:$0x1] =	stream.indirect.gather [hbm4b:s1+s16], $0x80, s7, s16, $0xb8;
	[tilespmem:$0x1E800] =	vst v63  }
0x95: {  	s5 =	simm.s32 $0x140  }
0x96: {  	[tilespmem:s18], [sflag:$0x2] =	stream.indirect.gather [hbm4b:s1+s16], $0x80, s5, s16, $0xb8;
	[tilespmem:$0x1E800] =	vst v63  }
0x97: {  	_ =	swait.ge [sflag:s29], $0x4000  }
0x98: {  	s2 =	simm.s32 $0x400;
	[sflag:s29] =	ssyncset.done $0x0  }
0x99: {  	s7 =	simm.s32 $0x180;
	s5 =	simm.s32 $0x1C0;
	[sflag:s29] =	ssyncadd.s32 $0xFFFFC000  }
0x9a: {  	[tilespmem:s20], [sflag:$0x3] =	stream.indirect.gather [hbm4b:s1+s16], $0x80, s7, s16, $0xb8;
	[tilespmem:$0x1E800] =	vst v63  }
.LBB2_4:
0x9b: {  	[tilespmem:s22], [sflag:$0x4] =	stream.indirect.gather [hbm4b:s1+s16], $0x80, s5, s16, $0xb8;
	[tilespmem:$0x1E800] =	vst v63  }
0x9c: {  	s5 =	smov.u32 s2  }
0x9d: {  	p0 =	sne.s32 s2, $0x4800;
	s2 =	sadd.s32 $0x400, s2;
	_ =	swait.ge [sflag:s23], $0x2000  }
0x9e: {  	[sflag:s23] =	ssyncset.done $0x0  }
0x9f: {  	[sflag:s23] =	ssyncadd.s32 $0xFFFFE000  }
0xa0: {  	_ =	swait.ge [sflag:s24], $0x2000  }
0xa1: {  	s5 =	sshra.s32 s5, $0x2;
	[sflag:s24] =	ssyncset.done $0x0  }
0xa2: {  	s7 =	sadd.s32 $0x1400, s5;
	[sflag:s24] =	ssyncadd.s32 $0xFFFFE000  }
0xa3: {  	[spmem:s3] =	stream.indirect.scatter.add.f32 [tilespmem:s17], [sflag:$0x5], $0x80, s7, s19, $0xb8;
	[tilespmem:$0x1E800] =	vst v63  }
0xa4: {  	_ =	swait.ge [sflag:s25], $0x2000  }
0xa5: {  	[sflag:s25] =	ssyncset.done $0x0  }
0xa6: {  	[sflag:s25] =	ssyncadd.s32 $0xFFFFE000  }
0xa7: {  	_ =	swait.ge [sflag:s26], $0x2000  }
0xa8: {  	[sflag:s26] =	ssyncset.done $0x0  }
0xa9: {  	s7 =	sadd.s32 $0x1480, s5;
	[sflag:s26] =	ssyncadd.s32 $0xFFFFE000  }
0xaa: {  	[spmem:s3] =	stream.indirect.scatter.add.f32 [tilespmem:s20], [sflag:$0x6], $0x80, s7, s19, $0xb8;
	[tilespmem:$0x1E800] =	vst v63  }
0xab: {  	_ =	swait.ge [sflag:s28], $0x4000  }
0xac: {  	[sflag:s28] =	ssyncset.done $0x0  }
0xad: {  	s7 =	sadd.s32 $0x100, s5;
	[sflag:s28] =	ssyncadd.s32 $0xFFFFC000  }
0xae: {  	[tilespmem:s17], [sflag:$0x1] =	stream.indirect.gather [hbm4b:s1+s16], $0x80, s7, s16, $0xb8;
	[tilespmem:$0x1E800] =	vst v63  }
0xaf: {  	s7 =	sadd.s32 $0x140, s5  }
0xb0: {  	[tilespmem:s18], [sflag:$0x2] =	stream.indirect.gather [hbm4b:s1+s16], $0x80, s7, s16, $0xb8;
	[tilespmem:$0x1E800] =	vst v63  }
.Ltmp1:
0xb1: {  	_ =	swait.ge [sflag:s29], $0x4000;
	(pc) =	sbr.rel @p0 .LBB2_4-.Ltmp1, $4  }
0xb2: {  	[sflag:s29] =	ssyncset.done $0x0  }
0xb3: {  	s7 =	sadd.s32 $0x180, s5;
	[sflag:s29] =	ssyncadd.s32 $0xFFFFC000  }
0xb4: {  	[tilespmem:s20], [sflag:$0x3] =	stream.indirect.gather [hbm4b:s1+s16], $0x80, s7, s16, $0xb8;
	[tilespmem:$0x1E800] =	vst v63  }
0xb5: {  	s5 =	sadd.s32 $0x1C0, s5  }
0xb6: {  	[tilespmem:s22], [sflag:$0x4] =	stream.indirect.gather [hbm4b:s1+s16], $0x80, s5, s16, $0xb8;
	[tilespmem:$0x1E800] =	vst v63  }
0xb7: {  	_ =	swait.ge [sflag:s23], $0x2000  }
0xb8: {  	[sflag:s23] =	ssyncset.done $0x0  }
0xb9: {  	[sflag:s23] =	ssyncadd.s32 $0xFFFFE000  }
0xba: {  	_ =	swait.ge [sflag:s24], $0x2000  }
0xbb: {  	[sflag:s24] =	ssyncset.done $0x0  }
0xbc: {  	[sflag:s24] =	ssyncadd.s32 $0xFFFFE000  }
0xbd: {  	[spmem:s3] =	stream.indirect.scatter.add.f32 [tilespmem:s17], [sflag:$0x5], $0x80, s30, s19, $0xb8;
	[tilespmem:$0x1E800] =	vst v63  }
0xbe: {  	_ =	swait.ge [sflag:s25], $0x2000  }
0xbf: {  	[sflag:s25] =	ssyncset.done $0x0  }
0xc0: {  	[sflag:s25] =	ssyncadd.s32 $0xFFFFE000  }
0xc1: {  	_ =	swait.ge [sflag:s26], $0x2000  }
0xc2: {  	[sflag:s26] =	ssyncset.done $0x0  }
0xc3: {  	[sflag:s26] =	ssyncadd.s32 $0xFFFFE000  }
0xc4: {  	[spmem:s3] =	stream.indirect.scatter.add.f32 [tilespmem:s20], [sflag:$0x6], $0x80, s31, s19, $0xb8;
	[tilespmem:$0x1E800] =	vst v63  }
0xc5: {  	_ =	swait.ge [sflag:s28], $0x4000  }
0xc6: {  	[sflag:s28] =	ssyncset.done $0x0  }
0xc7: {  	[sflag:s28] =	ssyncadd.s32 $0xFFFFC000  }
0xc8: {  	_ =	swait.ge [sflag:s29], $0x4000  }
0xc9: {  	s0 =	sadd.s32 $0x1, s0;
	[sflag:s29] =	ssyncset.done $0x0  }
0xca: {  	p0 =	sne.s32 s0, s12;
	[sflag:s29] =	ssyncadd.s32 $0xFFFFC000  }
.Ltmp2:
0xcb: {  	[bflag:$0x0] =	sbarrier.arrive $0xFFFF;
	(pc) =	sbr.rel @p0 .LBB2_1-.Ltmp2, $4  }
0xcc: {  	[hbm:s11], [sflag:s6] =	dma.local [spmem:s13], $0x2800  }
0xcd: {  	_ =	swait.ge [sflag:s14], $0x2800  }
0xce: {  	[sflag:s14] =	ssyncset.done $0x0  }
0xcf: {  	[sflag:s14] =	ssyncadd.s32 $0xFFFFD800  }
0xd0: {  	_ =	sfence.sel $0x180000  }
0xd1: {  	[bflag:$0x0] =	sbarrier.arrive $0xFFFF  }
0xd2: {  	_ =	strace $0x9000004A  }
0xd3: {  	s0 =	stileid.u32;
	[bflag:$0x2] =	sbarrier.arrive $0xFFFF  }
0xd4: {  	p0 =	sne.s32 s0, $0x0;
	s0 =	rddreg [dreg:$0x3]  }
0xd5: {  	s0 =	sadd.s32 @!p0 $0x100000, s0  }
0xd6: {  	[sflag:s0] =	ssyncadd.tile.s32 @!p0 $0x1;
	_ =	shalt  }
.Lfunc_end2:
_tile_overlayer_lowered:
.L_overlay_start_2:
0xd7: {  	(tag) =	ssettag $0x2  }
0xd8: {  	s0 =	rddreg [dreg:$0x0];
	s2 =	stileid.u32  }
0xd9: {  	s1 =	rddreg [dreg:$0x1];
	p0 =	sne.s32 s2, $0x0  }
0xda: {  	s3 =	rddreg [dreg:$0x2];
	[bflag:$0x3] =	sbarrier.arrive $0xFFFF;
	s2 =	simm.s32 @!p0 $0x1C07  }
0xdb: {  	[timem:s3], [sflag:s2] =	dma.local @!p0 [hbm:s0], s1  }
0xdc: {  	s0 =	simm.s32 @!p0 $0x7  }
0xdd: {  	_ =	swait.ge @!p0 [sflag:s0], s1  }
0xde: {  	s1 =	ssub.s32 @!p0 $0x0, s1;
	[sflag:s0] =	ssyncset.done @!p0 $0x0  }
0xdf: {  	[sflag:s0] =	ssyncadd.s32 @!p0 s1  }
0xe0: {  	[bflag:$0x3] =	sbarrier.arrive $0xFFFF  }
0xe1: {  	_ =	shalt  }

// kernel: kernel.14.cloned.1.call-start
scs
__scs_entry_jumppad:
0x0: {  	(pc) =	sbr.rel $0x88, $3  }
0x1: {  	(tag) =	ssettag $0x0;
	lr =	simm.s32 $0x1  }
0x2: {  	[smem:$0x3F9B] =	sst lr;
	_ =	strace $0xD0000000  }
0x3: {  	_ = 	snop  }
0x4: {  	_ = 	snop  }
0x5: {  	_ = 	snop  }
0x6: {  	_ = 	snop  }
0x7: {  	_ = 	snop  }
__scs_overlays_trampoline_lowered:
0x8: {  	[smem:$0x3FAA] =	sst s0  }
0x9: {  	[smem:$0x3FAB] =	sst s1  }
0xa: {  	[smem:$0x3FAC] =	sst s2  }
0xb: {  	[smem:$0x3FAD] =	sst s3  }
0xc: {  	[smem:$0x3FAE] =	sst s4  }
0xd: {  	[smem:$0x3FAF] =	sst s5  }
0xe: {  	[smem:$0x3FB0] =	sst s6  }
0xf: {  	[smem:$0x3FB1] =	sst s7  }
0x10: {  	[smem:$0x3FB2] =	sst s8  }
0x11: {  	[smem:$0x3FB3] =	sst s9;
	s0 =	simm.s32 @!p0 $0x0  }
0x12: {  	s1 =	sld [smem:$0x3F99];
	s0 =	simm.s32 @p0 $0x1  }
0x13: {  	[smem:$0x3FB4] =	sst s0;
	s0 =	simm.s32 @!p1 $0x0  }
0x14: {  	s2 =	sld [smem:$0x3F98];
	s0 =	simm.s32 @p1 $0x1  }
0x15: {  	[smem:$0x3FB5] =	sst s0;
	s0 =	simm.s32 @!p2 $0x0  }
0x16: {  	s3 =	sld [smem:$0x3FDB];
	s0 =	simm.s32 @p2 $0x1  }
0x17: {  	s4 =	simm.s32 $0x1BF5;
	[smem:$0x3FB7] =	sst s0  }
0x18: {  	s0 =	sld [smem:$0x3F9A];
	_ =	swait.ge [sflag:s4], $0x0  }
0x19: {  	s7 =	sld [smem:$0x3F9B]  }
0x1a: {  	s8 =	sadd.s32 $0xFFFFE003, lr  }
0x1b: {  	s9 =	sadd.s32 $0xFFFFFEF7, lr;
	s5 =	simm.s32 $0xFFFFFFFF;
	p2 =	slt.u32 s8, $0xFFFFF086  }
0x1c: {  	p1 =	slt.u32 s9, $0xF7A;
	s5 =	simm.s32 @!p2 $0x0  }
0x1d: {  	s5 =	simm.s32 @p1 $0x1;
	p0 =	seq.s32 s7, s2  }
0x1e: {  	s7 =	smul.u32 @!p0 $0xF7A, s2;
	p2 =	seq.s32 @!p0 s5, $0x0  }
0x1f: {  	s9 =	smul.u32 $0xF7A, s1;
	s8 =	simm.s32 @!p0 $0x1BF5;
	p2 =	por !p2, p0  }
0x20: {  	[sflag:s8] =	ssyncset.s32 @!p0 $0xFFFFF086;
	s6 =	sadd.s32 @!p0 s3, s7;
	s7 =	simm.s32 @!p0 $0x108  }
0x21: {  	s3 =	sadd.s32 s3, s9;
	s6 =	sadd.s32 @!p0 $0x88, s6;
	s7 =	simm.s32 @p2 $0x1082  }
0x22: {  	[simem:s7], [sflag:s8] =	dma.local @!p0 [hbm:s6], $0xF7A  }
0x23: {  	s9 =	sor.u32 $0xD0000000, s2;
	s6 =	simm.s32 $0x108;
	_ =	swait.ge @!p0 [sflag:s8], $0x0  }
0x24: {  	s3 =	sadd.s32 $0x88, s3;
	s6 =	simm.s32 @!p1 $0x1082;
	[sflag:s4] =	ssyncset.s32 $0xFFFFF086  }
0x25: {  	[simem:s6], [sflag:s4] =	dma.local [hbm:s3], $0xF7A  }
0x26: {  	[smem:$0x3F9B] =	sst s1;
	(tag) =	ssettag s2;
	_ =	strace s9  }
0x27: {  	s1 =	sld [smem:$0x3FAB]  }
0x28: {  	s2 =	sld [smem:$0x3FAC]  }
0x29: {  	s4 =	sld [smem:$0x3FAE]  }
0x2a: {  	p0 =	seq.s32 s5, $0x0;
	s5 =	sld [smem:$0x3FAF]  }
0x2b: {  	s6 =	sld [smem:$0x3FB0]  }
0x2c: {  	s7 =	sld [smem:$0x3FB1]  }
0x2d: {  	s3 =	simm.s32 $0x108;
	s8 =	sld [smem:$0x3FB2]  }
0x2e: {  	s3 =	simm.s32 @!p0 $0x1082;
	s9 =	sld [smem:$0x3FB3]  }
0x2f: {  	lr =	sadd.s32 s0, s3;
	s0 =	sld [smem:$0x3FAA]  }
0x30: {  	s3 =	sld [smem:$0x3FAD]  }
0x31: {  	[smem:$0x3FB6] =	sst s10  }
0x32: {  	s10 =	sld [smem:$0x3FB4];
	_ =	sdelay $0x3  }
0x33: {  	p0 =	seq.s32 s10, $0x1;
	s10 =	sld [smem:$0x3FB6];
	_ =	sdelay $0x3  }
0x34: {  	[smem:$0x3FB6] =	sst s10  }
0x35: {  	s10 =	sld [smem:$0x3FB5];
	_ =	sdelay $0x3  }
0x36: {  	p1 =	seq.s32 s10, $0x1;
	s10 =	sld [smem:$0x3FB6];
	_ =	sdelay $0x3  }
0x37: {  	[smem:$0x3FB6] =	sst s10  }
0x38: {  	s10 =	sld [smem:$0x3FB7]  }
0x39: {  	_ = 	snop;
	(pc) =	sbr.ind lr, $3  }
0x3a: {  	_ = 	snop  }
0x3b: {  	_ = 	snop  }
0x3c: {  	p2 =	seq.s32 s10, $0x1;
	s10 =	sld [smem:$0x3FB6]  }
0x3d: {  	_ =	shalt  }
0x3e: {  	_ =	shalt  }
0x3f: {  	_ =	shalt  }
0x40: {  	_ =	shalt  }
0x41: {  	_ =	shalt  }
0x42: {  	_ =	shalt  }
0x43: {  	_ =	shalt  }
0x44: {  	_ =	shalt  }
0x45: {  	_ =	shalt  }
0x46: {  	_ =	shalt  }
0x47: {  	_ =	shalt  }
0x48: {  	_ =	shalt  }
0x49: {  	_ =	shalt  }
0x4a: {  	_ =	shalt  }
0x4b: {  	_ =	shalt  }
0x4c: {  	_ =	shalt  }
0x4d: {  	_ =	shalt  }
0x4e: {  	_ =	shalt  }
0x4f: {  	_ =	shalt  }
0x50: {  	_ =	shalt  }
0x51: {  	_ =	shalt  }
0x52: {  	_ =	shalt  }
0x53: {  	_ =	shalt  }
0x54: {  	_ =	shalt  }
0x55: {  	_ =	shalt  }
0x56: {  	_ =	shalt  }
0x57: {  	_ =	shalt  }
0x58: {  	_ =	shalt  }
0x59: {  	_ =	shalt  }
0x5a: {  	_ =	shalt  }
0x5b: {  	_ =	shalt  }
0x5c: {  	_ =	shalt  }
0x5d: {  	_ =	shalt  }
0x5e: {  	_ =	shalt  }
0x5f: {  	_ =	shalt  }
0x60: {  	_ =	shalt  }
0x61: {  	_ =	shalt  }
0x62: {  	_ =	shalt  }
0x63: {  	_ =	shalt  }
0x64: {  	_ =	shalt  }
0x65: {  	_ =	shalt  }
0x66: {  	_ =	shalt  }
0x67: {  	_ =	shalt  }
0x68: {  	_ =	shalt  }
0x69: {  	_ =	shalt  }
0x6a: {  	_ =	shalt  }
0x6b: {  	_ =	shalt  }
0x6c: {  	_ =	shalt  }
0x6d: {  	_ =	shalt  }
0x6e: {  	_ =	shalt  }
0x6f: {  	_ =	shalt  }
0x70: {  	_ =	shalt  }
0x71: {  	_ =	shalt  }
0x72: {  	_ =	shalt  }
0x73: {  	_ =	shalt  }
0x74: {  	_ =	shalt  }
0x75: {  	_ =	shalt  }
0x76: {  	_ =	shalt  }
0x77: {  	_ =	shalt  }
0x78: {  	_ =	shalt  }
0x79: {  	_ =	shalt  }
0x7a: {  	_ =	shalt  }
0x7b: {  	_ =	shalt  }
0x7c: {  	_ =	shalt  }
0x7d: {  	_ =	shalt  }
0x7e: {  	_ =	shalt  }
0x7f: {  	_ =	shalt  }
0x80: {  	_ =	shalt  }
0x81: {  	_ =	shalt  }
0x82: {  	_ =	shalt  }
0x83: {  	_ =	shalt  }
0x84: {  	_ =	shalt  }
0x85: {  	_ =	shalt  }
0x86: {  	_ =	shalt  }
0x87: {  	_ =	shalt  }
.Lfunc_end0:
.L_simem_size_0:
called_computation.2_lowered:
.L_overlay_start_0:
0x88: {  	s2 =	sld [smem:$0x3FD9]  }
0x89: {  	s3 =	sld [smem:$0x3FFE];
	_ =	sdelay $0x1  }
0x8a: {  	s1 =	srdreg.scid  }
0x8b: {  	s0 =	sand.u32 $0x1, s1  }
0x8c: {  	s17 =	sshll.u32 s0, $0xA;
	s2 =	sadd.s32 s3, s2  }
0x8d: {  	s2 =	sadd.s32 s2, s17  }
0x8e: {  	[smem:$0x3FC2] =	sst s2  }
0x8f: {  	_ = 	snop  }
0x90: {  	s2 =	sld [smem:$0x3FD0];
	(tm) =	ssettm $0x1  }
0x91: {  	s18 =	sld [smem:$0x3FFB];
	_ =	sdelay $0x3  }
0x92: {  	_ =	strace s18  }
0x93: {  	s3 =	sld [smem:$0x3FFC];
	_ =	sdelay $0x3  }
0x94: {  	_ =	strace s3  }
0x95: {  	s3 =	sld [smem:$0x3FFD];
	_ =	sdelay $0x3  }
0x96: {  	_ =	strace s3  }
0x97: {  	_ =	strace $0x8FFFFFFF  }
0x98: {  	s19 =	sld [smem:$0x3FDB];
	_ =	sdelay $0x1  }
0x99: {  	s4 =	simm.s32 $_scs_section_size  }
0x9a: {  	s5 =	simm.s32 $_size__tile_overlayer_lowered;
	s6 =	simm.s32 $_tile_overlayer_lowered  }
0x9b: {  	s22 =	simm.s32 $0x1BFF;
	s21 =	sshll.u32 s6, $0x1;
	s3 =	sadd.s32 s4, s19  }
0x9c: {  	s7 =	simm.s32 $0x0;
	s20 =	sshll.u32 s5, $0x1;
	s5 =	sadd.s32 s21, s3  }
0x9d: {  	[timem:s7], [sflag:s22] =	dma.local [hbm:s5], s20  }
0x9e: {  	_ =	swait.ge [sflag:s22], s20  }
0x9f: {  	s4 =	ssub.s32 $0x0, s20;
	[sflag:s22] =	ssyncset.done $0x0  }
0xa0: {  	[sflag:s22] =	ssyncadd.s32 s4;
	_ =	sdelay $0x1  }
0xa1: {  	s23 =	simm.s32 $0x1B8B  }
0xa2: {  	_ =	swait.ge [sflag:s23], $0x1  }
0xa3: {  	[sflag:s23] =	ssyncset.done $0x0  }
0xa4: {  	s25 =	simm.s32 $0x1B8E;
	s24 =	sld [smem:$0x3FFE];
	[sflag:s23] =	ssyncadd.s32 $0xFFFFFFFF  }
0xa5: {  	s26 =	simm.s32 $execute0_lowered;
	[smem:$0x3FD2] =	sst s25  }
0xa6: {  	s5 =	sshll.u32 s26, $0x1;
	_ =	strace $0x8000004C;
	[dreg:$0x1] =	wrdreg $0xFFFFFFFF  }
0xa7: {  	s28 =	simm.s32 $_size_execute0_lowered;
	s3 =	sadd.s32 s3, s5;
	[dreg:$0x0] =	wrdreg $0x0  }
0xa8: {  	s5 =	sshll.u32 s28, $0x1;
	[dreg:$0x2] =	wrdreg s3  }
0xa9: {  	[dreg:$0x3] =	wrdreg s5  }
0xaa: {  	[dreg:$0x4] =	wrdreg $0xC0  }
0xab: {  	_ =	task [dreg:s7], $0x5FFFF  }
0xac: {  	[dreg:$0x1] =	wrdreg $0xFFFFFFFF  }
0xad: {  	[dreg:$0x0] =	wrdreg $0x60  }
0xae: {  	[dreg:$0x2] =	wrdreg s2  }
0xaf: {  	[dreg:$0x3] =	wrdreg s24  }
0xb0: {  	[dreg:$0x4] =	wrdreg $0xA8000  }
0xb1: {  	[dreg:$0x5] =	wrdreg $0x9  }
0xb2: {  	_ =	task.clear_ibuf [dreg:s7], $0x6FFFF;
	_ =	strace $0x9000004C  }
0xb3: {  	s29 =	simm.s32 $0x9;
	_ =	strace $0x8000004E  }
0xb4: {  	_ =	swait.ge [sflag:s29], $0x1  }
0xb5: {  	[sflag:s29] =	ssyncadd.s32 $0xFFFFFFFF  }
0xb6: {  	_ =	strace $0x9000004E  }
0xb7: {  	_ =	sfence  }
0xb8: {  	s30 =	sld [smem:$0x0];
	_ =	sdelay $0x2  }
0xb9: {  	s31 =	sshll.u32 s1, $0xD;
	s1 =	sshrl.u32 s1, $0x2  }
0xba: {  	s3 =	sand.u32 $0x4000, s31;
	s1 =	sadd.s32 s1, s30  }
0xbb: {  	s0 =	sor.u32 s3, s0;
	s1 =	sshll.u32 s1, $0x11  }
0xbc: {  	s0 =	sor.u32 s1, s0  }
0xbd: {  	s0 =	sadd.s32 $0x8F2B, s0  }
0xbe: {  	[sflag:s0] =	ssyncadd.remote.s32 $0x1  }
0xbf: {  	_ =	sfence.sel $0xFFFF  }
0xc0: {  	[dreg:$0x0] =	wrdreg $0xFFFFFFFF;
	(pc) =	sbr.abs _section_cstart, $3  }
0xc1: {  	[dreg:$0x1] =	wrdreg $0xFFFFFFFF  }
0xc2: {  	_ =	task.clear_ibuf [dreg:s7], $0x2FFFF;
	_ =	strace $0x9FFFFFFF  }
0xc3: {  	(tm) =	ssettm $0x7FFFFFFF  }
tec
execute0_lowered:
.L_overlay_start_1:
0x0: {  	(tag) =	ssettag $0x1  }
0x1: {  	s1 =	rddreg [dreg:$0x0]  }
0x2: {  	s0 =	rddreg [dreg:$0x1]  }
0x3: {  	s3 =	rddreg [dreg:$0x2];
	s4 =	simm.s32 $0x0  }
0x4: {  	s2 =	srdreg.scid;
	s14 =	stileid.u32;
	s15 =	simm.s32 $0x1400  }
0x5: {  	s16 =	simm.s32 $0x40;
	s17 =	simm.s32 $0x2800;
	s18 =	simm.s32 $0x4800  }
0x6: {  	s19 =	simm.s32 $0x80;
	s20 =	simm.s32 $0x6800;
	s21 =	simm.s32 $0xC0  }
0x7: {  	s28 =	simm.s32 $0x5;
	s29 =	simm.s32 $0x6;
	s5 =	smul.u32 $0x14000, s14  }
0x8: {  	s30 =	simm.s32 $0x2700;
	s31 =	simm.s32 $0x2780;
	s8 =	smul.u32 $0x50000, s14  }
0x9: {  	[smem:$0x7FF] =	sst s4;
	s2 =	sand.u32 $0x1, s2;
	s12 =	smul.u32 $0x50, s14  }
0xa: {  	s9 =	sadd.s32 $0x2800, s0;
	s10 =	sadd.s32 $0x5CC00, s0;
	s6 =	smul.u32 $0x140000, s2  }
0xb: {  	s23 =	sshll.u32 s14, $0x6;
	s7 =	smul.u32 $0x500, s2;
	s2 =	ssub.s32 $0x2, s2  }
0xc: {  	s14 =	simm.s32 $0x7;
	_ =	strace $0x8000004D;
	s11 =	sshrl.u32 s2, $0x1  }
0xd: {  	s22 =	sshrl.u32 s8, $0x2;
	s6 =	sadd.s32 s5, s6;
	s2 =	ssub.s32 s2, s11  }
0xe: {  	s7 =	sadd.s32 s12, s7;
	s13 =	sadd.s32 s22, s3;
	s5 =	sshrl.u32 s5, $0x3  }
0xf: {  	s22 =	simm.s32 $0x8800;
	s6 =	sshrl.u32 s6, $0x3;
	s5 =	sadd.s32 s1, s5  }
0x10: {  	s24 =	sshll.u32 s7, $0x4;
	s12 =	smax.u32 s2, $0x1;
	s13 =	sshrl.u32 s13, $0x3  }
0x11: {  	s0 =	sadd.s32 s6, s0;
	[dreg:$0x4] =	wrdreg s5;
	s6 =	sor.u32 $0x1C07, s23  }
0x12: {  	s25 =	sadd.s32 s9, s24;
	s26 =	sadd.s32 $0x280, s24;
	s8 =	sadd.s32 s10, s24  }
0x13: {  	s23 =	simm.s32 $0x1;
	s24 =	simm.s32 $0x2;
	[dreg:$0x5] =	wrdreg s25  }
0x14: {  	s9 =	sadd.s32 s9, s26;
	s10 =	sadd.s32 s10, s26;
	s11 =	sadd.s32 $0xCC00, s0  }
0x15: {  	s25 =	simm.s32 $0x3;
	s26 =	simm.s32 $0x4;
	s0 =	simm.s32 $0x0  }
.LBB2_1:
0x16: {  	s2 =	rddreg [dreg:$0x4]  }
0x17: {  	[spmem:s13], [sflag:s6] =	dma.local [hbm:s2], $0x2800  }
0x18: {  	_ =	swait.ge [sflag:s14], $0x2800  }
0x19: {  	[sflag:s14] =	ssyncset.done $0x0  }
0x1a: {  	[sflag:s14] =	ssyncadd.s32 $0xFFFFD800  }
0x1b: {  	[bflag:$0x0] =	sbarrier.arrive $0xFFFF  }
0x1c: {  	s5 =	rddreg [dreg:$0x5]  }
0x1d: {  	[tilespmem:s4], [sflag:$0x7] =	stream.linear.gather [hbm4b:s5+s4], $0x1400, $0x38;
	[tilespmem:$0x1E800] =	vst v63  }
0x1e: {  	_ =	swait.ge [sflag:s14], $0x1400  }
0x1f: {  	[sflag:s14] =	ssyncset.done $0x0  }
0x20: {  	[sflag:s14] =	ssyncadd.s32 $0xFFFFEC00  }
0x21: {  	[tilespmem:s15], [sflag:$0x7] =	stream.linear.gather [hbm4b:s8+s4], $0x1400, $0x38;
	[tilespmem:$0x1E800] =	vst v63  }
0x22: {  	_ =	swait.ge [sflag:s14], $0x1400  }
0x23: {  	[sflag:s14] =	ssyncset.done $0x0  }
0x24: {  	[sflag:s14] =	ssyncadd.s32 $0xFFFFEC00  }
0x25: {  	[tilespmem:s17], [sflag:$0x1] =	stream.indirect.gather [hbm4b:s1+s16], $0x80, s4, s16, $0xb8;
	[tilespmem:$0x1E800] =	vst v63  }
0x26: {  	_ = 	snop  }
0x27: {  	[tilespmem:s18], [sflag:$0x2] =	stream.indirect.gather [hbm4b:s1+s16], $0x80, s16, s16, $0xb8;
	[tilespmem:$0x1E800] =	vst v63  }
0x28: {  	_ = 	snop  }
0x29: {  	[tilespmem:s20], [sflag:$0x3] =	stream.indirect.gather [hbm4b:s1+s16], $0x80, s19, s16, $0xb8;
	[tilespmem:$0x1E800] =	vst v63  }
0x2a: {  	_ = 	snop  }
0x2b: {  	[tilespmem:s22], [sflag:$0x4] =	stream.indirect.gather [hbm4b:s1+s16], $0x80, s21, s16, $0xb8;
	[tilespmem:$0x1E800] =	vst v63  }
0x2c: {  	_ =	swait.ge [sflag:s23], $0x2000  }
0x2d: {  	[sflag:s23] =	ssyncset.done $0x0  }
0x2e: {  	[sflag:s23] =	ssyncadd.s32 $0xFFFFE000  }
0x2f: {  	_ =	swait.ge [sflag:s24], $0x2000  }
0x30: {  	[sflag:s24] =	ssyncset.done $0x0  }
0x31: {  	s7 =	simm.s32 $0x1400;
	[sflag:s24] =	ssyncadd.s32 $0xFFFFE000  }
0x32: {  	[spmem:s3] =	stream.indirect.scatter.add.f32 [tilespmem:s17], [sflag:$0x5], $0x80, s7, s19, $0xb8;
	[tilespmem:$0x1E800] =	vst v63  }
0x33: {  	_ =	swait.ge [sflag:s25], $0x2000  }
0x34: {  	[sflag:s25] =	ssyncset.done $0x0  }
0x35: {  	[sflag:s25] =	ssyncadd.s32 $0xFFFFE000  }
0x36: {  	_ =	swait.ge [sflag:s26], $0x2000  }
0x37: {  	[sflag:s26] =	ssyncset.done $0x0  }
0x38: {  	s5 =	simm.s32 $0x1480;
	[sflag:s26] =	ssyncadd.s32 $0xFFFFE000  }
0x39: {  	[spmem:s3] =	stream.indirect.scatter.add.f32 [tilespmem:s20], [sflag:$0x6], $0x80, s5, s19, $0xb8;
	[tilespmem:$0x1E800] =	vst v63  }
0x3a: {  	_ =	swait.ge [sflag:s28], $0x4000  }
0x3b: {  	[sflag:s28] =	ssyncset.done $0x0  }
0x3c: {  	s7 =	simm.s32 $0x100;
	[sflag:s28] =	ssyncadd.s32 $0xFFFFC000  }
0x3d: {  	[tilespmem:s17], [sflag:$0x1] =	stream.indirect.gather [hbm4b:s1+s16], $0x80, s7, s16, $0xb8;
	[tilespmem:$0x1E800] =	vst v63  }
0x3e: {  	s5 =	simm.s32 $0x140  }
0x3f: {  	[tilespmem:s18], [sflag:$0x2] =	stream.indirect.gather [hbm4b:s1+s16], $0x80, s5, s16, $0xb8;
	[tilespmem:$0x1E800] =	vst v63  }
0x40: {  	_ =	swait.ge [sflag:s29], $0x4000  }
0x41: {  	s2 =	simm.s32 $0x400;
	[sflag:s29] =	ssyncset.done $0x0  }
0x42: {  	s7 =	simm.s32 $0x180;
	s5 =	simm.s32 $0x1C0;
	[sflag:s29] =	ssyncadd.s32 $0xFFFFC000  }
0x43: {  	[tilespmem:s20], [sflag:$0x3] =	stream.indirect.gather [hbm4b:s1+s16], $0x80, s7, s16, $0xb8;
	[tilespmem:$0x1E800] =	vst v63  }
.LBB2_2:
0x44: {  	[tilespmem:s22], [sflag:$0x4] =	stream.indirect.gather [hbm4b:s1+s16], $0x80, s5, s16, $0xb8;
	[tilespmem:$0x1E800] =	vst v63  }
0x45: {  	s5 =	smov.u32 s2  }
0x46: {  	p0 =	sne.s32 s2, $0x4800;
	s2 =	sadd.s32 $0x400, s2;
	_ =	swait.ge [sflag:s23], $0x2000  }
0x47: {  	[sflag:s23] =	ssyncset.done $0x0  }
0x48: {  	[sflag:s23] =	ssyncadd.s32 $0xFFFFE000  }
0x49: {  	_ =	swait.ge [sflag:s24], $0x2000  }
0x4a: {  	s5 =	sshra.s32 s5, $0x2;
	[sflag:s24] =	ssyncset.done $0x0  }
0x4b: {  	s7 =	sadd.s32 $0x1400, s5;
	[sflag:s24] =	ssyncadd.s32 $0xFFFFE000  }
0x4c: {  	[spmem:s3] =	stream.indirect.scatter.add.f32 [tilespmem:s17], [sflag:$0x5], $0x80, s7, s19, $0xb8;
	[tilespmem:$0x1E800] =	vst v63  }
0x4d: {  	_ =	swait.ge [sflag:s25], $0x2000  }
0x4e: {  	[sflag:s25] =	ssyncset.done $0x0  }
0x4f: {  	[sflag:s25] =	ssyncadd.s32 $0xFFFFE000  }
0x50: {  	_ =	swait.ge [sflag:s26], $0x2000  }
0x51: {  	[sflag:s26] =	ssyncset.done $0x0  }
0x52: {  	s7 =	sadd.s32 $0x1480, s5;
	[sflag:s26] =	ssyncadd.s32 $0xFFFFE000  }
0x53: {  	[spmem:s3] =	stream.indirect.scatter.add.f32 [tilespmem:s20], [sflag:$0x6], $0x80, s7, s19, $0xb8;
	[tilespmem:$0x1E800] =	vst v63  }
0x54: {  	_ =	swait.ge [sflag:s28], $0x4000  }
0x55: {  	[sflag:s28] =	ssyncset.done $0x0  }
0x56: {  	s7 =	sadd.s32 $0x100, s5;
	[sflag:s28] =	ssyncadd.s32 $0xFFFFC000  }
0x57: {  	[tilespmem:s17], [sflag:$0x1] =	stream.indirect.gather [hbm4b:s1+s16], $0x80, s7, s16, $0xb8;
	[tilespmem:$0x1E800] =	vst v63  }
0x58: {  	s7 =	sadd.s32 $0x140, s5  }
0x59: {  	[tilespmem:s18], [sflag:$0x2] =	stream.indirect.gather [hbm4b:s1+s16], $0x80, s7, s16, $0xb8;
	[tilespmem:$0x1E800] =	vst v63  }
.Ltmp0:
0x5a: {  	_ =	swait.ge [sflag:s29], $0x4000;
	(pc) =	sbr.rel @p0 .LBB2_2-.Ltmp0, $4  }
0x5b: {  	[sflag:s29] =	ssyncset.done $0x0  }
0x5c: {  	s7 =	sadd.s32 $0x180, s5;
	[sflag:s29] =	ssyncadd.s32 $0xFFFFC000  }
0x5d: {  	[tilespmem:s20], [sflag:$0x3] =	stream.indirect.gather [hbm4b:s1+s16], $0x80, s7, s16, $0xb8;
	[tilespmem:$0x1E800] =	vst v63  }
0x5e: {  	s5 =	sadd.s32 $0x1C0, s5  }
0x5f: {  	[tilespmem:s22], [sflag:$0x4] =	stream.indirect.gather [hbm4b:s1+s16], $0x80, s5, s16, $0xb8;
	[tilespmem:$0x1E800] =	vst v63  }
0x60: {  	_ =	swait.ge [sflag:s23], $0x2000  }
0x61: {  	[sflag:s23] =	ssyncset.done $0x0  }
0x62: {  	[sflag:s23] =	ssyncadd.s32 $0xFFFFE000  }
0x63: {  	_ =	swait.ge [sflag:s24], $0x2000  }
0x64: {  	[sflag:s24] =	ssyncset.done $0x0  }
0x65: {  	[sflag:s24] =	ssyncadd.s32 $0xFFFFE000  }
0x66: {  	[spmem:s3] =	stream.indirect.scatter.add.f32 [tilespmem:s17], [sflag:$0x5], $0x80, s30, s19, $0xb8;
	[tilespmem:$0x1E800] =	vst v63  }
0x67: {  	_ =	swait.ge [sflag:s25], $0x2000  }
0x68: {  	[sflag:s25] =	ssyncset.done $0x0  }
0x69: {  	[sflag:s25] =	ssyncadd.s32 $0xFFFFE000  }
0x6a: {  	_ =	swait.ge [sflag:s26], $0x2000  }
0x6b: {  	[sflag:s26] =	ssyncset.done $0x0  }
0x6c: {  	[sflag:s26] =	ssyncadd.s32 $0xFFFFE000  }
0x6d: {  	[spmem:s3] =	stream.indirect.scatter.add.f32 [tilespmem:s20], [sflag:$0x6], $0x80, s31, s19, $0xb8;
	[tilespmem:$0x1E800] =	vst v63  }
0x6e: {  	_ =	swait.ge [sflag:s28], $0x4000  }
0x6f: {  	[sflag:s28] =	ssyncset.done $0x0  }
0x70: {  	[sflag:s28] =	ssyncadd.s32 $0xFFFFC000  }
0x71: {  	_ =	swait.ge [sflag:s29], $0x4000  }
0x72: {  	[sflag:s29] =	ssyncset.done $0x0  }
0x73: {  	s2 =	simm.s32 $0x0;
	[sflag:s29] =	ssyncadd.s32 $0xFFFFC000  }
0x74: {  	[tilespmem:s2], [sflag:$0x7] =	stream.linear.gather [hbm4b:s9+s2], $0x1400, $0x38;
	[tilespmem:$0x1E800] =	vst v63  }
0x75: {  	_ =	swait.ge [sflag:s14], $0x1400  }
0x76: {  	[sflag:s14] =	ssyncset.done $0x0  }
0x77: {  	[sflag:s14] =	ssyncadd.s32 $0xFFFFEC00  }
0x78: {  	[tilespmem:s15], [sflag:$0x7] =	stream.linear.gather [hbm4b:s10+s2], $0x1400, $0x38;
	[tilespmem:$0x1E800] =	vst v63  }
0x79: {  	_ =	swait.ge [sflag:s14], $0x1400  }
0x7a: {  	[sflag:s14] =	ssyncset.done $0x0  }
0x7b: {  	[sflag:s14] =	ssyncadd.s32 $0xFFFFEC00  }
0x7c: {  	[tilespmem:s17], [sflag:$0x1] =	stream.indirect.gather [hbm4b:s1+s16], $0x80, s2, s16, $0xb8;
	[tilespmem:$0x1E800] =	vst v63  }
0x7d: {  	_ = 	snop  }
0x7e: {  	[tilespmem:s18], [sflag:$0x2] =	stream.indirect.gather [hbm4b:s1+s16], $0x80, s16, s16, $0xb8;
	[tilespmem:$0x1E800] =	vst v63  }
0x7f: {  	_ = 	snop  }
0x80: {  	[tilespmem:s20], [sflag:$0x3] =	stream.indirect.gather [hbm4b:s1+s16], $0x80, s19, s16, $0xb8;
	[tilespmem:$0x1E800] =	vst v63  }
0x81: {  	_ = 	snop  }
0x82: {  	[tilespmem:s22], [sflag:$0x4] =	stream.indirect.gather [hbm4b:s1+s16], $0x80, s21, s16, $0xb8;
	[tilespmem:$0x1E800] =	vst v63  }
0x83: {  	_ =	swait.ge [sflag:s23], $0x2000  }
0x84: {  	[sflag:s23] =	ssyncset.done $0x0  }
0x85: {  	[sflag:s23] =	ssyncadd.s32 $0xFFFFE000  }
0x86: {  	_ =	swait.ge [sflag:s24], $0x2000  }
0x87: {  	[sflag:s24] =	ssyncset.done $0x0  }
0x88: {  	s7 =	simm.s32 $0x1400;
	[sflag:s24] =	ssyncadd.s32 $0xFFFFE000  }
0x89: {  	[spmem:s3] =	stream.indirect.scatter.add.f32 [tilespmem:s17], [sflag:$0x5], $0x80, s7, s19, $0xb8;
	[tilespmem:$0x1E800] =	vst v63  }
0x8a: {  	_ =	swait.ge [sflag:s25], $0x2000  }
0x8b: {  	[sflag:s25] =	ssyncset.done $0x0  }
0x8c: {  	[sflag:s25] =	ssyncadd.s32 $0xFFFFE000  }
0x8d: {  	_ =	swait.ge [sflag:s26], $0x2000  }
0x8e: {  	[sflag:s26] =	ssyncset.done $0x0  }
0x8f: {  	s5 =	simm.s32 $0x1480;
	[sflag:s26] =	ssyncadd.s32 $0xFFFFE000  }
0x90: {  	[spmem:s3] =	stream.indirect.scatter.add.f32 [tilespmem:s20], [sflag:$0x6], $0x80, s5, s19, $0xb8;
	[tilespmem:$0x1E800] =	vst v63  }
0x91: {  	_ =	swait.ge [sflag:s28], $0x4000  }
0x92: {  	[sflag:s28] =	ssyncset.done $0x0  }
0x93: {  	s7 =	simm.s32 $0x100;
	[sflag:s28] =	ssyncadd.s32 $0xFFFFC000  }
0x94: {  	[tilespmem:s17], [sflag:$0x1] =	stream.indirect.gather [hbm4b:s1+s16], $0x80, s7, s16, $0xb8;
	[tilespmem:$0x1E800] =	vst v63  }
0x95: {  	s5 =	simm.s32 $0x140  }
0x96: {  	[tilespmem:s18], [sflag:$0x2] =	stream.indirect.gather [hbm4b:s1+s16], $0x80, s5, s16, $0xb8;
	[tilespmem:$0x1E800] =	vst v63  }
0x97: {  	_ =	swait.ge [sflag:s29], $0x4000  }
0x98: {  	s2 =	simm.s32 $0x400;
	[sflag:s29] =	ssyncset.done $0x0  }
0x99: {  	s7 =	simm.s32 $0x180;
	s5 =	simm.s32 $0x1C0;
	[sflag:s29] =	ssyncadd.s32 $0xFFFFC000  }
0x9a: {  	[tilespmem:s20], [sflag:$0x3] =	stream.indirect.gather [hbm4b:s1+s16], $0x80, s7, s16, $0xb8;
	[tilespmem:$0x1E800] =	vst v63  }
.LBB2_4:
0x9b: {  	[tilespmem:s22], [sflag:$0x4] =	stream.indirect.gather [hbm4b:s1+s16], $0x80, s5, s16, $0xb8;
	[tilespmem:$0x1E800] =	vst v63  }
0x9c: {  	s5 =	smov.u32 s2  }
0x9d: {  	p0 =	sne.s32 s2, $0x4800;
	s2 =	sadd.s32 $0x400, s2;
	_ =	swait.ge [sflag:s23], $0x2000  }
0x9e: {  	[sflag:s23] =	ssyncset.done $0x0  }
0x9f: {  	[sflag:s23] =	ssyncadd.s32 $0xFFFFE000  }
0xa0: {  	_ =	swait.ge [sflag:s24], $0x2000  }
0xa1: {  	s5 =	sshra.s32 s5, $0x2;
	[sflag:s24] =	ssyncset.done $0x0  }
0xa2: {  	s7 =	sadd.s32 $0x1400, s5;
	[sflag:s24] =	ssyncadd.s32 $0xFFFFE000  }
0xa3: {  	[spmem:s3] =	stream.indirect.scatter.add.f32 [tilespmem:s17], [sflag:$0x5], $0x80, s7, s19, $0xb8;
	[tilespmem:$0x1E800] =	vst v63  }
0xa4: {  	_ =	swait.ge [sflag:s25], $0x2000  }
0xa5: {  	[sflag:s25] =	ssyncset.done $0x0  }
0xa6: {  	[sflag:s25] =	ssyncadd.s32 $0xFFFFE000  }
0xa7: {  	_ =	swait.ge [sflag:s26], $0x2000  }
0xa8: {  	[sflag:s26] =	ssyncset.done $0x0  }
0xa9: {  	s7 =	sadd.s32 $0x1480, s5;
	[sflag:s26] =	ssyncadd.s32 $0xFFFFE000  }
0xaa: {  	[spmem:s3] =	stream.indirect.scatter.add.f32 [tilespmem:s20], [sflag:$0x6], $0x80, s7, s19, $0xb8;
	[tilespmem:$0x1E800] =	vst v63  }
0xab: {  	_ =	swait.ge [sflag:s28], $0x4000  }
0xac: {  	[sflag:s28] =	ssyncset.done $0x0  }
0xad: {  	s7 =	sadd.s32 $0x100, s5;
	[sflag:s28] =	ssyncadd.s32 $0xFFFFC000  }
0xae: {  	[tilespmem:s17], [sflag:$0x1] =	stream.indirect.gather [hbm4b:s1+s16], $0x80, s7, s16, $0xb8;
	[tilespmem:$0x1E800] =	vst v63  }
0xaf: {  	s7 =	sadd.s32 $0x140, s5  }
0xb0: {  	[tilespmem:s18], [sflag:$0x2] =	stream.indirect.gather [hbm4b:s1+s16], $0x80, s7, s16, $0xb8;
	[tilespmem:$0x1E800] =	vst v63  }
.Ltmp1:
0xb1: {  	_ =	swait.ge [sflag:s29], $0x4000;
	(pc) =	sbr.rel @p0 .LBB2_4-.Ltmp1, $4  }
0xb2: {  	[sflag:s29] =	ssyncset.done $0x0  }
0xb3: {  	s7 =	sadd.s32 $0x180, s5;
	[sflag:s29] =	ssyncadd.s32 $0xFFFFC000  }
0xb4: {  	[tilespmem:s20], [sflag:$0x3] =	stream.indirect.gather [hbm4b:s1+s16], $0x80, s7, s16, $0xb8;
	[tilespmem:$0x1E800] =	vst v63  }
0xb5: {  	s5 =	sadd.s32 $0x1C0, s5  }
0xb6: {  	[tilespmem:s22], [sflag:$0x4] =	stream.indirect.gather [hbm4b:s1+s16], $0x80, s5, s16, $0xb8;
	[tilespmem:$0x1E800] =	vst v63  }
0xb7: {  	_ =	swait.ge [sflag:s23], $0x2000  }
0xb8: {  	[sflag:s23] =	ssyncset.done $0x0  }
0xb9: {  	[sflag:s23] =	ssyncadd.s32 $0xFFFFE000  }
0xba: {  	_ =	swait.ge [sflag:s24], $0x2000  }
0xbb: {  	[sflag:s24] =	ssyncset.done $0x0  }
0xbc: {  	[sflag:s24] =	ssyncadd.s32 $0xFFFFE000  }
0xbd: {  	[spmem:s3] =	stream.indirect.scatter.add.f32 [tilespmem:s17], [sflag:$0x5], $0x80, s30, s19, $0xb8;
	[tilespmem:$0x1E800] =	vst v63  }
0xbe: {  	_ =	swait.ge [sflag:s25], $0x2000  }
0xbf: {  	[sflag:s25] =	ssyncset.done $0x0  }
0xc0: {  	[sflag:s25] =	ssyncadd.s32 $0xFFFFE000  }
0xc1: {  	_ =	swait.ge [sflag:s26], $0x2000  }
0xc2: {  	[sflag:s26] =	ssyncset.done $0x0  }
0xc3: {  	[sflag:s26] =	ssyncadd.s32 $0xFFFFE000  }
0xc4: {  	[spmem:s3] =	stream.indirect.scatter.add.f32 [tilespmem:s20], [sflag:$0x6], $0x80, s31, s19, $0xb8;
	[tilespmem:$0x1E800] =	vst v63  }
0xc5: {  	_ =	swait.ge [sflag:s28], $0x4000  }
0xc6: {  	[sflag:s28] =	ssyncset.done $0x0  }
0xc7: {  	[sflag:s28] =	ssyncadd.s32 $0xFFFFC000  }
0xc8: {  	_ =	swait.ge [sflag:s29], $0x4000  }
0xc9: {  	s0 =	sadd.s32 $0x1, s0;
	[sflag:s29] =	ssyncset.done $0x0  }
0xca: {  	p0 =	sne.s32 s0, s12;
	[sflag:s29] =	ssyncadd.s32 $0xFFFFC000  }
.Ltmp2:
0xcb: {  	[bflag:$0x0] =	sbarrier.arrive $0xFFFF;
	(pc) =	sbr.rel @p0 .LBB2_1-.Ltmp2, $4  }
0xcc: {  	[hbm:s11], [sflag:s6] =	dma.local [spmem:s13], $0x2800  }
0xcd: {  	_ =	swait.ge [sflag:s14], $0x2800  }
0xce: {  	[sflag:s14] =	ssyncset.done $0x0  }
0xcf: {  	[sflag:s14] =	ssyncadd.s32 $0xFFFFD800  }
0xd0: {  	_ =	sfence.sel $0x180000  }
0xd1: {  	[bflag:$0x0] =	sbarrier.arrive $0xFFFF  }
0xd2: {  	_ =	strace $0x9000004D  }
0xd3: {  	s0 =	stileid.u32;
	[bflag:$0x2] =	sbarrier.arrive $0xFFFF  }
0xd4: {  	p0 =	sne.s32 s0, $0x0;
	s0 =	rddreg [dreg:$0x3]  }
0xd5: {  	s0 =	sadd.s32 @!p0 $0x100000, s0  }
0xd6: {  	[sflag:s0] =	ssyncadd.tile.s32 @!p0 $0x1;
	_ =	shalt  }
.Lfunc_end2:
_tile_overlayer_lowered:
.L_overlay_start_2:
0xd7: {  	(tag) =	ssettag $0x2  }
0xd8: {  	s0 =	rddreg [dreg:$0x0];
	s2 =	stileid.u32  }
0xd9: {  	s1 =	rddreg [dreg:$0x1];
	p0 =	sne.s32 s2, $0x0  }
0xda: {  	s3 =	rddreg [dreg:$0x2];
	[bflag:$0x3] =	sbarrier.arrive $0xFFFF;
	s2 =	simm.s32 @!p0 $0x1C07  }
0xdb: {  	[timem:s3], [sflag:s2] =	dma.local @!p0 [hbm:s0], s1  }
0xdc: {  	s0 =	simm.s32 @!p0 $0x7  }
0xdd: {  	_ =	swait.ge @!p0 [sflag:s0], s1  }
0xde: {  	s1 =	ssub.s32 @!p0 $0x0, s1;
	[sflag:s0] =	ssyncset.done @!p0 $0x0  }
0xdf: {  	[sflag:s0] =	ssyncadd.s32 @!p0 s1  }
0xe0: {  	[bflag:$0x3] =	sbarrier.arrive $0xFFFF  }
0xe1: {  	_ =	shalt  }

// kernel: kernel.8.cloned.1.call-start
scs
__scs_entry_jumppad:
0x0: {  	(pc) =	sbr.rel $0x88, $3  }
0x1: {  	(tag) =	ssettag $0x0;
	lr =	simm.s32 $0x1  }
0x2: {  	[smem:$0x3F9B] =	sst lr;
	_ =	strace $0xD0000000  }
0x3: {  	_ = 	snop  }
0x4: {  	_ = 	snop  }
0x5: {  	_ = 	snop  }
0x6: {  	_ = 	snop  }
0x7: {  	_ = 	snop  }
__scs_overlays_trampoline_lowered:
0x8: {  	[smem:$0x3FAA] =	sst s0  }
0x9: {  	[smem:$0x3FAB] =	sst s1  }
0xa: {  	[smem:$0x3FAC] =	sst s2  }
0xb: {  	[smem:$0x3FAD] =	sst s3  }
0xc: {  	[smem:$0x3FAE] =	sst s4  }
0xd: {  	[smem:$0x3FAF] =	sst s5  }
0xe: {  	[smem:$0x3FB0] =	sst s6  }
0xf: {  	[smem:$0x3FB1] =	sst s7  }
0x10: {  	[smem:$0x3FB2] =	sst s8  }
0x11: {  	[smem:$0x3FB3] =	sst s9;
	s0 =	simm.s32 @!p0 $0x0  }
0x12: {  	s1 =	sld [smem:$0x3F99];
	s0 =	simm.s32 @p0 $0x1  }
0x13: {  	[smem:$0x3FB4] =	sst s0;
	s0 =	simm.s32 @!p1 $0x0  }
0x14: {  	s2 =	sld [smem:$0x3F98];
	s0 =	simm.s32 @p1 $0x1  }
0x15: {  	[smem:$0x3FB5] =	sst s0;
	s0 =	simm.s32 @!p2 $0x0  }
0x16: {  	s3 =	sld [smem:$0x3FDB];
	s0 =	simm.s32 @p2 $0x1  }
0x17: {  	s4 =	simm.s32 $0x1BF5;
	[smem:$0x3FB7] =	sst s0  }
0x18: {  	s0 =	sld [smem:$0x3F9A];
	_ =	swait.ge [sflag:s4], $0x0  }
0x19: {  	s7 =	sld [smem:$0x3F9B]  }
0x1a: {  	s8 =	sadd.s32 $0xFFFFE003, lr  }
0x1b: {  	s9 =	sadd.s32 $0xFFFFFEF7, lr;
	s5 =	simm.s32 $0xFFFFFFFF;
	p2 =	slt.u32 s8, $0xFFFFF086  }
0x1c: {  	p1 =	slt.u32 s9, $0xF7A;
	s5 =	simm.s32 @!p2 $0x0  }
0x1d: {  	s5 =	simm.s32 @p1 $0x1;
	p0 =	seq.s32 s7, s2  }
0x1e: {  	s7 =	smul.u32 @!p0 $0xF7A, s2;
	p2 =	seq.s32 @!p0 s5, $0x0  }
0x1f: {  	s9 =	smul.u32 $0xF7A, s1;
	s8 =	simm.s32 @!p0 $0x1BF5;
	p2 =	por !p2, p0  }
0x20: {  	[sflag:s8] =	ssyncset.s32 @!p0 $0xFFFFF086;
	s6 =	sadd.s32 @!p0 s3, s7;
	s7 =	simm.s32 @!p0 $0x108  }
0x21: {  	s3 =	sadd.s32 s3, s9;
	s6 =	sadd.s32 @!p0 $0x88, s6;
	s7 =	simm.s32 @p2 $0x1082  }
0x22: {  	[simem:s7], [sflag:s8] =	dma.local @!p0 [hbm:s6], $0xF7A  }
0x23: {  	s9 =	sor.u32 $0xD0000000, s2;
	s6 =	simm.s32 $0x108;
	_ =	swait.ge @!p0 [sflag:s8], $0x0  }
0x24: {  	s3 =	sadd.s32 $0x88, s3;
	s6 =	simm.s32 @!p1 $0x1082;
	[sflag:s4] =	ssyncset.s32 $0xFFFFF086  }
0x25: {  	[simem:s6], [sflag:s4] =	dma.local [hbm:s3], $0xF7A  }
0x26: {  	[smem:$0x3F9B] =	sst s1;
	(tag) =	ssettag s2;
	_ =	strace s9  }
0x27: {  	s1 =	sld [smem:$0x3FAB]  }
0x28: {  	s2 =	sld [smem:$0x3FAC]  }
0x29: {  	s4 =	sld [smem:$0x3FAE]  }
0x2a: {  	p0 =	seq.s32 s5, $0x0;
	s5 =	sld [smem:$0x3FAF]  }
0x2b: {  	s6 =	sld [smem:$0x3FB0]  }
0x2c: {  	s7 =	sld [smem:$0x3FB1]  }
0x2d: {  	s3 =	simm.s32 $0x108;
	s8 =	sld [smem:$0x3FB2]  }
0x2e: {  	s3 =	simm.s32 @!p0 $0x1082;
	s9 =	sld [smem:$0x3FB3]  }
0x2f: {  	lr =	sadd.s32 s0, s3;
	s0 =	sld [smem:$0x3FAA]  }
0x30: {  	s3 =	sld [smem:$0x3FAD]  }
0x31: {  	[smem:$0x3FB6] =	sst s10  }
0x32: {  	s10 =	sld [smem:$0x3FB4];
	_ =	sdelay $0x3  }
0x33: {  	p0 =	seq.s32 s10, $0x1;
	s10 =	sld [smem:$0x3FB6];
	_ =	sdelay $0x3  }
0x34: {  	[smem:$0x3FB6] =	sst s10  }
0x35: {  	s10 =	sld [smem:$0x3FB5];
	_ =	sdelay $0x3  }
0x36: {  	p1 =	seq.s32 s10, $0x1;
	s10 =	sld [smem:$0x3FB6];
	_ =	sdelay $0x3  }
0x37: {  	[smem:$0x3FB6] =	sst s10  }
0x38: {  	s10 =	sld [smem:$0x3FB7]  }
0x39: {  	_ = 	snop;
	(pc) =	sbr.ind lr, $3  }
0x3a: {  	_ = 	snop  }
0x3b: {  	_ = 	snop  }
0x3c: {  	p2 =	seq.s32 s10, $0x1;
	s10 =	sld [smem:$0x3FB6]  }
0x3d: {  	_ =	shalt  }
0x3e: {  	_ =	shalt  }
0x3f: {  	_ =	shalt  }
0x40: {  	_ =	shalt  }
0x41: {  	_ =	shalt  }
0x42: {  	_ =	shalt  }
0x43: {  	_ =	shalt  }
0x44: {  	_ =	shalt  }
0x45: {  	_ =	shalt  }
0x46: {  	_ =	shalt  }
0x47: {  	_ =	shalt  }
0x48: {  	_ =	shalt  }
0x49: {  	_ =	shalt  }
0x4a: {  	_ =	shalt  }
0x4b: {  	_ =	shalt  }
0x4c: {  	_ =	shalt  }
0x4d: {  	_ =	shalt  }
0x4e: {  	_ =	shalt  }
0x4f: {  	_ =	shalt  }
0x50: {  	_ =	shalt  }
0x51: {  	_ =	shalt  }
0x52: {  	_ =	shalt  }
0x53: {  	_ =	shalt  }
0x54: {  	_ =	shalt  }
0x55: {  	_ =	shalt  }
0x56: {  	_ =	shalt  }
0x57: {  	_ =	shalt  }
0x58: {  	_ =	shalt  }
0x59: {  	_ =	shalt  }
0x5a: {  	_ =	shalt  }
0x5b: {  	_ =	shalt  }
0x5c: {  	_ =	shalt  }
0x5d: {  	_ =	shalt  }
0x5e: {  	_ =	shalt  }
0x5f: {  	_ =	shalt  }
0x60: {  	_ =	shalt  }
0x61: {  	_ =	shalt  }
0x62: {  	_ =	shalt  }
0x63: {  	_ =	shalt  }
0x64: {  	_ =	shalt  }
0x65: {  	_ =	shalt  }
0x66: {  	_ =	shalt  }
0x67: {  	_ =	shalt  }
0x68: {  	_ =	shalt  }
0x69: {  	_ =	shalt  }
0x6a: {  	_ =	shalt  }
0x6b: {  	_ =	shalt  }
0x6c: {  	_ =	shalt  }
0x6d: {  	_ =	shalt  }
0x6e: {  	_ =	shalt  }
0x6f: {  	_ =	shalt  }
0x70: {  	_ =	shalt  }
0x71: {  	_ =	shalt  }
0x72: {  	_ =	shalt  }
0x73: {  	_ =	shalt  }
0x74: {  	_ =	shalt  }
0x75: {  	_ =	shalt  }
0x76: {  	_ =	shalt  }
0x77: {  	_ =	shalt  }
0x78: {  	_ =	shalt  }
0x79: {  	_ =	shalt  }
0x7a: {  	_ =	shalt  }
0x7b: {  	_ =	shalt  }
0x7c: {  	_ =	shalt  }
0x7d: {  	_ =	shalt  }
0x7e: {  	_ =	shalt  }
0x7f: {  	_ =	shalt  }
0x80: {  	_ =	shalt  }
0x81: {  	_ =	shalt  }
0x82: {  	_ =	shalt  }
0x83: {  	_ =	shalt  }
0x84: {  	_ =	shalt  }
0x85: {  	_ =	shalt  }
0x86: {  	_ =	shalt  }
0x87: {  	_ =	shalt  }
.Lfunc_end0:
.L_simem_size_0:
called_computation_lowered:
.L_overlay_start_0:
0x88: {  	s2 =	sld [smem:$0x3FD9]  }
0x89: {  	s3 =	sld [smem:$0x3FFE];
	_ =	sdelay $0x1  }
0x8a: {  	s1 =	srdreg.scid  }
0x8b: {  	s0 =	sand.u32 $0x1, s1  }
0x8c: {  	s17 =	sshll.u32 s0, $0xA;
	s2 =	sadd.s32 s3, s2  }
0x8d: {  	s2 =	sadd.s32 s2, s17  }
0x8e: {  	[smem:$0x3FC2] =	sst s2  }
0x8f: {  	_ = 	snop  }
0x90: {  	s2 =	sld [smem:$0x3FD0];
	(tm) =	ssettm $0x1  }
0x91: {  	s18 =	sld [smem:$0x3FFB];
	_ =	sdelay $0x3  }
0x92: {  	_ =	strace s18  }
0x93: {  	s3 =	sld [smem:$0x3FFC];
	_ =	sdelay $0x3  }
0x94: {  	_ =	strace s3  }
0x95: {  	s3 =	sld [smem:$0x3FFD];
	_ =	sdelay $0x3  }
0x96: {  	_ =	strace s3  }
0x97: {  	_ =	strace $0x8FFFFFFF  }
0x98: {  	s19 =	sld [smem:$0x3FDB];
	_ =	sdelay $0x1  }
0x99: {  	s4 =	simm.s32 $_scs_section_size  }
0x9a: {  	s5 =	simm.s32 $_size__tile_overlayer_lowered;
	s6 =	simm.s32 $_tile_overlayer_lowered  }
0x9b: {  	s22 =	simm.s32 $0x1BFF;
	s21 =	sshll.u32 s6, $0x1;
	s3 =	sadd.s32 s4, s19  }
0x9c: {  	s7 =	simm.s32 $0x0;
	s20 =	sshll.u32 s5, $0x1;
	s5 =	sadd.s32 s21, s3  }
0x9d: {  	[timem:s7], [sflag:s22] =	dma.local [hbm:s5], s20  }
0x9e: {  	_ =	swait.ge [sflag:s22], s20  }
0x9f: {  	s4 =	ssub.s32 $0x0, s20;
	[sflag:s22] =	ssyncset.done $0x0  }
0xa0: {  	[sflag:s22] =	ssyncadd.s32 s4;
	_ =	sdelay $0x1  }
0xa1: {  	s23 =	simm.s32 $0x1B8B  }
0xa2: {  	_ =	swait.ge [sflag:s23], $0x1  }
0xa3: {  	[sflag:s23] =	ssyncset.done $0x0  }
0xa4: {  	s25 =	simm.s32 $0x1B8E;
	s24 =	sld [smem:$0x3FFE];
	[sflag:s23] =	ssyncadd.s32 $0xFFFFFFFF  }
0xa5: {  	s26 =	simm.s32 $execute0_lowered;
	[smem:$0x3FD2] =	sst s25  }
0xa6: {  	s5 =	sshll.u32 s26, $0x1;
	_ =	strace $0x80000046;
	[dreg:$0x1] =	wrdreg $0xFFFFFFFF  }
0xa7: {  	s28 =	simm.s32 $_size_execute0_lowered;
	s3 =	sadd.s32 s3, s5;
	[dreg:$0x0] =	wrdreg $0x0  }
0xa8: {  	s5 =	sshll.u32 s28, $0x1;
	[dreg:$0x2] =	wrdreg s3  }
0xa9: {  	[dreg:$0x3] =	wrdreg s5  }
0xaa: {  	[dreg:$0x4] =	wrdreg $0xC0  }
0xab: {  	_ =	task [dreg:s7], $0x5FFFF  }
0xac: {  	[dreg:$0x1] =	wrdreg $0xFFFFFFFF  }
0xad: {  	[dreg:$0x0] =	wrdreg $0x60  }
0xae: {  	[dreg:$0x2] =	wrdreg s2  }
0xaf: {  	[dreg:$0x3] =	wrdreg s24  }
0xb0: {  	[dreg:$0x4] =	wrdreg $0x68000  }
0xb1: {  	[dreg:$0x5] =	wrdreg $0x9  }
0xb2: {  	_ =	task.clear_ibuf [dreg:s7], $0x6FFFF;
	_ =	strace $0x90000046  }
0xb3: {  	s29 =	simm.s32 $0x9;
	_ =	strace $0x80000048  }
0xb4: {  	_ =	swait.ge [sflag:s29], $0x1  }
0xb5: {  	[sflag:s29] =	ssyncadd.s32 $0xFFFFFFFF  }
0xb6: {  	_ =	strace $0x90000048  }
0xb7: {  	_ =	sfence  }
0xb8: {  	s30 =	sld [smem:$0x0];
	_ =	sdelay $0x2  }
0xb9: {  	s31 =	sshll.u32 s1, $0xD;
	s1 =	sshrl.u32 s1, $0x2  }
0xba: {  	s3 =	sand.u32 $0x4000, s31;
	s1 =	sadd.s32 s1, s30  }
0xbb: {  	s0 =	sor.u32 s3, s0;
	s1 =	sshll.u32 s1, $0x11  }
0xbc: {  	s0 =	sor.u32 s1, s0  }
0xbd: {  	s0 =	sadd.s32 $0x8F2B, s0  }
0xbe: {  	[sflag:s0] =	ssyncadd.remote.s32 $0x1  }
0xbf: {  	_ =	sfence.sel $0xFFFF  }
0xc0: {  	[dreg:$0x0] =	wrdreg $0xFFFFFFFF;
	(pc) =	sbr.abs _section_cstart, $3  }
0xc1: {  	[dreg:$0x1] =	wrdreg $0xFFFFFFFF  }
0xc2: {  	_ =	task.clear_ibuf [dreg:s7], $0x2FFFF;
	_ =	strace $0x9FFFFFFF  }
0xc3: {  	(tm) =	ssettm $0x7FFFFFFF  }
tec
execute0_lowered:
.L_overlay_start_1:
0x0: {  	(tag) =	ssettag $0x1  }
0x1: {  	s1 =	rddreg [dreg:$0x0]  }
0x2: {  	s5 =	rddreg [dreg:$0x1]  }
0x3: {  	s3 =	rddreg [dreg:$0x2]  }
0x4: {  	s0 =	rddreg [dreg:$0x3];
	s6 =	srdreg.scid  }
0x5: {  	s2 =	stileid.u32;
	s4 =	simm.s32 $0x0;
	s12 =	simm.s32 $0x2800  }
0x6: {  	s13 =	simm.s32 $0x80;
	s14 =	simm.s32 $0x1;
	s15 =	simm.s32 $0x2  }
0x7: {  	s16 =	simm.s32 $0x3;
	s17 =	simm.s32 $0x4;
	s18 =	simm.s32 $0x0  }
0x8: {  	s6 =	sand.u32 $0x1, s6;
	s7 =	smul.u32 $0x14000, s2;
	[smem:$0x7FF] =	sst s4  }
0x9: {  	s8 =	sshll.u32 s2, $0x1;
	s11 =	smul.u32 $0x50000, s2;
	s31 =	sshll.u32 s2, $0x6  }
0xa: {  	s9 =	smul.u32 $0x140000, s6;
	s8 =	sor.u32 s6, s8;
	s6 =	ssub.s32 $0x2, s6  }
0xb: {  	_ =	strace $0x80000047;
	s8 =	smul.u32 $0x500, s8;
	s10 =	sshrl.u32 s6, $0x1  }
0xc: {  	s29 =	sshrl.u32 s11, $0x2;
	s30 =	sshrl.u32 s7, $0x3;
	s9 =	sadd.s32 s7, s9  }
0xd: {  	s10 =	ssub.s32 s6, s10;
	s11 =	sadd.s32 s29, s3;
	s9 =	sshrl.u32 s9, $0x3  }
0xe: {  	s6 =	sor.u32 $0x1C05, s31;
	s8 =	sadd.s32 s8, s5;
	s9 =	sadd.s32 s9, s5  }
0xf: {  	s5 =	sadd.s32 s1, s30;
	s7 =	sadd.s32 $0x2800, s8;
	s8 =	sadd.s32 $0xCC00, s9  }
0x10: {  	s9 =	smax.u32 s10, $0x1;
	s10 =	sshrl.u32 s11, $0x3;
	s11 =	simm.s32 $0x5  }
.LBB2_1:
0x11: {  	[spmem:s10], [sflag:s6] =	dma.local [hbm:s5], $0x2800  }
0x12: {  	_ =	swait.ge [sflag:s11], $0x2800  }
0x13: {  	[sflag:s11] =	ssyncset.done $0x0  }
0x14: {  	[sflag:s11] =	ssyncadd.s32 $0xFFFFD800  }
0x15: {  	[tilespmem:s12], [sflag:$0x5] =	stream.linear.gather [hbm4b:s1+s4], $0x4000, $0x38;
	[tilespmem:$0x1A800] =	vst v63  }
0x16: {  	_ =	swait.ge [sflag:s11], $0x4000  }
0x17: {  	[sflag:s11] =	ssyncset.done $0x0  }
0x18: {  	[sflag:s11] =	ssyncadd.s32 $0xFFFFC000  }
0x19: {  	[tilespmem:s4], [sflag:$0x5] =	stream.linear.gather [hbm4b:s7+s4], $0x2800, $0x38;
	[tilespmem:$0x1A800] =	vst v63  }
0x1a: {  	_ =	swait.ge [sflag:s11], $0x2800  }
0x1b: {  	[sflag:s11] =	ssyncset.done $0x0  }
0x1c: {  	[sflag:s11] =	ssyncadd.s32 $0xFFFFD800  }
0x1d: {  	s19 =	simm.s32 $0x0;
	[bflag:$0x0] =	sbarrier.arrive $0xFFFF  }
0x1e: {  	[spmem:s3] =	stream.indirect.scatter.add.f32 [tilespmem:s12], [sflag:$0x1], $0x80, s19, s13, $0xb8;
	[tilespmem:$0x1A800] =	vst v63  }
0x1f: {  	s29 =	simm.s32 $0x80  }
0x20: {  	[spmem:s3] =	stream.indirect.scatter.add.f32 [tilespmem:s12], [sflag:$0x2], $0x80, s29, s13, $0xb8;
	[tilespmem:$0x1A800] =	vst v63  }
0x21: {  	s30 =	simm.s32 $0x100  }
0x22: {  	[spmem:s3] =	stream.indirect.scatter.add.f32 [tilespmem:s12], [sflag:$0x3], $0x80, s30, s13, $0xb8;
	[tilespmem:$0x1A800] =	vst v63  }
0x23: {  	s31 =	simm.s32 $0x180  }
0x24: {  	[spmem:s3] =	stream.indirect.scatter.add.f32 [tilespmem:s12], [sflag:$0x4], $0x80, s31, s13, $0xb8;
	[tilespmem:$0x1A800] =	vst v63  }
0x25: {  	_ =	swait.ge [sflag:s14], $0x4000  }
0x26: {  	[sflag:s14] =	ssyncset.done $0x0  }
0x27: {  	[sflag:s14] =	ssyncadd.s32 $0xFFFFC000  }
0x28: {  	_ =	swait.ge [sflag:s15], $0x4000  }
0x29: {  	[sflag:s15] =	ssyncset.done $0x0  }
0x2a: {  	[sflag:s15] =	ssyncadd.s32 $0xFFFFC000  }
0x2b: {  	_ =	swait.ge [sflag:s16], $0x4000  }
0x2c: {  	[sflag:s16] =	ssyncset.done $0x0  }
0x2d: {  	[sflag:s16] =	ssyncadd.s32 $0xFFFFC000  }
0x2e: {  	_ =	swait.ge [sflag:s17], $0x4000  }
0x2f: {  	s20 =	simm.s32 $0x1000;
	s19 =	simm.s32 $0x800;
	[sflag:s17] =	ssyncset.done $0x0  }
.LBB2_2:
0x30: {  	s21 =	sshra.s32 s19, $0x2  }
0x31: {  	[sflag:s17] =	ssyncadd.s32 $0xFFFFC000;
	s19 =	smov.u32 s20;
	s22 =	sadd.s32 $0x800, s20  }
0x32: {  	[spmem:s3] =	stream.indirect.scatter.add.f32 [tilespmem:s12], [sflag:$0x1], $0x80, s21, s13, $0xb8;
	[tilespmem:$0x1A800] =	vst v63  }
0x33: {  	p0 =	sne.s32 s20, $0x9800;
	s20 =	sadd.s32 $0x80, s21  }
0x34: {  	[spmem:s3] =	stream.indirect.scatter.add.f32 [tilespmem:s12], [sflag:$0x2], $0x80, s20, s13, $0xb8;
	[tilespmem:$0x1A800] =	vst v63  }
0x35: {  	s20 =	sadd.s32 $0x100, s21  }
0x36: {  	[spmem:s3] =	stream.indirect.scatter.add.f32 [tilespmem:s12], [sflag:$0x3], $0x80, s20, s13, $0xb8;
	[tilespmem:$0x1A800] =	vst v63  }
0x37: {  	s20 =	sadd.s32 $0x180, s21  }
0x38: {  	[spmem:s3] =	stream.indirect.scatter.add.f32 [tilespmem:s12], [sflag:$0x4], $0x80, s20, s13, $0xb8;
	[tilespmem:$0x1A800] =	vst v63  }
0x39: {  	_ =	swait.ge [sflag:s14], $0x4000  }
0x3a: {  	[sflag:s14] =	ssyncset.done $0x0  }
0x3b: {  	[sflag:s14] =	ssyncadd.s32 $0xFFFFC000  }
0x3c: {  	_ =	swait.ge [sflag:s15], $0x4000  }
0x3d: {  	[sflag:s15] =	ssyncset.done $0x0  }
0x3e: {  	[sflag:s15] =	ssyncadd.s32 $0xFFFFC000  }
.Ltmp0:
0x3f: {  	_ =	swait.ge [sflag:s16], $0x4000;
	(pc) =	sbr.rel @p0 .LBB2_2-.Ltmp0, $4  }
0x40: {  	[sflag:s16] =	ssyncset.done $0x0  }
0x41: {  	[sflag:s16] =	ssyncadd.s32 $0xFFFFC000  }
0x42: {  	_ =	swait.ge [sflag:s17], $0x4000  }
0x43: {  	s20 =	smov.u32 s22;
	[sflag:s17] =	ssyncset.done $0x0  }
0x44: {  	s19 =	sshra.s32 s19, $0x2;
	[sflag:s17] =	ssyncadd.s32 $0xFFFFC000  }
0x45: {  	[spmem:s3] =	stream.indirect.scatter.add.f32 [tilespmem:s12], [sflag:$0x1], $0x80, s19, s13, $0xb8;
	[tilespmem:$0x1A800] =	vst v63  }
0x46: {  	s20 =	sadd.s32 $0x80, s19  }
0x47: {  	[spmem:s3] =	stream.indirect.scatter.add.f32 [tilespmem:s12], [sflag:$0x2], $0x80, s20, s13, $0xb8;
	[tilespmem:$0x1A800] =	vst v63  }
0x48: {  	s31 =	sadd.s32 $0x100, s19  }
0x49: {  	[spmem:s3] =	stream.indirect.scatter.add.f32 [tilespmem:s12], [sflag:$0x3], $0x80, s31, s13, $0xb8;
	[tilespmem:$0x1A800] =	vst v63  }
0x4a: {  	s19 =	sadd.s32 $0x180, s19  }
0x4b: {  	[spmem:s3] =	stream.indirect.scatter.add.f32 [tilespmem:s12], [sflag:$0x4], $0x80, s19, s13, $0xb8;
	[tilespmem:$0x1A800] =	vst v63  }
0x4c: {  	_ =	swait.ge [sflag:s14], $0x4000  }
0x4d: {  	[sflag:s14] =	ssyncset.done $0x0  }
0x4e: {  	[sflag:s14] =	ssyncadd.s32 $0xFFFFC000  }
0x4f: {  	_ =	swait.ge [sflag:s15], $0x4000  }
0x50: {  	[sflag:s15] =	ssyncset.done $0x0  }
0x51: {  	[sflag:s15] =	ssyncadd.s32 $0xFFFFC000  }
0x52: {  	_ =	swait.ge [sflag:s16], $0x4000  }
0x53: {  	[sflag:s16] =	ssyncset.done $0x0  }
0x54: {  	[sflag:s16] =	ssyncadd.s32 $0xFFFFC000  }
0x55: {  	_ =	swait.ge [sflag:s17], $0x4000  }
0x56: {  	s18 =	sadd.s32 $0x1, s18;
	[sflag:s17] =	ssyncset.done $0x0  }
0x57: {  	p0 =	sne.s32 s18, s9;
	[sflag:s17] =	ssyncadd.s32 $0xFFFFC000  }
.Ltmp1:
0x58: {  	[bflag:$0x0] =	sbarrier.arrive $0xFFFF;
	(pc) =	sbr.rel @p0 .LBB2_1-.Ltmp1, $4  }
0x59: {  	[hbm:s8], [sflag:s6] =	dma.local [spmem:s10], $0x2800  }
0x5a: {  	_ =	swait.ge [sflag:s11], $0x2800  }
0x5b: {  	[sflag:s11] =	ssyncset.done $0x0  }
0x5c: {  	[sflag:s11] =	ssyncadd.s32 $0xFFFFD800  }
0x5d: {  	_ =	sfence.sel $0x180000  }
0x5e: {  	[bflag:$0x0] =	sbarrier.arrive $0xFFFF  }
0x5f: {  	p0 =	sne.s32 s2, $0x0;
	_ =	strace $0x90000047  }
0x60: {  	s0 =	sadd.s32 @!p0 $0x100000, s0;
	[bflag:$0x2] =	sbarrier.arrive $0xFFFF  }
0x61: {  	[sflag:s0] =	ssyncadd.tile.s32 @!p0 $0x1;
	_ =	shalt  }
.Lfunc_end2:
_tile_overlayer_lowered:
.L_overlay_start_2:
0x62: {  	(tag) =	ssettag $0x2  }
0x63: {  	s0 =	rddreg [dreg:$0x0];
	s2 =	stileid.u32  }
0x64: {  	s1 =	rddreg [dreg:$0x1];
	p0 =	sne.s32 s2, $0x0  }
0x65: {  	s3 =	rddreg [dreg:$0x2];
	[bflag:$0x3] =	sbarrier.arrive $0xFFFF;
	s2 =	simm.s32 @!p0 $0x1C05  }
0x66: {  	[timem:s3], [sflag:s2] =	dma.local @!p0 [hbm:s0], s1  }
0x67: {  	s0 =	simm.s32 @!p0 $0x5  }
0x68: {  	_ =	swait.ge @!p0 [sflag:s0], s1  }
0x69: {  	s1 =	ssub.s32 @!p0 $0x0, s1;
	[sflag:s0] =	ssyncset.done @!p0 $0x0  }
0x6a: {  	[sflag:s0] =	ssyncadd.s32 @!p0 s1  }
0x6b: {  	[bflag:$0x3] =	sbarrier.arrive $0xFFFF  }
0x6c: {  	_ =	shalt  }

</sc_bundles>
